<compile_context>
chip_gen: v7x
topology: tpu7x:2x2x1
jax: 0.10.2.dev20260603
libtpu: 0.0.44.dev20260713+nightly
codegen_flags: <defaults>
</compile_context>

<pallas_src>
import functools
import math

import jax
import jax.numpy as jnp
from jax import lax
from jax.experimental import pallas as pl
from jax.experimental.pallas import tpu as pltpu
from jax.experimental.pallas import tpu_sc as plsc

VOCAB = 100000
D = 128
B = 4096
H = 20
NC, NS = 2, 16
NW = NC * NS
FLAT = B * H
PER_W = FLAT // NW
CHUNK = 128
NCH = PER_W // CHUNK
SCALE = float(math.sqrt(float(D)))

_mesh = plsc.VectorSubcoreMesh(core_axis_name="c", subcore_axis_name="s")


@functools.partial(
    pl.kernel,
    out_type=jax.ShapeDtypeStruct((FLAT, D), jnp.float32),
    mesh=_mesh,
    scratch_types=[
        pltpu.VMEM((PER_W,), jnp.int32),
        *[pltpu.VMEM((CHUNK, D), jnp.float32) for _ in range(6)],
        *[pltpu.SemaphoreType.DMA for _ in range(12)],
    ],
    compiler_params=pltpu.CompilerParams(use_tc_tiling_on_sc=True),
)
def _embed_gather(idx_hbm, table_hbm, out_hbm, idx_v, *bufs_and_sems):
    bufs = bufs_and_sems[:6]
    gsems = bufs_and_sems[6:12]
    ssems = bufs_and_sems[12:]
    wid = lax.axis_index("s") * NC + lax.axis_index("c")
    base = wid * PER_W

    pltpu.sync_copy(idx_hbm.at[pl.ds(base, PER_W)], idx_v)

    for j in range(4):
        pltpu.async_copy(
            table_hbm.at[idx_v.at[pl.ds(j * CHUNK, CHUNK)]], bufs[j], gsems[j]
        )

    for j in range(NCH):
        b = j % 6
        buf = bufs[b]
        pltpu.make_async_copy(
            table_hbm.at[idx_v.at[pl.ds(j * CHUNK, CHUNK)]], buf, gsems[b]
        ).wait()
        if j + 4 < NCH:
            nb = (j + 4) % 6
            if j >= 2:
                pltpu.make_async_copy(
                    bufs[nb], out_hbm.at[pl.ds(base + (j - 2) * CHUNK, CHUNK)],
                    ssems[nb],
                ).wait()
            pltpu.async_copy(
                table_hbm.at[idx_v.at[pl.ds((j + 4) * CHUNK, CHUNK)]],
                bufs[nb], gsems[nb],
            )

        def scale_row(r, _, buf=buf):
            for q in range(D // 16):
                buf[r, pl.ds(q * 16, 16)] = buf[r, pl.ds(q * 16, 16)] * SCALE
            return 0

        lax.fori_loop(0, CHUNK, scale_row, 0)
        pltpu.async_copy(buf, out_hbm.at[pl.ds(base + j * CHUNK, CHUNK)],
                         ssems[b])

    for j in range(NCH - 6, NCH):
        b = j % 6
        pltpu.make_async_copy(
            bufs[b], out_hbm.at[pl.ds(base + j * CHUNK, CHUNK)], ssems[b]
        ).wait()


def kernel(x, input_embedding_table):
    idx = x.astype(jnp.int32).T.reshape(FLAT)
    flat = _embed_gather(idx, input_embedding_table)
    return flat.reshape(H, B, D).transpose(1, 0, 2)

# --- scband reference (transcript-rebuilt; emitter-appended) ---
"""Pipeline reference for scband-embedding-7206955123183 (READ-ONLY COPY).

The authoritative reference and input builder live on the scoring server;
editing this copy changes nothing except your own understanding.
"""

import jax, jax.numpy as jnp
import numpy as np

VOCAB_SIZE = 100000
EMBED_DIM = 128
BATCH = 4096
HIST = 20


def setup_inputs(seed: int = 0) -> dict:
    key = jax.random.key(seed)
    k_idx, k_tab = jax.random.split(key)
    x = jax.random.randint(k_idx, (BATCH, HIST), 0, VOCAB_SIZE, dtype=jnp.int64) if jax.config.read('jax_enable_x64') else jax.random.randint(k_idx, (BATCH, HIST), 0, VOCAB_SIZE, dtype=jnp.int32)
    input_embedding_table = jax.random.normal(k_tab, (VOCAB_SIZE, EMBED_DIM), dtype=jnp.float32)
    return {"x": x, "input_embedding_table": input_embedding_table}


def reference(x, input_embedding_table):
    # encode: gather rows of the embedding table then scale by sqrt(embed_dim)
    out = jnp.take(input_embedding_table, x, axis=0)
    out = out * jnp.sqrt(jnp.asarray(EMBED_DIM, dtype=out.dtype))
    return out

if __name__ == "__main__":
    import jax
    _d = setup_inputs()
    print(jax.jit(kernel)(*tuple(_d.values())))

</pallas_src>

<mosaic_0001>
#map = affine_map<(d0, d1) -> (0)>
#map1 = affine_map<(d0, d1) -> (0, 0)>
module attributes {stable_mosaic.version = 14 : i64} {
  func.func @_embed_gather(%arg0: i32, %arg1: i32, %arg2: memref<81920xi32, #tpu.memory_space<hbm>>, %arg3: memref<100000x128xf32, #tpu.memory_space<hbm>>, %arg4: memref<81920x128xf32, #tpu.memory_space<hbm>>, %arg5: memref<2560xi32, #tpu.memory_space<vmem>>, %arg6: memref<128x128xf32, #tpu.memory_space<vmem>>, %arg7: memref<128x128xf32, #tpu.memory_space<vmem>>, %arg8: memref<128x128xf32, #tpu.memory_space<vmem>>, %arg9: memref<128x128xf32, #tpu.memory_space<vmem>>, %arg10: memref<128x128xf32, #tpu.memory_space<vmem>>, %arg11: memref<128x128xf32, #tpu.memory_space<vmem>>, %arg12: memref<!tpu.dma_semaphore, #tpu.memory_space<semaphore_mem>>, %arg13: memref<!tpu.dma_semaphore, #tpu.memory_space<semaphore_mem>>, %arg14: memref<!tpu.dma_semaphore, #tpu.memory_space<semaphore_mem>>, %arg15: memref<!tpu.dma_semaphore, #tpu.memory_space<semaphore_mem>>, %arg16: memref<!tpu.dma_semaphore, #tpu.memory_space<semaphore_mem>>, %arg17: memref<!tpu.dma_semaphore, #tpu.memory_space<semaphore_mem>>, %arg18: memref<!tpu.dma_semaphore, #tpu.memory_space<semaphore_mem>>, %arg19: memref<!tpu.dma_semaphore, #tpu.memory_space<semaphore_mem>>, %arg20: memref<!tpu.dma_semaphore, #tpu.memory_space<semaphore_mem>>, %arg21: memref<!tpu.dma_semaphore, #tpu.memory_space<semaphore_mem>>, %arg22: memref<!tpu.dma_semaphore, #tpu.memory_space<semaphore_mem>>, %arg23: memref<!tpu.dma_semaphore, #tpu.memory_space<semaphore_mem>>) attributes {dimension_semantics = [#tpu.dimension_semantics<core_parallel>, #tpu.dimension_semantics<subcore_parallel>], iteration_bounds = array<i64: 2, 16>, scalar_prefetch = 0 : i64, scratch_operands = 19 : i64, tpu.core_type = #tpu.core_type<sc_vector_subcore>, window_params = [{transform_indices = #map}, {transform_indices = #map1}, {transform_indices = #map1}]} {
    %mul3A = arith.constant 2 : i32
    %mul3A_0 = arith.muli %arg1, %mul3A : i32
    %add3A = arith.addi %mul3A_0, %arg0 : i32
    %mul3A_1 = arith.constant 2560 : i32
    %mul3A_2 = arith.muli %add3A, %mul3A_1 : i32
    "tpu.region"() ({
      %run_scoped3A = tpu.sem_alloc : memref<!tpu.dma_semaphore, #tpu.memory_space<semaphore_mem>>
      %dma_start3A_580 = tpu.memref_slice %arg2[%mul3A_2] : memref<81920xi32, #tpu.memory_space<hbm>> -> memref<2560xi32, #tpu.memory_space<hbm>>
      %dma_start3A_581 = tpu.memref_slice %arg2[%mul3A_2] : memref<81920xi32, #tpu.memory_space<hbm>> -> memref<2560xi32, #tpu.memory_space<hbm>>
      tpu.enqueue_dma source(%dma_start3A_581 : memref<2560xi32, #tpu.memory_space<hbm>>) target(%arg5 : memref<2560xi32, #tpu.memory_space<vmem>>) target_semaphore(%run_scoped3A : memref<!tpu.dma_semaphore, #tpu.memory_space<semaphore_mem>>)
      %dma_wait3A_582 = tpu.memref_slice %arg2[%mul3A_2] : memref<81920xi32, #tpu.memory_space<hbm>> -> memref<2560xi32, #tpu.memory_space<hbm>>
      %dma_wait3A_583 = tpu.memref_slice %arg2[%mul3A_2] : memref<81920xi32, #tpu.memory_space<hbm>> -> memref<2560xi32, #tpu.memory_space<hbm>>
      tpu.wait_dma2 semaphore(%run_scoped3A : memref<!tpu.dma_semaphore, #tpu.memory_space<semaphore_mem>>) src(%dma_wait3A_583 : memref<2560xi32, #tpu.memory_space<hbm>>) dst(%arg5 : memref<2560xi32, #tpu.memory_space<vmem>>)
      tpu.yield
    }) : () -> ()
    %dma_start3A = arith.constant 0 : i32
    %dma_start3A_3 = tpu.memref_slice %arg5[%dma_start3A] : memref<2560xi32, #tpu.memory_space<vmem>> -> memref<128xi32, #tpu.memory_space<vmem>>
    %dma_start3A_4 = arith.constant 0 : i32
    %dma_start3A_5 = arith.constant 0 : i32
    %dma_start3A_6 = tpu.memref_slice %arg3[%dma_start3A_4, %dma_start3A_5] : memref<100000x128xf32, #tpu.memory_space<hbm>> -> memref<100000x128xf32, #tpu.memory_space<hbm>>
    tpu.enqueue_indirect_dma source(%dma_start3A_6 : memref<100000x128xf32, #tpu.memory_space<hbm>>) target(%arg6 : memref<128x128xf32, #tpu.memory_space<vmem>>) offsets(%dma_start3A_3 : memref<128xi32, #tpu.memory_space<vmem>>) semaphore(%arg12 : memref<!tpu.dma_semaphore, #tpu.memory_space<semaphore_mem>>)
    %dma_start3A_7 = arith.constant 128 : i32
    %dma_start3A_8 = tpu.memref_slice %arg5[%dma_start3A_7] : memref<2560xi32, #tpu.memory_space<vmem>> -> memref<128xi32, #tpu.memory_space<vmem>>
    %dma_start3A_9 = arith.constant 0 : i32
    %dma_start3A_10 = arith.constant 0 : i32
    %dma_start3A_11 = tpu.memref_slice %arg3[%dma_start3A_9, %dma_start3A_10] : memref<100000x128xf32, #tpu.memory_space<hbm>> -> memref<100000x128xf32, #tpu.memory_space<hbm>>
    tpu.enqueue_indirect_dma source(%dma_start3A_11 : memref<100000x128xf32, #tpu.memory_space<hbm>>) target(%arg7 : memref<128x128xf32, #tpu.memory_space<vmem>>) offsets(%dma_start3A_8 : memref<128xi32, #tpu.memory_space<vmem>>) semaphore(%arg13 : memref<!tpu.dma_semaphore, #tpu.memory_space<semaphore_mem>>)
    %dma_start3A_12 = arith.constant 256 : i32
    %dma_start3A_13 = tpu.memref_slice %arg5[%dma_start3A_12] : memref<2560xi32, #tpu.memory_space<vmem>> -> memref<128xi32, #tpu.memory_space<vmem>>
    %dma_start3A_14 = arith.constant 0 : i32
    %dma_start3A_15 = arith.constant 0 : i32
    %dma_start3A_16 = tpu.memref_slice %arg3[%dma_start3A_14, %dma_start3A_15] : memref<100000x128xf32, #tpu.memory_space<hbm>> -> memref<100000x128xf32, #tpu.memory_space<hbm>>
    tpu.enqueue_indirect_dma source(%dma_start3A_16 : memref<100000x128xf32, #tpu.memory_space<hbm>>) target(%arg8 : memref<128x128xf32, #tpu.memory_space<vmem>>) offsets(%dma_start3A_13 : memref<128xi32, #tpu.memory_space<vmem>>) semaphore(%arg14 : memref<!tpu.dma_semaphore, #tpu.memory_space<semaphore_mem>>)
    %dma_start3A_17 = arith.constant 384 : i32
    %dma_start3A_18 = tpu.memref_slice %arg5[%dma_start3A_17] : memref<2560xi32, #tpu.memory_space<vmem>> -> memref<128xi32, #tpu.memory_space<vmem>>
    %dma_start3A_19 = arith.constant 0 : i32
    %dma_start3A_20 = arith.constant 0 : i32
    %dma_start3A_21 = tpu.memref_slice %arg3[%dma_start3A_19, %dma_start3A_20] : memref<100000x128xf32, #tpu.memory_space<hbm>> -> memref<100000x128xf32, #tpu.memory_space<hbm>>
    tpu.enqueue_indirect_dma source(%dma_start3A_21 : memref<100000x128xf32, #tpu.memory_space<hbm>>) target(%arg9 : memref<128x128xf32, #tpu.memory_space<vmem>>) offsets(%dma_start3A_18 : memref<128xi32, #tpu.memory_space<vmem>>) semaphore(%arg15 : memref<!tpu.dma_semaphore, #tpu.memory_space<semaphore_mem>>)
    %dma_wait3A = arith.constant 0 : i32
    %dma_wait3A_22 = tpu.memref_slice %arg5[%dma_wait3A] : memref<2560xi32, #tpu.memory_space<vmem>> -> memref<128xi32, #tpu.memory_space<vmem>>
    %dma_wait3A_23 = arith.constant 0 : i32
    %dma_wait3A_24 = arith.constant 0 : i32
    %dma_wait3A_25 = tpu.memref_slice %arg3[%dma_wait3A_23, %dma_wait3A_24] : memref<100000x128xf32, #tpu.memory_space<hbm>> -> memref<100000x128xf32, #tpu.memory_space<hbm>>
    tpu.wait_indirect_dma semaphore(%arg12 : memref<!tpu.dma_semaphore, #tpu.memory_space<semaphore_mem>>) src(%dma_wait3A_25 : memref<100000x128xf32, #tpu.memory_space<hbm>>) dst(%arg6 : memref<128x128xf32, #tpu.memory_space<vmem>>)
    %dma_start3A_26 = arith.constant 512 : i32
    %dma_start3A_27 = tpu.memref_slice %arg5[%dma_start3A_26] : memref<2560xi32, #tpu.memory_space<vmem>> -> memref<128xi32, #tpu.memory_space<vmem>>
    %dma_start3A_28 = arith.constant 0 : i32
    %dma_start3A_29 = arith.constant 0 : i32
    %dma_start3A_30 = tpu.memref_slice %arg3[%dma_start3A_28, %dma_start3A_29] : memref<100000x128xf32, #tpu.memory_space<hbm>> -> memref<100000x128xf32, #tpu.memory_space<hbm>>
    tpu.enqueue_indirect_dma source(%dma_start3A_30 : memref<100000x128xf32, #tpu.memory_space<hbm>>) target(%arg10 : memref<128x128xf32, #tpu.memory_space<vmem>>) offsets(%dma_start3A_27 : memref<128xi32, #tpu.memory_space<vmem>>) semaphore(%arg16 : memref<!tpu.dma_semaphore, #tpu.memory_space<semaphore_mem>>)
    %scan3A = arith.constant 0 : i32
    %scan3A_31 = arith.constant 0 : i32
    %scan3A_32 = arith.constant 128 : i32
    %scan3A_33 = arith.addi %scan3A_31, %scan3A_32 : i32
    %scan3A_34 = arith.constant 1 : i32
    %scan3A_35 = scf.for %scan3A_580 = %scan3A_31 to %scan3A_33 step %scan3A_34 iter_args(%scan3A_581 = %scan3A) -> (i32)  : i32 {
      %get3A = arith.index_cast %scan3A_580 : i32 to index
      %get3A_582 = arith.constant 0 : index
      %get3A_583 = tpu.vector_load %arg6[%get3A, %get3A_582] {strides = array<i32>} : memref<128x128xf32, #tpu.memory_space<vmem>>, vector<1x16xf32>,
      %get3A_584 = vector.shape_cast %get3A_583 : vector<1x16xf32> to vector<16xf32>
      %mul3A_585 = arith.constant 11.3137083 : f32
      %mul3A_586 = vector.broadcast %mul3A_585 : f32 to vector<16xf32>
      %mul3A_587 = arith.mulf %get3A_584, %mul3A_586 : vector<16xf32>
      %swap3A = arith.index_cast %scan3A_580 : i32 to index
      %swap3A_588 = arith.constant 0 : index
      %swap3A_589 = tpu.vector_load %arg6[%swap3A, %swap3A_588] {strides = array<i32>} : memref<128x128xf32, #tpu.memory_space<vmem>>, vector<1x16xf32>,
      %swap3A_590 = vector.shape_cast %swap3A_589 : vector<1x16xf32> to vector<16xf32>
      %swap3A_591 = vector.shape_cast %mul3A_587 : vector<16xf32> to vector<1x16xf32>
      tpu.vector_store %arg6[%swap3A, %swap3A_588], %swap3A_591 {strides = array<i32>} : memref<128x128xf32, #tpu.memory_space<vmem>>, vector<1x16xf32>,
      %get3A_592 = arith.index_cast %scan3A_580 : i32 to index
      %get3A_593 = arith.constant 16 : index
      %get3A_594 = tpu.vector_load %arg6[%get3A_592, %get3A_593] {strides = array<i32>} : memref<128x128xf32, #tpu.memory_space<vmem>>, vector<1x16xf32>,
      %get3A_595 = vector.shape_cast %get3A_594 : vector<1x16xf32> to vector<16xf32>
      %mul3A_596 = arith.constant 11.3137083 : f32
      %mul3A_597 = vector.broadcast %mul3A_596 : f32 to vector<16xf32>
      %mul3A_598 = arith.mulf %get3A_595, %mul3A_597 : vector<16xf32>
      %swap3A_599 = arith.index_cast %scan3A_580 : i32 to index
      %swap3A_600 = arith.constant 16 : index
      %swap3A_601 = tpu.vector_load %arg6[%swap3A_599, %swap3A_600] {strides = array<i32>} : memref<128x128xf32, #tpu.memory_space<vmem>>, vector<1x16xf32>,
      %swap3A_602 = vector.shape_cast %swap3A_601 : vector<1x16xf32> to vector<16xf32>
      %swap3A_603 = vector.shape_cast %mul3A_598 : vector<16xf32> to vector<1x16xf32>
      tpu.vector_store %arg6[%swap3A_599, %swap3A_600], %swap3A_603 {strides = array<i32>} : memref<128x128xf32, #tpu.memory_space<vmem>>, vector<1x16xf32>,
      %get3A_604 = arith.index_cast %scan3A_580 : i32 to index
      %get3A_605 = arith.constant 32 : index
      %get3A_606 = tpu.vector_load %arg6[%get3A_604, %get3A_605] {strides = array<i32>} : memref<128x128xf32, #tpu.memory_space<vmem>>, vector<1x16xf32>,
      %get3A_607 = vector.shape_cast %get3A_606 : vector<1x16xf32> to vector<16xf32>
      %mul3A_608 = arith.constant 11.3137083 : f32
      %mul3A_609 = vector.broadcast %mul3A_608 : f32 to vector<16xf32>
      %mul3A_610 = arith.mulf %get3A_607, %mul3A_609 : vector<16xf32>
      %swap3A_611 = arith.index_cast %scan3A_580 : i32 to index
      %swap3A_612 = arith.constant 32 : index
      %swap3A_613 = tpu.vector_load %arg6[%swap3A_611, %swap3A_612] {strides = array<i32>} : memref<128x128xf32, #tpu.memory_space<vmem>>, vector<1x16xf32>,
      %swap3A_614 = vector.shape_cast %swap3A_613 : vector<1x16xf32> to vector<16xf32>
      %swap3A_615 = vector.shape_cast %mul3A_610 : vector<16xf32> to vector<1x16xf32>
      tpu.vector_store %arg6[%swap3A_611, %swap3A_612], %swap3A_615 {strides = array<i32>} : memref<128x128xf32, #tpu.memory_space<vmem>>, vector<1x16xf32>,
      %get3A_616 = arith.index_cast %scan3A_580 : i32 to index
      %get3A_617 = arith.constant 48 : index
      %get3A_618 = tpu.vector_load %arg6[%get3A_616, %get3A_617] {strides = array<i32>} : memref<128x128xf32, #tpu.memory_space<vmem>>, vector<1x16xf32>,
      %get3A_619 = vector.shape_cast %get3A_618 : vector<1x16xf32> to vector<16xf32>
      %mul3A_620 = arith.constant 11.3137083 : f32
      %mul3A_621 = vector.broadcast %mul3A_620 : f32 to vector<16xf32>
      %mul3A_622 = arith.mulf %get3A_619, %mul3A_621 : vector<16xf32>
      %swap3A_623 = arith.index_cast %scan3A_580 : i32 to index
      %swap3A_624 = arith.constant 48 : index
      %swap3A_625 = tpu.vector_load %arg6[%swap3A_623, %swap3A_624] {strides = array<i32>} : memref<128x128xf32, #tpu.memory_space<vmem>>, vector<1x16xf32>,
      %swap3A_626 = vector.shape_cast %swap3A_625 : vector<1x16xf32> to vector<16xf32>
      %swap3A_627 = vector.shape_cast %mul3A_622 : vector<16xf32> to vector<1x16xf32>
      tpu.vector_store %arg6[%swap3A_623, %swap3A_624], %swap3A_627 {strides = array<i32>} : memref<128x128xf32, #tpu.memory_space<vmem>>, vector<1x16xf32>,
      %get3A_628 = arith.index_cast %scan3A_580 : i32 to index
      %get3A_629 = arith.constant 64 : index
      %get3A_630 = tpu.vector_load %arg6[%get3A_628, %get3A_629] {strides = array<i32>} : memref<128x128xf32, #tpu.memory_space<vmem>>, vector<1x16xf32>,
      %get3A_631 = vector.shape_cast %get3A_630 : vector<1x16xf32> to vector<16xf32>
      %mul3A_632 = arith.constant 11.3137083 : f32
      %mul3A_633 = vector.broadcast %mul3A_632 : f32 to vector<16xf32>
      %mul3A_634 = arith.mulf %get3A_631, %mul3A_633 : vector<16xf32>
      %swap3A_635 = arith.index_cast %scan3A_580 : i32 to index
      %swap3A_636 = arith.constant 64 : index
      %swap3A_637 = tpu.vector_load %arg6[%swap3A_635, %swap3A_636] {strides = array<i32>} : memref<128x128xf32, #tpu.memory_space<vmem>>, vector<1x16xf32>,
      %swap3A_638 = vector.shape_cast %swap3A_637 : vector<1x16xf32> to vector<16xf32>
      %swap3A_639 = vector.shape_cast %mul3A_634 : vector<16xf32> to vector<1x16xf32>
      tpu.vector_store %arg6[%swap3A_635, %swap3A_636], %swap3A_639 {strides = array<i32>} : memref<128x128xf32, #tpu.memory_space<vmem>>, vector<1x16xf32>,
      %get3A_640 = arith.index_cast %scan3A_580 : i32 to index
      %get3A_641 = arith.constant 80 : index
      %get3A_642 = tpu.vector_load %arg6[%get3A_640, %get3A_641] {strides = array<i32>} : memref<128x128xf32, #tpu.memory_space<vmem>>, vector<1x16xf32>,
      %get3A_643 = vector.shape_cast %get3A_642 : vector<1x16xf32> to vector<16xf32>
      %mul3A_644 = arith.constant 11.3137083 : f32
      %mul3A_645 = vector.broadcast %mul3A_644 : f32 to vector<16xf32>
      %mul3A_646 = arith.mulf %get3A_643, %mul3A_645 : vector<16xf32>
      %swap3A_647 = arith.index_cast %scan3A_580 : i32 to index
      %swap3A_648 = arith.constant 80 : index
      %swap3A_649 = tpu.vector_load %arg6[%swap3A_647, %swap3A_648] {strides = array<i32>} : memref<128x128xf32, #tpu.memory_space<vmem>>, vector<1x16xf32>,
      %swap3A_650 = vector.shape_cast %swap3A_649 : vector<1x16xf32> to vector<16xf32>
      %swap3A_651 = vector.shape_cast %mul3A_646 : vector<16xf32> to vector<1x16xf32>
      tpu.vector_store %arg6[%swap3A_647, %swap3A_648], %swap3A_651 {strides = array<i32>} : memref<128x128xf32, #tpu.memory_space<vmem>>, vector<1x16xf32>,
      %get3A_652 = arith.index_cast %scan3A_580 : i32 to index
      %get3A_653 = arith.constant 96 : index
      %get3A_654 = tpu.vector_load %arg6[%get3A_652, %get3A_653] {strides = array<i32>} : memref<128x128xf32, #tpu.memory_space<vmem>>, vector<1x16xf32>,
      %get3A_655 = vector.shape_cast %get3A_654 : vector<1x16xf32> to vector<16xf32>
      %mul3A_656 = arith.constant 11.3137083 : f32
      %mul3A_657 = vector.broadcast %mul3A_656 : f32 to vector<16xf32>
      %mul3A_658 = arith.mulf %get3A_655, %mul3A_657 : vector<16xf32>
      %swap3A_659 = arith.index_cast %scan3A_580 : i32 to index
      %swap3A_660 = arith.constant 96 : index
      %swap3A_661 = tpu.vector_load %arg6[%swap3A_659, %swap3A_660] {strides = array<i32>} : memref<128x128xf32, #tpu.memory_space<vmem>>, vector<1x16xf32>,
      %swap3A_662 = vector.shape_cast %swap3A_661 : vector<1x16xf32> to vector<16xf32>
      %swap3A_663 = vector.shape_cast %mul3A_658 : vector<16xf32> to vector<1x16xf32>
      tpu.vector_store %arg6[%swap3A_659, %swap3A_660], %swap3A_663 {strides = array<i32>} : memref<128x128xf32, #tpu.memory_space<vmem>>, vector<1x16xf32>,
      %get3A_664 = arith.index_cast %scan3A_580 : i32 to index
      %get3A_665 = arith.constant 112 : index
      %get3A_666 = tpu.vector_load %arg6[%get3A_664, %get3A_665] {strides = array<i32>} : memref<128x128xf32, #tpu.memory_space<vmem>>, vector<1x16xf32>,
      %get3A_667 = vector.shape_cast %get3A_666 : vector<1x16xf32> to vector<16xf32>
      %mul3A_668 = arith.constant 11.3137083 : f32
      %mul3A_669 = vector.broadcast %mul3A_668 : f32 to vector<16xf32>
      %mul3A_670 = arith.mulf %get3A_667, %mul3A_669 : vector<16xf32>
      %swap3A_671 = arith.index_cast %scan3A_580 : i32 to index
      %swap3A_672 = arith.constant 112 : index
      %swap3A_673 = tpu.vector_load %arg6[%swap3A_671, %swap3A_672] {strides = array<i32>} : memref<128x128xf32, #tpu.memory_space<vmem>>, vector<1x16xf32>,
      %swap3A_674 = vector.shape_cast %swap3A_673 : vector<1x16xf32> to vector<16xf32>
      %swap3A_675 = vector.shape_cast %mul3A_670 : vector<16xf32> to vector<1x16xf32>
      tpu.vector_store %arg6[%swap3A_671, %swap3A_672], %swap3A_675 {strides = array<i32>} : memref<128x128xf32, #tpu.memory_space<vmem>>, vector<1x16xf32>,
      %scan3A_676 = arith.constant 0 : i32
      scf.yield %scan3A_676 : i32
    }
    %scan3A_36 = arith.constant 128 : i32
    %add3A_37 = arith.constant 0 : i32
    %add3A_38 = arith.addi %mul3A_2, %add3A_37 : i32
    %dma_start3A_39 = arith.constant 0 : i32
    %dma_start3A_40 = tpu.memref_slice %arg4[%add3A_38, %dma_start3A_39] : memref<81920x128xf32, #tpu.memory_space<hbm>> -> memref<128x128xf32, #tpu.memory_space<hbm>>
    %dma_start3A_41 = arith.constant 0 : i32
    %dma_start3A_42 = tpu.memref_slice %arg4[%add3A_38, %dma_start3A_41] : memref<81920x128xf32, #tpu.memory_space<hbm>> -> memref<128x128xf32, #tpu.memory_space<hbm>>
    tpu.enqueue_dma source(%arg6 : memref<128x128xf32, #tpu.memory_space<vmem>>) target(%dma_start3A_42 : memref<128x128xf32, #tpu.memory_space<hbm>>) target_semaphore(%arg18 : memref<!tpu.dma_semaphore, #tpu.memory_space<semaphore_mem>>)
    %dma_wait3A_43 = arith.constant 128 : i32
    %dma_wait3A_44 = tpu.memref_slice %arg5[%dma_wait3A_43] : memref<2560xi32, #tpu.memory_space<vmem>> -> memref<128xi32, #tpu.memory_space<vmem>>
    %dma_wait3A_45 = arith.constant 0 : i32
    %dma_wait3A_46 = arith.constant 0 : i32
    %dma_wait3A_47 = tpu.memref_slice %arg3[%dma_wait3A_45, %dma_wait3A_46] : memref<100000x128xf32, #tpu.memory_space<hbm>> -> memref<100000x128xf32, #tpu.memory_space<hbm>>
    tpu.wait_indirect_dma semaphore(%arg13 : memref<!tpu.dma_semaphore, #tpu.memory_space<semaphore_mem>>) src(%dma_wait3A_47 : memref<100000x128xf32, #tpu.memory_space<hbm>>) dst(%arg7 : memref<128x128xf32, #tpu.memory_space<vmem>>)
    %dma_start3A_48 = arith.constant 640 : i32
    %dma_start3A_49 = tpu.memref_slice %arg5[%dma_start3A_48] : memref<2560xi32, #tpu.memory_space<vmem>> -> memref<128xi32, #tpu.memory_space<vmem>>
    %dma_start3A_50 = arith.constant 0 : i32
    %dma_start3A_51 = arith.constant 0 : i32
    %dma_start3A_52 = tpu.memref_slice %arg3[%dma_start3A_50, %dma_start3A_51] : memref<100000x128xf32, #tpu.memory_space<hbm>> -> memref<100000x128xf32, #tpu.memory_space<hbm>>
    tpu.enqueue_indirect_dma source(%dma_start3A_52 : memref<100000x128xf32, #tpu.memory_space<hbm>>) target(%arg11 : memref<128x128xf32, #tpu.memory_space<vmem>>) offsets(%dma_start3A_49 : memref<128xi32, #tpu.memory_space<vmem>>) semaphore(%arg17 : memref<!tpu.dma_semaphore, #tpu.memory_space<semaphore_mem>>)
    %scan3A_53 = arith.constant 0 : i32
    %scan3A_54 = arith.constant 0 : i32
    %scan3A_55 = arith.constant 128 : i32
    %scan3A_56 = arith.addi %scan3A_54, %scan3A_55 : i32
    %scan3A_57 = arith.constant 1 : i32
    %scan3A_58 = scf.for %scan3A_580 = %scan3A_54 to %scan3A_56 step %scan3A_57 iter_args(%scan3A_581 = %scan3A_53) -> (i32)  : i32 {
      %get3A = arith.index_cast %scan3A_580 : i32 to index
      %get3A_582 = arith.constant 0 : index
      %get3A_583 = tpu.vector_load %arg7[%get3A, %get3A_582] {strides = array<i32>} : memref<128x128xf32, #tpu.memory_space<vmem>>, vector<1x16xf32>,
      %get3A_584 = vector.shape_cast %get3A_583 : vector<1x16xf32> to vector<16xf32>
      %mul3A_585 = arith.constant 11.3137083 : f32
      %mul3A_586 = vector.broadcast %mul3A_585 : f32 to vector<16xf32>
      %mul3A_587 = arith.mulf %get3A_584, %mul3A_586 : vector<16xf32>
      %swap3A = arith.index_cast %scan3A_580 : i32 to index
      %swap3A_588 = arith.constant 0 : index
      %swap3A_589 = tpu.vector_load %arg7[%swap3A, %swap3A_588] {strides = array<i32>} : memref<128x128xf32, #tpu.memory_space<vmem>>, vector<1x16xf32>,
      %swap3A_590 = vector.shape_cast %swap3A_589 : vector<1x16xf32> to vector<16xf32>
      %swap3A_591 = vector.shape_cast %mul3A_587 : vector<16xf32> to vector<1x16xf32>
      tpu.vector_store %arg7[%swap3A, %swap3A_588], %swap3A_591 {strides = array<i32>} : memref<128x128xf32, #tpu.memory_space<vmem>>, vector<1x16xf32>,
      %get3A_592 = arith.index_cast %scan3A_580 : i32 to index
      %get3A_593 = arith.constant 16 : index
      %get3A_594 = tpu.vector_load %arg7[%get3A_592, %get3A_593] {strides = array<i32>} : memref<128x128xf32, #tpu.memory_space<vmem>>, vector<1x16xf32>,
      %get3A_595 = vector.shape_cast %get3A_594 : vector<1x16xf32> to vector<16xf32>
      %mul3A_596 = arith.constant 11.3137083 : f32
      %mul3A_597 = vector.broadcast %mul3A_596 : f32 to vector<16xf32>
      %mul3A_598 = arith.mulf %get3A_595, %mul3A_597 : vector<16xf32>
      %swap3A_599 = arith.index_cast %scan3A_580 : i32 to index
      %swap3A_600 = arith.constant 16 : index
      %swap3A_601 = tpu.vector_load %arg7[%swap3A_599, %swap3A_600] {strides = array<i32>} : memref<128x128xf32, #tpu.memory_space<vmem>>, vector<1x16xf32>,
      %swap3A_602 = vector.shape_cast %swap3A_601 : vector<1x16xf32> to vector<16xf32>
      %swap3A_603 = vector.shape_cast %mul3A_598 : vector<16xf32> to vector<1x16xf32>
      tpu.vector_store %arg7[%swap3A_599, %swap3A_600], %swap3A_603 {strides = array<i32>} : memref<128x128xf32, #tpu.memory_space<vmem>>, vector<1x16xf32>,
      %get3A_604 = arith.index_cast %scan3A_580 : i32 to index
      %get3A_605 = arith.constant 32 : index
      %get3A_606 = tpu.vector_load %arg7[%get3A_604, %get3A_605] {strides = array<i32>} : memref<128x128xf32, #tpu.memory_space<vmem>>, vector<1x16xf32>,
      %get3A_607 = vector.shape_cast %get3A_606 : vector<1x16xf32> to vector<16xf32>
      %mul3A_608 = arith.constant 11.3137083 : f32
      %mul3A_609 = vector.broadcast %mul3A_608 : f32 to vector<16xf32>
      %mul3A_610 = arith.mulf %get3A_607, %mul3A_609 : vector<16xf32>
      %swap3A_611 = arith.index_cast %scan3A_580 : i32 to index
      %swap3A_612 = arith.constant 32 : index
      %swap3A_613 = tpu.vector_load %arg7[%swap3A_611, %swap3A_612] {strides = array<i32>} : memref<128x128xf32, #tpu.memory_space<vmem>>, vector<1x16xf32>,
      %swap3A_614 = vector.shape_cast %swap3A_613 : vector<1x16xf32> to vector<16xf32>
      %swap3A_615 = vector.shape_cast %mul3A_610 : vector<16xf32> to vector<1x16xf32>
      tpu.vector_store %arg7[%swap3A_611, %swap3A_612], %swap3A_615 {strides = array<i32>} : memref<128x128xf32, #tpu.memory_space<vmem>>, vector<1x16xf32>,
      %get3A_616 = arith.index_cast %scan3A_580 : i32 to index
      %get3A_617 = arith.constant 48 : index
      %get3A_618 = tpu.vector_load %arg7[%get3A_616, %get3A_617] {strides = array<i32>} : memref<128x128xf32, #tpu.memory_space<vmem>>, vector<1x16xf32>,
      %get3A_619 = vector.shape_cast %get3A_618 : vector<1x16xf32> to vector<16xf32>
      %mul3A_620 = arith.constant 11.3137083 : f32
      %mul3A_621 = vector.broadcast %mul3A_620 : f32 to vector<16xf32>
      %mul3A_622 = arith.mulf %get3A_619, %mul3A_621 : vector<16xf32>
      %swap3A_623 = arith.index_cast %scan3A_580 : i32 to index
      %swap3A_624 = arith.constant 48 : index
      %swap3A_625 = tpu.vector_load %arg7[%swap3A_623, %swap3A_624] {strides = array<i32>} : memref<128x128xf32, #tpu.memory_space<vmem>>, vector<1x16xf32>,
      %swap3A_626 = vector.shape_cast %swap3A_625 : vector<1x16xf32> to vector<16xf32>
      %swap3A_627 = vector.shape_cast %mul3A_622 : vector<16xf32> to vector<1x16xf32>
      tpu.vector_store %arg7[%swap3A_623, %swap3A_624], %swap3A_627 {strides = array<i32>} : memref<128x128xf32, #tpu.memory_space<vmem>>, vector<1x16xf32>,
      %get3A_628 = arith.index_cast %scan3A_580 : i32 to index
      %get3A_629 = arith.constant 64 : index
      %get3A_630 = tpu.vector_load %arg7[%get3A_628, %get3A_629] {strides = array<i32>} : memref<128x128xf32, #tpu.memory_space<vmem>>, vector<1x16xf32>,
      %get3A_631 = vector.shape_cast %get3A_630 : vector<1x16xf32> to vector<16xf32>
      %mul3A_632 = arith.constant 11.3137083 : f32
      %mul3A_633 = vector.broadcast %mul3A_632 : f32 to vector<16xf32>
      %mul3A_634 = arith.mulf %get3A_631, %mul3A_633 : vector<16xf32>
      %swap3A_635 = arith.index_cast %scan3A_580 : i32 to index
      %swap3A_636 = arith.constant 64 : index
      %swap3A_637 = tpu.vector_load %arg7[%swap3A_635, %swap3A_636] {strides = array<i32>} : memref<128x128xf32, #tpu.memory_space<vmem>>, vector<1x16xf32>,
      %swap3A_638 = vector.shape_cast %swap3A_637 : vector<1x16xf32> to vector<16xf32>
      %swap3A_639 = vector.shape_cast %mul3A_634 : vector<16xf32> to vector<1x16xf32>
      tpu.vector_store %arg7[%swap3A_635, %swap3A_636], %swap3A_639 {strides = array<i32>} : memref<128x128xf32, #tpu.memory_space<vmem>>, vector<1x16xf32>,
      %get3A_640 = arith.index_cast %scan3A_580 : i32 to index
      %get3A_641 = arith.constant 80 : index
      %get3A_642 = tpu.vector_load %arg7[%get3A_640, %get3A_641] {strides = array<i32>} : memref<128x128xf32, #tpu.memory_space<vmem>>, vector<1x16xf32>,
      %get3A_643 = vector.shape_cast %get3A_642 : vector<1x16xf32> to vector<16xf32>
      %mul3A_644 = arith.constant 11.3137083 : f32
      %mul3A_645 = vector.broadcast %mul3A_644 : f32 to vector<16xf32>
      %mul3A_646 = arith.mulf %get3A_643, %mul3A_645 : vector<16xf32>
      %swap3A_647 = arith.index_cast %scan3A_580 : i32 to index
      %swap3A_648 = arith.constant 80 : index
      %swap3A_649 = tpu.vector_load %arg7[%swap3A_647, %swap3A_648] {strides = array<i32>} : memref<128x128xf32, #tpu.memory_space<vmem>>, vector<1x16xf32>,
      %swap3A_650 = vector.shape_cast %swap3A_649 : vector<1x16xf32> to vector<16xf32>
      %swap3A_651 = vector.shape_cast %mul3A_646 : vector<16xf32> to vector<1x16xf32>
      tpu.vector_store %arg7[%swap3A_647, %swap3A_648], %swap3A_651 {strides = array<i32>} : memref<128x128xf32, #tpu.memory_space<vmem>>, vector<1x16xf32>,
      %get3A_652 = arith.index_cast %scan3A_580 : i32 to index
      %get3A_653 = arith.constant 96 : index
      %get3A_654 = tpu.vector_load %arg7[%get3A_652, %get3A_653] {strides = array<i32>} : memref<128x128xf32, #tpu.memory_space<vmem>>, vector<1x16xf32>,
      %get3A_655 = vector.shape_cast %get3A_654 : vector<1x16xf32> to vector<16xf32>
      %mul3A_656 = arith.constant 11.3137083 : f32
      %mul3A_657 = vector.broadcast %mul3A_656 : f32 to vector<16xf32>
      %mul3A_658 = arith.mulf %get3A_655, %mul3A_657 : vector<16xf32>
      %swap3A_659 = arith.index_cast %scan3A_580 : i32 to index
      %swap3A_660 = arith.constant 96 : index
      %swap3A_661 = tpu.vector_load %arg7[%swap3A_659, %swap3A_660] {strides = array<i32>} : memref<128x128xf32, #tpu.memory_space<vmem>>, vector<1x16xf32>,
      %swap3A_662 = vector.shape_cast %swap3A_661 : vector<1x16xf32> to vector<16xf32>
      %swap3A_663 = vector.shape_cast %mul3A_658 : vector<16xf32> to vector<1x16xf32>
      tpu.vector_store %arg7[%swap3A_659, %swap3A_660], %swap3A_663 {strides = array<i32>} : memref<128x128xf32, #tpu.memory_space<vmem>>, vector<1x16xf32>,
      %get3A_664 = arith.index_cast %scan3A_580 : i32 to index
      %get3A_665 = arith.constant 112 : index
      %get3A_666 = tpu.vector_load %arg7[%get3A_664, %get3A_665] {strides = array<i32>} : memref<128x128xf32, #tpu.memory_space<vmem>>, vector<1x16xf32>,
      %get3A_667 = vector.shape_cast %get3A_666 : vector<1x16xf32> to vector<16xf32>
      %mul3A_668 = arith.constant 11.3137083 : f32
      %mul3A_669 = vector.broadcast %mul3A_668 : f32 to vector<16xf32>
      %mul3A_670 = arith.mulf %get3A_667, %mul3A_669 : vector<16xf32>
      %swap3A_671 = arith.index_cast %scan3A_580 : i32 to index
      %swap3A_672 = arith.constant 112 : index
      %swap3A_673 = tpu.vector_load %arg7[%swap3A_671, %swap3A_672] {strides = array<i32>} : memref<128x128xf32, #tpu.memory_space<vmem>>, vector<1x16xf32>,
      %swap3A_674 = vector.shape_cast %swap3A_673 : vector<1x16xf32> to vector<16xf32>
      %swap3A_675 = vector.shape_cast %mul3A_670 : vector<16xf32> to vector<1x16xf32>
      tpu.vector_store %arg7[%swap3A_671, %swap3A_672], %swap3A_675 {strides = array<i32>} : memref<128x128xf32, #tpu.memory_space<vmem>>, vector<1x16xf32>,
      %scan3A_676 = arith.constant 0 : i32
      scf.yield %scan3A_676 : i32
    }
    %scan3A_59 = arith.constant 128 : i32
    %add3A_60 = arith.constant 128 : i32
    %add3A_61 = arith.addi %mul3A_2, %add3A_60 : i32
    %dma_start3A_62 = arith.constant 0 : i32
    %dma_start3A_63 = tpu.memref_slice %arg4[%add3A_61, %dma_start3A_62] : memref<81920x128xf32, #tpu.memory_space<hbm>> -> memref<128x128xf32, #tpu.memory_space<hbm>>
    %dma_start3A_64 = arith.constant 0 : i32
    %dma_start3A_65 = tpu.memref_slice %arg4[%add3A_61, %dma_start3A_64] : memref<81920x128xf32, #tpu.memory_space<hbm>> -> memref<128x128xf32, #tpu.memory_space<hbm>>
    tpu.enqueue_dma source(%arg7 : memref<128x128xf32, #tpu.memory_space<vmem>>) target(%dma_start3A_65 : memref<128x128xf32, #tpu.memory_space<hbm>>) target_semaphore(%arg19 : memref<!tpu.dma_semaphore, #tpu.memory_space<semaphore_mem>>)
    %dma_wait3A_66 = arith.constant 256 : i32
    %dma_wait3A_67 = tpu.memref_slice %arg5[%dma_wait3A_66] : memref<2560xi32, #tpu.memory_space<vmem>> -> memref<128xi32, #tpu.memory_space<vmem>>
    %dma_wait3A_68 = arith.constant 0 : i32
    %dma_wait3A_69 = arith.constant 0 : i32
    %dma_wait3A_70 = tpu.memref_slice %arg3[%dma_wait3A_68, %dma_wait3A_69] : memref<100000x128xf32, #tpu.memory_space<hbm>> -> memref<100000x128xf32, #tpu.memory_space<hbm>>
    tpu.wait_indirect_dma semaphore(%arg14 : memref<!tpu.dma_semaphore, #tpu.memory_space<semaphore_mem>>) src(%dma_wait3A_70 : memref<100000x128xf32, #tpu.memory_space<hbm>>) dst(%arg8 : memref<128x128xf32, #tpu.memory_space<vmem>>)
    %add3A_71 = arith.constant 0 : i32
    %add3A_72 = arith.addi %mul3A_2, %add3A_71 : i32
    %dma_wait3A_73 = arith.constant 0 : i32
    %dma_wait3A_74 = tpu.memref_slice %arg4[%add3A_72, %dma_wait3A_73] : memref<81920x128xf32, #tpu.memory_space<hbm>> -> memref<128x128xf32, #tpu.memory_space<hbm>>
    %dma_wait3A_75 = arith.constant 0 : i32
    %dma_wait3A_76 = tpu.memref_slice %arg4[%add3A_72, %dma_wait3A_75] : memref<81920x128xf32, #tpu.memory_space<hbm>> -> memref<128x128xf32, #tpu.memory_space<hbm>>
    tpu.wait_dma2 semaphore(%arg18 : memref<!tpu.dma_semaphore, #tpu.memory_space<semaphore_mem>>) src(%arg6 : memref<128x128xf32, #tpu.memory_space<vmem>>) dst(%dma_wait3A_76 : memref<128x128xf32, #tpu.memory_space<hbm>>)
    %dma_start3A_77 = arith.constant 768 : i32
    %dma_start3A_78 = tpu.memref_slice %arg5[%dma_start3A_77] : memref<2560xi32, #tpu.memory_space<vmem>> -> memref<128xi32, #tpu.memory_space<vmem>>
    %dma_start3A_79 = arith.constant 0 : i32
    %dma_start3A_80 = arith.constant 0 : i32
    %dma_start3A_81 = tpu.memref_slice %arg3[%dma_start3A_79, %dma_start3A_80] : memref<100000x128xf32, #tpu.memory_space<hbm>> -> memref<100000x128xf32, #tpu.memory_space<hbm>>
    tpu.enqueue_indirect_dma source(%dma_start3A_81 : memref<100000x128xf32, #tpu.memory_space<hbm>>) target(%arg6 : memref<128x128xf32, #tpu.memory_space<vmem>>) offsets(%dma_start3A_78 : memref<128xi32, #tpu.memory_space<vmem>>) semaphore(%arg12 : memref<!tpu.dma_semaphore, #tpu.memory_space<semaphore_mem>>)
    %scan3A_82 = arith.constant 0 : i32
    %scan3A_83 = arith.constant 0 : i32
    %scan3A_84 = arith.constant 128 : i32
    %scan3A_85 = arith.addi %scan3A_83, %scan3A_84 : i32
    %scan3A_86 = arith.constant 1 : i32
    %scan3A_87 = scf.for %scan3A_580 = %scan3A_83 to %scan3A_85 step %scan3A_86 iter_args(%scan3A_581 = %scan3A_82) -> (i32)  : i32 {
      %get3A = arith.index_cast %scan3A_580 : i32 to index
      %get3A_582 = arith.constant 0 : index
      %get3A_583 = tpu.vector_load %arg8[%get3A, %get3A_582] {strides = array<i32>} : memref<128x128xf32, #tpu.memory_space<vmem>>, vector<1x16xf32>,
      %get3A_584 = vector.shape_cast %get3A_583 : vector<1x16xf32> to vector<16xf32>
      %mul3A_585 = arith.constant 11.3137083 : f32
      %mul3A_586 = vector.broadcast %mul3A_585 : f32 to vector<16xf32>
      %mul3A_587 = arith.mulf %get3A_584, %mul3A_586 : vector<16xf32>
      %swap3A = arith.index_cast %scan3A_580 : i32 to index
      %swap3A_588 = arith.constant 0 : index
      %swap3A_589 = tpu.vector_load %arg8[%swap3A, %swap3A_588] {strides = array<i32>} : memref<128x128xf32, #tpu.memory_space<vmem>>, vector<1x16xf32>,
      %swap3A_590 = vector.shape_cast %swap3A_589 : vector<1x16xf32> to vector<16xf32>
      %swap3A_591 = vector.shape_cast %mul3A_587 : vector<16xf32> to vector<1x16xf32>
      tpu.vector_store %arg8[%swap3A, %swap3A_588], %swap3A_591 {strides = array<i32>} : memref<128x128xf32, #tpu.memory_space<vmem>>, vector<1x16xf32>,
      %get3A_592 = arith.index_cast %scan3A_580 : i32 to index
      %get3A_593 = arith.constant 16 : index
      %get3A_594 = tpu.vector_load %arg8[%get3A_592, %get3A_593] {strides = array<i32>} : memref<128x128xf32, #tpu.memory_space<vmem>>, vector<1x16xf32>,
      %get3A_595 = vector.shape_cast %get3A_594 : vector<1x16xf32> to vector<16xf32>
      %mul3A_596 = arith.constant 11.3137083 : f32
      %mul3A_597 = vector.broadcast %mul3A_596 : f32 to vector<16xf32>
      %mul3A_598 = arith.mulf %get3A_595, %mul3A_597 : vector<16xf32>
      %swap3A_599 = arith.index_cast %scan3A_580 : i32 to index
      %swap3A_600 = arith.constant 16 : index
      %swap3A_601 = tpu.vector_load %arg8[%swap3A_599, %swap3A_600] {strides = array<i32>} : memref<128x128xf32, #tpu.memory_space<vmem>>, vector<1x16xf32>,
      %swap3A_602 = vector.shape_cast %swap3A_601 : vector<1x16xf32> to vector<16xf32>
      %swap3A_603 = vector.shape_cast %mul3A_598 : vector<16xf32> to vector<1x16xf32>
      tpu.vector_store %arg8[%swap3A_599, %swap3A_600], %swap3A_603 {strides = array<i32>} : memref<128x128xf32, #tpu.memory_space<vmem>>, vector<1x16xf32>,
      %get3A_604 = arith.index_cast %scan3A_580 : i32 to index
      %get3A_605 = arith.constant 32 : index
      %get3A_606 = tpu.vector_load %arg8[%get3A_604, %get3A_605] {strides = array<i32>} : memref<128x128xf32, #tpu.memory_space<vmem>>, vector<1x16xf32>,
      %get3A_607 = vector.shape_cast %get3A_606 : vector<1x16xf32> to vector<16xf32>
      %mul3A_608 = arith.constant 11.3137083 : f32
      %mul3A_609 = vector.broadcast %mul3A_608 : f32 to vector<16xf32>
      %mul3A_610 = arith.mulf %get3A_607, %mul3A_609 : vector<16xf32>
      %swap3A_611 = arith.index_cast %scan3A_580 : i32 to index
      %swap3A_612 = arith.constant 32 : index
      %swap3A_613 = tpu.vector_load %arg8[%swap3A_611, %swap3A_612] {strides = array<i32>} : memref<128x128xf32, #tpu.memory_space<vmem>>, vector<1x16xf32>,
      %swap3A_614 = vector.shape_cast %swap3A_613 : vector<1x16xf32> to vector<16xf32>
      %swap3A_615 = vector.shape_cast %mul3A_610 : vector<16xf32> to vector<1x16xf32>
      tpu.vector_store %arg8[%swap3A_611, %swap3A_612], %swap3A_615 {strides = array<i32>} : memref<128x128xf32, #tpu.memory_space<vmem>>, vector<1x16xf32>,
      %get3A_616 = arith.index_cast %scan3A_580 : i32 to index
      %get3A_617 = arith.constant 48 : index
      %get3A_618 = tpu.vector_load %arg8[%get3A_616, %get3A_617] {strides = array<i32>} : memref<128x128xf32, #tpu.memory_space<vmem>>, vector<1x16xf32>,
      %get3A_619 = vector.shape_cast %get3A_618 : vector<1x16xf32> to vector<16xf32>
      %mul3A_620 = arith.constant 11.3137083 : f32
      %mul3A_621 = vector.broadcast %mul3A_620 : f32 to vector<16xf32>
      %mul3A_622 = arith.mulf %get3A_619, %mul3A_621 : vector<16xf32>
      %swap3A_623 = arith.index_cast %scan3A_580 : i32 to index
      %swap3A_624 = arith.constant 48 : index
      %swap3A_625 = tpu.vector_load %arg8[%swap3A_623, %swap3A_624] {strides = array<i32>} : memref<128x128xf32, #tpu.memory_space<vmem>>, vector<1x16xf32>,
      %swap3A_626 = vector.shape_cast %swap3A_625 : vector<1x16xf32> to vector<16xf32>
      %swap3A_627 = vector.shape_cast %mul3A_622 : vector<16xf32> to vector<1x16xf32>
      tpu.vector_store %arg8[%swap3A_623, %swap3A_624], %swap3A_627 {strides = array<i32>} : memref<128x128xf32, #tpu.memory_space<vmem>>, vector<1x16xf32>,
      %get3A_628 = arith.index_cast %scan3A_580 : i32 to index
      %get3A_629 = arith.constant 64 : index
      %get3A_630 = tpu.vector_load %arg8[%get3A_628, %get3A_629] {strides = array<i32>} : memref<128x128xf32, #tpu.memory_space<vmem>>, vector<1x16xf32>,
      %get3A_631 = vector.shape_cast %get3A_630 : vector<1x16xf32> to vector<16xf32>
      %mul3A_632 = arith.constant 11.3137083 : f32
      %mul3A_633 = vector.broadcast %mul3A_632 : f32 to vector<16xf32>
      %mul3A_634 = arith.mulf %get3A_631, %mul3A_633 : vector<16xf32>
      %swap3A_635 = arith.index_cast %scan3A_580 : i32 to index
      %swap3A_636 = arith.constant 64 : index
      %swap3A_637 = tpu.vector_load %arg8[%swap3A_635, %swap3A_636] {strides = array<i32>} : memref<128x128xf32, #tpu.memory_space<vmem>>, vector<1x16xf32>,
      %swap3A_638 = vector.shape_cast %swap3A_637 : vector<1x16xf32> to vector<16xf32>
      %swap3A_639 = vector.shape_cast %mul3A_634 : vector<16xf32> to vector<1x16xf32>
      tpu.vector_store %arg8[%swap3A_635, %swap3A_636], %swap3A_639 {strides = array<i32>} : memref<128x128xf32, #tpu.memory_space<vmem>>, vector<1x16xf32>,
      %get3A_640 = arith.index_cast %scan3A_580 : i32 to index
      %get3A_641 = arith.constant 80 : index
      %get3A_642 = tpu.vector_load %arg8[%get3A_640, %get3A_641] {strides = array<i32>} : memref<128x128xf32, #tpu.memory_space<vmem>>, vector<1x16xf32>,
      %get3A_643 = vector.shape_cast %get3A_642 : vector<1x16xf32> to vector<16xf32>
      %mul3A_644 = arith.constant 11.3137083 : f32
      %mul3A_645 = vector.broadcast %mul3A_644 : f32 to vector<16xf32>
      %mul3A_646 = arith.mulf %get3A_643, %mul3A_645 : vector<16xf32>
      %swap3A_647 = arith.index_cast %scan3A_580 : i32 to index
      %swap3A_648 = arith.constant 80 : index
      %swap3A_649 = tpu.vector_load %arg8[%swap3A_647, %swap3A_648] {strides = array<i32>} : memref<128x128xf32, #tpu.memory_space<vmem>>, vector<1x16xf32>,
      %swap3A_650 = vector.shape_cast %swap3A_649 : vector<1x16xf32> to vector<16xf32>
      %swap3A_651 = vector.shape_cast %mul3A_646 : vector<16xf32> to vector<1x16xf32>
      tpu.vector_store %arg8[%swap3A_647, %swap3A_648], %swap3A_651 {strides = array<i32>} : memref<128x128xf32, #tpu.memory_space<vmem>>, vector<1x16xf32>,
      %get3A_652 = arith.index_cast %scan3A_580 : i32 to index
      %get3A_653 = arith.constant 96 : index
      %get3A_654 = tpu.vector_load %arg8[%get3A_652, %get3A_653] {strides = array<i32>} : memref<128x128xf32, #tpu.memory_space<vmem>>, vector<1x16xf32>,
      %get3A_655 = vector.shape_cast %get3A_654 : vector<1x16xf32> to vector<16xf32>
      %mul3A_656 = arith.constant 11.3137083 : f32
      %mul3A_657 = vector.broadcast %mul3A_656 : f32 to vector<16xf32>
      %mul3A_658 = arith.mulf %get3A_655, %mul3A_657 : vector<16xf32>
      %swap3A_659 = arith.index_cast %scan3A_580 : i32 to index
      %swap3A_660 = arith.constant 96 : index
      %swap3A_661 = tpu.vector_load %arg8[%swap3A_659, %swap3A_660] {strides = array<i32>} : memref<128x128xf32, #tpu.memory_space<vmem>>, vector<1x16xf32>,
      %swap3A_662 = vector.shape_cast %swap3A_661 : vector<1x16xf32> to vector<16xf32>
      %swap3A_663 = vector.shape_cast %mul3A_658 : vector<16xf32> to vector<1x16xf32>
      tpu.vector_store %arg8[%swap3A_659, %swap3A_660], %swap3A_663 {strides = array<i32>} : memref<128x128xf32, #tpu.memory_space<vmem>>, vector<1x16xf32>,
      %get3A_664 = arith.index_cast %scan3A_580 : i32 to index
      %get3A_665 = arith.constant 112 : index
      %get3A_666 = tpu.vector_load %arg8[%get3A_664, %get3A_665] {strides = array<i32>} : memref<128x128xf32, #tpu.memory_space<vmem>>, vector<1x16xf32>,
      %get3A_667 = vector.shape_cast %get3A_666 : vector<1x16xf32> to vector<16xf32>
      %mul3A_668 = arith.constant 11.3137083 : f32
      %mul3A_669 = vector.broadcast %mul3A_668 : f32 to vector<16xf32>
      %mul3A_670 = arith.mulf %get3A_667, %mul3A_669 : vector<16xf32>
      %swap3A_671 = arith.index_cast %scan3A_580 : i32 to index
      %swap3A_672 = arith.constant 112 : index
      %swap3A_673 = tpu.vector_load %arg8[%swap3A_671, %swap3A_672] {strides = array<i32>} : memref<128x128xf32, #tpu.memory_space<vmem>>, vector<1x16xf32>,
      %swap3A_674 = vector.shape_cast %swap3A_673 : vector<1x16xf32> to vector<16xf32>
      %swap3A_675 = vector.shape_cast %mul3A_670 : vector<16xf32> to vector<1x16xf32>
      tpu.vector_store %arg8[%swap3A_671, %swap3A_672], %swap3A_675 {strides = array<i32>} : memref<128x128xf32, #tpu.memory_space<vmem>>, vector<1x16xf32>,
      %scan3A_676 = arith.constant 0 : i32
      scf.yield %scan3A_676 : i32
    }
    %scan3A_88 = arith.constant 128 : i32
    %add3A_89 = arith.constant 256 : i32
    %add3A_90 = arith.addi %mul3A_2, %add3A_89 : i32
    %dma_start3A_91 = arith.constant 0 : i32
    %dma_start3A_92 = tpu.memref_slice %arg4[%add3A_90, %dma_start3A_91] : memref<81920x128xf32, #tpu.memory_space<hbm>> -> memref<128x128xf32, #tpu.memory_space<hbm>>
    %dma_start3A_93 = arith.constant 0 : i32
    %dma_start3A_94 = tpu.memref_slice %arg4[%add3A_90, %dma_start3A_93] : memref<81920x128xf32, #tpu.memory_space<hbm>> -> memref<128x128xf32, #tpu.memory_space<hbm>>
    tpu.enqueue_dma source(%arg8 : memref<128x128xf32, #tpu.memory_space<vmem>>) target(%dma_start3A_94 : memref<128x128xf32, #tpu.memory_space<hbm>>) target_semaphore(%arg20 : memref<!tpu.dma_semaphore, #tpu.memory_space<semaphore_mem>>)
    %dma_wait3A_95 = arith.constant 384 : i32
    %dma_wait3A_96 = tpu.memref_slice %arg5[%dma_wait3A_95] : memref<2560xi32, #tpu.memory_space<vmem>> -> memref<128xi32, #tpu.memory_space<vmem>>
    %dma_wait3A_97 = arith.constant 0 : i32
    %dma_wait3A_98 = arith.constant 0 : i32
    %dma_wait3A_99 = tpu.memref_slice %arg3[%dma_wait3A_97, %dma_wait3A_98] : memref<100000x128xf32, #tpu.memory_space<hbm>> -> memref<100000x128xf32, #tpu.memory_space<hbm>>
    tpu.wait_indirect_dma semaphore(%arg15 : memref<!tpu.dma_semaphore, #tpu.memory_space<semaphore_mem>>) src(%dma_wait3A_99 : memref<100000x128xf32, #tpu.memory_space<hbm>>) dst(%arg9 : memref<128x128xf32, #tpu.memory_space<vmem>>)
    %add3A_100 = arith.constant 128 : i32
    %add3A_101 = arith.addi %mul3A_2, %add3A_100 : i32
    %dma_wait3A_102 = arith.constant 0 : i32
    %dma_wait3A_103 = tpu.memref_slice %arg4[%add3A_101, %dma_wait3A_102] : memref<81920x128xf32, #tpu.memory_space<hbm>> -> memref<128x128xf32, #tpu.memory_space<hbm>>
    %dma_wait3A_104 = arith.constant 0 : i32
    %dma_wait3A_105 = tpu.memref_slice %arg4[%add3A_101, %dma_wait3A_104] : memref<81920x128xf32, #tpu.memory_space<hbm>> -> memref<128x128xf32, #tpu.memory_space<hbm>>
    tpu.wait_dma2 semaphore(%arg19 : memref<!tpu.dma_semaphore, #tpu.memory_space<semaphore_mem>>) src(%arg7 : memref<128x128xf32, #tpu.memory_space<vmem>>) dst(%dma_wait3A_105 : memref<128x128xf32, #tpu.memory_space<hbm>>)
    %dma_start3A_106 = arith.constant 896 : i32
    %dma_start3A_107 = tpu.memref_slice %arg5[%dma_start3A_106] : memref<2560xi32, #tpu.memory_space<vmem>> -> memref<128xi32, #tpu.memory_space<vmem>>
    %dma_start3A_108 = arith.constant 0 : i32
    %dma_start3A_109 = arith.constant 0 : i32
    %dma_start3A_110 = tpu.memref_slice %arg3[%dma_start3A_108, %dma_start3A_109] : memref<100000x128xf32, #tpu.memory_space<hbm>> -> memref<100000x128xf32, #tpu.memory_space<hbm>>
    tpu.enqueue_indirect_dma source(%dma_start3A_110 : memref<100000x128xf32, #tpu.memory_space<hbm>>) target(%arg7 : memref<128x128xf32, #tpu.memory_space<vmem>>) offsets(%dma_start3A_107 : memref<128xi32, #tpu.memory_space<vmem>>) semaphore(%arg13 : memref<!tpu.dma_semaphore, #tpu.memory_space<semaphore_mem>>)
    %scan3A_111 = arith.constant 0 : i32
    %scan3A_112 = arith.constant 0 : i32
    %scan3A_113 = arith.constant 128 : i32
    %scan3A_114 = arith.addi %scan3A_112, %scan3A_113 : i32
    %scan3A_115 = arith.constant 1 : i32
    %scan3A_116 = scf.for %scan3A_580 = %scan3A_112 to %scan3A_114 step %scan3A_115 iter_args(%scan3A_581 = %scan3A_111) -> (i32)  : i32 {
      %get3A = arith.index_cast %scan3A_580 : i32 to index
      %get3A_582 = arith.constant 0 : index
      %get3A_583 = tpu.vector_load %arg9[%get3A, %get3A_582] {strides = array<i32>} : memref<128x128xf32, #tpu.memory_space<vmem>>, vector<1x16xf32>,
      %get3A_584 = vector.shape_cast %get3A_583 : vector<1x16xf32> to vector<16xf32>
      %mul3A_585 = arith.constant 11.3137083 : f32
      %mul3A_586 = vector.broadcast %mul3A_585 : f32 to vector<16xf32>
      %mul3A_587 = arith.mulf %get3A_584, %mul3A_586 : vector<16xf32>
      %swap3A = arith.index_cast %scan3A_580 : i32 to index
      %swap3A_588 = arith.constant 0 : index
      %swap3A_589 = tpu.vector_load %arg9[%swap3A, %swap3A_588] {strides = array<i32>} : memref<128x128xf32, #tpu.memory_space<vmem>>, vector<1x16xf32>,
      %swap3A_590 = vector.shape_cast %swap3A_589 : vector<1x16xf32> to vector<16xf32>
      %swap3A_591 = vector.shape_cast %mul3A_587 : vector<16xf32> to vector<1x16xf32>
      tpu.vector_store %arg9[%swap3A, %swap3A_588], %swap3A_591 {strides = array<i32>} : memref<128x128xf32, #tpu.memory_space<vmem>>, vector<1x16xf32>,
      %get3A_592 = arith.index_cast %scan3A_580 : i32 to index
      %get3A_593 = arith.constant 16 : index
      %get3A_594 = tpu.vector_load %arg9[%get3A_592, %get3A_593] {strides = array<i32>} : memref<128x128xf32, #tpu.memory_space<vmem>>, vector<1x16xf32>,
      %get3A_595 = vector.shape_cast %get3A_594 : vector<1x16xf32> to vector<16xf32>
      %mul3A_596 = arith.constant 11.3137083 : f32
      %mul3A_597 = vector.broadcast %mul3A_596 : f32 to vector<16xf32>
      %mul3A_598 = arith.mulf %get3A_595, %mul3A_597 : vector<16xf32>
      %swap3A_599 = arith.index_cast %scan3A_580 : i32 to index
      %swap3A_600 = arith.constant 16 : index
      %swap3A_601 = tpu.vector_load %arg9[%swap3A_599, %swap3A_600] {strides = array<i32>} : memref<128x128xf32, #tpu.memory_space<vmem>>, vector<1x16xf32>,
      %swap3A_602 = vector.shape_cast %swap3A_601 : vector<1x16xf32> to vector<16xf32>
      %swap3A_603 = vector.shape_cast %mul3A_598 : vector<16xf32> to vector<1x16xf32>
      tpu.vector_store %arg9[%swap3A_599, %swap3A_600], %swap3A_603 {strides = array<i32>} : memref<128x128xf32, #tpu.memory_space<vmem>>, vector<1x16xf32>,
      %get3A_604 = arith.index_cast %scan3A_580 : i32 to index
      %get3A_605 = arith.constant 32 : index
      %get3A_606 = tpu.vector_load %arg9[%get3A_604, %get3A_605] {strides = array<i32>} : memref<128x128xf32, #tpu.memory_space<vmem>>, vector<1x16xf32>,
      %get3A_607 = vector.shape_cast %get3A_606 : vector<1x16xf32> to vector<16xf32>
      %mul3A_608 = arith.constant 11.3137083 : f32
      %mul3A_609 = vector.broadcast %mul3A_608 : f32 to vector<16xf32>
      %mul3A_610 = arith.mulf %get3A_607, %mul3A_609 : vector<16xf32>
      %swap3A_611 = arith.index_cast %scan3A_580 : i32 to index
      %swap3A_612 = arith.constant 32 : index
      %swap3A_613 = tpu.vector_load %arg9[%swap3A_611, %swap3A_612] {strides = array<i32>} : memref<128x128xf32, #tpu.memory_space<vmem>>, vector<1x16xf32>,
      %swap3A_614 = vector.shape_cast %swap3A_613 : vector<1x16xf32> to vector<16xf32>
      %swap3A_615 = vector.shape_cast %mul3A_610 : vector<16xf32> to vector<1x16xf32>
      tpu.vector_store %arg9[%swap3A_611, %swap3A_612], %swap3A_615 {strides = array<i32>} : memref<128x128xf32, #tpu.memory_space<vmem>>, vector<1x16xf32>,
      %get3A_616 = arith.index_cast %scan3A_580 : i32 to index
      %get3A_617 = arith.constant 48 : index
      %get3A_618 = tpu.vector_load %arg9[%get3A_616, %get3A_617] {strides = array<i32>} : memref<128x128xf32, #tpu.memory_space<vmem>>, vector<1x16xf32>,
      %get3A_619 = vector.shape_cast %get3A_618 : vector<1x16xf32> to vector<16xf32>
      %mul3A_620 = arith.constant 11.3137083 : f32
      %mul3A_621 = vector.broadcast %mul3A_620 : f32 to vector<16xf32>
      %mul3A_622 = arith.mulf %get3A_619, %mul3A_621 : vector<16xf32>
      %swap3A_623 = arith.index_cast %scan3A_580 : i32 to index
      %swap3A_624 = arith.constant 48 : index
      %swap3A_625 = tpu.vector_load %arg9[%swap3A_623, %swap3A_624] {strides = array<i32>} : memref<128x128xf32, #tpu.memory_space<vmem>>, vector<1x16xf32>,
      %swap3A_626 = vector.shape_cast %swap3A_625 : vector<1x16xf32> to vector<16xf32>
      %swap3A_627 = vector.shape_cast %mul3A_622 : vector<16xf32> to vector<1x16xf32>
      tpu.vector_store %arg9[%swap3A_623, %swap3A_624], %swap3A_627 {strides = array<i32>} : memref<128x128xf32, #tpu.memory_space<vmem>>, vector<1x16xf32>,
      %get3A_628 = arith.index_cast %scan3A_580 : i32 to index
      %get3A_629 = arith.constant 64 : index
      %get3A_630 = tpu.vector_load %arg9[%get3A_628, %get3A_629] {strides = array<i32>} : memref<128x128xf32, #tpu.memory_space<vmem>>, vector<1x16xf32>,
      %get3A_631 = vector.shape_cast %get3A_630 : vector<1x16xf32> to vector<16xf32>
      %mul3A_632 = arith.constant 11.3137083 : f32
      %mul3A_633 = vector.broadcast %mul3A_632 : f32 to vector<16xf32>
      %mul3A_634 = arith.mulf %get3A_631, %mul3A_633 : vector<16xf32>
      %swap3A_635 = arith.index_cast %scan3A_580 : i32 to index
      %swap3A_636 = arith.constant 64 : index
      %swap3A_637 = tpu.vector_load %arg9[%swap3A_635, %swap3A_636] {strides = array<i32>} : memref<128x128xf32, #tpu.memory_space<vmem>>, vector<1x16xf32>,
      %swap3A_638 = vector.shape_cast %swap3A_637 : vector<1x16xf32> to vector<16xf32>
      %swap3A_639 = vector.shape_cast %mul3A_634 : vector<16xf32> to vector<1x16xf32>
      tpu.vector_store %arg9[%swap3A_635, %swap3A_636], %swap3A_639 {strides = array<i32>} : memref<128x128xf32, #tpu.memory_space<vmem>>, vector<1x16xf32>,
      %get3A_640 = arith.index_cast %scan3A_580 : i32 to index
      %get3A_641 = arith.constant 80 : index
      %get3A_642 = tpu.vector_load %arg9[%get3A_640, %get3A_641] {strides = array<i32>} : memref<128x128xf32, #tpu.memory_space<vmem>>, vector<1x16xf32>,
      %get3A_643 = vector.shape_cast %get3A_642 : vector<1x16xf32> to vector<16xf32>
      %mul3A_644 = arith.constant 11.3137083 : f32
      %mul3A_645 = vector.broadcast %mul3A_644 : f32 to vector<16xf32>
      %mul3A_646 = arith.mulf %get3A_643, %mul3A_645 : vector<16xf32>
      %swap3A_647 = arith.index_cast %scan3A_580 : i32 to index
      %swap3A_648 = arith.constant 80 : index
      %swap3A_649 = tpu.vector_load %arg9[%swap3A_647, %swap3A_648] {strides = array<i32>} : memref<128x128xf32, #tpu.memory_space<vmem>>, vector<1x16xf32>,
      %swap3A_650 = vector.shape_cast %swap3A_649 : vector<1x16xf32> to vector<16xf32>
      %swap3A_651 = vector.shape_cast %mul3A_646 : vector<16xf32> to vector<1x16xf32>
      tpu.vector_store %arg9[%swap3A_647, %swap3A_648], %swap3A_651 {strides = array<i32>} : memref<128x128xf32, #tpu.memory_space<vmem>>, vector<1x16xf32>,
      %get3A_652 = arith.index_cast %scan3A_580 : i32 to index
      %get3A_653 = arith.constant 96 : index
      %get3A_654 = tpu.vector_load %arg9[%get3A_652, %get3A_653] {strides = array<i32>} : memref<128x128xf32, #tpu.memory_space<vmem>>, vector<1x16xf32>,
      %get3A_655 = vector.shape_cast %get3A_654 : vector<1x16xf32> to vector<16xf32>
      %mul3A_656 = arith.constant 11.3137083 : f32
      %mul3A_657 = vector.broadcast %mul3A_656 : f32 to vector<16xf32>
      %mul3A_658 = arith.mulf %get3A_655, %mul3A_657 : vector<16xf32>
      %swap3A_659 = arith.index_cast %scan3A_580 : i32 to index
      %swap3A_660 = arith.constant 96 : index
      %swap3A_661 = tpu.vector_load %arg9[%swap3A_659, %swap3A_660] {strides = array<i32>} : memref<128x128xf32, #tpu.memory_space<vmem>>, vector<1x16xf32>,
      %swap3A_662 = vector.shape_cast %swap3A_661 : vector<1x16xf32> to vector<16xf32>
      %swap3A_663 = vector.shape_cast %mul3A_658 : vector<16xf32> to vector<1x16xf32>
      tpu.vector_store %arg9[%swap3A_659, %swap3A_660], %swap3A_663 {strides = array<i32>} : memref<128x128xf32, #tpu.memory_space<vmem>>, vector<1x16xf32>,
      %get3A_664 = arith.index_cast %scan3A_580 : i32 to index
      %get3A_665 = arith.constant 112 : index
      %get3A_666 = tpu.vector_load %arg9[%get3A_664, %get3A_665] {strides = array<i32>} : memref<128x128xf32, #tpu.memory_space<vmem>>, vector<1x16xf32>,
      %get3A_667 = vector.shape_cast %get3A_666 : vector<1x16xf32> to vector<16xf32>
      %mul3A_668 = arith.constant 11.3137083 : f32
      %mul3A_669 = vector.broadcast %mul3A_668 : f32 to vector<16xf32>
      %mul3A_670 = arith.mulf %get3A_667, %mul3A_669 : vector<16xf32>
      %swap3A_671 = arith.index_cast %scan3A_580 : i32 to index
      %swap3A_672 = arith.constant 112 : index
      %swap3A_673 = tpu.vector_load %arg9[%swap3A_671, %swap3A_672] {strides = array<i32>} : memref<128x128xf32, #tpu.memory_space<vmem>>, vector<1x16xf32>,
      %swap3A_674 = vector.shape_cast %swap3A_673 : vector<1x16xf32> to vector<16xf32>
      %swap3A_675 = vector.shape_cast %mul3A_670 : vector<16xf32> to vector<1x16xf32>
      tpu.vector_store %arg9[%swap3A_671, %swap3A_672], %swap3A_675 {strides = array<i32>} : memref<128x128xf32, #tpu.memory_space<vmem>>, vector<1x16xf32>,
      %scan3A_676 = arith.constant 0 : i32
      scf.yield %scan3A_676 : i32
    }
    %scan3A_117 = arith.constant 128 : i32
    %add3A_118 = arith.constant 384 : i32
    %add3A_119 = arith.addi %mul3A_2, %add3A_118 : i32
    %dma_start3A_120 = arith.constant 0 : i32
    %dma_start3A_121 = tpu.memref_slice %arg4[%add3A_119, %dma_start3A_120] : memref<81920x128xf32, #tpu.memory_space<hbm>> -> memref<128x128xf32, #tpu.memory_space<hbm>>
    %dma_start3A_122 = arith.constant 0 : i32
    %dma_start3A_123 = tpu.memref_slice %arg4[%add3A_119, %dma_start3A_122] : memref<81920x128xf32, #tpu.memory_space<hbm>> -> memref<128x128xf32, #tpu.memory_space<hbm>>
    tpu.enqueue_dma source(%arg9 : memref<128x128xf32, #tpu.memory_space<vmem>>) target(%dma_start3A_123 : memref<128x128xf32, #tpu.memory_space<hbm>>) target_semaphore(%arg21 : memref<!tpu.dma_semaphore, #tpu.memory_space<semaphore_mem>>)
    %dma_wait3A_124 = arith.constant 512 : i32
    %dma_wait3A_125 = tpu.memref_slice %arg5[%dma_wait3A_124] : memref<2560xi32, #tpu.memory_space<vmem>> -> memref<128xi32, #tpu.memory_space<vmem>>
    %dma_wait3A_126 = arith.constant 0 : i32
    %dma_wait3A_127 = arith.constant 0 : i32
    %dma_wait3A_128 = tpu.memref_slice %arg3[%dma_wait3A_126, %dma_wait3A_127] : memref<100000x128xf32, #tpu.memory_space<hbm>> -> memref<100000x128xf32, #tpu.memory_space<hbm>>
    tpu.wait_indirect_dma semaphore(%arg16 : memref<!tpu.dma_semaphore, #tpu.memory_space<semaphore_mem>>) src(%dma_wait3A_128 : memref<100000x128xf32, #tpu.memory_space<hbm>>) dst(%arg10 : memref<128x128xf32, #tpu.memory_space<vmem>>)
    %add3A_129 = arith.constant 256 : i32
    %add3A_130 = arith.addi %mul3A_2, %add3A_129 : i32
    %dma_wait3A_131 = arith.constant 0 : i32
    %dma_wait3A_132 = tpu.memref_slice %arg4[%add3A_130, %dma_wait3A_131] : memref<81920x128xf32, #tpu.memory_space<hbm>> -> memref<128x128xf32, #tpu.memory_space<hbm>>
    %dma_wait3A_133 = arith.constant 0 : i32
    %dma_wait3A_134 = tpu.memref_slice %arg4[%add3A_130, %dma_wait3A_133] : memref<81920x128xf32, #tpu.memory_space<hbm>> -> memref<128x128xf32, #tpu.memory_space<hbm>>
    tpu.wait_dma2 semaphore(%arg20 : memref<!tpu.dma_semaphore, #tpu.memory_space<semaphore_mem>>) src(%arg8 : memref<128x128xf32, #tpu.memory_space<vmem>>) dst(%dma_wait3A_134 : memref<128x128xf32, #tpu.memory_space<hbm>>)
    %dma_start3A_135 = arith.constant 1024 : i32
    %dma_start3A_136 = tpu.memref_slice %arg5[%dma_start3A_135] : memref<2560xi32, #tpu.memory_space<vmem>> -> memref<128xi32, #tpu.memory_space<vmem>>
    %dma_start3A_137 = arith.constant 0 : i32
    %dma_start3A_138 = arith.constant 0 : i32
    %dma_start3A_139 = tpu.memref_slice %arg3[%dma_start3A_137, %dma_start3A_138] : memref<100000x128xf32, #tpu.memory_space<hbm>> -> memref<100000x128xf32, #tpu.memory_space<hbm>>
    tpu.enqueue_indirect_dma source(%dma_start3A_139 : memref<100000x128xf32, #tpu.memory_space<hbm>>) target(%arg8 : memref<128x128xf32, #tpu.memory_space<vmem>>) offsets(%dma_start3A_136 : memref<128xi32, #tpu.memory_space<vmem>>) semaphore(%arg14 : memref<!tpu.dma_semaphore, #tpu.memory_space<semaphore_mem>>)
    %scan3A_140 = arith.constant 0 : i32
    %scan3A_141 = arith.constant 0 : i32
    %scan3A_142 = arith.constant 128 : i32
    %scan3A_143 = arith.addi %scan3A_141, %scan3A_142 : i32
    %scan3A_144 = arith.constant 1 : i32
    %scan3A_145 = scf.for %scan3A_580 = %scan3A_141 to %scan3A_143 step %scan3A_144 iter_args(%scan3A_581 = %scan3A_140) -> (i32)  : i32 {
      %get3A = arith.index_cast %scan3A_580 : i32 to index
      %get3A_582 = arith.constant 0 : index
      %get3A_583 = tpu.vector_load %arg10[%get3A, %get3A_582] {strides = array<i32>} : memref<128x128xf32, #tpu.memory_space<vmem>>, vector<1x16xf32>,
      %get3A_584 = vector.shape_cast %get3A_583 : vector<1x16xf32> to vector<16xf32>
      %mul3A_585 = arith.constant 11.3137083 : f32
      %mul3A_586 = vector.broadcast %mul3A_585 : f32 to vector<16xf32>
      %mul3A_587 = arith.mulf %get3A_584, %mul3A_586 : vector<16xf32>
      %swap3A = arith.index_cast %scan3A_580 : i32 to index
      %swap3A_588 = arith.constant 0 : index
      %swap3A_589 = tpu.vector_load %arg10[%swap3A, %swap3A_588] {strides = array<i32>} : memref<128x128xf32, #tpu.memory_space<vmem>>, vector<1x16xf32>,
      %swap3A_590 = vector.shape_cast %swap3A_589 : vector<1x16xf32> to vector<16xf32>
      %swap3A_591 = vector.shape_cast %mul3A_587 : vector<16xf32> to vector<1x16xf32>
      tpu.vector_store %arg10[%swap3A, %swap3A_588], %swap3A_591 {strides = array<i32>} : memref<128x128xf32, #tpu.memory_space<vmem>>, vector<1x16xf32>,
      %get3A_592 = arith.index_cast %scan3A_580 : i32 to index
      %get3A_593 = arith.constant 16 : index
      %get3A_594 = tpu.vector_load %arg10[%get3A_592, %get3A_593] {strides = array<i32>} : memref<128x128xf32, #tpu.memory_space<vmem>>, vector<1x16xf32>,
      %get3A_595 = vector.shape_cast %get3A_594 : vector<1x16xf32> to vector<16xf32>
      %mul3A_596 = arith.constant 11.3137083 : f32
      %mul3A_597 = vector.broadcast %mul3A_596 : f32 to vector<16xf32>
      %mul3A_598 = arith.mulf %get3A_595, %mul3A_597 : vector<16xf32>
      %swap3A_599 = arith.index_cast %scan3A_580 : i32 to index
      %swap3A_600 = arith.constant 16 : index
      %swap3A_601 = tpu.vector_load %arg10[%swap3A_599, %swap3A_600] {strides = array<i32>} : memref<128x128xf32, #tpu.memory_space<vmem>>, vector<1x16xf32>,
      %swap3A_602 = vector.shape_cast %swap3A_601 : vector<1x16xf32> to vector<16xf32>
      %swap3A_603 = vector.shape_cast %mul3A_598 : vector<16xf32> to vector<1x16xf32>
      tpu.vector_store %arg10[%swap3A_599, %swap3A_600], %swap3A_603 {strides = array<i32>} : memref<128x128xf32, #tpu.memory_space<vmem>>, vector<1x16xf32>,
      %get3A_604 = arith.index_cast %scan3A_580 : i32 to index
      %get3A_605 = arith.constant 32 : index
      %get3A_606 = tpu.vector_load %arg10[%get3A_604, %get3A_605] {strides = array<i32>} : memref<128x128xf32, #tpu.memory_space<vmem>>, vector<1x16xf32>,
      %get3A_607 = vector.shape_cast %get3A_606 : vector<1x16xf32> to vector<16xf32>
      %mul3A_608 = arith.constant 11.3137083 : f32
      %mul3A_609 = vector.broadcast %mul3A_608 : f32 to vector<16xf32>
      %mul3A_610 = arith.mulf %get3A_607, %mul3A_609 : vector<16xf32>
      %swap3A_611 = arith.index_cast %scan3A_580 : i32 to index
      %swap3A_612 = arith.constant 32 : index
      %swap3A_613 = tpu.vector_load %arg10[%swap3A_611, %swap3A_612] {strides = array<i32>} : memref<128x128xf32, #tpu.memory_space<vmem>>, vector<1x16xf32>,
      %swap3A_614 = vector.shape_cast %swap3A_613 : vector<1x16xf32> to vector<16xf32>
      %swap3A_615 = vector.shape_cast %mul3A_610 : vector<16xf32> to vector<1x16xf32>
      tpu.vector_store %arg10[%swap3A_611, %swap3A_612], %swap3A_615 {strides = array<i32>} : memref<128x128xf32, #tpu.memory_space<vmem>>, vector<1x16xf32>,
      %get3A_616 = arith.index_cast %scan3A_580 : i32 to index
      %get3A_617 = arith.constant 48 : index
      %get3A_618 = tpu.vector_load %arg10[%get3A_616, %get3A_617] {strides = array<i32>} : memref<128x128xf32, #tpu.memory_space<vmem>>, vector<1x16xf32>,
      %get3A_619 = vector.shape_cast %get3A_618 : vector<1x16xf32> to vector<16xf32>
      %mul3A_620 = arith.constant 11.3137083 : f32
      %mul3A_621 = vector.broadcast %mul3A_620 : f32 to vector<16xf32>
      %mul3A_622 = arith.mulf %get3A_619, %mul3A_621 : vector<16xf32>
      %swap3A_623 = arith.index_cast %scan3A_580 : i32 to index
      %swap3A_624 = arith.constant 48 : index
      %swap3A_625 = tpu.vector_load %arg10[%swap3A_623, %swap3A_624] {strides = array<i32>} : memref<128x128xf32, #tpu.memory_space<vmem>>, vector<1x16xf32>,
      %swap3A_626 = vector.shape_cast %swap3A_625 : vector<1x16xf32> to vector<16xf32>
      %swap3A_627 = vector.shape_cast %mul3A_622 : vector<16xf32> to vector<1x16xf32>
      tpu.vector_store %arg10[%swap3A_623, %swap3A_624], %swap3A_627 {strides = array<i32>} : memref<128x128xf32, #tpu.memory_space<vmem>>, vector<1x16xf32>,
      %get3A_628 = arith.index_cast %scan3A_580 : i32 to index
      %get3A_629 = arith.constant 64 : index
      %get3A_630 = tpu.vector_load %arg10[%get3A_628, %get3A_629] {strides = array<i32>} : memref<128x128xf32, #tpu.memory_space<vmem>>, vector<1x16xf32>,
      %get3A_631 = vector.shape_cast %get3A_630 : vector<1x16xf32> to vector<16xf32>
      %mul3A_632 = arith.constant 11.3137083 : f32
      %mul3A_633 = vector.broadcast %mul3A_632 : f32 to vector<16xf32>
      %mul3A_634 = arith.mulf %get3A_631, %mul3A_633 : vector<16xf32>
      %swap3A_635 = arith.index_cast %scan3A_580 : i32 to index
      %swap3A_636 = arith.constant 64 : index
      %swap3A_637 = tpu.vector_load %arg10[%swap3A_635, %swap3A_636] {strides = array<i32>} : memref<128x128xf32, #tpu.memory_space<vmem>>, vector<1x16xf32>,
      %swap3A_638 = vector.shape_cast %swap3A_637 : vector<1x16xf32> to vector<16xf32>
      %swap3A_639 = vector.shape_cast %mul3A_634 : vector<16xf32> to vector<1x16xf32>
      tpu.vector_store %arg10[%swap3A_635, %swap3A_636], %swap3A_639 {strides = array<i32>} : memref<128x128xf32, #tpu.memory_space<vmem>>, vector<1x16xf32>,
      %get3A_640 = arith.index_cast %scan3A_580 : i32 to index
      %get3A_641 = arith.constant 80 : index
      %get3A_642 = tpu.vector_load %arg10[%get3A_640, %get3A_641] {strides = array<i32>} : memref<128x128xf32, #tpu.memory_space<vmem>>, vector<1x16xf32>,
      %get3A_643 = vector.shape_cast %get3A_642 : vector<1x16xf32> to vector<16xf32>
      %mul3A_644 = arith.constant 11.3137083 : f32
      %mul3A_645 = vector.broadcast %mul3A_644 : f32 to vector<16xf32>
      %mul3A_646 = arith.mulf %get3A_643, %mul3A_645 : vector<16xf32>
      %swap3A_647 = arith.index_cast %scan3A_580 : i32 to index
      %swap3A_648 = arith.constant 80 : index
      %swap3A_649 = tpu.vector_load %arg10[%swap3A_647, %swap3A_648] {strides = array<i32>} : memref<128x128xf32, #tpu.memory_space<vmem>>, vector<1x16xf32>,
      %swap3A_650 = vector.shape_cast %swap3A_649 : vector<1x16xf32> to vector<16xf32>
      %swap3A_651 = vector.shape_cast %mul3A_646 : vector<16xf32> to vector<1x16xf32>
      tpu.vector_store %arg10[%swap3A_647, %swap3A_648], %swap3A_651 {strides = array<i32>} : memref<128x128xf32, #tpu.memory_space<vmem>>, vector<1x16xf32>,
      %get3A_652 = arith.index_cast %scan3A_580 : i32 to index
      %get3A_653 = arith.constant 96 : index
      %get3A_654 = tpu.vector_load %arg10[%get3A_652, %get3A_653] {strides = array<i32>} : memref<128x128xf32, #tpu.memory_space<vmem>>, vector<1x16xf32>,
      %get3A_655 = vector.shape_cast %get3A_654 : vector<1x16xf32> to vector<16xf32>
      %mul3A_656 = arith.constant 11.3137083 : f32
      %mul3A_657 = vector.broadcast %mul3A_656 : f32 to vector<16xf32>
      %mul3A_658 = arith.mulf %get3A_655, %mul3A_657 : vector<16xf32>
      %swap3A_659 = arith.index_cast %scan3A_580 : i32 to index
      %swap3A_660 = arith.constant 96 : index
      %swap3A_661 = tpu.vector_load %arg10[%swap3A_659, %swap3A_660] {strides = array<i32>} : memref<128x128xf32, #tpu.memory_space<vmem>>, vector<1x16xf32>,
      %swap3A_662 = vector.shape_cast %swap3A_661 : vector<1x16xf32> to vector<16xf32>
      %swap3A_663 = vector.shape_cast %mul3A_658 : vector<16xf32> to vector<1x16xf32>
      tpu.vector_store %arg10[%swap3A_659, %swap3A_660], %swap3A_663 {strides = array<i32>} : memref<128x128xf32, #tpu.memory_space<vmem>>, vector<1x16xf32>,
      %get3A_664 = arith.index_cast %scan3A_580 : i32 to index
      %get3A_665 = arith.constant 112 : index
      %get3A_666 = tpu.vector_load %arg10[%get3A_664, %get3A_665] {strides = array<i32>} : memref<128x128xf32, #tpu.memory_space<vmem>>, vector<1x16xf32>,
      %get3A_667 = vector.shape_cast %get3A_666 : vector<1x16xf32> to vector<16xf32>
      %mul3A_668 = arith.constant 11.3137083 : f32
      %mul3A_669 = vector.broadcast %mul3A_668 : f32 to vector<16xf32>
      %mul3A_670 = arith.mulf %get3A_667, %mul3A_669 : vector<16xf32>
      %swap3A_671 = arith.index_cast %scan3A_580 : i32 to index
      %swap3A_672 = arith.constant 112 : index
      %swap3A_673 = tpu.vector_load %arg10[%swap3A_671, %swap3A_672] {strides = array<i32>} : memref<128x128xf32, #tpu.memory_space<vmem>>, vector<1x16xf32>,
      %swap3A_674 = vector.shape_cast %swap3A_673 : vector<1x16xf32> to vector<16xf32>
      %swap3A_675 = vector.shape_cast %mul3A_670 : vector<16xf32> to vector<1x16xf32>
      tpu.vector_store %arg10[%swap3A_671, %swap3A_672], %swap3A_675 {strides = array<i32>} : memref<128x128xf32, #tpu.memory_space<vmem>>, vector<1x16xf32>,
      %scan3A_676 = arith.constant 0 : i32
      scf.yield %scan3A_676 : i32
    }
    %scan3A_146 = arith.constant 128 : i32
    %add3A_147 = arith.constant 512 : i32
    %add3A_148 = arith.addi %mul3A_2, %add3A_147 : i32
    %dma_start3A_149 = arith.constant 0 : i32
    %dma_start3A_150 = tpu.memref_slice %arg4[%add3A_148, %dma_start3A_149] : memref<81920x128xf32, #tpu.memory_space<hbm>> -> memref<128x128xf32, #tpu.memory_space<hbm>>
    %dma_start3A_151 = arith.constant 0 : i32
    %dma_start3A_152 = tpu.memref_slice %arg4[%add3A_148, %dma_start3A_151] : memref<81920x128xf32, #tpu.memory_space<hbm>> -> memref<128x128xf32, #tpu.memory_space<hbm>>
    tpu.enqueue_dma source(%arg10 : memref<128x128xf32, #tpu.memory_space<vmem>>) target(%dma_start3A_152 : memref<128x128xf32, #tpu.memory_space<hbm>>) target_semaphore(%arg22 : memref<!tpu.dma_semaphore, #tpu.memory_space<semaphore_mem>>)
    %dma_wait3A_153 = arith.constant 640 : i32
    %dma_wait3A_154 = tpu.memref_slice %arg5[%dma_wait3A_153] : memref<2560xi32, #tpu.memory_space<vmem>> -> memref<128xi32, #tpu.memory_space<vmem>>
    %dma_wait3A_155 = arith.constant 0 : i32
    %dma_wait3A_156 = arith.constant 0 : i32
    %dma_wait3A_157 = tpu.memref_slice %arg3[%dma_wait3A_155, %dma_wait3A_156] : memref<100000x128xf32, #tpu.memory_space<hbm>> -> memref<100000x128xf32, #tpu.memory_space<hbm>>
    tpu.wait_indirect_dma semaphore(%arg17 : memref<!tpu.dma_semaphore, #tpu.memory_space<semaphore_mem>>) src(%dma_wait3A_157 : memref<100000x128xf32, #tpu.memory_space<hbm>>) dst(%arg11 : memref<128x128xf32, #tpu.memory_space<vmem>>)
    %add3A_158 = arith.constant 384 : i32
    %add3A_159 = arith.addi %mul3A_2, %add3A_158 : i32
    %dma_wait3A_160 = arith.constant 0 : i32
    %dma_wait3A_161 = tpu.memref_slice %arg4[%add3A_159, %dma_wait3A_160] : memref<81920x128xf32, #tpu.memory_space<hbm>> -> memref<128x128xf32, #tpu.memory_space<hbm>>
    %dma_wait3A_162 = arith.constant 0 : i32
    %dma_wait3A_163 = tpu.memref_slice %arg4[%add3A_159, %dma_wait3A_162] : memref<81920x128xf32, #tpu.memory_space<hbm>> -> memref<128x128xf32, #tpu.memory_space<hbm>>
    tpu.wait_dma2 semaphore(%arg21 : memref<!tpu.dma_semaphore, #tpu.memory_space<semaphore_mem>>) src(%arg9 : memref<128x128xf32, #tpu.memory_space<vmem>>) dst(%dma_wait3A_163 : memref<128x128xf32, #tpu.memory_space<hbm>>)
    %dma_start3A_164 = arith.constant 1152 : i32
    %dma_start3A_165 = tpu.memref_slice %arg5[%dma_start3A_164] : memref<2560xi32, #tpu.memory_space<vmem>> -> memref<128xi32, #tpu.memory_space<vmem>>
    %dma_start3A_166 = arith.constant 0 : i32
    %dma_start3A_167 = arith.constant 0 : i32
    %dma_start3A_168 = tpu.memref_slice %arg3[%dma_start3A_166, %dma_start3A_167] : memref<100000x128xf32, #tpu.memory_space<hbm>> -> memref<100000x128xf32, #tpu.memory_space<hbm>>
    tpu.enqueue_indirect_dma source(%dma_start3A_168 : memref<100000x128xf32, #tpu.memory_space<hbm>>) target(%arg9 : memref<128x128xf32, #tpu.memory_space<vmem>>) offsets(%dma_start3A_165 : memref<128xi32, #tpu.memory_space<vmem>>) semaphore(%arg15 : memref<!tpu.dma_semaphore, #tpu.memory_space<semaphore_mem>>)
    %scan3A_169 = arith.constant 0 : i32
    %scan3A_170 = arith.constant 0 : i32
    %scan3A_171 = arith.constant 128 : i32
    %scan3A_172 = arith.addi %scan3A_170, %scan3A_171 : i32
    %scan3A_173 = arith.constant 1 : i32
    %scan3A_174 = scf.for %scan3A_580 = %scan3A_170 to %scan3A_172 step %scan3A_173 iter_args(%scan3A_581 = %scan3A_169) -> (i32)  : i32 {
      %get3A = arith.index_cast %scan3A_580 : i32 to index
      %get3A_582 = arith.constant 0 : index
      %get3A_583 = tpu.vector_load %arg11[%get3A, %get3A_582] {strides = array<i32>} : memref<128x128xf32, #tpu.memory_space<vmem>>, vector<1x16xf32>,
      %get3A_584 = vector.shape_cast %get3A_583 : vector<1x16xf32> to vector<16xf32>
      %mul3A_585 = arith.constant 11.3137083 : f32
      %mul3A_586 = vector.broadcast %mul3A_585 : f32 to vector<16xf32>
      %mul3A_587 = arith.mulf %get3A_584, %mul3A_586 : vector<16xf32>
      %swap3A = arith.index_cast %scan3A_580 : i32 to index
      %swap3A_588 = arith.constant 0 : index
      %swap3A_589 = tpu.vector_load %arg11[%swap3A, %swap3A_588] {strides = array<i32>} : memref<128x128xf32, #tpu.memory_space<vmem>>, vector<1x16xf32>,
      %swap3A_590 = vector.shape_cast %swap3A_589 : vector<1x16xf32> to vector<16xf32>
      %swap3A_591 = vector.shape_cast %mul3A_587 : vector<16xf32> to vector<1x16xf32>
      tpu.vector_store %arg11[%swap3A, %swap3A_588], %swap3A_591 {strides = array<i32>} : memref<128x128xf32, #tpu.memory_space<vmem>>, vector<1x16xf32>,
      %get3A_592 = arith.index_cast %scan3A_580 : i32 to index
      %get3A_593 = arith.constant 16 : index
      %get3A_594 = tpu.vector_load %arg11[%get3A_592, %get3A_593] {strides = array<i32>} : memref<128x128xf32, #tpu.memory_space<vmem>>, vector<1x16xf32>,
      %get3A_595 = vector.shape_cast %get3A_594 : vector<1x16xf32> to vector<16xf32>
      %mul3A_596 = arith.constant 11.3137083 : f32
      %mul3A_597 = vector.broadcast %mul3A_596 : f32 to vector<16xf32>
      %mul3A_598 = arith.mulf %get3A_595, %mul3A_597 : vector<16xf32>
      %swap3A_599 = arith.index_cast %scan3A_580 : i32 to index
      %swap3A_600 = arith.constant 16 : index
      %swap3A_601 = tpu.vector_load %arg11[%swap3A_599, %swap3A_600] {strides = array<i32>} : memref<128x128xf32, #tpu.memory_space<vmem>>, vector<1x16xf32>,
      %swap3A_602 = vector.shape_cast %swap3A_601 : vector<1x16xf32> to vector<16xf32>
      %swap3A_603 = vector.shape_cast %mul3A_598 : vector<16xf32> to vector<1x16xf32>
      tpu.vector_store %arg11[%swap3A_599, %swap3A_600], %swap3A_603 {strides = array<i32>} : memref<128x128xf32, #tpu.memory_space<vmem>>, vector<1x16xf32>,
      %get3A_604 = arith.index_cast %scan3A_580 : i32 to index
      %get3A_605 = arith.constant 32 : index
      %get3A_606 = tpu.vector_load %arg11[%get3A_604, %get3A_605] {strides = array<i32>} : memref<128x128xf32, #tpu.memory_space<vmem>>, vector<1x16xf32>,
      %get3A_607 = vector.shape_cast %get3A_606 : vector<1x16xf32> to vector<16xf32>
      %mul3A_608 = arith.constant 11.3137083 : f32
      %mul3A_609 = vector.broadcast %mul3A_608 : f32 to vector<16xf32>
      %mul3A_610 = arith.mulf %get3A_607, %mul3A_609 : vector<16xf32>
      %swap3A_611 = arith.index_cast %scan3A_580 : i32 to index
      %swap3A_612 = arith.constant 32 : index
      %swap3A_613 = tpu.vector_load %arg11[%swap3A_611, %swap3A_612] {strides = array<i32>} : memref<128x128xf32, #tpu.memory_space<vmem>>, vector<1x16xf32>,
      %swap3A_614 = vector.shape_cast %swap3A_613 : vector<1x16xf32> to vector<16xf32>
      %swap3A_615 = vector.shape_cast %mul3A_610 : vector<16xf32> to vector<1x16xf32>
      tpu.vector_store %arg11[%swap3A_611, %swap3A_612], %swap3A_615 {strides = array<i32>} : memref<128x128xf32, #tpu.memory_space<vmem>>, vector<1x16xf32>,
      %get3A_616 = arith.index_cast %scan3A_580 : i32 to index
      %get3A_617 = arith.constant 48 : index
      %get3A_618 = tpu.vector_load %arg11[%get3A_616, %get3A_617] {strides = array<i32>} : memref<128x128xf32, #tpu.memory_space<vmem>>, vector<1x16xf32>,
      %get3A_619 = vector.shape_cast %get3A_618 : vector<1x16xf32> to vector<16xf32>
      %mul3A_620 = arith.constant 11.3137083 : f32
      %mul3A_621 = vector.broadcast %mul3A_620 : f32 to vector<16xf32>
      %mul3A_622 = arith.mulf %get3A_619, %mul3A_621 : vector<16xf32>
      %swap3A_623 = arith.index_cast %scan3A_580 : i32 to index
      %swap3A_624 = arith.constant 48 : index
      %swap3A_625 = tpu.vector_load %arg11[%swap3A_623, %swap3A_624] {strides = array<i32>} : memref<128x128xf32, #tpu.memory_space<vmem>>, vector<1x16xf32>,
      %swap3A_626 = vector.shape_cast %swap3A_625 : vector<1x16xf32> to vector<16xf32>
      %swap3A_627 = vector.shape_cast %mul3A_622 : vector<16xf32> to vector<1x16xf32>
      tpu.vector_store %arg11[%swap3A_623, %swap3A_624], %swap3A_627 {strides = array<i32>} : memref<128x128xf32, #tpu.memory_space<vmem>>, vector<1x16xf32>,
      %get3A_628 = arith.index_cast %scan3A_580 : i32 to index
      %get3A_629 = arith.constant 64 : index
      %get3A_630 = tpu.vector_load %arg11[%get3A_628, %get3A_629] {strides = array<i32>} : memref<128x128xf32, #tpu.memory_space<vmem>>, vector<1x16xf32>,
      %get3A_631 = vector.shape_cast %get3A_630 : vector<1x16xf32> to vector<16xf32>
      %mul3A_632 = arith.constant 11.3137083 : f32
      %mul3A_633 = vector.broadcast %mul3A_632 : f32 to vector<16xf32>
      %mul3A_634 = arith.mulf %get3A_631, %mul3A_633 : vector<16xf32>
      %swap3A_635 = arith.index_cast %scan3A_580 : i32 to index
      %swap3A_636 = arith.constant 64 : index
      %swap3A_637 = tpu.vector_load %arg11[%swap3A_635, %swap3A_636] {strides = array<i32>} : memref<128x128xf32, #tpu.memory_space<vmem>>, vector<1x16xf32>,
      %swap3A_638 = vector.shape_cast %swap3A_637 : vector<1x16xf32> to vector<16xf32>
      %swap3A_639 = vector.shape_cast %mul3A_634 : vector<16xf32> to vector<1x16xf32>
      tpu.vector_store %arg11[%swap3A_635, %swap3A_636], %swap3A_639 {strides = array<i32>} : memref<128x128xf32, #tpu.memory_space<vmem>>, vector<1x16xf32>,
      %get3A_640 = arith.index_cast %scan3A_580 : i32 to index
      %get3A_641 = arith.constant 80 : index
      %get3A_642 = tpu.vector_load %arg11[%get3A_640, %get3A_641] {strides = array<i32>} : memref<128x128xf32, #tpu.memory_space<vmem>>, vector<1x16xf32>,
      %get3A_643 = vector.shape_cast %get3A_642 : vector<1x16xf32> to vector<16xf32>
      %mul3A_644 = arith.constant 11.3137083 : f32
      %mul3A_645 = vector.broadcast %mul3A_644 : f32 to vector<16xf32>
      %mul3A_646 = arith.mulf %get3A_643, %mul3A_645 : vector<16xf32>
      %swap3A_647 = arith.index_cast %scan3A_580 : i32 to index
      %swap3A_648 = arith.constant 80 : index
      %swap3A_649 = tpu.vector_load %arg11[%swap3A_647, %swap3A_648] {strides = array<i32>} : memref<128x128xf32, #tpu.memory_space<vmem>>, vector<1x16xf32>,
      %swap3A_650 = vector.shape_cast %swap3A_649 : vector<1x16xf32> to vector<16xf32>
      %swap3A_651 = vector.shape_cast %mul3A_646 : vector<16xf32> to vector<1x16xf32>
      tpu.vector_store %arg11[%swap3A_647, %swap3A_648], %swap3A_651 {strides = array<i32>} : memref<128x128xf32, #tpu.memory_space<vmem>>, vector<1x16xf32>,
      %get3A_652 = arith.index_cast %scan3A_580 : i32 to index
      %get3A_653 = arith.constant 96 : index
      %get3A_654 = tpu.vector_load %arg11[%get3A_652, %get3A_653] {strides = array<i32>} : memref<128x128xf32, #tpu.memory_space<vmem>>, vector<1x16xf32>,
      %get3A_655 = vector.shape_cast %get3A_654 : vector<1x16xf32> to vector<16xf32>
      %mul3A_656 = arith.constant 11.3137083 : f32
      %mul3A_657 = vector.broadcast %mul3A_656 : f32 to vector<16xf32>
      %mul3A_658 = arith.mulf %get3A_655, %mul3A_657 : vector<16xf32>
      %swap3A_659 = arith.index_cast %scan3A_580 : i32 to index
      %swap3A_660 = arith.constant 96 : index
      %swap3A_661 = tpu.vector_load %arg11[%swap3A_659, %swap3A_660] {strides = array<i32>} : memref<128x128xf32, #tpu.memory_space<vmem>>, vector<1x16xf32>,
      %swap3A_662 = vector.shape_cast %swap3A_661 : vector<1x16xf32> to vector<16xf32>
      %swap3A_663 = vector.shape_cast %mul3A_658 : vector<16xf32> to vector<1x16xf32>
      tpu.vector_store %arg11[%swap3A_659, %swap3A_660], %swap3A_663 {strides = array<i32>} : memref<128x128xf32, #tpu.memory_space<vmem>>, vector<1x16xf32>,
      %get3A_664 = arith.index_cast %scan3A_580 : i32 to index
      %get3A_665 = arith.constant 112 : index
      %get3A_666 = tpu.vector_load %arg11[%get3A_664, %get3A_665] {strides = array<i32>} : memref<128x128xf32, #tpu.memory_space<vmem>>, vector<1x16xf32>,
      %get3A_667 = vector.shape_cast %get3A_666 : vector<1x16xf32> to vector<16xf32>
      %mul3A_668 = arith.constant 11.3137083 : f32
      %mul3A_669 = vector.broadcast %mul3A_668 : f32 to vector<16xf32>
      %mul3A_670 = arith.mulf %get3A_667, %mul3A_669 : vector<16xf32>
      %swap3A_671 = arith.index_cast %scan3A_580 : i32 to index
      %swap3A_672 = arith.constant 112 : index
      %swap3A_673 = tpu.vector_load %arg11[%swap3A_671, %swap3A_672] {strides = array<i32>} : memref<128x128xf32, #tpu.memory_space<vmem>>, vector<1x16xf32>,
      %swap3A_674 = vector.shape_cast %swap3A_673 : vector<1x16xf32> to vector<16xf32>
      %swap3A_675 = vector.shape_cast %mul3A_670 : vector<16xf32> to vector<1x16xf32>
      tpu.vector_store %arg11[%swap3A_671, %swap3A_672], %swap3A_675 {strides = array<i32>} : memref<128x128xf32, #tpu.memory_space<vmem>>, vector<1x16xf32>,
      %scan3A_676 = arith.constant 0 : i32
      scf.yield %scan3A_676 : i32
    }
    %scan3A_175 = arith.constant 128 : i32
    %add3A_176 = arith.constant 640 : i32
    %add3A_177 = arith.addi %mul3A_2, %add3A_176 : i32
    %dma_start3A_178 = arith.constant 0 : i32
    %dma_start3A_179 = tpu.memref_slice %arg4[%add3A_177, %dma_start3A_178] : memref<81920x128xf32, #tpu.memory_space<hbm>> -> memref<128x128xf32, #tpu.memory_space<hbm>>
    %dma_start3A_180 = arith.constant 0 : i32
    %dma_start3A_181 = tpu.memref_slice %arg4[%add3A_177, %dma_start3A_180] : memref<81920x128xf32, #tpu.memory_space<hbm>> -> memref<128x128xf32, #tpu.memory_space<hbm>>
    tpu.enqueue_dma source(%arg11 : memref<128x128xf32, #tpu.memory_space<vmem>>) target(%dma_start3A_181 : memref<128x128xf32, #tpu.memory_space<hbm>>) target_semaphore(%arg23 : memref<!tpu.dma_semaphore, #tpu.memory_space<semaphore_mem>>)
    %dma_wait3A_182 = arith.constant 768 : i32
    %dma_wait3A_183 = tpu.memref_slice %arg5[%dma_wait3A_182] : memref<2560xi32, #tpu.memory_space<vmem>> -> memref<128xi32, #tpu.memory_space<vmem>>
    %dma_wait3A_184 = arith.constant 0 : i32
    %dma_wait3A_185 = arith.constant 0 : i32
    %dma_wait3A_186 = tpu.memref_slice %arg3[%dma_wait3A_184, %dma_wait3A_185] : memref<100000x128xf32, #tpu.memory_space<hbm>> -> memref<100000x128xf32, #tpu.memory_space<hbm>>
    tpu.wait_indirect_dma semaphore(%arg12 : memref<!tpu.dma_semaphore, #tpu.memory_space<semaphore_mem>>) src(%dma_wait3A_186 : memref<100000x128xf32, #tpu.memory_space<hbm>>) dst(%arg6 : memref<128x128xf32, #tpu.memory_space<vmem>>)
    %add3A_187 = arith.constant 512 : i32
    %add3A_188 = arith.addi %mul3A_2, %add3A_187 : i32
    %dma_wait3A_189 = arith.constant 0 : i32
    %dma_wait3A_190 = tpu.memref_slice %arg4[%add3A_188, %dma_wait3A_189] : memref<81920x128xf32, #tpu.memory_space<hbm>> -> memref<128x128xf32, #tpu.memory_space<hbm>>
    %dma_wait3A_191 = arith.constant 0 : i32
    %dma_wait3A_192 = tpu.memref_slice %arg4[%add3A_188, %dma_wait3A_191] : memref<81920x128xf32, #tpu.memory_space<hbm>> -> memref<128x128xf32, #tpu.memory_space<hbm>>
    tpu.wait_dma2 semaphore(%arg22 : memref<!tpu.dma_semaphore, #tpu.memory_space<semaphore_mem>>) src(%arg10 : memref<128x128xf32, #tpu.memory_space<vmem>>) dst(%dma_wait3A_192 : memref<128x128xf32, #tpu.memory_space<hbm>>)
    %dma_start3A_193 = arith.constant 1280 : i32
    %dma_start3A_194 = tpu.memref_slice %arg5[%dma_start3A_193] : memref<2560xi32, #tpu.memory_space<vmem>> -> memref<128xi32, #tpu.memory_space<vmem>>
    %dma_start3A_195 = arith.constant 0 : i32
    %dma_start3A_196 = arith.constant 0 : i32
    %dma_start3A_197 = tpu.memref_slice %arg3[%dma_start3A_195, %dma_start3A_196] : memref<100000x128xf32, #tpu.memory_space<hbm>> -> memref<100000x128xf32, #tpu.memory_space<hbm>>
    tpu.enqueue_indirect_dma source(%dma_start3A_197 : memref<100000x128xf32, #tpu.memory_space<hbm>>) target(%arg10 : memref<128x128xf32, #tpu.memory_space<vmem>>) offsets(%dma_start3A_194 : memref<128xi32, #tpu.memory_space<vmem>>) semaphore(%arg16 : memref<!tpu.dma_semaphore, #tpu.memory_space<semaphore_mem>>)
    %scan3A_198 = arith.constant 0 : i32
    %scan3A_199 = arith.constant 0 : i32
    %scan3A_200 = arith.constant 128 : i32
    %scan3A_201 = arith.addi %scan3A_199, %scan3A_200 : i32
    %scan3A_202 = arith.constant 1 : i32
    %scan3A_203 = scf.for %scan3A_580 = %scan3A_199 to %scan3A_201 step %scan3A_202 iter_args(%scan3A_581 = %scan3A_198) -> (i32)  : i32 {
      %get3A = arith.index_cast %scan3A_580 : i32 to index
      %get3A_582 = arith.constant 0 : index
      %get3A_583 = tpu.vector_load %arg6[%get3A, %get3A_582] {strides = array<i32>} : memref<128x128xf32, #tpu.memory_space<vmem>>, vector<1x16xf32>,
      %get3A_584 = vector.shape_cast %get3A_583 : vector<1x16xf32> to vector<16xf32>
      %mul3A_585 = arith.constant 11.3137083 : f32
      %mul3A_586 = vector.broadcast %mul3A_585 : f32 to vector<16xf32>
      %mul3A_587 = arith.mulf %get3A_584, %mul3A_586 : vector<16xf32>
      %swap3A = arith.index_cast %scan3A_580 : i32 to index
      %swap3A_588 = arith.constant 0 : index
      %swap3A_589 = tpu.vector_load %arg6[%swap3A, %swap3A_588] {strides = array<i32>} : memref<128x128xf32, #tpu.memory_space<vmem>>, vector<1x16xf32>,
      %swap3A_590 = vector.shape_cast %swap3A_589 : vector<1x16xf32> to vector<16xf32>
      %swap3A_591 = vector.shape_cast %mul3A_587 : vector<16xf32> to vector<1x16xf32>
      tpu.vector_store %arg6[%swap3A, %swap3A_588], %swap3A_591 {strides = array<i32>} : memref<128x128xf32, #tpu.memory_space<vmem>>, vector<1x16xf32>,
      %get3A_592 = arith.index_cast %scan3A_580 : i32 to index
      %get3A_593 = arith.constant 16 : index
      %get3A_594 = tpu.vector_load %arg6[%get3A_592, %get3A_593] {strides = array<i32>} : memref<128x128xf32, #tpu.memory_space<vmem>>, vector<1x16xf32>,
      %get3A_595 = vector.shape_cast %get3A_594 : vector<1x16xf32> to vector<16xf32>
      %mul3A_596 = arith.constant 11.3137083 : f32
      %mul3A_597 = vector.broadcast %mul3A_596 : f32 to vector<16xf32>
      %mul3A_598 = arith.mulf %get3A_595, %mul3A_597 : vector<16xf32>
      %swap3A_599 = arith.index_cast %scan3A_580 : i32 to index
      %swap3A_600 = arith.constant 16 : index
      %swap3A_601 = tpu.vector_load %arg6[%swap3A_599, %swap3A_600] {strides = array<i32>} : memref<128x128xf32, #tpu.memory_space<vmem>>, vector<1x16xf32>,
      %swap3A_602 = vector.shape_cast %swap3A_601 : vector<1x16xf32> to vector<16xf32>
      %swap3A_603 = vector.shape_cast %mul3A_598 : vector<16xf32> to vector<1x16xf32>
      tpu.vector_store %arg6[%swap3A_599, %swap3A_600], %swap3A_603 {strides = array<i32>} : memref<128x128xf32, #tpu.memory_space<vmem>>, vector<1x16xf32>,
      %get3A_604 = arith.index_cast %scan3A_580 : i32 to index
      %get3A_605 = arith.constant 32 : index
      %get3A_606 = tpu.vector_load %arg6[%get3A_604, %get3A_605] {strides = array<i32>} : memref<128x128xf32, #tpu.memory_space<vmem>>, vector<1x16xf32>,
      %get3A_607 = vector.shape_cast %get3A_606 : vector<1x16xf32> to vector<16xf32>
      %mul3A_608 = arith.constant 11.3137083 : f32
      %mul3A_609 = vector.broadcast %mul3A_608 : f32 to vector<16xf32>
      %mul3A_610 = arith.mulf %get3A_607, %mul3A_609 : vector<16xf32>
      %swap3A_611 = arith.index_cast %scan3A_580 : i32 to index
      %swap3A_612 = arith.constant 32 : index
      %swap3A_613 = tpu.vector_load %arg6[%swap3A_611, %swap3A_612] {strides = array<i32>} : memref<128x128xf32, #tpu.memory_space<vmem>>, vector<1x16xf32>,
      %swap3A_614 = vector.shape_cast %swap3A_613 : vector<1x16xf32> to vector<16xf32>
      %swap3A_615 = vector.shape_cast %mul3A_610 : vector<16xf32> to vector<1x16xf32>
      tpu.vector_store %arg6[%swap3A_611, %swap3A_612], %swap3A_615 {strides = array<i32>} : memref<128x128xf32, #tpu.memory_space<vmem>>, vector<1x16xf32>,
      %get3A_616 = arith.index_cast %scan3A_580 : i32 to index
      %get3A_617 = arith.constant 48 : index
      %get3A_618 = tpu.vector_load %arg6[%get3A_616, %get3A_617] {strides = array<i32>} : memref<128x128xf32, #tpu.memory_space<vmem>>, vector<1x16xf32>,
      %get3A_619 = vector.shape_cast %get3A_618 : vector<1x16xf32> to vector<16xf32>
      %mul3A_620 = arith.constant 11.3137083 : f32
      %mul3A_621 = vector.broadcast %mul3A_620 : f32 to vector<16xf32>
      %mul3A_622 = arith.mulf %get3A_619, %mul3A_621 : vector<16xf32>
      %swap3A_623 = arith.index_cast %scan3A_580 : i32 to index
      %swap3A_624 = arith.constant 48 : index
      %swap3A_625 = tpu.vector_load %arg6[%swap3A_623, %swap3A_624] {strides = array<i32>} : memref<128x128xf32, #tpu.memory_space<vmem>>, vector<1x16xf32>,
      %swap3A_626 = vector.shape_cast %swap3A_625 : vector<1x16xf32> to vector<16xf32>
      %swap3A_627 = vector.shape_cast %mul3A_622 : vector<16xf32> to vector<1x16xf32>
      tpu.vector_store %arg6[%swap3A_623, %swap3A_624], %swap3A_627 {strides = array<i32>} : memref<128x128xf32, #tpu.memory_space<vmem>>, vector<1x16xf32>,
      %get3A_628 = arith.index_cast %scan3A_580 : i32 to index
      %get3A_629 = arith.constant 64 : index
      %get3A_630 = tpu.vector_load %arg6[%get3A_628, %get3A_629] {strides = array<i32>} : memref<128x128xf32, #tpu.memory_space<vmem>>, vector<1x16xf32>,
      %get3A_631 = vector.shape_cast %get3A_630 : vector<1x16xf32> to vector<16xf32>
      %mul3A_632 = arith.constant 11.3137083 : f32
      %mul3A_633 = vector.broadcast %mul3A_632 : f32 to vector<16xf32>
      %mul3A_634 = arith.mulf %get3A_631, %mul3A_633 : vector<16xf32>
      %swap3A_635 = arith.index_cast %scan3A_580 : i32 to index
      %swap3A_636 = arith.constant 64 : index
      %swap3A_637 = tpu.vector_load %arg6[%swap3A_635, %swap3A_636] {strides = array<i32>} : memref<128x128xf32, #tpu.memory_space<vmem>>, vector<1x16xf32>,
      %swap3A_638 = vector.shape_cast %swap3A_637 : vector<1x16xf32> to vector<16xf32>
      %swap3A_639 = vector.shape_cast %mul3A_634 : vector<16xf32> to vector<1x16xf32>
      tpu.vector_store %arg6[%swap3A_635, %swap3A_636], %swap3A_639 {strides = array<i32>} : memref<128x128xf32, #tpu.memory_space<vmem>>, vector<1x16xf32>,
      %get3A_640 = arith.index_cast %scan3A_580 : i32 to index
      %get3A_641 = arith.constant 80 : index
      %get3A_642 = tpu.vector_load %arg6[%get3A_640, %get3A_641] {strides = array<i32>} : memref<128x128xf32, #tpu.memory_space<vmem>>, vector<1x16xf32>,
      %get3A_643 = vector.shape_cast %get3A_642 : vector<1x16xf32> to vector<16xf32>
      %mul3A_644 = arith.constant 11.3137083 : f32
      %mul3A_645 = vector.broadcast %mul3A_644 : f32 to vector<16xf32>
      %mul3A_646 = arith.mulf %get3A_643, %mul3A_645 : vector<16xf32>
      %swap3A_647 = arith.index_cast %scan3A_580 : i32 to index
      %swap3A_648 = arith.constant 80 : index
      %swap3A_649 = tpu.vector_load %arg6[%swap3A_647, %swap3A_648] {strides = array<i32>} : memref<128x128xf32, #tpu.memory_space<vmem>>, vector<1x16xf32>,
      %swap3A_650 = vector.shape_cast %swap3A_649 : vector<1x16xf32> to vector<16xf32>
      %swap3A_651 = vector.shape_cast %mul3A_646 : vector<16xf32> to vector<1x16xf32>
      tpu.vector_store %arg6[%swap3A_647, %swap3A_648], %swap3A_651 {strides = array<i32>} : memref<128x128xf32, #tpu.memory_space<vmem>>, vector<1x16xf32>,
      %get3A_652 = arith.index_cast %scan3A_580 : i32 to index
      %get3A_653 = arith.constant 96 : index
      %get3A_654 = tpu.vector_load %arg6[%get3A_652, %get3A_653] {strides = array<i32>} : memref<128x128xf32, #tpu.memory_space<vmem>>, vector<1x16xf32>,
      %get3A_655 = vector.shape_cast %get3A_654 : vector<1x16xf32> to vector<16xf32>
      %mul3A_656 = arith.constant 11.3137083 : f32
      %mul3A_657 = vector.broadcast %mul3A_656 : f32 to vector<16xf32>
      %mul3A_658 = arith.mulf %get3A_655, %mul3A_657 : vector<16xf32>
      %swap3A_659 = arith.index_cast %scan3A_580 : i32 to index
      %swap3A_660 = arith.constant 96 : index
      %swap3A_661 = tpu.vector_load %arg6[%swap3A_659, %swap3A_660] {strides = array<i32>} : memref<128x128xf32, #tpu.memory_space<vmem>>, vector<1x16xf32>,
      %swap3A_662 = vector.shape_cast %swap3A_661 : vector<1x16xf32> to vector<16xf32>
      %swap3A_663 = vector.shape_cast %mul3A_658 : vector<16xf32> to vector<1x16xf32>
      tpu.vector_store %arg6[%swap3A_659, %swap3A_660], %swap3A_663 {strides = array<i32>} : memref<128x128xf32, #tpu.memory_space<vmem>>, vector<1x16xf32>,
      %get3A_664 = arith.index_cast %scan3A_580 : i32 to index
      %get3A_665 = arith.constant 112 : index
      %get3A_666 = tpu.vector_load %arg6[%get3A_664, %get3A_665] {strides = array<i32>} : memref<128x128xf32, #tpu.memory_space<vmem>>, vector<1x16xf32>,
      %get3A_667 = vector.shape_cast %get3A_666 : vector<1x16xf32> to vector<16xf32>
      %mul3A_668 = arith.constant 11.3137083 : f32
      %mul3A_669 = vector.broadcast %mul3A_668 : f32 to vector<16xf32>
      %mul3A_670 = arith.mulf %get3A_667, %mul3A_669 : vector<16xf32>
      %swap3A_671 = arith.index_cast %scan3A_580 : i32 to index
      %swap3A_672 = arith.constant 112 : index
      %swap3A_673 = tpu.vector_load %arg6[%swap3A_671, %swap3A_672] {strides = array<i32>} : memref<128x128xf32, #tpu.memory_space<vmem>>, vector<1x16xf32>,
      %swap3A_674 = vector.shape_cast %swap3A_673 : vector<1x16xf32> to vector<16xf32>
      %swap3A_675 = vector.shape_cast %mul3A_670 : vector<16xf32> to vector<1x16xf32>
      tpu.vector_store %arg6[%swap3A_671, %swap3A_672], %swap3A_675 {strides = array<i32>} : memref<128x128xf32, #tpu.memory_space<vmem>>, vector<1x16xf32>,
      %scan3A_676 = arith.constant 0 : i32
      scf.yield %scan3A_676 : i32
    }
    %scan3A_204 = arith.constant 128 : i32
    %add3A_205 = arith.constant 768 : i32
    %add3A_206 = arith.addi %mul3A_2, %add3A_205 : i32
    %dma_start3A_207 = arith.constant 0 : i32
    %dma_start3A_208 = tpu.memref_slice %arg4[%add3A_206, %dma_start3A_207] : memref<81920x128xf32, #tpu.memory_space<hbm>> -> memref<128x128xf32, #tpu.memory_space<hbm>>
    %dma_start3A_209 = arith.constant 0 : i32
    %dma_start3A_210 = tpu.memref_slice %arg4[%add3A_206, %dma_start3A_209] : memref<81920x128xf32, #tpu.memory_space<hbm>> -> memref<128x128xf32, #tpu.memory_space<hbm>>
    tpu.enqueue_dma source(%arg6 : memref<128x128xf32, #tpu.memory_space<vmem>>) target(%dma_start3A_210 : memref<128x128xf32, #tpu.memory_space<hbm>>) target_semaphore(%arg18 : memref<!tpu.dma_semaphore, #tpu.memory_space<semaphore_mem>>)
    %dma_wait3A_211 = arith.constant 896 : i32
    %dma_wait3A_212 = tpu.memref_slice %arg5[%dma_wait3A_211] : memref<2560xi32, #tpu.memory_space<vmem>> -> memref<128xi32, #tpu.memory_space<vmem>>
    %dma_wait3A_213 = arith.constant 0 : i32
    %dma_wait3A_214 = arith.constant 0 : i32
    %dma_wait3A_215 = tpu.memref_slice %arg3[%dma_wait3A_213, %dma_wait3A_214] : memref<100000x128xf32, #tpu.memory_space<hbm>> -> memref<100000x128xf32, #tpu.memory_space<hbm>>
    tpu.wait_indirect_dma semaphore(%arg13 : memref<!tpu.dma_semaphore, #tpu.memory_space<semaphore_mem>>) src(%dma_wait3A_215 : memref<100000x128xf32, #tpu.memory_space<hbm>>) dst(%arg7 : memref<128x128xf32, #tpu.memory_space<vmem>>)
    %add3A_216 = arith.constant 640 : i32
    %add3A_217 = arith.addi %mul3A_2, %add3A_216 : i32
    %dma_wait3A_218 = arith.constant 0 : i32
    %dma_wait3A_219 = tpu.memref_slice %arg4[%add3A_217, %dma_wait3A_218] : memref<81920x128xf32, #tpu.memory_space<hbm>> -> memref<128x128xf32, #tpu.memory_space<hbm>>
    %dma_wait3A_220 = arith.constant 0 : i32
    %dma_wait3A_221 = tpu.memref_slice %arg4[%add3A_217, %dma_wait3A_220] : memref<81920x128xf32, #tpu.memory_space<hbm>> -> memref<128x128xf32, #tpu.memory_space<hbm>>
    tpu.wait_dma2 semaphore(%arg23 : memref<!tpu.dma_semaphore, #tpu.memory_space<semaphore_mem>>) src(%arg11 : memref<128x128xf32, #tpu.memory_space<vmem>>) dst(%dma_wait3A_221 : memref<128x128xf32, #tpu.memory_space<hbm>>)
    %dma_start3A_222 = arith.constant 1408 : i32
    %dma_start3A_223 = tpu.memref_slice %arg5[%dma_start3A_222] : memref<2560xi32, #tpu.memory_space<vmem>> -> memref<128xi32, #tpu.memory_space<vmem>>
    %dma_start3A_224 = arith.constant 0 : i32
    %dma_start3A_225 = arith.constant 0 : i32
    %dma_start3A_226 = tpu.memref_slice %arg3[%dma_start3A_224, %dma_start3A_225] : memref<100000x128xf32, #tpu.memory_space<hbm>> -> memref<100000x128xf32, #tpu.memory_space<hbm>>
    tpu.enqueue_indirect_dma source(%dma_start3A_226 : memref<100000x128xf32, #tpu.memory_space<hbm>>) target(%arg11 : memref<128x128xf32, #tpu.memory_space<vmem>>) offsets(%dma_start3A_223 : memref<128xi32, #tpu.memory_space<vmem>>) semaphore(%arg17 : memref<!tpu.dma_semaphore, #tpu.memory_space<semaphore_mem>>)
    %scan3A_227 = arith.constant 0 : i32
    %scan3A_228 = arith.constant 0 : i32
    %scan3A_229 = arith.constant 128 : i32
    %scan3A_230 = arith.addi %scan3A_228, %scan3A_229 : i32
    %scan3A_231 = arith.constant 1 : i32
    %scan3A_232 = scf.for %scan3A_580 = %scan3A_228 to %scan3A_230 step %scan3A_231 iter_args(%scan3A_581 = %scan3A_227) -> (i32)  : i32 {
      %get3A = arith.index_cast %scan3A_580 : i32 to index
      %get3A_582 = arith.constant 0 : index
      %get3A_583 = tpu.vector_load %arg7[%get3A, %get3A_582] {strides = array<i32>} : memref<128x128xf32, #tpu.memory_space<vmem>>, vector<1x16xf32>,
      %get3A_584 = vector.shape_cast %get3A_583 : vector<1x16xf32> to vector<16xf32>
      %mul3A_585 = arith.constant 11.3137083 : f32
      %mul3A_586 = vector.broadcast %mul3A_585 : f32 to vector<16xf32>
      %mul3A_587 = arith.mulf %get3A_584, %mul3A_586 : vector<16xf32>
      %swap3A = arith.index_cast %scan3A_580 : i32 to index
      %swap3A_588 = arith.constant 0 : index
      %swap3A_589 = tpu.vector_load %arg7[%swap3A, %swap3A_588] {strides = array<i32>} : memref<128x128xf32, #tpu.memory_space<vmem>>, vector<1x16xf32>,
      %swap3A_590 = vector.shape_cast %swap3A_589 : vector<1x16xf32> to vector<16xf32>
      %swap3A_591 = vector.shape_cast %mul3A_587 : vector<16xf32> to vector<1x16xf32>
      tpu.vector_store %arg7[%swap3A, %swap3A_588], %swap3A_591 {strides = array<i32>} : memref<128x128xf32, #tpu.memory_space<vmem>>, vector<1x16xf32>,
      %get3A_592 = arith.index_cast %scan3A_580 : i32 to index
      %get3A_593 = arith.constant 16 : index
      %get3A_594 = tpu.vector_load %arg7[%get3A_592, %get3A_593] {strides = array<i32>} : memref<128x128xf32, #tpu.memory_space<vmem>>, vector<1x16xf32>,
      %get3A_595 = vector.shape_cast %get3A_594 : vector<1x16xf32> to vector<16xf32>
      %mul3A_596 = arith.constant 11.3137083 : f32
      %mul3A_597 = vector.broadcast %mul3A_596 : f32 to vector<16xf32>
      %mul3A_598 = arith.mulf %get3A_595, %mul3A_597 : vector<16xf32>
      %swap3A_599 = arith.index_cast %scan3A_580 : i32 to index
      %swap3A_600 = arith.constant 16 : index
      %swap3A_601 = tpu.vector_load %arg7[%swap3A_599, %swap3A_600] {strides = array<i32>} : memref<128x128xf32, #tpu.memory_space<vmem>>, vector<1x16xf32>,
      %swap3A_602 = vector.shape_cast %swap3A_601 : vector<1x16xf32> to vector<16xf32>
      %swap3A_603 = vector.shape_cast %mul3A_598 : vector<16xf32> to vector<1x16xf32>
      tpu.vector_store %arg7[%swap3A_599, %swap3A_600], %swap3A_603 {strides = array<i32>} : memref<128x128xf32, #tpu.memory_space<vmem>>, vector<1x16xf32>,
      %get3A_604 = arith.index_cast %scan3A_580 : i32 to index
      %get3A_605 = arith.constant 32 : index
      %get3A_606 = tpu.vector_load %arg7[%get3A_604, %get3A_605] {strides = array<i32>} : memref<128x128xf32, #tpu.memory_space<vmem>>, vector<1x16xf32>,
      %get3A_607 = vector.shape_cast %get3A_606 : vector<1x16xf32> to vector<16xf32>
      %mul3A_608 = arith.constant 11.3137083 : f32
      %mul3A_609 = vector.broadcast %mul3A_608 : f32 to vector<16xf32>
      %mul3A_610 = arith.mulf %get3A_607, %mul3A_609 : vector<16xf32>
      %swap3A_611 = arith.index_cast %scan3A_580 : i32 to index
      %swap3A_612 = arith.constant 32 : index
      %swap3A_613 = tpu.vector_load %arg7[%swap3A_611, %swap3A_612] {strides = array<i32>} : memref<128x128xf32, #tpu.memory_space<vmem>>, vector<1x16xf32>,
      %swap3A_614 = vector.shape_cast %swap3A_613 : vector<1x16xf32> to vector<16xf32>
      %swap3A_615 = vector.shape_cast %mul3A_610 : vector<16xf32> to vector<1x16xf32>
      tpu.vector_store %arg7[%swap3A_611, %swap3A_612], %swap3A_615 {strides = array<i32>} : memref<128x128xf32, #tpu.memory_space<vmem>>, vector<1x16xf32>,
      %get3A_616 = arith.index_cast %scan3A_580 : i32 to index
      %get3A_617 = arith.constant 48 : index
      %get3A_618 = tpu.vector_load %arg7[%get3A_616, %get3A_617] {strides = array<i32>} : memref<128x128xf32, #tpu.memory_space<vmem>>, vector<1x16xf32>,
      %get3A_619 = vector.shape_cast %get3A_618 : vector<1x16xf32> to vector<16xf32>
      %mul3A_620 = arith.constant 11.3137083 : f32
      %mul3A_621 = vector.broadcast %mul3A_620 : f32 to vector<16xf32>
      %mul3A_622 = arith.mulf %get3A_619, %mul3A_621 : vector<16xf32>
      %swap3A_623 = arith.index_cast %scan3A_580 : i32 to index
      %swap3A_624 = arith.constant 48 : index
      %swap3A_625 = tpu.vector_load %arg7[%swap3A_623, %swap3A_624] {strides = array<i32>} : memref<128x128xf32, #tpu.memory_space<vmem>>, vector<1x16xf32>,
      %swap3A_626 = vector.shape_cast %swap3A_625 : vector<1x16xf32> to vector<16xf32>
      %swap3A_627 = vector.shape_cast %mul3A_622 : vector<16xf32> to vector<1x16xf32>
      tpu.vector_store %arg7[%swap3A_623, %swap3A_624], %swap3A_627 {strides = array<i32>} : memref<128x128xf32, #tpu.memory_space<vmem>>, vector<1x16xf32>,
      %get3A_628 = arith.index_cast %scan3A_580 : i32 to index
      %get3A_629 = arith.constant 64 : index
      %get3A_630 = tpu.vector_load %arg7[%get3A_628, %get3A_629] {strides = array<i32>} : memref<128x128xf32, #tpu.memory_space<vmem>>, vector<1x16xf32>,
      %get3A_631 = vector.shape_cast %get3A_630 : vector<1x16xf32> to vector<16xf32>
      %mul3A_632 = arith.constant 11.3137083 : f32
      %mul3A_633 = vector.broadcast %mul3A_632 : f32 to vector<16xf32>
      %mul3A_634 = arith.mulf %get3A_631, %mul3A_633 : vector<16xf32>
      %swap3A_635 = arith.index_cast %scan3A_580 : i32 to index
      %swap3A_636 = arith.constant 64 : index
      %swap3A_637 = tpu.vector_load %arg7[%swap3A_635, %swap3A_636] {strides = array<i32>} : memref<128x128xf32, #tpu.memory_space<vmem>>, vector<1x16xf32>,
      %swap3A_638 = vector.shape_cast %swap3A_637 : vector<1x16xf32> to vector<16xf32>
      %swap3A_639 = vector.shape_cast %mul3A_634 : vector<16xf32> to vector<1x16xf32>
      tpu.vector_store %arg7[%swap3A_635, %swap3A_636], %swap3A_639 {strides = array<i32>} : memref<128x128xf32, #tpu.memory_space<vmem>>, vector<1x16xf32>,
      %get3A_640 = arith.index_cast %scan3A_580 : i32 to index
      %get3A_641 = arith.constant 80 : index
      %get3A_642 = tpu.vector_load %arg7[%get3A_640, %get3A_641] {strides = array<i32>} : memref<128x128xf32, #tpu.memory_space<vmem>>, vector<1x16xf32>,
      %get3A_643 = vector.shape_cast %get3A_642 : vector<1x16xf32> to vector<16xf32>
      %mul3A_644 = arith.constant 11.3137083 : f32
      %mul3A_645 = vector.broadcast %mul3A_644 : f32 to vector<16xf32>
      %mul3A_646 = arith.mulf %get3A_643, %mul3A_645 : vector<16xf32>
      %swap3A_647 = arith.index_cast %scan3A_580 : i32 to index
      %swap3A_648 = arith.constant 80 : index
      %swap3A_649 = tpu.vector_load %arg7[%swap3A_647, %swap3A_648] {strides = array<i32>} : memref<128x128xf32, #tpu.memory_space<vmem>>, vector<1x16xf32>,
      %swap3A_650 = vector.shape_cast %swap3A_649 : vector<1x16xf32> to vector<16xf32>
      %swap3A_651 = vector.shape_cast %mul3A_646 : vector<16xf32> to vector<1x16xf32>
      tpu.vector_store %arg7[%swap3A_647, %swap3A_648], %swap3A_651 {strides = array<i32>} : memref<128x128xf32, #tpu.memory_space<vmem>>, vector<1x16xf32>,
      %get3A_652 = arith.index_cast %scan3A_580 : i32 to index
      %get3A_653 = arith.constant 96 : index
      %get3A_654 = tpu.vector_load %arg7[%get3A_652, %get3A_653] {strides = array<i32>} : memref<128x128xf32, #tpu.memory_space<vmem>>, vector<1x16xf32>,
      %get3A_655 = vector.shape_cast %get3A_654 : vector<1x16xf32> to vector<16xf32>
      %mul3A_656 = arith.constant 11.3137083 : f32
      %mul3A_657 = vector.broadcast %mul3A_656 : f32 to vector<16xf32>
      %mul3A_658 = arith.mulf %get3A_655, %mul3A_657 : vector<16xf32>
      %swap3A_659 = arith.index_cast %scan3A_580 : i32 to index
      %swap3A_660 = arith.constant 96 : index
      %swap3A_661 = tpu.vector_load %arg7[%swap3A_659, %swap3A_660] {strides = array<i32>} : memref<128x128xf32, #tpu.memory_space<vmem>>, vector<1x16xf32>,
      %swap3A_662 = vector.shape_cast %swap3A_661 : vector<1x16xf32> to vector<16xf32>
      %swap3A_663 = vector.shape_cast %mul3A_658 : vector<16xf32> to vector<1x16xf32>
      tpu.vector_store %arg7[%swap3A_659, %swap3A_660], %swap3A_663 {strides = array<i32>} : memref<128x128xf32, #tpu.memory_space<vmem>>, vector<1x16xf32>,
      %get3A_664 = arith.index_cast %scan3A_580 : i32 to index
      %get3A_665 = arith.constant 112 : index
      %get3A_666 = tpu.vector_load %arg7[%get3A_664, %get3A_665] {strides = array<i32>} : memref<128x128xf32, #tpu.memory_space<vmem>>, vector<1x16xf32>,
      %get3A_667 = vector.shape_cast %get3A_666 : vector<1x16xf32> to vector<16xf32>
      %mul3A_668 = arith.constant 11.3137083 : f32
      %mul3A_669 = vector.broadcast %mul3A_668 : f32 to vector<16xf32>
      %mul3A_670 = arith.mulf %get3A_667, %mul3A_669 : vector<16xf32>
      %swap3A_671 = arith.index_cast %scan3A_580 : i32 to index
      %swap3A_672 = arith.constant 112 : index
      %swap3A_673 = tpu.vector_load %arg7[%swap3A_671, %swap3A_672] {strides = array<i32>} : memref<128x128xf32, #tpu.memory_space<vmem>>, vector<1x16xf32>,
      %swap3A_674 = vector.shape_cast %swap3A_673 : vector<1x16xf32> to vector<16xf32>
      %swap3A_675 = vector.shape_cast %mul3A_670 : vector<16xf32> to vector<1x16xf32>
      tpu.vector_store %arg7[%swap3A_671, %swap3A_672], %swap3A_675 {strides = array<i32>} : memref<128x128xf32, #tpu.memory_space<vmem>>, vector<1x16xf32>,
      %scan3A_676 = arith.constant 0 : i32
      scf.yield %scan3A_676 : i32
    }
    %scan3A_233 = arith.constant 128 : i32
    %add3A_234 = arith.constant 896 : i32
    %add3A_235 = arith.addi %mul3A_2, %add3A_234 : i32
    %dma_start3A_236 = arith.constant 0 : i32
    %dma_start3A_237 = tpu.memref_slice %arg4[%add3A_235, %dma_start3A_236] : memref<81920x128xf32, #tpu.memory_space<hbm>> -> memref<128x128xf32, #tpu.memory_space<hbm>>
    %dma_start3A_238 = arith.constant 0 : i32
    %dma_start3A_239 = tpu.memref_slice %arg4[%add3A_235, %dma_start3A_238] : memref<81920x128xf32, #tpu.memory_space<hbm>> -> memref<128x128xf32, #tpu.memory_space<hbm>>
    tpu.enqueue_dma source(%arg7 : memref<128x128xf32, #tpu.memory_space<vmem>>) target(%dma_start3A_239 : memref<128x128xf32, #tpu.memory_space<hbm>>) target_semaphore(%arg19 : memref<!tpu.dma_semaphore, #tpu.memory_space<semaphore_mem>>)
    %dma_wait3A_240 = arith.constant 1024 : i32
    %dma_wait3A_241 = tpu.memref_slice %arg5[%dma_wait3A_240] : memref<2560xi32, #tpu.memory_space<vmem>> -> memref<128xi32, #tpu.memory_space<vmem>>
    %dma_wait3A_242 = arith.constant 0 : i32
    %dma_wait3A_243 = arith.constant 0 : i32
    %dma_wait3A_244 = tpu.memref_slice %arg3[%dma_wait3A_242, %dma_wait3A_243] : memref<100000x128xf32, #tpu.memory_space<hbm>> -> memref<100000x128xf32, #tpu.memory_space<hbm>>
    tpu.wait_indirect_dma semaphore(%arg14 : memref<!tpu.dma_semaphore, #tpu.memory_space<semaphore_mem>>) src(%dma_wait3A_244 : memref<100000x128xf32, #tpu.memory_space<hbm>>) dst(%arg8 : memref<128x128xf32, #tpu.memory_space<vmem>>)
    %add3A_245 = arith.constant 768 : i32
    %add3A_246 = arith.addi %mul3A_2, %add3A_245 : i32
    %dma_wait3A_247 = arith.constant 0 : i32
    %dma_wait3A_248 = tpu.memref_slice %arg4[%add3A_246, %dma_wait3A_247] : memref<81920x128xf32, #tpu.memory_space<hbm>> -> memref<128x128xf32, #tpu.memory_space<hbm>>
    %dma_wait3A_249 = arith.constant 0 : i32
    %dma_wait3A_250 = tpu.memref_slice %arg4[%add3A_246, %dma_wait3A_249] : memref<81920x128xf32, #tpu.memory_space<hbm>> -> memref<128x128xf32, #tpu.memory_space<hbm>>
    tpu.wait_dma2 semaphore(%arg18 : memref<!tpu.dma_semaphore, #tpu.memory_space<semaphore_mem>>) src(%arg6 : memref<128x128xf32, #tpu.memory_space<vmem>>) dst(%dma_wait3A_250 : memref<128x128xf32, #tpu.memory_space<hbm>>)
    %dma_start3A_251 = arith.constant 1536 : i32
    %dma_start3A_252 = tpu.memref_slice %arg5[%dma_start3A_251] : memref<2560xi32, #tpu.memory_space<vmem>> -> memref<128xi32, #tpu.memory_space<vmem>>
    %dma_start3A_253 = arith.constant 0 : i32
    %dma_start3A_254 = arith.constant 0 : i32
    %dma_start3A_255 = tpu.memref_slice %arg3[%dma_start3A_253, %dma_start3A_254] : memref<100000x128xf32, #tpu.memory_space<hbm>> -> memref<100000x128xf32, #tpu.memory_space<hbm>>
    tpu.enqueue_indirect_dma source(%dma_start3A_255 : memref<100000x128xf32, #tpu.memory_space<hbm>>) target(%arg6 : memref<128x128xf32, #tpu.memory_space<vmem>>) offsets(%dma_start3A_252 : memref<128xi32, #tpu.memory_space<vmem>>) semaphore(%arg12 : memref<!tpu.dma_semaphore, #tpu.memory_space<semaphore_mem>>)
    %scan3A_256 = arith.constant 0 : i32
    %scan3A_257 = arith.constant 0 : i32
    %scan3A_258 = arith.constant 128 : i32
    %scan3A_259 = arith.addi %scan3A_257, %scan3A_258 : i32
    %scan3A_260 = arith.constant 1 : i32
    %scan3A_261 = scf.for %scan3A_580 = %scan3A_257 to %scan3A_259 step %scan3A_260 iter_args(%scan3A_581 = %scan3A_256) -> (i32)  : i32 {
      %get3A = arith.index_cast %scan3A_580 : i32 to index
      %get3A_582 = arith.constant 0 : index
      %get3A_583 = tpu.vector_load %arg8[%get3A, %get3A_582] {strides = array<i32>} : memref<128x128xf32, #tpu.memory_space<vmem>>, vector<1x16xf32>,
      %get3A_584 = vector.shape_cast %get3A_583 : vector<1x16xf32> to vector<16xf32>
      %mul3A_585 = arith.constant 11.3137083 : f32
      %mul3A_586 = vector.broadcast %mul3A_585 : f32 to vector<16xf32>
      %mul3A_587 = arith.mulf %get3A_584, %mul3A_586 : vector<16xf32>
      %swap3A = arith.index_cast %scan3A_580 : i32 to index
      %swap3A_588 = arith.constant 0 : index
      %swap3A_589 = tpu.vector_load %arg8[%swap3A, %swap3A_588] {strides = array<i32>} : memref<128x128xf32, #tpu.memory_space<vmem>>, vector<1x16xf32>,
      %swap3A_590 = vector.shape_cast %swap3A_589 : vector<1x16xf32> to vector<16xf32>
      %swap3A_591 = vector.shape_cast %mul3A_587 : vector<16xf32> to vector<1x16xf32>
      tpu.vector_store %arg8[%swap3A, %swap3A_588], %swap3A_591 {strides = array<i32>} : memref<128x128xf32, #tpu.memory_space<vmem>>, vector<1x16xf32>,
      %get3A_592 = arith.index_cast %scan3A_580 : i32 to index
      %get3A_593 = arith.constant 16 : index
      %get3A_594 = tpu.vector_load %arg8[%get3A_592, %get3A_593] {strides = array<i32>} : memref<128x128xf32, #tpu.memory_space<vmem>>, vector<1x16xf32>,
      %get3A_595 = vector.shape_cast %get3A_594 : vector<1x16xf32> to vector<16xf32>
      %mul3A_596 = arith.constant 11.3137083 : f32
      %mul3A_597 = vector.broadcast %mul3A_596 : f32 to vector<16xf32>
      %mul3A_598 = arith.mulf %get3A_595, %mul3A_597 : vector<16xf32>
      %swap3A_599 = arith.index_cast %scan3A_580 : i32 to index
      %swap3A_600 = arith.constant 16 : index
      %swap3A_601 = tpu.vector_load %arg8[%swap3A_599, %swap3A_600] {strides = array<i32>} : memref<128x128xf32, #tpu.memory_space<vmem>>, vector<1x16xf32>,
      %swap3A_602 = vector.shape_cast %swap3A_601 : vector<1x16xf32> to vector<16xf32>
      %swap3A_603 = vector.shape_cast %mul3A_598 : vector<16xf32> to vector<1x16xf32>
      tpu.vector_store %arg8[%swap3A_599, %swap3A_600], %swap3A_603 {strides = array<i32>} : memref<128x128xf32, #tpu.memory_space<vmem>>, vector<1x16xf32>,
      %get3A_604 = arith.index_cast %scan3A_580 : i32 to index
      %get3A_605 = arith.constant 32 : index
      %get3A_606 = tpu.vector_load %arg8[%get3A_604, %get3A_605] {strides = array<i32>} : memref<128x128xf32, #tpu.memory_space<vmem>>, vector<1x16xf32>,
      %get3A_607 = vector.shape_cast %get3A_606 : vector<1x16xf32> to vector<16xf32>
      %mul3A_608 = arith.constant 11.3137083 : f32
      %mul3A_609 = vector.broadcast %mul3A_608 : f32 to vector<16xf32>
      %mul3A_610 = arith.mulf %get3A_607, %mul3A_609 : vector<16xf32>
      %swap3A_611 = arith.index_cast %scan3A_580 : i32 to index
      %swap3A_612 = arith.constant 32 : index
      %swap3A_613 = tpu.vector_load %arg8[%swap3A_611, %swap3A_612] {strides = array<i32>} : memref<128x128xf32, #tpu.memory_space<vmem>>, vector<1x16xf32>,
      %swap3A_614 = vector.shape_cast %swap3A_613 : vector<1x16xf32> to vector<16xf32>
      %swap3A_615 = vector.shape_cast %mul3A_610 : vector<16xf32> to vector<1x16xf32>
      tpu.vector_store %arg8[%swap3A_611, %swap3A_612], %swap3A_615 {strides = array<i32>} : memref<128x128xf32, #tpu.memory_space<vmem>>, vector<1x16xf32>,
      %get3A_616 = arith.index_cast %scan3A_580 : i32 to index
      %get3A_617 = arith.constant 48 : index
      %get3A_618 = tpu.vector_load %arg8[%get3A_616, %get3A_617] {strides = array<i32>} : memref<128x128xf32, #tpu.memory_space<vmem>>, vector<1x16xf32>,
      %get3A_619 = vector.shape_cast %get3A_618 : vector<1x16xf32> to vector<16xf32>
      %mul3A_620 = arith.constant 11.3137083 : f32
      %mul3A_621 = vector.broadcast %mul3A_620 : f32 to vector<16xf32>
      %mul3A_622 = arith.mulf %get3A_619, %mul3A_621 : vector<16xf32>
      %swap3A_623 = arith.index_cast %scan3A_580 : i32 to index
      %swap3A_624 = arith.constant 48 : index
      %swap3A_625 = tpu.vector_load %arg8[%swap3A_623, %swap3A_624] {strides = array<i32>} : memref<128x128xf32, #tpu.memory_space<vmem>>, vector<1x16xf32>,
      %swap3A_626 = vector.shape_cast %swap3A_625 : vector<1x16xf32> to vector<16xf32>
      %swap3A_627 = vector.shape_cast %mul3A_622 : vector<16xf32> to vector<1x16xf32>
      tpu.vector_store %arg8[%swap3A_623, %swap3A_624], %swap3A_627 {strides = array<i32>} : memref<128x128xf32, #tpu.memory_space<vmem>>, vector<1x16xf32>,
      %get3A_628 = arith.index_cast %scan3A_580 : i32 to index
      %get3A_629 = arith.constant 64 : index
      %get3A_630 = tpu.vector_load %arg8[%get3A_628, %get3A_629] {strides = array<i32>} : memref<128x128xf32, #tpu.memory_space<vmem>>, vector<1x16xf32>,
      %get3A_631 = vector.shape_cast %get3A_630 : vector<1x16xf32> to vector<16xf32>
      %mul3A_632 = arith.constant 11.3137083 : f32
      %mul3A_633 = vector.broadcast %mul3A_632 : f32 to vector<16xf32>
      %mul3A_634 = arith.mulf %get3A_631, %mul3A_633 : vector<16xf32>
      %swap3A_635 = arith.index_cast %scan3A_580 : i32 to index
      %swap3A_636 = arith.constant 64 : index
      %swap3A_637 = tpu.vector_load %arg8[%swap3A_635, %swap3A_636] {strides = array<i32>} : memref<128x128xf32, #tpu.memory_space<vmem>>, vector<1x16xf32>,
      %swap3A_638 = vector.shape_cast %swap3A_637 : vector<1x16xf32> to vector<16xf32>
      %swap3A_639 = vector.shape_cast %mul3A_634 : vector<16xf32> to vector<1x16xf32>
      tpu.vector_store %arg8[%swap3A_635, %swap3A_636], %swap3A_639 {strides = array<i32>} : memref<128x128xf32, #tpu.memory_space<vmem>>, vector<1x16xf32>,
      %get3A_640 = arith.index_cast %scan3A_580 : i32 to index
      %get3A_641 = arith.constant 80 : index
      %get3A_642 = tpu.vector_load %arg8[%get3A_640, %get3A_641] {strides = array<i32>} : memref<128x128xf32, #tpu.memory_space<vmem>>, vector<1x16xf32>,
      %get3A_643 = vector.shape_cast %get3A_642 : vector<1x16xf32> to vector<16xf32>
      %mul3A_644 = arith.constant 11.3137083 : f32
      %mul3A_645 = vector.broadcast %mul3A_644 : f32 to vector<16xf32>
      %mul3A_646 = arith.mulf %get3A_643, %mul3A_645 : vector<16xf32>
      %swap3A_647 = arith.index_cast %scan3A_580 : i32 to index
      %swap3A_648 = arith.constant 80 : index
      %swap3A_649 = tpu.vector_load %arg8[%swap3A_647, %swap3A_648] {strides = array<i32>} : memref<128x128xf32, #tpu.memory_space<vmem>>, vector<1x16xf32>,
      %swap3A_650 = vector.shape_cast %swap3A_649 : vector<1x16xf32> to vector<16xf32>
      %swap3A_651 = vector.shape_cast %mul3A_646 : vector<16xf32> to vector<1x16xf32>
      tpu.vector_store %arg8[%swap3A_647, %swap3A_648], %swap3A_651 {strides = array<i32>} : memref<128x128xf32, #tpu.memory_space<vmem>>, vector<1x16xf32>,
      %get3A_652 = arith.index_cast %scan3A_580 : i32 to index
      %get3A_653 = arith.constant 96 : index
      %get3A_654 = tpu.vector_load %arg8[%get3A_652, %get3A_653] {strides = array<i32>} : memref<128x128xf32, #tpu.memory_space<vmem>>, vector<1x16xf32>,
      %get3A_655 = vector.shape_cast %get3A_654 : vector<1x16xf32> to vector<16xf32>
      %mul3A_656 = arith.constant 11.3137083 : f32
      %mul3A_657 = vector.broadcast %mul3A_656 : f32 to vector<16xf32>
      %mul3A_658 = arith.mulf %get3A_655, %mul3A_657 : vector<16xf32>
      %swap3A_659 = arith.index_cast %scan3A_580 : i32 to index
      %swap3A_660 = arith.constant 96 : index
      %swap3A_661 = tpu.vector_load %arg8[%swap3A_659, %swap3A_660] {strides = array<i32>} : memref<128x128xf32, #tpu.memory_space<vmem>>, vector<1x16xf32>,
      %swap3A_662 = vector.shape_cast %swap3A_661 : vector<1x16xf32> to vector<16xf32>
      %swap3A_663 = vector.shape_cast %mul3A_658 : vector<16xf32> to vector<1x16xf32>
      tpu.vector_store %arg8[%swap3A_659, %swap3A_660], %swap3A_663 {strides = array<i32>} : memref<128x128xf32, #tpu.memory_space<vmem>>, vector<1x16xf32>,
      %get3A_664 = arith.index_cast %scan3A_580 : i32 to index
      %get3A_665 = arith.constant 112 : index
      %get3A_666 = tpu.vector_load %arg8[%get3A_664, %get3A_665] {strides = array<i32>} : memref<128x128xf32, #tpu.memory_space<vmem>>, vector<1x16xf32>,
      %get3A_667 = vector.shape_cast %get3A_666 : vector<1x16xf32> to vector<16xf32>
      %mul3A_668 = arith.constant 11.3137083 : f32
      %mul3A_669 = vector.broadcast %mul3A_668 : f32 to vector<16xf32>
      %mul3A_670 = arith.mulf %get3A_667, %mul3A_669 : vector<16xf32>
      %swap3A_671 = arith.index_cast %scan3A_580 : i32 to index
      %swap3A_672 = arith.constant 112 : index
      %swap3A_673 = tpu.vector_load %arg8[%swap3A_671, %swap3A_672] {strides = array<i32>} : memref<128x128xf32, #tpu.memory_space<vmem>>, vector<1x16xf32>,
      %swap3A_674 = vector.shape_cast %swap3A_673 : vector<1x16xf32> to vector<16xf32>
      %swap3A_675 = vector.shape_cast %mul3A_670 : vector<16xf32> to vector<1x16xf32>
      tpu.vector_store %arg8[%swap3A_671, %swap3A_672], %swap3A_675 {strides = array<i32>} : memref<128x128xf32, #tpu.memory_space<vmem>>, vector<1x16xf32>,
      %scan3A_676 = arith.constant 0 : i32
      scf.yield %scan3A_676 : i32
    }
    %scan3A_262 = arith.constant 128 : i32
    %add3A_263 = arith.constant 1024 : i32
    %add3A_264 = arith.addi %mul3A_2, %add3A_263 : i32
    %dma_start3A_265 = arith.constant 0 : i32
    %dma_start3A_266 = tpu.memref_slice %arg4[%add3A_264, %dma_start3A_265] : memref<81920x128xf32, #tpu.memory_space<hbm>> -> memref<128x128xf32, #tpu.memory_space<hbm>>
    %dma_start3A_267 = arith.constant 0 : i32
    %dma_start3A_268 = tpu.memref_slice %arg4[%add3A_264, %dma_start3A_267] : memref<81920x128xf32, #tpu.memory_space<hbm>> -> memref<128x128xf32, #tpu.memory_space<hbm>>
    tpu.enqueue_dma source(%arg8 : memref<128x128xf32, #tpu.memory_space<vmem>>) target(%dma_start3A_268 : memref<128x128xf32, #tpu.memory_space<hbm>>) target_semaphore(%arg20 : memref<!tpu.dma_semaphore, #tpu.memory_space<semaphore_mem>>)
    %dma_wait3A_269 = arith.constant 1152 : i32
    %dma_wait3A_270 = tpu.memref_slice %arg5[%dma_wait3A_269] : memref<2560xi32, #tpu.memory_space<vmem>> -> memref<128xi32, #tpu.memory_space<vmem>>
    %dma_wait3A_271 = arith.constant 0 : i32
    %dma_wait3A_272 = arith.constant 0 : i32
    %dma_wait3A_273 = tpu.memref_slice %arg3[%dma_wait3A_271, %dma_wait3A_272] : memref<100000x128xf32, #tpu.memory_space<hbm>> -> memref<100000x128xf32, #tpu.memory_space<hbm>>
    tpu.wait_indirect_dma semaphore(%arg15 : memref<!tpu.dma_semaphore, #tpu.memory_space<semaphore_mem>>) src(%dma_wait3A_273 : memref<100000x128xf32, #tpu.memory_space<hbm>>) dst(%arg9 : memref<128x128xf32, #tpu.memory_space<vmem>>)
    %add3A_274 = arith.constant 896 : i32
    %add3A_275 = arith.addi %mul3A_2, %add3A_274 : i32
    %dma_wait3A_276 = arith.constant 0 : i32
    %dma_wait3A_277 = tpu.memref_slice %arg4[%add3A_275, %dma_wait3A_276] : memref<81920x128xf32, #tpu.memory_space<hbm>> -> memref<128x128xf32, #tpu.memory_space<hbm>>
    %dma_wait3A_278 = arith.constant 0 : i32
    %dma_wait3A_279 = tpu.memref_slice %arg4[%add3A_275, %dma_wait3A_278] : memref<81920x128xf32, #tpu.memory_space<hbm>> -> memref<128x128xf32, #tpu.memory_space<hbm>>
    tpu.wait_dma2 semaphore(%arg19 : memref<!tpu.dma_semaphore, #tpu.memory_space<semaphore_mem>>) src(%arg7 : memref<128x128xf32, #tpu.memory_space<vmem>>) dst(%dma_wait3A_279 : memref<128x128xf32, #tpu.memory_space<hbm>>)
    %dma_start3A_280 = arith.constant 1664 : i32
    %dma_start3A_281 = tpu.memref_slice %arg5[%dma_start3A_280] : memref<2560xi32, #tpu.memory_space<vmem>> -> memref<128xi32, #tpu.memory_space<vmem>>
    %dma_start3A_282 = arith.constant 0 : i32
    %dma_start3A_283 = arith.constant 0 : i32
    %dma_start3A_284 = tpu.memref_slice %arg3[%dma_start3A_282, %dma_start3A_283] : memref<100000x128xf32, #tpu.memory_space<hbm>> -> memref<100000x128xf32, #tpu.memory_space<hbm>>
    tpu.enqueue_indirect_dma source(%dma_start3A_284 : memref<100000x128xf32, #tpu.memory_space<hbm>>) target(%arg7 : memref<128x128xf32, #tpu.memory_space<vmem>>) offsets(%dma_start3A_281 : memref<128xi32, #tpu.memory_space<vmem>>) semaphore(%arg13 : memref<!tpu.dma_semaphore, #tpu.memory_space<semaphore_mem>>)
    %scan3A_285 = arith.constant 0 : i32
    %scan3A_286 = arith.constant 0 : i32
    %scan3A_287 = arith.constant 128 : i32
    %scan3A_288 = arith.addi %scan3A_286, %scan3A_287 : i32
    %scan3A_289 = arith.constant 1 : i32
    %scan3A_290 = scf.for %scan3A_580 = %scan3A_286 to %scan3A_288 step %scan3A_289 iter_args(%scan3A_581 = %scan3A_285) -> (i32)  : i32 {
      %get3A = arith.index_cast %scan3A_580 : i32 to index
      %get3A_582 = arith.constant 0 : index
      %get3A_583 = tpu.vector_load %arg9[%get3A, %get3A_582] {strides = array<i32>} : memref<128x128xf32, #tpu.memory_space<vmem>>, vector<1x16xf32>,
      %get3A_584 = vector.shape_cast %get3A_583 : vector<1x16xf32> to vector<16xf32>
      %mul3A_585 = arith.constant 11.3137083 : f32
      %mul3A_586 = vector.broadcast %mul3A_585 : f32 to vector<16xf32>
      %mul3A_587 = arith.mulf %get3A_584, %mul3A_586 : vector<16xf32>
      %swap3A = arith.index_cast %scan3A_580 : i32 to index
      %swap3A_588 = arith.constant 0 : index
      %swap3A_589 = tpu.vector_load %arg9[%swap3A, %swap3A_588] {strides = array<i32>} : memref<128x128xf32, #tpu.memory_space<vmem>>, vector<1x16xf32>,
      %swap3A_590 = vector.shape_cast %swap3A_589 : vector<1x16xf32> to vector<16xf32>
      %swap3A_591 = vector.shape_cast %mul3A_587 : vector<16xf32> to vector<1x16xf32>
      tpu.vector_store %arg9[%swap3A, %swap3A_588], %swap3A_591 {strides = array<i32>} : memref<128x128xf32, #tpu.memory_space<vmem>>, vector<1x16xf32>,
      %get3A_592 = arith.index_cast %scan3A_580 : i32 to index
      %get3A_593 = arith.constant 16 : index
      %get3A_594 = tpu.vector_load %arg9[%get3A_592, %get3A_593] {strides = array<i32>} : memref<128x128xf32, #tpu.memory_space<vmem>>, vector<1x16xf32>,
      %get3A_595 = vector.shape_cast %get3A_594 : vector<1x16xf32> to vector<16xf32>
      %mul3A_596 = arith.constant 11.3137083 : f32
      %mul3A_597 = vector.broadcast %mul3A_596 : f32 to vector<16xf32>
      %mul3A_598 = arith.mulf %get3A_595, %mul3A_597 : vector<16xf32>
      %swap3A_599 = arith.index_cast %scan3A_580 : i32 to index
      %swap3A_600 = arith.constant 16 : index
      %swap3A_601 = tpu.vector_load %arg9[%swap3A_599, %swap3A_600] {strides = array<i32>} : memref<128x128xf32, #tpu.memory_space<vmem>>, vector<1x16xf32>,
      %swap3A_602 = vector.shape_cast %swap3A_601 : vector<1x16xf32> to vector<16xf32>
      %swap3A_603 = vector.shape_cast %mul3A_598 : vector<16xf32> to vector<1x16xf32>
      tpu.vector_store %arg9[%swap3A_599, %swap3A_600], %swap3A_603 {strides = array<i32>} : memref<128x128xf32, #tpu.memory_space<vmem>>, vector<1x16xf32>,
      %get3A_604 = arith.index_cast %scan3A_580 : i32 to index
      %get3A_605 = arith.constant 32 : index
      %get3A_606 = tpu.vector_load %arg9[%get3A_604, %get3A_605] {strides = array<i32>} : memref<128x128xf32, #tpu.memory_space<vmem>>, vector<1x16xf32>,
      %get3A_607 = vector.shape_cast %get3A_606 : vector<1x16xf32> to vector<16xf32>
      %mul3A_608 = arith.constant 11.3137083 : f32
      %mul3A_609 = vector.broadcast %mul3A_608 : f32 to vector<16xf32>
      %mul3A_610 = arith.mulf %get3A_607, %mul3A_609 : vector<16xf32>
      %swap3A_611 = arith.index_cast %scan3A_580 : i32 to index
      %swap3A_612 = arith.constant 32 : index
      %swap3A_613 = tpu.vector_load %arg9[%swap3A_611, %swap3A_612] {strides = array<i32>} : memref<128x128xf32, #tpu.memory_space<vmem>>, vector<1x16xf32>,
      %swap3A_614 = vector.shape_cast %swap3A_613 : vector<1x16xf32> to vector<16xf32>
      %swap3A_615 = vector.shape_cast %mul3A_610 : vector<16xf32> to vector<1x16xf32>
      tpu.vector_store %arg9[%swap3A_611, %swap3A_612], %swap3A_615 {strides = array<i32>} : memref<128x128xf32, #tpu.memory_space<vmem>>, vector<1x16xf32>,
      %get3A_616 = arith.index_cast %scan3A_580 : i32 to index
      %get3A_617 = arith.constant 48 : index
      %get3A_618 = tpu.vector_load %arg9[%get3A_616, %get3A_617] {strides = array<i32>} : memref<128x128xf32, #tpu.memory_space<vmem>>, vector<1x16xf32>,
      %get3A_619 = vector.shape_cast %get3A_618 : vector<1x16xf32> to vector<16xf32>
      %mul3A_620 = arith.constant 11.3137083 : f32
      %mul3A_621 = vector.broadcast %mul3A_620 : f32 to vector<16xf32>
      %mul3A_622 = arith.mulf %get3A_619, %mul3A_621 : vector<16xf32>
      %swap3A_623 = arith.index_cast %scan3A_580 : i32 to index
      %swap3A_624 = arith.constant 48 : index
      %swap3A_625 = tpu.vector_load %arg9[%swap3A_623, %swap3A_624] {strides = array<i32>} : memref<128x128xf32, #tpu.memory_space<vmem>>, vector<1x16xf32>,
      %swap3A_626 = vector.shape_cast %swap3A_625 : vector<1x16xf32> to vector<16xf32>
      %swap3A_627 = vector.shape_cast %mul3A_622 : vector<16xf32> to vector<1x16xf32>
      tpu.vector_store %arg9[%swap3A_623, %swap3A_624], %swap3A_627 {strides = array<i32>} : memref<128x128xf32, #tpu.memory_space<vmem>>, vector<1x16xf32>,
      %get3A_628 = arith.index_cast %scan3A_580 : i32 to index
      %get3A_629 = arith.constant 64 : index
      %get3A_630 = tpu.vector_load %arg9[%get3A_628, %get3A_629] {strides = array<i32>} : memref<128x128xf32, #tpu.memory_space<vmem>>, vector<1x16xf32>,
      %get3A_631 = vector.shape_cast %get3A_630 : vector<1x16xf32> to vector<16xf32>
      %mul3A_632 = arith.constant 11.3137083 : f32
      %mul3A_633 = vector.broadcast %mul3A_632 : f32 to vector<16xf32>
      %mul3A_634 = arith.mulf %get3A_631, %mul3A_633 : vector<16xf32>
      %swap3A_635 = arith.index_cast %scan3A_580 : i32 to index
      %swap3A_636 = arith.constant 64 : index
      %swap3A_637 = tpu.vector_load %arg9[%swap3A_635, %swap3A_636] {strides = array<i32>} : memref<128x128xf32, #tpu.memory_space<vmem>>, vector<1x16xf32>,
      %swap3A_638 = vector.shape_cast %swap3A_637 : vector<1x16xf32> to vector<16xf32>
      %swap3A_639 = vector.shape_cast %mul3A_634 : vector<16xf32> to vector<1x16xf32>
      tpu.vector_store %arg9[%swap3A_635, %swap3A_636], %swap3A_639 {strides = array<i32>} : memref<128x128xf32, #tpu.memory_space<vmem>>, vector<1x16xf32>,
      %get3A_640 = arith.index_cast %scan3A_580 : i32 to index
      %get3A_641 = arith.constant 80 : index
      %get3A_642 = tpu.vector_load %arg9[%get3A_640, %get3A_641] {strides = array<i32>} : memref<128x128xf32, #tpu.memory_space<vmem>>, vector<1x16xf32>,
      %get3A_643 = vector.shape_cast %get3A_642 : vector<1x16xf32> to vector<16xf32>
      %mul3A_644 = arith.constant 11.3137083 : f32
      %mul3A_645 = vector.broadcast %mul3A_644 : f32 to vector<16xf32>
      %mul3A_646 = arith.mulf %get3A_643, %mul3A_645 : vector<16xf32>
      %swap3A_647 = arith.index_cast %scan3A_580 : i32 to index
      %swap3A_648 = arith.constant 80 : index
      %swap3A_649 = tpu.vector_load %arg9[%swap3A_647, %swap3A_648] {strides = array<i32>} : memref<128x128xf32, #tpu.memory_space<vmem>>, vector<1x16xf32>,
      %swap3A_650 = vector.shape_cast %swap3A_649 : vector<1x16xf32> to vector<16xf32>
      %swap3A_651 = vector.shape_cast %mul3A_646 : vector<16xf32> to vector<1x16xf32>
      tpu.vector_store %arg9[%swap3A_647, %swap3A_648], %swap3A_651 {strides = array<i32>} : memref<128x128xf32, #tpu.memory_space<vmem>>, vector<1x16xf32>,
      %get3A_652 = arith.index_cast %scan3A_580 : i32 to index
      %get3A_653 = arith.constant 96 : index
      %get3A_654 = tpu.vector_load %arg9[%get3A_652, %get3A_653] {strides = array<i32>} : memref<128x128xf32, #tpu.memory_space<vmem>>, vector<1x16xf32>,
      %get3A_655 = vector.shape_cast %get3A_654 : vector<1x16xf32> to vector<16xf32>
      %mul3A_656 = arith.constant 11.3137083 : f32
      %mul3A_657 = vector.broadcast %mul3A_656 : f32 to vector<16xf32>
      %mul3A_658 = arith.mulf %get3A_655, %mul3A_657 : vector<16xf32>
      %swap3A_659 = arith.index_cast %scan3A_580 : i32 to index
      %swap3A_660 = arith.constant 96 : index
      %swap3A_661 = tpu.vector_load %arg9[%swap3A_659, %swap3A_660] {strides = array<i32>} : memref<128x128xf32, #tpu.memory_space<vmem>>, vector<1x16xf32>,
      %swap3A_662 = vector.shape_cast %swap3A_661 : vector<1x16xf32> to vector<16xf32>
      %swap3A_663 = vector.shape_cast %mul3A_658 : vector<16xf32> to vector<1x16xf32>
      tpu.vector_store %arg9[%swap3A_659, %swap3A_660], %swap3A_663 {strides = array<i32>} : memref<128x128xf32, #tpu.memory_space<vmem>>, vector<1x16xf32>,
      %get3A_664 = arith.index_cast %scan3A_580 : i32 to index
      %get3A_665 = arith.constant 112 : index
      %get3A_666 = tpu.vector_load %arg9[%get3A_664, %get3A_665] {strides = array<i32>} : memref<128x128xf32, #tpu.memory_space<vmem>>, vector<1x16xf32>,
      %get3A_667 = vector.shape_cast %get3A_666 : vector<1x16xf32> to vector<16xf32>
      %mul3A_668 = arith.constant 11.3137083 : f32
      %mul3A_669 = vector.broadcast %mul3A_668 : f32 to vector<16xf32>
      %mul3A_670 = arith.mulf %get3A_667, %mul3A_669 : vector<16xf32>
      %swap3A_671 = arith.index_cast %scan3A_580 : i32 to index
      %swap3A_672 = arith.constant 112 : index
      %swap3A_673 = tpu.vector_load %arg9[%swap3A_671, %swap3A_672] {strides = array<i32>} : memref<128x128xf32, #tpu.memory_space<vmem>>, vector<1x16xf32>,
      %swap3A_674 = vector.shape_cast %swap3A_673 : vector<1x16xf32> to vector<16xf32>
      %swap3A_675 = vector.shape_cast %mul3A_670 : vector<16xf32> to vector<1x16xf32>
      tpu.vector_store %arg9[%swap3A_671, %swap3A_672], %swap3A_675 {strides = array<i32>} : memref<128x128xf32, #tpu.memory_space<vmem>>, vector<1x16xf32>,
      %scan3A_676 = arith.constant 0 : i32
      scf.yield %scan3A_676 : i32
    }
    %scan3A_291 = arith.constant 128 : i32
    %add3A_292 = arith.constant 1152 : i32
    %add3A_293 = arith.addi %mul3A_2, %add3A_292 : i32
    %dma_start3A_294 = arith.constant 0 : i32
    %dma_start3A_295 = tpu.memref_slice %arg4[%add3A_293, %dma_start3A_294] : memref<81920x128xf32, #tpu.memory_space<hbm>> -> memref<128x128xf32, #tpu.memory_space<hbm>>
    %dma_start3A_296 = arith.constant 0 : i32
    %dma_start3A_297 = tpu.memref_slice %arg4[%add3A_293, %dma_start3A_296] : memref<81920x128xf32, #tpu.memory_space<hbm>> -> memref<128x128xf32, #tpu.memory_space<hbm>>
    tpu.enqueue_dma source(%arg9 : memref<128x128xf32, #tpu.memory_space<vmem>>) target(%dma_start3A_297 : memref<128x128xf32, #tpu.memory_space<hbm>>) target_semaphore(%arg21 : memref<!tpu.dma_semaphore, #tpu.memory_space<semaphore_mem>>)
    %dma_wait3A_298 = arith.constant 1280 : i32
    %dma_wait3A_299 = tpu.memref_slice %arg5[%dma_wait3A_298] : memref<2560xi32, #tpu.memory_space<vmem>> -> memref<128xi32, #tpu.memory_space<vmem>>
    %dma_wait3A_300 = arith.constant 0 : i32
    %dma_wait3A_301 = arith.constant 0 : i32
    %dma_wait3A_302 = tpu.memref_slice %arg3[%dma_wait3A_300, %dma_wait3A_301] : memref<100000x128xf32, #tpu.memory_space<hbm>> -> memref<100000x128xf32, #tpu.memory_space<hbm>>
    tpu.wait_indirect_dma semaphore(%arg16 : memref<!tpu.dma_semaphore, #tpu.memory_space<semaphore_mem>>) src(%dma_wait3A_302 : memref<100000x128xf32, #tpu.memory_space<hbm>>) dst(%arg10 : memref<128x128xf32, #tpu.memory_space<vmem>>)
    %add3A_303 = arith.constant 1024 : i32
    %add3A_304 = arith.addi %mul3A_2, %add3A_303 : i32
    %dma_wait3A_305 = arith.constant 0 : i32
    %dma_wait3A_306 = tpu.memref_slice %arg4[%add3A_304, %dma_wait3A_305] : memref<81920x128xf32, #tpu.memory_space<hbm>> -> memref<128x128xf32, #tpu.memory_space<hbm>>
    %dma_wait3A_307 = arith.constant 0 : i32
    %dma_wait3A_308 = tpu.memref_slice %arg4[%add3A_304, %dma_wait3A_307] : memref<81920x128xf32, #tpu.memory_space<hbm>> -> memref<128x128xf32, #tpu.memory_space<hbm>>
    tpu.wait_dma2 semaphore(%arg20 : memref<!tpu.dma_semaphore, #tpu.memory_space<semaphore_mem>>) src(%arg8 : memref<128x128xf32, #tpu.memory_space<vmem>>) dst(%dma_wait3A_308 : memref<128x128xf32, #tpu.memory_space<hbm>>)
    %dma_start3A_309 = arith.constant 1792 : i32
    %dma_start3A_310 = tpu.memref_slice %arg5[%dma_start3A_309] : memref<2560xi32, #tpu.memory_space<vmem>> -> memref<128xi32, #tpu.memory_space<vmem>>
    %dma_start3A_311 = arith.constant 0 : i32
    %dma_start3A_312 = arith.constant 0 : i32
    %dma_start3A_313 = tpu.memref_slice %arg3[%dma_start3A_311, %dma_start3A_312] : memref<100000x128xf32, #tpu.memory_space<hbm>> -> memref<100000x128xf32, #tpu.memory_space<hbm>>
    tpu.enqueue_indirect_dma source(%dma_start3A_313 : memref<100000x128xf32, #tpu.memory_space<hbm>>) target(%arg8 : memref<128x128xf32, #tpu.memory_space<vmem>>) offsets(%dma_start3A_310 : memref<128xi32, #tpu.memory_space<vmem>>) semaphore(%arg14 : memref<!tpu.dma_semaphore, #tpu.memory_space<semaphore_mem>>)
    %scan3A_314 = arith.constant 0 : i32
    %scan3A_315 = arith.constant 0 : i32
    %scan3A_316 = arith.constant 128 : i32
    %scan3A_317 = arith.addi %scan3A_315, %scan3A_316 : i32
    %scan3A_318 = arith.constant 1 : i32
    %scan3A_319 = scf.for %scan3A_580 = %scan3A_315 to %scan3A_317 step %scan3A_318 iter_args(%scan3A_581 = %scan3A_314) -> (i32)  : i32 {
      %get3A = arith.index_cast %scan3A_580 : i32 to index
      %get3A_582 = arith.constant 0 : index
      %get3A_583 = tpu.vector_load %arg10[%get3A, %get3A_582] {strides = array<i32>} : memref<128x128xf32, #tpu.memory_space<vmem>>, vector<1x16xf32>,
      %get3A_584 = vector.shape_cast %get3A_583 : vector<1x16xf32> to vector<16xf32>
      %mul3A_585 = arith.constant 11.3137083 : f32
      %mul3A_586 = vector.broadcast %mul3A_585 : f32 to vector<16xf32>
      %mul3A_587 = arith.mulf %get3A_584, %mul3A_586 : vector<16xf32>
      %swap3A = arith.index_cast %scan3A_580 : i32 to index
      %swap3A_588 = arith.constant 0 : index
      %swap3A_589 = tpu.vector_load %arg10[%swap3A, %swap3A_588] {strides = array<i32>} : memref<128x128xf32, #tpu.memory_space<vmem>>, vector<1x16xf32>,
      %swap3A_590 = vector.shape_cast %swap3A_589 : vector<1x16xf32> to vector<16xf32>
      %swap3A_591 = vector.shape_cast %mul3A_587 : vector<16xf32> to vector<1x16xf32>
      tpu.vector_store %arg10[%swap3A, %swap3A_588], %swap3A_591 {strides = array<i32>} : memref<128x128xf32, #tpu.memory_space<vmem>>, vector<1x16xf32>,
      %get3A_592 = arith.index_cast %scan3A_580 : i32 to index
      %get3A_593 = arith.constant 16 : index
      %get3A_594 = tpu.vector_load %arg10[%get3A_592, %get3A_593] {strides = array<i32>} : memref<128x128xf32, #tpu.memory_space<vmem>>, vector<1x16xf32>,
      %get3A_595 = vector.shape_cast %get3A_594 : vector<1x16xf32> to vector<16xf32>
      %mul3A_596 = arith.constant 11.3137083 : f32
      %mul3A_597 = vector.broadcast %mul3A_596 : f32 to vector<16xf32>
      %mul3A_598 = arith.mulf %get3A_595, %mul3A_597 : vector<16xf32>
      %swap3A_599 = arith.index_cast %scan3A_580 : i32 to index
      %swap3A_600 = arith.constant 16 : index
      %swap3A_601 = tpu.vector_load %arg10[%swap3A_599, %swap3A_600] {strides = array<i32>} : memref<128x128xf32, #tpu.memory_space<vmem>>, vector<1x16xf32>,
      %swap3A_602 = vector.shape_cast %swap3A_601 : vector<1x16xf32> to vector<16xf32>
      %swap3A_603 = vector.shape_cast %mul3A_598 : vector<16xf32> to vector<1x16xf32>
      tpu.vector_store %arg10[%swap3A_599, %swap3A_600], %swap3A_603 {strides = array<i32>} : memref<128x128xf32, #tpu.memory_space<vmem>>, vector<1x16xf32>,
      %get3A_604 = arith.index_cast %scan3A_580 : i32 to index
      %get3A_605 = arith.constant 32 : index
      %get3A_606 = tpu.vector_load %arg10[%get3A_604, %get3A_605] {strides = array<i32>} : memref<128x128xf32, #tpu.memory_space<vmem>>, vector<1x16xf32>,
      %get3A_607 = vector.shape_cast %get3A_606 : vector<1x16xf32> to vector<16xf32>
      %mul3A_608 = arith.constant 11.3137083 : f32
      %mul3A_609 = vector.broadcast %mul3A_608 : f32 to vector<16xf32>
      %mul3A_610 = arith.mulf %get3A_607, %mul3A_609 : vector<16xf32>
      %swap3A_611 = arith.index_cast %scan3A_580 : i32 to index
      %swap3A_612 = arith.constant 32 : index
      %swap3A_613 = tpu.vector_load %arg10[%swap3A_611, %swap3A_612] {strides = array<i32>} : memref<128x128xf32, #tpu.memory_space<vmem>>, vector<1x16xf32>,
      %swap3A_614 = vector.shape_cast %swap3A_613 : vector<1x16xf32> to vector<16xf32>
      %swap3A_615 = vector.shape_cast %mul3A_610 : vector<16xf32> to vector<1x16xf32>
      tpu.vector_store %arg10[%swap3A_611, %swap3A_612], %swap3A_615 {strides = array<i32>} : memref<128x128xf32, #tpu.memory_space<vmem>>, vector<1x16xf32>,
      %get3A_616 = arith.index_cast %scan3A_580 : i32 to index
      %get3A_617 = arith.constant 48 : index
      %get3A_618 = tpu.vector_load %arg10[%get3A_616, %get3A_617] {strides = array<i32>} : memref<128x128xf32, #tpu.memory_space<vmem>>, vector<1x16xf32>,
      %get3A_619 = vector.shape_cast %get3A_618 : vector<1x16xf32> to vector<16xf32>
      %mul3A_620 = arith.constant 11.3137083 : f32
      %mul3A_621 = vector.broadcast %mul3A_620 : f32 to vector<16xf32>
      %mul3A_622 = arith.mulf %get3A_619, %mul3A_621 : vector<16xf32>
      %swap3A_623 = arith.index_cast %scan3A_580 : i32 to index
      %swap3A_624 = arith.constant 48 : index
      %swap3A_625 = tpu.vector_load %arg10[%swap3A_623, %swap3A_624] {strides = array<i32>} : memref<128x128xf32, #tpu.memory_space<vmem>>, vector<1x16xf32>,
      %swap3A_626 = vector.shape_cast %swap3A_625 : vector<1x16xf32> to vector<16xf32>
      %swap3A_627 = vector.shape_cast %mul3A_622 : vector<16xf32> to vector<1x16xf32>
      tpu.vector_store %arg10[%swap3A_623, %swap3A_624], %swap3A_627 {strides = array<i32>} : memref<128x128xf32, #tpu.memory_space<vmem>>, vector<1x16xf32>,
      %get3A_628 = arith.index_cast %scan3A_580 : i32 to index
      %get3A_629 = arith.constant 64 : index
      %get3A_630 = tpu.vector_load %arg10[%get3A_628, %get3A_629] {strides = array<i32>} : memref<128x128xf32, #tpu.memory_space<vmem>>, vector<1x16xf32>,
      %get3A_631 = vector.shape_cast %get3A_630 : vector<1x16xf32> to vector<16xf32>
      %mul3A_632 = arith.constant 11.3137083 : f32
      %mul3A_633 = vector.broadcast %mul3A_632 : f32 to vector<16xf32>
      %mul3A_634 = arith.mulf %get3A_631, %mul3A_633 : vector<16xf32>
      %swap3A_635 = arith.index_cast %scan3A_580 : i32 to index
      %swap3A_636 = arith.constant 64 : index
      %swap3A_637 = tpu.vector_load %arg10[%swap3A_635, %swap3A_636] {strides = array<i32>} : memref<128x128xf32, #tpu.memory_space<vmem>>, vector<1x16xf32>,
      %swap3A_638 = vector.shape_cast %swap3A_637 : vector<1x16xf32> to vector<16xf32>
      %swap3A_639 = vector.shape_cast %mul3A_634 : vector<16xf32> to vector<1x16xf32>
      tpu.vector_store %arg10[%swap3A_635, %swap3A_636], %swap3A_639 {strides = array<i32>} : memref<128x128xf32, #tpu.memory_space<vmem>>, vector<1x16xf32>,
      %get3A_640 = arith.index_cast %scan3A_580 : i32 to index
      %get3A_641 = arith.constant 80 : index
      %get3A_642 = tpu.vector_load %arg10[%get3A_640, %get3A_641] {strides = array<i32>} : memref<128x128xf32, #tpu.memory_space<vmem>>, vector<1x16xf32>,
      %get3A_643 = vector.shape_cast %get3A_642 : vector<1x16xf32> to vector<16xf32>
      %mul3A_644 = arith.constant 11.3137083 : f32
      %mul3A_645 = vector.broadcast %mul3A_644 : f32 to vector<16xf32>
      %mul3A_646 = arith.mulf %get3A_643, %mul3A_645 : vector<16xf32>
      %swap3A_647 = arith.index_cast %scan3A_580 : i32 to index
      %swap3A_648 = arith.constant 80 : index
      %swap3A_649 = tpu.vector_load %arg10[%swap3A_647, %swap3A_648] {strides = array<i32>} : memref<128x128xf32, #tpu.memory_space<vmem>>, vector<1x16xf32>,
      %swap3A_650 = vector.shape_cast %swap3A_649 : vector<1x16xf32> to vector<16xf32>
      %swap3A_651 = vector.shape_cast %mul3A_646 : vector<16xf32> to vector<1x16xf32>
      tpu.vector_store %arg10[%swap3A_647, %swap3A_648], %swap3A_651 {strides = array<i32>} : memref<128x128xf32, #tpu.memory_space<vmem>>, vector<1x16xf32>,
      %get3A_652 = arith.index_cast %scan3A_580 : i32 to index
      %get3A_653 = arith.constant 96 : index
      %get3A_654 = tpu.vector_load %arg10[%get3A_652, %get3A_653] {strides = array<i32>} : memref<128x128xf32, #tpu.memory_space<vmem>>, vector<1x16xf32>,
      %get3A_655 = vector.shape_cast %get3A_654 : vector<1x16xf32> to vector<16xf32>
      %mul3A_656 = arith.constant 11.3137083 : f32
      %mul3A_657 = vector.broadcast %mul3A_656 : f32 to vector<16xf32>
      %mul3A_658 = arith.mulf %get3A_655, %mul3A_657 : vector<16xf32>
      %swap3A_659 = arith.index_cast %scan3A_580 : i32 to index
      %swap3A_660 = arith.constant 96 : index
      %swap3A_661 = tpu.vector_load %arg10[%swap3A_659, %swap3A_660] {strides = array<i32>} : memref<128x128xf32, #tpu.memory_space<vmem>>, vector<1x16xf32>,
      %swap3A_662 = vector.shape_cast %swap3A_661 : vector<1x16xf32> to vector<16xf32>
      %swap3A_663 = vector.shape_cast %mul3A_658 : vector<16xf32> to vector<1x16xf32>
      tpu.vector_store %arg10[%swap3A_659, %swap3A_660], %swap3A_663 {strides = array<i32>} : memref<128x128xf32, #tpu.memory_space<vmem>>, vector<1x16xf32>,
      %get3A_664 = arith.index_cast %scan3A_580 : i32 to index
      %get3A_665 = arith.constant 112 : index
      %get3A_666 = tpu.vector_load %arg10[%get3A_664, %get3A_665] {strides = array<i32>} : memref<128x128xf32, #tpu.memory_space<vmem>>, vector<1x16xf32>,
      %get3A_667 = vector.shape_cast %get3A_666 : vector<1x16xf32> to vector<16xf32>
      %mul3A_668 = arith.constant 11.3137083 : f32
      %mul3A_669 = vector.broadcast %mul3A_668 : f32 to vector<16xf32>
      %mul3A_670 = arith.mulf %get3A_667, %mul3A_669 : vector<16xf32>
      %swap3A_671 = arith.index_cast %scan3A_580 : i32 to index
      %swap3A_672 = arith.constant 112 : index
      %swap3A_673 = tpu.vector_load %arg10[%swap3A_671, %swap3A_672] {strides = array<i32>} : memref<128x128xf32, #tpu.memory_space<vmem>>, vector<1x16xf32>,
      %swap3A_674 = vector.shape_cast %swap3A_673 : vector<1x16xf32> to vector<16xf32>
      %swap3A_675 = vector.shape_cast %mul3A_670 : vector<16xf32> to vector<1x16xf32>
      tpu.vector_store %arg10[%swap3A_671, %swap3A_672], %swap3A_675 {strides = array<i32>} : memref<128x128xf32, #tpu.memory_space<vmem>>, vector<1x16xf32>,
      %scan3A_676 = arith.constant 0 : i32
      scf.yield %scan3A_676 : i32
    }
    %scan3A_320 = arith.constant 128 : i32
    %add3A_321 = arith.constant 1280 : i32
    %add3A_322 = arith.addi %mul3A_2, %add3A_321 : i32
    %dma_start3A_323 = arith.constant 0 : i32
    %dma_start3A_324 = tpu.memref_slice %arg4[%add3A_322, %dma_start3A_323] : memref<81920x128xf32, #tpu.memory_space<hbm>> -> memref<128x128xf32, #tpu.memory_space<hbm>>
    %dma_start3A_325 = arith.constant 0 : i32
    %dma_start3A_326 = tpu.memref_slice %arg4[%add3A_322, %dma_start3A_325] : memref<81920x128xf32, #tpu.memory_space<hbm>> -> memref<128x128xf32, #tpu.memory_space<hbm>>
    tpu.enqueue_dma source(%arg10 : memref<128x128xf32, #tpu.memory_space<vmem>>) target(%dma_start3A_326 : memref<128x128xf32, #tpu.memory_space<hbm>>) target_semaphore(%arg22 : memref<!tpu.dma_semaphore, #tpu.memory_space<semaphore_mem>>)
    %dma_wait3A_327 = arith.constant 1408 : i32
    %dma_wait3A_328 = tpu.memref_slice %arg5[%dma_wait3A_327] : memref<2560xi32, #tpu.memory_space<vmem>> -> memref<128xi32, #tpu.memory_space<vmem>>
    %dma_wait3A_329 = arith.constant 0 : i32
    %dma_wait3A_330 = arith.constant 0 : i32
    %dma_wait3A_331 = tpu.memref_slice %arg3[%dma_wait3A_329, %dma_wait3A_330] : memref<100000x128xf32, #tpu.memory_space<hbm>> -> memref<100000x128xf32, #tpu.memory_space<hbm>>
    tpu.wait_indirect_dma semaphore(%arg17 : memref<!tpu.dma_semaphore, #tpu.memory_space<semaphore_mem>>) src(%dma_wait3A_331 : memref<100000x128xf32, #tpu.memory_space<hbm>>) dst(%arg11 : memref<128x128xf32, #tpu.memory_space<vmem>>)
    %add3A_332 = arith.constant 1152 : i32
    %add3A_333 = arith.addi %mul3A_2, %add3A_332 : i32
    %dma_wait3A_334 = arith.constant 0 : i32
    %dma_wait3A_335 = tpu.memref_slice %arg4[%add3A_333, %dma_wait3A_334] : memref<81920x128xf32, #tpu.memory_space<hbm>> -> memref<128x128xf32, #tpu.memory_space<hbm>>
    %dma_wait3A_336 = arith.constant 0 : i32
    %dma_wait3A_337 = tpu.memref_slice %arg4[%add3A_333, %dma_wait3A_336] : memref<81920x128xf32, #tpu.memory_space<hbm>> -> memref<128x128xf32, #tpu.memory_space<hbm>>
    tpu.wait_dma2 semaphore(%arg21 : memref<!tpu.dma_semaphore, #tpu.memory_space<semaphore_mem>>) src(%arg9 : memref<128x128xf32, #tpu.memory_space<vmem>>) dst(%dma_wait3A_337 : memref<128x128xf32, #tpu.memory_space<hbm>>)
    %dma_start3A_338 = arith.constant 1920 : i32
    %dma_start3A_339 = tpu.memref_slice %arg5[%dma_start3A_338] : memref<2560xi32, #tpu.memory_space<vmem>> -> memref<128xi32, #tpu.memory_space<vmem>>
    %dma_start3A_340 = arith.constant 0 : i32
    %dma_start3A_341 = arith.constant 0 : i32
    %dma_start3A_342 = tpu.memref_slice %arg3[%dma_start3A_340, %dma_start3A_341] : memref<100000x128xf32, #tpu.memory_space<hbm>> -> memref<100000x128xf32, #tpu.memory_space<hbm>>
    tpu.enqueue_indirect_dma source(%dma_start3A_342 : memref<100000x128xf32, #tpu.memory_space<hbm>>) target(%arg9 : memref<128x128xf32, #tpu.memory_space<vmem>>) offsets(%dma_start3A_339 : memref<128xi32, #tpu.memory_space<vmem>>) semaphore(%arg15 : memref<!tpu.dma_semaphore, #tpu.memory_space<semaphore_mem>>)
    %scan3A_343 = arith.constant 0 : i32
    %scan3A_344 = arith.constant 0 : i32
    %scan3A_345 = arith.constant 128 : i32
    %scan3A_346 = arith.addi %scan3A_344, %scan3A_345 : i32
    %scan3A_347 = arith.constant 1 : i32
    %scan3A_348 = scf.for %scan3A_580 = %scan3A_344 to %scan3A_346 step %scan3A_347 iter_args(%scan3A_581 = %scan3A_343) -> (i32)  : i32 {
      %get3A = arith.index_cast %scan3A_580 : i32 to index
      %get3A_582 = arith.constant 0 : index
      %get3A_583 = tpu.vector_load %arg11[%get3A, %get3A_582] {strides = array<i32>} : memref<128x128xf32, #tpu.memory_space<vmem>>, vector<1x16xf32>,
      %get3A_584 = vector.shape_cast %get3A_583 : vector<1x16xf32> to vector<16xf32>
      %mul3A_585 = arith.constant 11.3137083 : f32
      %mul3A_586 = vector.broadcast %mul3A_585 : f32 to vector<16xf32>
      %mul3A_587 = arith.mulf %get3A_584, %mul3A_586 : vector<16xf32>
      %swap3A = arith.index_cast %scan3A_580 : i32 to index
      %swap3A_588 = arith.constant 0 : index
      %swap3A_589 = tpu.vector_load %arg11[%swap3A, %swap3A_588] {strides = array<i32>} : memref<128x128xf32, #tpu.memory_space<vmem>>, vector<1x16xf32>,
      %swap3A_590 = vector.shape_cast %swap3A_589 : vector<1x16xf32> to vector<16xf32>
      %swap3A_591 = vector.shape_cast %mul3A_587 : vector<16xf32> to vector<1x16xf32>
      tpu.vector_store %arg11[%swap3A, %swap3A_588], %swap3A_591 {strides = array<i32>} : memref<128x128xf32, #tpu.memory_space<vmem>>, vector<1x16xf32>,
      %get3A_592 = arith.index_cast %scan3A_580 : i32 to index
      %get3A_593 = arith.constant 16 : index
      %get3A_594 = tpu.vector_load %arg11[%get3A_592, %get3A_593] {strides = array<i32>} : memref<128x128xf32, #tpu.memory_space<vmem>>, vector<1x16xf32>,
      %get3A_595 = vector.shape_cast %get3A_594 : vector<1x16xf32> to vector<16xf32>
      %mul3A_596 = arith.constant 11.3137083 : f32
      %mul3A_597 = vector.broadcast %mul3A_596 : f32 to vector<16xf32>
      %mul3A_598 = arith.mulf %get3A_595, %mul3A_597 : vector<16xf32>
      %swap3A_599 = arith.index_cast %scan3A_580 : i32 to index
      %swap3A_600 = arith.constant 16 : index
      %swap3A_601 = tpu.vector_load %arg11[%swap3A_599, %swap3A_600] {strides = array<i32>} : memref<128x128xf32, #tpu.memory_space<vmem>>, vector<1x16xf32>,
      %swap3A_602 = vector.shape_cast %swap3A_601 : vector<1x16xf32> to vector<16xf32>
      %swap3A_603 = vector.shape_cast %mul3A_598 : vector<16xf32> to vector<1x16xf32>
      tpu.vector_store %arg11[%swap3A_599, %swap3A_600], %swap3A_603 {strides = array<i32>} : memref<128x128xf32, #tpu.memory_space<vmem>>, vector<1x16xf32>,
      %get3A_604 = arith.index_cast %scan3A_580 : i32 to index
      %get3A_605 = arith.constant 32 : index
      %get3A_606 = tpu.vector_load %arg11[%get3A_604, %get3A_605] {strides = array<i32>} : memref<128x128xf32, #tpu.memory_space<vmem>>, vector<1x16xf32>,
      %get3A_607 = vector.shape_cast %get3A_606 : vector<1x16xf32> to vector<16xf32>
      %mul3A_608 = arith.constant 11.3137083 : f32
      %mul3A_609 = vector.broadcast %mul3A_608 : f32 to vector<16xf32>
      %mul3A_610 = arith.mulf %get3A_607, %mul3A_609 : vector<16xf32>
      %swap3A_611 = arith.index_cast %scan3A_580 : i32 to index
      %swap3A_612 = arith.constant 32 : index
      %swap3A_613 = tpu.vector_load %arg11[%swap3A_611, %swap3A_612] {strides = array<i32>} : memref<128x128xf32, #tpu.memory_space<vmem>>, vector<1x16xf32>,
      %swap3A_614 = vector.shape_cast %swap3A_613 : vector<1x16xf32> to vector<16xf32>
      %swap3A_615 = vector.shape_cast %mul3A_610 : vector<16xf32> to vector<1x16xf32>
      tpu.vector_store %arg11[%swap3A_611, %swap3A_612], %swap3A_615 {strides = array<i32>} : memref<128x128xf32, #tpu.memory_space<vmem>>, vector<1x16xf32>,
      %get3A_616 = arith.index_cast %scan3A_580 : i32 to index
      %get3A_617 = arith.constant 48 : index
      %get3A_618 = tpu.vector_load %arg11[%get3A_616, %get3A_617] {strides = array<i32>} : memref<128x128xf32, #tpu.memory_space<vmem>>, vector<1x16xf32>,
      %get3A_619 = vector.shape_cast %get3A_618 : vector<1x16xf32> to vector<16xf32>
      %mul3A_620 = arith.constant 11.3137083 : f32
      %mul3A_621 = vector.broadcast %mul3A_620 : f32 to vector<16xf32>
      %mul3A_622 = arith.mulf %get3A_619, %mul3A_621 : vector<16xf32>
      %swap3A_623 = arith.index_cast %scan3A_580 : i32 to index
      %swap3A_624 = arith.constant 48 : index
      %swap3A_625 = tpu.vector_load %arg11[%swap3A_623, %swap3A_624] {strides = array<i32>} : memref<128x128xf32, #tpu.memory_space<vmem>>, vector<1x16xf32>,
      %swap3A_626 = vector.shape_cast %swap3A_625 : vector<1x16xf32> to vector<16xf32>
      %swap3A_627 = vector.shape_cast %mul3A_622 : vector<16xf32> to vector<1x16xf32>
      tpu.vector_store %arg11[%swap3A_623, %swap3A_624], %swap3A_627 {strides = array<i32>} : memref<128x128xf32, #tpu.memory_space<vmem>>, vector<1x16xf32>,
      %get3A_628 = arith.index_cast %scan3A_580 : i32 to index
      %get3A_629 = arith.constant 64 : index
      %get3A_630 = tpu.vector_load %arg11[%get3A_628, %get3A_629] {strides = array<i32>} : memref<128x128xf32, #tpu.memory_space<vmem>>, vector<1x16xf32>,
      %get3A_631 = vector.shape_cast %get3A_630 : vector<1x16xf32> to vector<16xf32>
      %mul3A_632 = arith.constant 11.3137083 : f32
      %mul3A_633 = vector.broadcast %mul3A_632 : f32 to vector<16xf32>
      %mul3A_634 = arith.mulf %get3A_631, %mul3A_633 : vector<16xf32>
      %swap3A_635 = arith.index_cast %scan3A_580 : i32 to index
      %swap3A_636 = arith.constant 64 : index
      %swap3A_637 = tpu.vector_load %arg11[%swap3A_635, %swap3A_636] {strides = array<i32>} : memref<128x128xf32, #tpu.memory_space<vmem>>, vector<1x16xf32>,
      %swap3A_638 = vector.shape_cast %swap3A_637 : vector<1x16xf32> to vector<16xf32>
      %swap3A_639 = vector.shape_cast %mul3A_634 : vector<16xf32> to vector<1x16xf32>
      tpu.vector_store %arg11[%swap3A_635, %swap3A_636], %swap3A_639 {strides = array<i32>} : memref<128x128xf32, #tpu.memory_space<vmem>>, vector<1x16xf32>,
      %get3A_640 = arith.index_cast %scan3A_580 : i32 to index
      %get3A_641 = arith.constant 80 : index
      %get3A_642 = tpu.vector_load %arg11[%get3A_640, %get3A_641] {strides = array<i32>} : memref<128x128xf32, #tpu.memory_space<vmem>>, vector<1x16xf32>,
      %get3A_643 = vector.shape_cast %get3A_642 : vector<1x16xf32> to vector<16xf32>
      %mul3A_644 = arith.constant 11.3137083 : f32
      %mul3A_645 = vector.broadcast %mul3A_644 : f32 to vector<16xf32>
      %mul3A_646 = arith.mulf %get3A_643, %mul3A_645 : vector<16xf32>
      %swap3A_647 = arith.index_cast %scan3A_580 : i32 to index
      %swap3A_648 = arith.constant 80 : index
      %swap3A_649 = tpu.vector_load %arg11[%swap3A_647, %swap3A_648] {strides = array<i32>} : memref<128x128xf32, #tpu.memory_space<vmem>>, vector<1x16xf32>,
      %swap3A_650 = vector.shape_cast %swap3A_649 : vector<1x16xf32> to vector<16xf32>
      %swap3A_651 = vector.shape_cast %mul3A_646 : vector<16xf32> to vector<1x16xf32>
      tpu.vector_store %arg11[%swap3A_647, %swap3A_648], %swap3A_651 {strides = array<i32>} : memref<128x128xf32, #tpu.memory_space<vmem>>, vector<1x16xf32>,
      %get3A_652 = arith.index_cast %scan3A_580 : i32 to index
      %get3A_653 = arith.constant 96 : index
      %get3A_654 = tpu.vector_load %arg11[%get3A_652, %get3A_653] {strides = array<i32>} : memref<128x128xf32, #tpu.memory_space<vmem>>, vector<1x16xf32>,
      %get3A_655 = vector.shape_cast %get3A_654 : vector<1x16xf32> to vector<16xf32>
      %mul3A_656 = arith.constant 11.3137083 : f32
      %mul3A_657 = vector.broadcast %mul3A_656 : f32 to vector<16xf32>
      %mul3A_658 = arith.mulf %get3A_655, %mul3A_657 : vector<16xf32>
      %swap3A_659 = arith.index_cast %scan3A_580 : i32 to index
      %swap3A_660 = arith.constant 96 : index
      %swap3A_661 = tpu.vector_load %arg11[%swap3A_659, %swap3A_660] {strides = array<i32>} : memref<128x128xf32, #tpu.memory_space<vmem>>, vector<1x16xf32>,
      %swap3A_662 = vector.shape_cast %swap3A_661 : vector<1x16xf32> to vector<16xf32>
      %swap3A_663 = vector.shape_cast %mul3A_658 : vector<16xf32> to vector<1x16xf32>
      tpu.vector_store %arg11[%swap3A_659, %swap3A_660], %swap3A_663 {strides = array<i32>} : memref<128x128xf32, #tpu.memory_space<vmem>>, vector<1x16xf32>,
      %get3A_664 = arith.index_cast %scan3A_580 : i32 to index
      %get3A_665 = arith.constant 112 : index
      %get3A_666 = tpu.vector_load %arg11[%get3A_664, %get3A_665] {strides = array<i32>} : memref<128x128xf32, #tpu.memory_space<vmem>>, vector<1x16xf32>,
      %get3A_667 = vector.shape_cast %get3A_666 : vector<1x16xf32> to vector<16xf32>
      %mul3A_668 = arith.constant 11.3137083 : f32
      %mul3A_669 = vector.broadcast %mul3A_668 : f32 to vector<16xf32>
      %mul3A_670 = arith.mulf %get3A_667, %mul3A_669 : vector<16xf32>
      %swap3A_671 = arith.index_cast %scan3A_580 : i32 to index
      %swap3A_672 = arith.constant 112 : index
      %swap3A_673 = tpu.vector_load %arg11[%swap3A_671, %swap3A_672] {strides = array<i32>} : memref<128x128xf32, #tpu.memory_space<vmem>>, vector<1x16xf32>,
      %swap3A_674 = vector.shape_cast %swap3A_673 : vector<1x16xf32> to vector<16xf32>
      %swap3A_675 = vector.shape_cast %mul3A_670 : vector<16xf32> to vector<1x16xf32>
      tpu.vector_store %arg11[%swap3A_671, %swap3A_672], %swap3A_675 {strides = array<i32>} : memref<128x128xf32, #tpu.memory_space<vmem>>, vector<1x16xf32>,
      %scan3A_676 = arith.constant 0 : i32
      scf.yield %scan3A_676 : i32
    }
    %scan3A_349 = arith.constant 128 : i32
    %add3A_350 = arith.constant 1408 : i32
    %add3A_351 = arith.addi %mul3A_2, %add3A_350 : i32
    %dma_start3A_352 = arith.constant 0 : i32
    %dma_start3A_353 = tpu.memref_slice %arg4[%add3A_351, %dma_start3A_352] : memref<81920x128xf32, #tpu.memory_space<hbm>> -> memref<128x128xf32, #tpu.memory_space<hbm>>
    %dma_start3A_354 = arith.constant 0 : i32
    %dma_start3A_355 = tpu.memref_slice %arg4[%add3A_351, %dma_start3A_354] : memref<81920x128xf32, #tpu.memory_space<hbm>> -> memref<128x128xf32, #tpu.memory_space<hbm>>
    tpu.enqueue_dma source(%arg11 : memref<128x128xf32, #tpu.memory_space<vmem>>) target(%dma_start3A_355 : memref<128x128xf32, #tpu.memory_space<hbm>>) target_semaphore(%arg23 : memref<!tpu.dma_semaphore, #tpu.memory_space<semaphore_mem>>)
    %dma_wait3A_356 = arith.constant 1536 : i32
    %dma_wait3A_357 = tpu.memref_slice %arg5[%dma_wait3A_356] : memref<2560xi32, #tpu.memory_space<vmem>> -> memref<128xi32, #tpu.memory_space<vmem>>
    %dma_wait3A_358 = arith.constant 0 : i32
    %dma_wait3A_359 = arith.constant 0 : i32
    %dma_wait3A_360 = tpu.memref_slice %arg3[%dma_wait3A_358, %dma_wait3A_359] : memref<100000x128xf32, #tpu.memory_space<hbm>> -> memref<100000x128xf32, #tpu.memory_space<hbm>>
    tpu.wait_indirect_dma semaphore(%arg12 : memref<!tpu.dma_semaphore, #tpu.memory_space<semaphore_mem>>) src(%dma_wait3A_360 : memref<100000x128xf32, #tpu.memory_space<hbm>>) dst(%arg6 : memref<128x128xf32, #tpu.memory_space<vmem>>)
    %add3A_361 = arith.constant 1280 : i32
    %add3A_362 = arith.addi %mul3A_2, %add3A_361 : i32
    %dma_wait3A_363 = arith.constant 0 : i32
    %dma_wait3A_364 = tpu.memref_slice %arg4[%add3A_362, %dma_wait3A_363] : memref<81920x128xf32, #tpu.memory_space<hbm>> -> memref<128x128xf32, #tpu.memory_space<hbm>>
    %dma_wait3A_365 = arith.constant 0 : i32
    %dma_wait3A_366 = tpu.memref_slice %arg4[%add3A_362, %dma_wait3A_365] : memref<81920x128xf32, #tpu.memory_space<hbm>> -> memref<128x128xf32, #tpu.memory_space<hbm>>
    tpu.wait_dma2 semaphore(%arg22 : memref<!tpu.dma_semaphore, #tpu.memory_space<semaphore_mem>>) src(%arg10 : memref<128x128xf32, #tpu.memory_space<vmem>>) dst(%dma_wait3A_366 : memref<128x128xf32, #tpu.memory_space<hbm>>)
    %dma_start3A_367 = arith.constant 2048 : i32
    %dma_start3A_368 = tpu.memref_slice %arg5[%dma_start3A_367] : memref<2560xi32, #tpu.memory_space<vmem>> -> memref<128xi32, #tpu.memory_space<vmem>>
    %dma_start3A_369 = arith.constant 0 : i32
    %dma_start3A_370 = arith.constant 0 : i32
    %dma_start3A_371 = tpu.memref_slice %arg3[%dma_start3A_369, %dma_start3A_370] : memref<100000x128xf32, #tpu.memory_space<hbm>> -> memref<100000x128xf32, #tpu.memory_space<hbm>>
    tpu.enqueue_indirect_dma source(%dma_start3A_371 : memref<100000x128xf32, #tpu.memory_space<hbm>>) target(%arg10 : memref<128x128xf32, #tpu.memory_space<vmem>>) offsets(%dma_start3A_368 : memref<128xi32, #tpu.memory_space<vmem>>) semaphore(%arg16 : memref<!tpu.dma_semaphore, #tpu.memory_space<semaphore_mem>>)
    %scan3A_372 = arith.constant 0 : i32
    %scan3A_373 = arith.constant 0 : i32
    %scan3A_374 = arith.constant 128 : i32
    %scan3A_375 = arith.addi %scan3A_373, %scan3A_374 : i32
    %scan3A_376 = arith.constant 1 : i32
    %scan3A_377 = scf.for %scan3A_580 = %scan3A_373 to %scan3A_375 step %scan3A_376 iter_args(%scan3A_581 = %scan3A_372) -> (i32)  : i32 {
      %get3A = arith.index_cast %scan3A_580 : i32 to index
      %get3A_582 = arith.constant 0 : index
      %get3A_583 = tpu.vector_load %arg6[%get3A, %get3A_582] {strides = array<i32>} : memref<128x128xf32, #tpu.memory_space<vmem>>, vector<1x16xf32>,
      %get3A_584 = vector.shape_cast %get3A_583 : vector<1x16xf32> to vector<16xf32>
      %mul3A_585 = arith.constant 11.3137083 : f32
      %mul3A_586 = vector.broadcast %mul3A_585 : f32 to vector<16xf32>
      %mul3A_587 = arith.mulf %get3A_584, %mul3A_586 : vector<16xf32>
      %swap3A = arith.index_cast %scan3A_580 : i32 to index
      %swap3A_588 = arith.constant 0 : index
      %swap3A_589 = tpu.vector_load %arg6[%swap3A, %swap3A_588] {strides = array<i32>} : memref<128x128xf32, #tpu.memory_space<vmem>>, vector<1x16xf32>,
      %swap3A_590 = vector.shape_cast %swap3A_589 : vector<1x16xf32> to vector<16xf32>
      %swap3A_591 = vector.shape_cast %mul3A_587 : vector<16xf32> to vector<1x16xf32>
      tpu.vector_store %arg6[%swap3A, %swap3A_588], %swap3A_591 {strides = array<i32>} : memref<128x128xf32, #tpu.memory_space<vmem>>, vector<1x16xf32>,
      %get3A_592 = arith.index_cast %scan3A_580 : i32 to index
      %get3A_593 = arith.constant 16 : index
      %get3A_594 = tpu.vector_load %arg6[%get3A_592, %get3A_593] {strides = array<i32>} : memref<128x128xf32, #tpu.memory_space<vmem>>, vector<1x16xf32>,
      %get3A_595 = vector.shape_cast %get3A_594 : vector<1x16xf32> to vector<16xf32>
      %mul3A_596 = arith.constant 11.3137083 : f32
      %mul3A_597 = vector.broadcast %mul3A_596 : f32 to vector<16xf32>
      %mul3A_598 = arith.mulf %get3A_595, %mul3A_597 : vector<16xf32>
      %swap3A_599 = arith.index_cast %scan3A_580 : i32 to index
      %swap3A_600 = arith.constant 16 : index
      %swap3A_601 = tpu.vector_load %arg6[%swap3A_599, %swap3A_600] {strides = array<i32>} : memref<128x128xf32, #tpu.memory_space<vmem>>, vector<1x16xf32>,
      %swap3A_602 = vector.shape_cast %swap3A_601 : vector<1x16xf32> to vector<16xf32>
      %swap3A_603 = vector.shape_cast %mul3A_598 : vector<16xf32> to vector<1x16xf32>
      tpu.vector_store %arg6[%swap3A_599, %swap3A_600], %swap3A_603 {strides = array<i32>} : memref<128x128xf32, #tpu.memory_space<vmem>>, vector<1x16xf32>,
      %get3A_604 = arith.index_cast %scan3A_580 : i32 to index
      %get3A_605 = arith.constant 32 : index
      %get3A_606 = tpu.vector_load %arg6[%get3A_604, %get3A_605] {strides = array<i32>} : memref<128x128xf32, #tpu.memory_space<vmem>>, vector<1x16xf32>,
      %get3A_607 = vector.shape_cast %get3A_606 : vector<1x16xf32> to vector<16xf32>
      %mul3A_608 = arith.constant 11.3137083 : f32
      %mul3A_609 = vector.broadcast %mul3A_608 : f32 to vector<16xf32>
      %mul3A_610 = arith.mulf %get3A_607, %mul3A_609 : vector<16xf32>
      %swap3A_611 = arith.index_cast %scan3A_580 : i32 to index
      %swap3A_612 = arith.constant 32 : index
      %swap3A_613 = tpu.vector_load %arg6[%swap3A_611, %swap3A_612] {strides = array<i32>} : memref<128x128xf32, #tpu.memory_space<vmem>>, vector<1x16xf32>,
      %swap3A_614 = vector.shape_cast %swap3A_613 : vector<1x16xf32> to vector<16xf32>
      %swap3A_615 = vector.shape_cast %mul3A_610 : vector<16xf32> to vector<1x16xf32>
      tpu.vector_store %arg6[%swap3A_611, %swap3A_612], %swap3A_615 {strides = array<i32>} : memref<128x128xf32, #tpu.memory_space<vmem>>, vector<1x16xf32>,
      %get3A_616 = arith.index_cast %scan3A_580 : i32 to index
      %get3A_617 = arith.constant 48 : index
      %get3A_618 = tpu.vector_load %arg6[%get3A_616, %get3A_617] {strides = array<i32>} : memref<128x128xf32, #tpu.memory_space<vmem>>, vector<1x16xf32>,
      %get3A_619 = vector.shape_cast %get3A_618 : vector<1x16xf32> to vector<16xf32>
      %mul3A_620 = arith.constant 11.3137083 : f32
      %mul3A_621 = vector.broadcast %mul3A_620 : f32 to vector<16xf32>
      %mul3A_622 = arith.mulf %get3A_619, %mul3A_621 : vector<16xf32>
      %swap3A_623 = arith.index_cast %scan3A_580 : i32 to index
      %swap3A_624 = arith.constant 48 : index
      %swap3A_625 = tpu.vector_load %arg6[%swap3A_623, %swap3A_624] {strides = array<i32>} : memref<128x128xf32, #tpu.memory_space<vmem>>, vector<1x16xf32>,
      %swap3A_626 = vector.shape_cast %swap3A_625 : vector<1x16xf32> to vector<16xf32>
      %swap3A_627 = vector.shape_cast %mul3A_622 : vector<16xf32> to vector<1x16xf32>
      tpu.vector_store %arg6[%swap3A_623, %swap3A_624], %swap3A_627 {strides = array<i32>} : memref<128x128xf32, #tpu.memory_space<vmem>>, vector<1x16xf32>,
      %get3A_628 = arith.index_cast %scan3A_580 : i32 to index
      %get3A_629 = arith.constant 64 : index
      %get3A_630 = tpu.vector_load %arg6[%get3A_628, %get3A_629] {strides = array<i32>} : memref<128x128xf32, #tpu.memory_space<vmem>>, vector<1x16xf32>,
      %get3A_631 = vector.shape_cast %get3A_630 : vector<1x16xf32> to vector<16xf32>
      %mul3A_632 = arith.constant 11.3137083 : f32
      %mul3A_633 = vector.broadcast %mul3A_632 : f32 to vector<16xf32>
      %mul3A_634 = arith.mulf %get3A_631, %mul3A_633 : vector<16xf32>
      %swap3A_635 = arith.index_cast %scan3A_580 : i32 to index
      %swap3A_636 = arith.constant 64 : index
      %swap3A_637 = tpu.vector_load %arg6[%swap3A_635, %swap3A_636] {strides = array<i32>} : memref<128x128xf32, #tpu.memory_space<vmem>>, vector<1x16xf32>,
      %swap3A_638 = vector.shape_cast %swap3A_637 : vector<1x16xf32> to vector<16xf32>
      %swap3A_639 = vector.shape_cast %mul3A_634 : vector<16xf32> to vector<1x16xf32>
      tpu.vector_store %arg6[%swap3A_635, %swap3A_636], %swap3A_639 {strides = array<i32>} : memref<128x128xf32, #tpu.memory_space<vmem>>, vector<1x16xf32>,
      %get3A_640 = arith.index_cast %scan3A_580 : i32 to index
      %get3A_641 = arith.constant 80 : index
      %get3A_642 = tpu.vector_load %arg6[%get3A_640, %get3A_641] {strides = array<i32>} : memref<128x128xf32, #tpu.memory_space<vmem>>, vector<1x16xf32>,
      %get3A_643 = vector.shape_cast %get3A_642 : vector<1x16xf32> to vector<16xf32>
      %mul3A_644 = arith.constant 11.3137083 : f32
      %mul3A_645 = vector.broadcast %mul3A_644 : f32 to vector<16xf32>
      %mul3A_646 = arith.mulf %get3A_643, %mul3A_645 : vector<16xf32>
      %swap3A_647 = arith.index_cast %scan3A_580 : i32 to index
      %swap3A_648 = arith.constant 80 : index
      %swap3A_649 = tpu.vector_load %arg6[%swap3A_647, %swap3A_648] {strides = array<i32>} : memref<128x128xf32, #tpu.memory_space<vmem>>, vector<1x16xf32>,
      %swap3A_650 = vector.shape_cast %swap3A_649 : vector<1x16xf32> to vector<16xf32>
      %swap3A_651 = vector.shape_cast %mul3A_646 : vector<16xf32> to vector<1x16xf32>
      tpu.vector_store %arg6[%swap3A_647, %swap3A_648], %swap3A_651 {strides = array<i32>} : memref<128x128xf32, #tpu.memory_space<vmem>>, vector<1x16xf32>,
      %get3A_652 = arith.index_cast %scan3A_580 : i32 to index
      %get3A_653 = arith.constant 96 : index
      %get3A_654 = tpu.vector_load %arg6[%get3A_652, %get3A_653] {strides = array<i32>} : memref<128x128xf32, #tpu.memory_space<vmem>>, vector<1x16xf32>,
      %get3A_655 = vector.shape_cast %get3A_654 : vector<1x16xf32> to vector<16xf32>
      %mul3A_656 = arith.constant 11.3137083 : f32
      %mul3A_657 = vector.broadcast %mul3A_656 : f32 to vector<16xf32>
      %mul3A_658 = arith.mulf %get3A_655, %mul3A_657 : vector<16xf32>
      %swap3A_659 = arith.index_cast %scan3A_580 : i32 to index
      %swap3A_660 = arith.constant 96 : index
      %swap3A_661 = tpu.vector_load %arg6[%swap3A_659, %swap3A_660] {strides = array<i32>} : memref<128x128xf32, #tpu.memory_space<vmem>>, vector<1x16xf32>,
      %swap3A_662 = vector.shape_cast %swap3A_661 : vector<1x16xf32> to vector<16xf32>
      %swap3A_663 = vector.shape_cast %mul3A_658 : vector<16xf32> to vector<1x16xf32>
      tpu.vector_store %arg6[%swap3A_659, %swap3A_660], %swap3A_663 {strides = array<i32>} : memref<128x128xf32, #tpu.memory_space<vmem>>, vector<1x16xf32>,
      %get3A_664 = arith.index_cast %scan3A_580 : i32 to index
      %get3A_665 = arith.constant 112 : index
      %get3A_666 = tpu.vector_load %arg6[%get3A_664, %get3A_665] {strides = array<i32>} : memref<128x128xf32, #tpu.memory_space<vmem>>, vector<1x16xf32>,
      %get3A_667 = vector.shape_cast %get3A_666 : vector<1x16xf32> to vector<16xf32>
      %mul3A_668 = arith.constant 11.3137083 : f32
      %mul3A_669 = vector.broadcast %mul3A_668 : f32 to vector<16xf32>
      %mul3A_670 = arith.mulf %get3A_667, %mul3A_669 : vector<16xf32>
      %swap3A_671 = arith.index_cast %scan3A_580 : i32 to index
      %swap3A_672 = arith.constant 112 : index
      %swap3A_673 = tpu.vector_load %arg6[%swap3A_671, %swap3A_672] {strides = array<i32>} : memref<128x128xf32, #tpu.memory_space<vmem>>, vector<1x16xf32>,
      %swap3A_674 = vector.shape_cast %swap3A_673 : vector<1x16xf32> to vector<16xf32>
      %swap3A_675 = vector.shape_cast %mul3A_670 : vector<16xf32> to vector<1x16xf32>
      tpu.vector_store %arg6[%swap3A_671, %swap3A_672], %swap3A_675 {strides = array<i32>} : memref<128x128xf32, #tpu.memory_space<vmem>>, vector<1x16xf32>,
      %scan3A_676 = arith.constant 0 : i32
      scf.yield %scan3A_676 : i32
    }
    %scan3A_378 = arith.constant 128 : i32
    %add3A_379 = arith.constant 1536 : i32
    %add3A_380 = arith.addi %mul3A_2, %add3A_379 : i32
    %dma_start3A_381 = arith.constant 0 : i32
    %dma_start3A_382 = tpu.memref_slice %arg4[%add3A_380, %dma_start3A_381] : memref<81920x128xf32, #tpu.memory_space<hbm>> -> memref<128x128xf32, #tpu.memory_space<hbm>>
    %dma_start3A_383 = arith.constant 0 : i32
    %dma_start3A_384 = tpu.memref_slice %arg4[%add3A_380, %dma_start3A_383] : memref<81920x128xf32, #tpu.memory_space<hbm>> -> memref<128x128xf32, #tpu.memory_space<hbm>>
    tpu.enqueue_dma source(%arg6 : memref<128x128xf32, #tpu.memory_space<vmem>>) target(%dma_start3A_384 : memref<128x128xf32, #tpu.memory_space<hbm>>) target_semaphore(%arg18 : memref<!tpu.dma_semaphore, #tpu.memory_space<semaphore_mem>>)
    %dma_wait3A_385 = arith.constant 1664 : i32
    %dma_wait3A_386 = tpu.memref_slice %arg5[%dma_wait3A_385] : memref<2560xi32, #tpu.memory_space<vmem>> -> memref<128xi32, #tpu.memory_space<vmem>>
    %dma_wait3A_387 = arith.constant 0 : i32
    %dma_wait3A_388 = arith.constant 0 : i32
    %dma_wait3A_389 = tpu.memref_slice %arg3[%dma_wait3A_387, %dma_wait3A_388] : memref<100000x128xf32, #tpu.memory_space<hbm>> -> memref<100000x128xf32, #tpu.memory_space<hbm>>
    tpu.wait_indirect_dma semaphore(%arg13 : memref<!tpu.dma_semaphore, #tpu.memory_space<semaphore_mem>>) src(%dma_wait3A_389 : memref<100000x128xf32, #tpu.memory_space<hbm>>) dst(%arg7 : memref<128x128xf32, #tpu.memory_space<vmem>>)
    %add3A_390 = arith.constant 1408 : i32
    %add3A_391 = arith.addi %mul3A_2, %add3A_390 : i32
    %dma_wait3A_392 = arith.constant 0 : i32
    %dma_wait3A_393 = tpu.memref_slice %arg4[%add3A_391, %dma_wait3A_392] : memref<81920x128xf32, #tpu.memory_space<hbm>> -> memref<128x128xf32, #tpu.memory_space<hbm>>
    %dma_wait3A_394 = arith.constant 0 : i32
    %dma_wait3A_395 = tpu.memref_slice %arg4[%add3A_391, %dma_wait3A_394] : memref<81920x128xf32, #tpu.memory_space<hbm>> -> memref<128x128xf32, #tpu.memory_space<hbm>>
    tpu.wait_dma2 semaphore(%arg23 : memref<!tpu.dma_semaphore, #tpu.memory_space<semaphore_mem>>) src(%arg11 : memref<128x128xf32, #tpu.memory_space<vmem>>) dst(%dma_wait3A_395 : memref<128x128xf32, #tpu.memory_space<hbm>>)
    %dma_start3A_396 = arith.constant 2176 : i32
    %dma_start3A_397 = tpu.memref_slice %arg5[%dma_start3A_396] : memref<2560xi32, #tpu.memory_space<vmem>> -> memref<128xi32, #tpu.memory_space<vmem>>
    %dma_start3A_398 = arith.constant 0 : i32
    %dma_start3A_399 = arith.constant 0 : i32
    %dma_start3A_400 = tpu.memref_slice %arg3[%dma_start3A_398, %dma_start3A_399] : memref<100000x128xf32, #tpu.memory_space<hbm>> -> memref<100000x128xf32, #tpu.memory_space<hbm>>
    tpu.enqueue_indirect_dma source(%dma_start3A_400 : memref<100000x128xf32, #tpu.memory_space<hbm>>) target(%arg11 : memref<128x128xf32, #tpu.memory_space<vmem>>) offsets(%dma_start3A_397 : memref<128xi32, #tpu.memory_space<vmem>>) semaphore(%arg17 : memref<!tpu.dma_semaphore, #tpu.memory_space<semaphore_mem>>)
    %scan3A_401 = arith.constant 0 : i32
    %scan3A_402 = arith.constant 0 : i32
    %scan3A_403 = arith.constant 128 : i32
    %scan3A_404 = arith.addi %scan3A_402, %scan3A_403 : i32
    %scan3A_405 = arith.constant 1 : i32
    %scan3A_406 = scf.for %scan3A_580 = %scan3A_402 to %scan3A_404 step %scan3A_405 iter_args(%scan3A_581 = %scan3A_401) -> (i32)  : i32 {
      %get3A = arith.index_cast %scan3A_580 : i32 to index
      %get3A_582 = arith.constant 0 : index
      %get3A_583 = tpu.vector_load %arg7[%get3A, %get3A_582] {strides = array<i32>} : memref<128x128xf32, #tpu.memory_space<vmem>>, vector<1x16xf32>,
      %get3A_584 = vector.shape_cast %get3A_583 : vector<1x16xf32> to vector<16xf32>
      %mul3A_585 = arith.constant 11.3137083 : f32
      %mul3A_586 = vector.broadcast %mul3A_585 : f32 to vector<16xf32>
      %mul3A_587 = arith.mulf %get3A_584, %mul3A_586 : vector<16xf32>
      %swap3A = arith.index_cast %scan3A_580 : i32 to index
      %swap3A_588 = arith.constant 0 : index
      %swap3A_589 = tpu.vector_load %arg7[%swap3A, %swap3A_588] {strides = array<i32>} : memref<128x128xf32, #tpu.memory_space<vmem>>, vector<1x16xf32>,
      %swap3A_590 = vector.shape_cast %swap3A_589 : vector<1x16xf32> to vector<16xf32>
      %swap3A_591 = vector.shape_cast %mul3A_587 : vector<16xf32> to vector<1x16xf32>
      tpu.vector_store %arg7[%swap3A, %swap3A_588], %swap3A_591 {strides = array<i32>} : memref<128x128xf32, #tpu.memory_space<vmem>>, vector<1x16xf32>,
      %get3A_592 = arith.index_cast %scan3A_580 : i32 to index
      %get3A_593 = arith.constant 16 : index
      %get3A_594 = tpu.vector_load %arg7[%get3A_592, %get3A_593] {strides = array<i32>} : memref<128x128xf32, #tpu.memory_space<vmem>>, vector<1x16xf32>,
      %get3A_595 = vector.shape_cast %get3A_594 : vector<1x16xf32> to vector<16xf32>
      %mul3A_596 = arith.constant 11.3137083 : f32
      %mul3A_597 = vector.broadcast %mul3A_596 : f32 to vector<16xf32>
      %mul3A_598 = arith.mulf %get3A_595, %mul3A_597 : vector<16xf32>
      %swap3A_599 = arith.index_cast %scan3A_580 : i32 to index
      %swap3A_600 = arith.constant 16 : index
      %swap3A_601 = tpu.vector_load %arg7[%swap3A_599, %swap3A_600] {strides = array<i32>} : memref<128x128xf32, #tpu.memory_space<vmem>>, vector<1x16xf32>,
      %swap3A_602 = vector.shape_cast %swap3A_601 : vector<1x16xf32> to vector<16xf32>
      %swap3A_603 = vector.shape_cast %mul3A_598 : vector<16xf32> to vector<1x16xf32>
      tpu.vector_store %arg7[%swap3A_599, %swap3A_600], %swap3A_603 {strides = array<i32>} : memref<128x128xf32, #tpu.memory_space<vmem>>, vector<1x16xf32>,
      %get3A_604 = arith.index_cast %scan3A_580 : i32 to index
      %get3A_605 = arith.constant 32 : index
      %get3A_606 = tpu.vector_load %arg7[%get3A_604, %get3A_605] {strides = array<i32>} : memref<128x128xf32, #tpu.memory_space<vmem>>, vector<1x16xf32>,
      %get3A_607 = vector.shape_cast %get3A_606 : vector<1x16xf32> to vector<16xf32>
      %mul3A_608 = arith.constant 11.3137083 : f32
      %mul3A_609 = vector.broadcast %mul3A_608 : f32 to vector<16xf32>
      %mul3A_610 = arith.mulf %get3A_607, %mul3A_609 : vector<16xf32>
      %swap3A_611 = arith.index_cast %scan3A_580 : i32 to index
      %swap3A_612 = arith.constant 32 : index
      %swap3A_613 = tpu.vector_load %arg7[%swap3A_611, %swap3A_612] {strides = array<i32>} : memref<128x128xf32, #tpu.memory_space<vmem>>, vector<1x16xf32>,
      %swap3A_614 = vector.shape_cast %swap3A_613 : vector<1x16xf32> to vector<16xf32>
      %swap3A_615 = vector.shape_cast %mul3A_610 : vector<16xf32> to vector<1x16xf32>
      tpu.vector_store %arg7[%swap3A_611, %swap3A_612], %swap3A_615 {strides = array<i32>} : memref<128x128xf32, #tpu.memory_space<vmem>>, vector<1x16xf32>,
      %get3A_616 = arith.index_cast %scan3A_580 : i32 to index
      %get3A_617 = arith.constant 48 : index
      %get3A_618 = tpu.vector_load %arg7[%get3A_616, %get3A_617] {strides = array<i32>} : memref<128x128xf32, #tpu.memory_space<vmem>>, vector<1x16xf32>,
      %get3A_619 = vector.shape_cast %get3A_618 : vector<1x16xf32> to vector<16xf32>
      %mul3A_620 = arith.constant 11.3137083 : f32
      %mul3A_621 = vector.broadcast %mul3A_620 : f32 to vector<16xf32>
      %mul3A_622 = arith.mulf %get3A_619, %mul3A_621 : vector<16xf32>
      %swap3A_623 = arith.index_cast %scan3A_580 : i32 to index
      %swap3A_624 = arith.constant 48 : index
      %swap3A_625 = tpu.vector_load %arg7[%swap3A_623, %swap3A_624] {strides = array<i32>} : memref<128x128xf32, #tpu.memory_space<vmem>>, vector<1x16xf32>,
      %swap3A_626 = vector.shape_cast %swap3A_625 : vector<1x16xf32> to vector<16xf32>
      %swap3A_627 = vector.shape_cast %mul3A_622 : vector<16xf32> to vector<1x16xf32>
      tpu.vector_store %arg7[%swap3A_623, %swap3A_624], %swap3A_627 {strides = array<i32>} : memref<128x128xf32, #tpu.memory_space<vmem>>, vector<1x16xf32>,
      %get3A_628 = arith.index_cast %scan3A_580 : i32 to index
      %get3A_629 = arith.constant 64 : index
      %get3A_630 = tpu.vector_load %arg7[%get3A_628, %get3A_629] {strides = array<i32>} : memref<128x128xf32, #tpu.memory_space<vmem>>, vector<1x16xf32>,
      %get3A_631 = vector.shape_cast %get3A_630 : vector<1x16xf32> to vector<16xf32>
      %mul3A_632 = arith.constant 11.3137083 : f32
      %mul3A_633 = vector.broadcast %mul3A_632 : f32 to vector<16xf32>
      %mul3A_634 = arith.mulf %get3A_631, %mul3A_633 : vector<16xf32>
      %swap3A_635 = arith.index_cast %scan3A_580 : i32 to index
      %swap3A_636 = arith.constant 64 : index
      %swap3A_637 = tpu.vector_load %arg7[%swap3A_635, %swap3A_636] {strides = array<i32>} : memref<128x128xf32, #tpu.memory_space<vmem>>, vector<1x16xf32>,
      %swap3A_638 = vector.shape_cast %swap3A_637 : vector<1x16xf32> to vector<16xf32>
      %swap3A_639 = vector.shape_cast %mul3A_634 : vector<16xf32> to vector<1x16xf32>
      tpu.vector_store %arg7[%swap3A_635, %swap3A_636], %swap3A_639 {strides = array<i32>} : memref<128x128xf32, #tpu.memory_space<vmem>>, vector<1x16xf32>,
      %get3A_640 = arith.index_cast %scan3A_580 : i32 to index
      %get3A_641 = arith.constant 80 : index
      %get3A_642 = tpu.vector_load %arg7[%get3A_640, %get3A_641] {strides = array<i32>} : memref<128x128xf32, #tpu.memory_space<vmem>>, vector<1x16xf32>,
      %get3A_643 = vector.shape_cast %get3A_642 : vector<1x16xf32> to vector<16xf32>
      %mul3A_644 = arith.constant 11.3137083 : f32
      %mul3A_645 = vector.broadcast %mul3A_644 : f32 to vector<16xf32>
      %mul3A_646 = arith.mulf %get3A_643, %mul3A_645 : vector<16xf32>
      %swap3A_647 = arith.index_cast %scan3A_580 : i32 to index
      %swap3A_648 = arith.constant 80 : index
      %swap3A_649 = tpu.vector_load %arg7[%swap3A_647, %swap3A_648] {strides = array<i32>} : memref<128x128xf32, #tpu.memory_space<vmem>>, vector<1x16xf32>,
      %swap3A_650 = vector.shape_cast %swap3A_649 : vector<1x16xf32> to vector<16xf32>
      %swap3A_651 = vector.shape_cast %mul3A_646 : vector<16xf32> to vector<1x16xf32>
      tpu.vector_store %arg7[%swap3A_647, %swap3A_648], %swap3A_651 {strides = array<i32>} : memref<128x128xf32, #tpu.memory_space<vmem>>, vector<1x16xf32>,
      %get3A_652 = arith.index_cast %scan3A_580 : i32 to index
      %get3A_653 = arith.constant 96 : index
      %get3A_654 = tpu.vector_load %arg7[%get3A_652, %get3A_653] {strides = array<i32>} : memref<128x128xf32, #tpu.memory_space<vmem>>, vector<1x16xf32>,
      %get3A_655 = vector.shape_cast %get3A_654 : vector<1x16xf32> to vector<16xf32>
      %mul3A_656 = arith.constant 11.3137083 : f32
      %mul3A_657 = vector.broadcast %mul3A_656 : f32 to vector<16xf32>
      %mul3A_658 = arith.mulf %get3A_655, %mul3A_657 : vector<16xf32>
      %swap3A_659 = arith.index_cast %scan3A_580 : i32 to index
      %swap3A_660 = arith.constant 96 : index
      %swap3A_661 = tpu.vector_load %arg7[%swap3A_659, %swap3A_660] {strides = array<i32>} : memref<128x128xf32, #tpu.memory_space<vmem>>, vector<1x16xf32>,
      %swap3A_662 = vector.shape_cast %swap3A_661 : vector<1x16xf32> to vector<16xf32>
      %swap3A_663 = vector.shape_cast %mul3A_658 : vector<16xf32> to vector<1x16xf32>
      tpu.vector_store %arg7[%swap3A_659, %swap3A_660], %swap3A_663 {strides = array<i32>} : memref<128x128xf32, #tpu.memory_space<vmem>>, vector<1x16xf32>,
      %get3A_664 = arith.index_cast %scan3A_580 : i32 to index
      %get3A_665 = arith.constant 112 : index
      %get3A_666 = tpu.vector_load %arg7[%get3A_664, %get3A_665] {strides = array<i32>} : memref<128x128xf32, #tpu.memory_space<vmem>>, vector<1x16xf32>,
      %get3A_667 = vector.shape_cast %get3A_666 : vector<1x16xf32> to vector<16xf32>
      %mul3A_668 = arith.constant 11.3137083 : f32
      %mul3A_669 = vector.broadcast %mul3A_668 : f32 to vector<16xf32>
      %mul3A_670 = arith.mulf %get3A_667, %mul3A_669 : vector<16xf32>
      %swap3A_671 = arith.index_cast %scan3A_580 : i32 to index
      %swap3A_672 = arith.constant 112 : index
      %swap3A_673 = tpu.vector_load %arg7[%swap3A_671, %swap3A_672] {strides = array<i32>} : memref<128x128xf32, #tpu.memory_space<vmem>>, vector<1x16xf32>,
      %swap3A_674 = vector.shape_cast %swap3A_673 : vector<1x16xf32> to vector<16xf32>
      %swap3A_675 = vector.shape_cast %mul3A_670 : vector<16xf32> to vector<1x16xf32>
      tpu.vector_store %arg7[%swap3A_671, %swap3A_672], %swap3A_675 {strides = array<i32>} : memref<128x128xf32, #tpu.memory_space<vmem>>, vector<1x16xf32>,
      %scan3A_676 = arith.constant 0 : i32
      scf.yield %scan3A_676 : i32
    }
    %scan3A_407 = arith.constant 128 : i32
    %add3A_408 = arith.constant 1664 : i32
    %add3A_409 = arith.addi %mul3A_2, %add3A_408 : i32
    %dma_start3A_410 = arith.constant 0 : i32
    %dma_start3A_411 = tpu.memref_slice %arg4[%add3A_409, %dma_start3A_410] : memref<81920x128xf32, #tpu.memory_space<hbm>> -> memref<128x128xf32, #tpu.memory_space<hbm>>
    %dma_start3A_412 = arith.constant 0 : i32
    %dma_start3A_413 = tpu.memref_slice %arg4[%add3A_409, %dma_start3A_412] : memref<81920x128xf32, #tpu.memory_space<hbm>> -> memref<128x128xf32, #tpu.memory_space<hbm>>
    tpu.enqueue_dma source(%arg7 : memref<128x128xf32, #tpu.memory_space<vmem>>) target(%dma_start3A_413 : memref<128x128xf32, #tpu.memory_space<hbm>>) target_semaphore(%arg19 : memref<!tpu.dma_semaphore, #tpu.memory_space<semaphore_mem>>)
    %dma_wait3A_414 = arith.constant 1792 : i32
    %dma_wait3A_415 = tpu.memref_slice %arg5[%dma_wait3A_414] : memref<2560xi32, #tpu.memory_space<vmem>> -> memref<128xi32, #tpu.memory_space<vmem>>
    %dma_wait3A_416 = arith.constant 0 : i32
    %dma_wait3A_417 = arith.constant 0 : i32
    %dma_wait3A_418 = tpu.memref_slice %arg3[%dma_wait3A_416, %dma_wait3A_417] : memref<100000x128xf32, #tpu.memory_space<hbm>> -> memref<100000x128xf32, #tpu.memory_space<hbm>>
    tpu.wait_indirect_dma semaphore(%arg14 : memref<!tpu.dma_semaphore, #tpu.memory_space<semaphore_mem>>) src(%dma_wait3A_418 : memref<100000x128xf32, #tpu.memory_space<hbm>>) dst(%arg8 : memref<128x128xf32, #tpu.memory_space<vmem>>)
    %add3A_419 = arith.constant 1536 : i32
    %add3A_420 = arith.addi %mul3A_2, %add3A_419 : i32
    %dma_wait3A_421 = arith.constant 0 : i32
    %dma_wait3A_422 = tpu.memref_slice %arg4[%add3A_420, %dma_wait3A_421] : memref<81920x128xf32, #tpu.memory_space<hbm>> -> memref<128x128xf32, #tpu.memory_space<hbm>>
    %dma_wait3A_423 = arith.constant 0 : i32
    %dma_wait3A_424 = tpu.memref_slice %arg4[%add3A_420, %dma_wait3A_423] : memref<81920x128xf32, #tpu.memory_space<hbm>> -> memref<128x128xf32, #tpu.memory_space<hbm>>
    tpu.wait_dma2 semaphore(%arg18 : memref<!tpu.dma_semaphore, #tpu.memory_space<semaphore_mem>>) src(%arg6 : memref<128x128xf32, #tpu.memory_space<vmem>>) dst(%dma_wait3A_424 : memref<128x128xf32, #tpu.memory_space<hbm>>)
    %dma_start3A_425 = arith.constant 2304 : i32
    %dma_start3A_426 = tpu.memref_slice %arg5[%dma_start3A_425] : memref<2560xi32, #tpu.memory_space<vmem>> -> memref<128xi32, #tpu.memory_space<vmem>>
    %dma_start3A_427 = arith.constant 0 : i32
    %dma_start3A_428 = arith.constant 0 : i32
    %dma_start3A_429 = tpu.memref_slice %arg3[%dma_start3A_427, %dma_start3A_428] : memref<100000x128xf32, #tpu.memory_space<hbm>> -> memref<100000x128xf32, #tpu.memory_space<hbm>>
    tpu.enqueue_indirect_dma source(%dma_start3A_429 : memref<100000x128xf32, #tpu.memory_space<hbm>>) target(%arg6 : memref<128x128xf32, #tpu.memory_space<vmem>>) offsets(%dma_start3A_426 : memref<128xi32, #tpu.memory_space<vmem>>) semaphore(%arg12 : memref<!tpu.dma_semaphore, #tpu.memory_space<semaphore_mem>>)
    %scan3A_430 = arith.constant 0 : i32
    %scan3A_431 = arith.constant 0 : i32
    %scan3A_432 = arith.constant 128 : i32
    %scan3A_433 = arith.addi %scan3A_431, %scan3A_432 : i32
    %scan3A_434 = arith.constant 1 : i32
    %scan3A_435 = scf.for %scan3A_580 = %scan3A_431 to %scan3A_433 step %scan3A_434 iter_args(%scan3A_581 = %scan3A_430) -> (i32)  : i32 {
      %get3A = arith.index_cast %scan3A_580 : i32 to index
      %get3A_582 = arith.constant 0 : index
      %get3A_583 = tpu.vector_load %arg8[%get3A, %get3A_582] {strides = array<i32>} : memref<128x128xf32, #tpu.memory_space<vmem>>, vector<1x16xf32>,
      %get3A_584 = vector.shape_cast %get3A_583 : vector<1x16xf32> to vector<16xf32>
      %mul3A_585 = arith.constant 11.3137083 : f32
      %mul3A_586 = vector.broadcast %mul3A_585 : f32 to vector<16xf32>
      %mul3A_587 = arith.mulf %get3A_584, %mul3A_586 : vector<16xf32>
      %swap3A = arith.index_cast %scan3A_580 : i32 to index
      %swap3A_588 = arith.constant 0 : index
      %swap3A_589 = tpu.vector_load %arg8[%swap3A, %swap3A_588] {strides = array<i32>} : memref<128x128xf32, #tpu.memory_space<vmem>>, vector<1x16xf32>,
      %swap3A_590 = vector.shape_cast %swap3A_589 : vector<1x16xf32> to vector<16xf32>
      %swap3A_591 = vector.shape_cast %mul3A_587 : vector<16xf32> to vector<1x16xf32>
      tpu.vector_store %arg8[%swap3A, %swap3A_588], %swap3A_591 {strides = array<i32>} : memref<128x128xf32, #tpu.memory_space<vmem>>, vector<1x16xf32>,
      %get3A_592 = arith.index_cast %scan3A_580 : i32 to index
      %get3A_593 = arith.constant 16 : index
      %get3A_594 = tpu.vector_load %arg8[%get3A_592, %get3A_593] {strides = array<i32>} : memref<128x128xf32, #tpu.memory_space<vmem>>, vector<1x16xf32>,
      %get3A_595 = vector.shape_cast %get3A_594 : vector<1x16xf32> to vector<16xf32>
      %mul3A_596 = arith.constant 11.3137083 : f32
      %mul3A_597 = vector.broadcast %mul3A_596 : f32 to vector<16xf32>
      %mul3A_598 = arith.mulf %get3A_595, %mul3A_597 : vector<16xf32>
      %swap3A_599 = arith.index_cast %scan3A_580 : i32 to index
      %swap3A_600 = arith.constant 16 : index
      %swap3A_601 = tpu.vector_load %arg8[%swap3A_599, %swap3A_600] {strides = array<i32>} : memref<128x128xf32, #tpu.memory_space<vmem>>, vector<1x16xf32>,
      %swap3A_602 = vector.shape_cast %swap3A_601 : vector<1x16xf32> to vector<16xf32>
      %swap3A_603 = vector.shape_cast %mul3A_598 : vector<16xf32> to vector<1x16xf32>
      tpu.vector_store %arg8[%swap3A_599, %swap3A_600], %swap3A_603 {strides = array<i32>} : memref<128x128xf32, #tpu.memory_space<vmem>>, vector<1x16xf32>,
      %get3A_604 = arith.index_cast %scan3A_580 : i32 to index
      %get3A_605 = arith.constant 32 : index
      %get3A_606 = tpu.vector_load %arg8[%get3A_604, %get3A_605] {strides = array<i32>} : memref<128x128xf32, #tpu.memory_space<vmem>>, vector<1x16xf32>,
      %get3A_607 = vector.shape_cast %get3A_606 : vector<1x16xf32> to vector<16xf32>
      %mul3A_608 = arith.constant 11.3137083 : f32
      %mul3A_609 = vector.broadcast %mul3A_608 : f32 to vector<16xf32>
      %mul3A_610 = arith.mulf %get3A_607, %mul3A_609 : vector<16xf32>
      %swap3A_611 = arith.index_cast %scan3A_580 : i32 to index
      %swap3A_612 = arith.constant 32 : index
      %swap3A_613 = tpu.vector_load %arg8[%swap3A_611, %swap3A_612] {strides = array<i32>} : memref<128x128xf32, #tpu.memory_space<vmem>>, vector<1x16xf32>,
      %swap3A_614 = vector.shape_cast %swap3A_613 : vector<1x16xf32> to vector<16xf32>
      %swap3A_615 = vector.shape_cast %mul3A_610 : vector<16xf32> to vector<1x16xf32>
      tpu.vector_store %arg8[%swap3A_611, %swap3A_612], %swap3A_615 {strides = array<i32>} : memref<128x128xf32, #tpu.memory_space<vmem>>, vector<1x16xf32>,
      %get3A_616 = arith.index_cast %scan3A_580 : i32 to index
      %get3A_617 = arith.constant 48 : index
      %get3A_618 = tpu.vector_load %arg8[%get3A_616, %get3A_617] {strides = array<i32>} : memref<128x128xf32, #tpu.memory_space<vmem>>, vector<1x16xf32>,
      %get3A_619 = vector.shape_cast %get3A_618 : vector<1x16xf32> to vector<16xf32>
      %mul3A_620 = arith.constant 11.3137083 : f32
      %mul3A_621 = vector.broadcast %mul3A_620 : f32 to vector<16xf32>
      %mul3A_622 = arith.mulf %get3A_619, %mul3A_621 : vector<16xf32>
      %swap3A_623 = arith.index_cast %scan3A_580 : i32 to index
      %swap3A_624 = arith.constant 48 : index
      %swap3A_625 = tpu.vector_load %arg8[%swap3A_623, %swap3A_624] {strides = array<i32>} : memref<128x128xf32, #tpu.memory_space<vmem>>, vector<1x16xf32>,
      %swap3A_626 = vector.shape_cast %swap3A_625 : vector<1x16xf32> to vector<16xf32>
      %swap3A_627 = vector.shape_cast %mul3A_622 : vector<16xf32> to vector<1x16xf32>
      tpu.vector_store %arg8[%swap3A_623, %swap3A_624], %swap3A_627 {strides = array<i32>} : memref<128x128xf32, #tpu.memory_space<vmem>>, vector<1x16xf32>,
      %get3A_628 = arith.index_cast %scan3A_580 : i32 to index
      %get3A_629 = arith.constant 64 : index
      %get3A_630 = tpu.vector_load %arg8[%get3A_628, %get3A_629] {strides = array<i32>} : memref<128x128xf32, #tpu.memory_space<vmem>>, vector<1x16xf32>,
      %get3A_631 = vector.shape_cast %get3A_630 : vector<1x16xf32> to vector<16xf32>
      %mul3A_632 = arith.constant 11.3137083 : f32
      %mul3A_633 = vector.broadcast %mul3A_632 : f32 to vector<16xf32>
      %mul3A_634 = arith.mulf %get3A_631, %mul3A_633 : vector<16xf32>
      %swap3A_635 = arith.index_cast %scan3A_580 : i32 to index
      %swap3A_636 = arith.constant 64 : index
      %swap3A_637 = tpu.vector_load %arg8[%swap3A_635, %swap3A_636] {strides = array<i32>} : memref<128x128xf32, #tpu.memory_space<vmem>>, vector<1x16xf32>,
      %swap3A_638 = vector.shape_cast %swap3A_637 : vector<1x16xf32> to vector<16xf32>
      %swap3A_639 = vector.shape_cast %mul3A_634 : vector<16xf32> to vector<1x16xf32>
      tpu.vector_store %arg8[%swap3A_635, %swap3A_636], %swap3A_639 {strides = array<i32>} : memref<128x128xf32, #tpu.memory_space<vmem>>, vector<1x16xf32>,
      %get3A_640 = arith.index_cast %scan3A_580 : i32 to index
      %get3A_641 = arith.constant 80 : index
      %get3A_642 = tpu.vector_load %arg8[%get3A_640, %get3A_641] {strides = array<i32>} : memref<128x128xf32, #tpu.memory_space<vmem>>, vector<1x16xf32>,
      %get3A_643 = vector.shape_cast %get3A_642 : vector<1x16xf32> to vector<16xf32>
      %mul3A_644 = arith.constant 11.3137083 : f32
      %mul3A_645 = vector.broadcast %mul3A_644 : f32 to vector<16xf32>
      %mul3A_646 = arith.mulf %get3A_643, %mul3A_645 : vector<16xf32>
      %swap3A_647 = arith.index_cast %scan3A_580 : i32 to index
      %swap3A_648 = arith.constant 80 : index
      %swap3A_649 = tpu.vector_load %arg8[%swap3A_647, %swap3A_648] {strides = array<i32>} : memref<128x128xf32, #tpu.memory_space<vmem>>, vector<1x16xf32>,
      %swap3A_650 = vector.shape_cast %swap3A_649 : vector<1x16xf32> to vector<16xf32>
      %swap3A_651 = vector.shape_cast %mul3A_646 : vector<16xf32> to vector<1x16xf32>
      tpu.vector_store %arg8[%swap3A_647, %swap3A_648], %swap3A_651 {strides = array<i32>} : memref<128x128xf32, #tpu.memory_space<vmem>>, vector<1x16xf32>,
      %get3A_652 = arith.index_cast %scan3A_580 : i32 to index
      %get3A_653 = arith.constant 96 : index
      %get3A_654 = tpu.vector_load %arg8[%get3A_652, %get3A_653] {strides = array<i32>} : memref<128x128xf32, #tpu.memory_space<vmem>>, vector<1x16xf32>,
      %get3A_655 = vector.shape_cast %get3A_654 : vector<1x16xf32> to vector<16xf32>
      %mul3A_656 = arith.constant 11.3137083 : f32
      %mul3A_657 = vector.broadcast %mul3A_656 : f32 to vector<16xf32>
      %mul3A_658 = arith.mulf %get3A_655, %mul3A_657 : vector<16xf32>
      %swap3A_659 = arith.index_cast %scan3A_580 : i32 to index
      %swap3A_660 = arith.constant 96 : index
      %swap3A_661 = tpu.vector_load %arg8[%swap3A_659, %swap3A_660] {strides = array<i32>} : memref<128x128xf32, #tpu.memory_space<vmem>>, vector<1x16xf32>,
      %swap3A_662 = vector.shape_cast %swap3A_661 : vector<1x16xf32> to vector<16xf32>
      %swap3A_663 = vector.shape_cast %mul3A_658 : vector<16xf32> to vector<1x16xf32>
      tpu.vector_store %arg8[%swap3A_659, %swap3A_660], %swap3A_663 {strides = array<i32>} : memref<128x128xf32, #tpu.memory_space<vmem>>, vector<1x16xf32>,
      %get3A_664 = arith.index_cast %scan3A_580 : i32 to index
      %get3A_665 = arith.constant 112 : index
      %get3A_666 = tpu.vector_load %arg8[%get3A_664, %get3A_665] {strides = array<i32>} : memref<128x128xf32, #tpu.memory_space<vmem>>, vector<1x16xf32>,
      %get3A_667 = vector.shape_cast %get3A_666 : vector<1x16xf32> to vector<16xf32>
      %mul3A_668 = arith.constant 11.3137083 : f32
      %mul3A_669 = vector.broadcast %mul3A_668 : f32 to vector<16xf32>
      %mul3A_670 = arith.mulf %get3A_667, %mul3A_669 : vector<16xf32>
      %swap3A_671 = arith.index_cast %scan3A_580 : i32 to index
      %swap3A_672 = arith.constant 112 : index
      %swap3A_673 = tpu.vector_load %arg8[%swap3A_671, %swap3A_672] {strides = array<i32>} : memref<128x128xf32, #tpu.memory_space<vmem>>, vector<1x16xf32>,
      %swap3A_674 = vector.shape_cast %swap3A_673 : vector<1x16xf32> to vector<16xf32>
      %swap3A_675 = vector.shape_cast %mul3A_670 : vector<16xf32> to vector<1x16xf32>
      tpu.vector_store %arg8[%swap3A_671, %swap3A_672], %swap3A_675 {strides = array<i32>} : memref<128x128xf32, #tpu.memory_space<vmem>>, vector<1x16xf32>,
      %scan3A_676 = arith.constant 0 : i32
      scf.yield %scan3A_676 : i32
    }
    %scan3A_436 = arith.constant 128 : i32
    %add3A_437 = arith.constant 1792 : i32
    %add3A_438 = arith.addi %mul3A_2, %add3A_437 : i32
    %dma_start3A_439 = arith.constant 0 : i32
    %dma_start3A_440 = tpu.memref_slice %arg4[%add3A_438, %dma_start3A_439] : memref<81920x128xf32, #tpu.memory_space<hbm>> -> memref<128x128xf32, #tpu.memory_space<hbm>>
    %dma_start3A_441 = arith.constant 0 : i32
    %dma_start3A_442 = tpu.memref_slice %arg4[%add3A_438, %dma_start3A_441] : memref<81920x128xf32, #tpu.memory_space<hbm>> -> memref<128x128xf32, #tpu.memory_space<hbm>>
    tpu.enqueue_dma source(%arg8 : memref<128x128xf32, #tpu.memory_space<vmem>>) target(%dma_start3A_442 : memref<128x128xf32, #tpu.memory_space<hbm>>) target_semaphore(%arg20 : memref<!tpu.dma_semaphore, #tpu.memory_space<semaphore_mem>>)
    %dma_wait3A_443 = arith.constant 1920 : i32
    %dma_wait3A_444 = tpu.memref_slice %arg5[%dma_wait3A_443] : memref<2560xi32, #tpu.memory_space<vmem>> -> memref<128xi32, #tpu.memory_space<vmem>>
    %dma_wait3A_445 = arith.constant 0 : i32
    %dma_wait3A_446 = arith.constant 0 : i32
    %dma_wait3A_447 = tpu.memref_slice %arg3[%dma_wait3A_445, %dma_wait3A_446] : memref<100000x128xf32, #tpu.memory_space<hbm>> -> memref<100000x128xf32, #tpu.memory_space<hbm>>
    tpu.wait_indirect_dma semaphore(%arg15 : memref<!tpu.dma_semaphore, #tpu.memory_space<semaphore_mem>>) src(%dma_wait3A_447 : memref<100000x128xf32, #tpu.memory_space<hbm>>) dst(%arg9 : memref<128x128xf32, #tpu.memory_space<vmem>>)
    %add3A_448 = arith.constant 1664 : i32
    %add3A_449 = arith.addi %mul3A_2, %add3A_448 : i32
    %dma_wait3A_450 = arith.constant 0 : i32
    %dma_wait3A_451 = tpu.memref_slice %arg4[%add3A_449, %dma_wait3A_450] : memref<81920x128xf32, #tpu.memory_space<hbm>> -> memref<128x128xf32, #tpu.memory_space<hbm>>
    %dma_wait3A_452 = arith.constant 0 : i32
    %dma_wait3A_453 = tpu.memref_slice %arg4[%add3A_449, %dma_wait3A_452] : memref<81920x128xf32, #tpu.memory_space<hbm>> -> memref<128x128xf32, #tpu.memory_space<hbm>>
    tpu.wait_dma2 semaphore(%arg19 : memref<!tpu.dma_semaphore, #tpu.memory_space<semaphore_mem>>) src(%arg7 : memref<128x128xf32, #tpu.memory_space<vmem>>) dst(%dma_wait3A_453 : memref<128x128xf32, #tpu.memory_space<hbm>>)
    %dma_start3A_454 = arith.constant 2432 : i32
    %dma_start3A_455 = tpu.memref_slice %arg5[%dma_start3A_454] : memref<2560xi32, #tpu.memory_space<vmem>> -> memref<128xi32, #tpu.memory_space<vmem>>
    %dma_start3A_456 = arith.constant 0 : i32
    %dma_start3A_457 = arith.constant 0 : i32
    %dma_start3A_458 = tpu.memref_slice %arg3[%dma_start3A_456, %dma_start3A_457] : memref<100000x128xf32, #tpu.memory_space<hbm>> -> memref<100000x128xf32, #tpu.memory_space<hbm>>
    tpu.enqueue_indirect_dma source(%dma_start3A_458 : memref<100000x128xf32, #tpu.memory_space<hbm>>) target(%arg7 : memref<128x128xf32, #tpu.memory_space<vmem>>) offsets(%dma_start3A_455 : memref<128xi32, #tpu.memory_space<vmem>>) semaphore(%arg13 : memref<!tpu.dma_semaphore, #tpu.memory_space<semaphore_mem>>)
    %scan3A_459 = arith.constant 0 : i32
    %scan3A_460 = arith.constant 0 : i32
    %scan3A_461 = arith.constant 128 : i32
    %scan3A_462 = arith.addi %scan3A_460, %scan3A_461 : i32
    %scan3A_463 = arith.constant 1 : i32
    %scan3A_464 = scf.for %scan3A_580 = %scan3A_460 to %scan3A_462 step %scan3A_463 iter_args(%scan3A_581 = %scan3A_459) -> (i32)  : i32 {
      %get3A = arith.index_cast %scan3A_580 : i32 to index
      %get3A_582 = arith.constant 0 : index
      %get3A_583 = tpu.vector_load %arg9[%get3A, %get3A_582] {strides = array<i32>} : memref<128x128xf32, #tpu.memory_space<vmem>>, vector<1x16xf32>,
      %get3A_584 = vector.shape_cast %get3A_583 : vector<1x16xf32> to vector<16xf32>
      %mul3A_585 = arith.constant 11.3137083 : f32
      %mul3A_586 = vector.broadcast %mul3A_585 : f32 to vector<16xf32>
      %mul3A_587 = arith.mulf %get3A_584, %mul3A_586 : vector<16xf32>
      %swap3A = arith.index_cast %scan3A_580 : i32 to index
      %swap3A_588 = arith.constant 0 : index
      %swap3A_589 = tpu.vector_load %arg9[%swap3A, %swap3A_588] {strides = array<i32>} : memref<128x128xf32, #tpu.memory_space<vmem>>, vector<1x16xf32>,
      %swap3A_590 = vector.shape_cast %swap3A_589 : vector<1x16xf32> to vector<16xf32>
      %swap3A_591 = vector.shape_cast %mul3A_587 : vector<16xf32> to vector<1x16xf32>
      tpu.vector_store %arg9[%swap3A, %swap3A_588], %swap3A_591 {strides = array<i32>} : memref<128x128xf32, #tpu.memory_space<vmem>>, vector<1x16xf32>,
      %get3A_592 = arith.index_cast %scan3A_580 : i32 to index
      %get3A_593 = arith.constant 16 : index
      %get3A_594 = tpu.vector_load %arg9[%get3A_592, %get3A_593] {strides = array<i32>} : memref<128x128xf32, #tpu.memory_space<vmem>>, vector<1x16xf32>,
      %get3A_595 = vector.shape_cast %get3A_594 : vector<1x16xf32> to vector<16xf32>
      %mul3A_596 = arith.constant 11.3137083 : f32
      %mul3A_597 = vector.broadcast %mul3A_596 : f32 to vector<16xf32>
      %mul3A_598 = arith.mulf %get3A_595, %mul3A_597 : vector<16xf32>
      %swap3A_599 = arith.index_cast %scan3A_580 : i32 to index
      %swap3A_600 = arith.constant 16 : index
      %swap3A_601 = tpu.vector_load %arg9[%swap3A_599, %swap3A_600] {strides = array<i32>} : memref<128x128xf32, #tpu.memory_space<vmem>>, vector<1x16xf32>,
      %swap3A_602 = vector.shape_cast %swap3A_601 : vector<1x16xf32> to vector<16xf32>
      %swap3A_603 = vector.shape_cast %mul3A_598 : vector<16xf32> to vector<1x16xf32>
      tpu.vector_store %arg9[%swap3A_599, %swap3A_600], %swap3A_603 {strides = array<i32>} : memref<128x128xf32, #tpu.memory_space<vmem>>, vector<1x16xf32>,
      %get3A_604 = arith.index_cast %scan3A_580 : i32 to index
      %get3A_605 = arith.constant 32 : index
      %get3A_606 = tpu.vector_load %arg9[%get3A_604, %get3A_605] {strides = array<i32>} : memref<128x128xf32, #tpu.memory_space<vmem>>, vector<1x16xf32>,
      %get3A_607 = vector.shape_cast %get3A_606 : vector<1x16xf32> to vector<16xf32>
      %mul3A_608 = arith.constant 11.3137083 : f32
      %mul3A_609 = vector.broadcast %mul3A_608 : f32 to vector<16xf32>
      %mul3A_610 = arith.mulf %get3A_607, %mul3A_609 : vector<16xf32>
      %swap3A_611 = arith.index_cast %scan3A_580 : i32 to index
      %swap3A_612 = arith.constant 32 : index
      %swap3A_613 = tpu.vector_load %arg9[%swap3A_611, %swap3A_612] {strides = array<i32>} : memref<128x128xf32, #tpu.memory_space<vmem>>, vector<1x16xf32>,
      %swap3A_614 = vector.shape_cast %swap3A_613 : vector<1x16xf32> to vector<16xf32>
      %swap3A_615 = vector.shape_cast %mul3A_610 : vector<16xf32> to vector<1x16xf32>
      tpu.vector_store %arg9[%swap3A_611, %swap3A_612], %swap3A_615 {strides = array<i32>} : memref<128x128xf32, #tpu.memory_space<vmem>>, vector<1x16xf32>,
      %get3A_616 = arith.index_cast %scan3A_580 : i32 to index
      %get3A_617 = arith.constant 48 : index
      %get3A_618 = tpu.vector_load %arg9[%get3A_616, %get3A_617] {strides = array<i32>} : memref<128x128xf32, #tpu.memory_space<vmem>>, vector<1x16xf32>,
      %get3A_619 = vector.shape_cast %get3A_618 : vector<1x16xf32> to vector<16xf32>
      %mul3A_620 = arith.constant 11.3137083 : f32
      %mul3A_621 = vector.broadcast %mul3A_620 : f32 to vector<16xf32>
      %mul3A_622 = arith.mulf %get3A_619, %mul3A_621 : vector<16xf32>
      %swap3A_623 = arith.index_cast %scan3A_580 : i32 to index
      %swap3A_624 = arith.constant 48 : index
      %swap3A_625 = tpu.vector_load %arg9[%swap3A_623, %swap3A_624] {strides = array<i32>} : memref<128x128xf32, #tpu.memory_space<vmem>>, vector<1x16xf32>,
      %swap3A_626 = vector.shape_cast %swap3A_625 : vector<1x16xf32> to vector<16xf32>
      %swap3A_627 = vector.shape_cast %mul3A_622 : vector<16xf32> to vector<1x16xf32>
      tpu.vector_store %arg9[%swap3A_623, %swap3A_624], %swap3A_627 {strides = array<i32>} : memref<128x128xf32, #tpu.memory_space<vmem>>, vector<1x16xf32>,
      %get3A_628 = arith.index_cast %scan3A_580 : i32 to index
      %get3A_629 = arith.constant 64 : index
      %get3A_630 = tpu.vector_load %arg9[%get3A_628, %get3A_629] {strides = array<i32>} : memref<128x128xf32, #tpu.memory_space<vmem>>, vector<1x16xf32>,
      %get3A_631 = vector.shape_cast %get3A_630 : vector<1x16xf32> to vector<16xf32>
      %mul3A_632 = arith.constant 11.3137083 : f32
      %mul3A_633 = vector.broadcast %mul3A_632 : f32 to vector<16xf32>
      %mul3A_634 = arith.mulf %get3A_631, %mul3A_633 : vector<16xf32>
      %swap3A_635 = arith.index_cast %scan3A_580 : i32 to index
      %swap3A_636 = arith.constant 64 : index
      %swap3A_637 = tpu.vector_load %arg9[%swap3A_635, %swap3A_636] {strides = array<i32>} : memref<128x128xf32, #tpu.memory_space<vmem>>, vector<1x16xf32>,
      %swap3A_638 = vector.shape_cast %swap3A_637 : vector<1x16xf32> to vector<16xf32>
      %swap3A_639 = vector.shape_cast %mul3A_634 : vector<16xf32> to vector<1x16xf32>
      tpu.vector_store %arg9[%swap3A_635, %swap3A_636], %swap3A_639 {strides = array<i32>} : memref<128x128xf32, #tpu.memory_space<vmem>>, vector<1x16xf32>,
      %get3A_640 = arith.index_cast %scan3A_580 : i32 to index
      %get3A_641 = arith.constant 80 : index
      %get3A_642 = tpu.vector_load %arg9[%get3A_640, %get3A_641] {strides = array<i32>} : memref<128x128xf32, #tpu.memory_space<vmem>>, vector<1x16xf32>,
      %get3A_643 = vector.shape_cast %get3A_642 : vector<1x16xf32> to vector<16xf32>
      %mul3A_644 = arith.constant 11.3137083 : f32
      %mul3A_645 = vector.broadcast %mul3A_644 : f32 to vector<16xf32>
      %mul3A_646 = arith.mulf %get3A_643, %mul3A_645 : vector<16xf32>
      %swap3A_647 = arith.index_cast %scan3A_580 : i32 to index
      %swap3A_648 = arith.constant 80 : index
      %swap3A_649 = tpu.vector_load %arg9[%swap3A_647, %swap3A_648] {strides = array<i32>} : memref<128x128xf32, #tpu.memory_space<vmem>>, vector<1x16xf32>,
      %swap3A_650 = vector.shape_cast %swap3A_649 : vector<1x16xf32> to vector<16xf32>
      %swap3A_651 = vector.shape_cast %mul3A_646 : vector<16xf32> to vector<1x16xf32>
      tpu.vector_store %arg9[%swap3A_647, %swap3A_648], %swap3A_651 {strides = array<i32>} : memref<128x128xf32, #tpu.memory_space<vmem>>, vector<1x16xf32>,
      %get3A_652 = arith.index_cast %scan3A_580 : i32 to index
      %get3A_653 = arith.constant 96 : index
      %get3A_654 = tpu.vector_load %arg9[%get3A_652, %get3A_653] {strides = array<i32>} : memref<128x128xf32, #tpu.memory_space<vmem>>, vector<1x16xf32>,
      %get3A_655 = vector.shape_cast %get3A_654 : vector<1x16xf32> to vector<16xf32>
      %mul3A_656 = arith.constant 11.3137083 : f32
      %mul3A_657 = vector.broadcast %mul3A_656 : f32 to vector<16xf32>
      %mul3A_658 = arith.mulf %get3A_655, %mul3A_657 : vector<16xf32>
      %swap3A_659 = arith.index_cast %scan3A_580 : i32 to index
      %swap3A_660 = arith.constant 96 : index
      %swap3A_661 = tpu.vector_load %arg9[%swap3A_659, %swap3A_660] {strides = array<i32>} : memref<128x128xf32, #tpu.memory_space<vmem>>, vector<1x16xf32>,
      %swap3A_662 = vector.shape_cast %swap3A_661 : vector<1x16xf32> to vector<16xf32>
      %swap3A_663 = vector.shape_cast %mul3A_658 : vector<16xf32> to vector<1x16xf32>
      tpu.vector_store %arg9[%swap3A_659, %swap3A_660], %swap3A_663 {strides = array<i32>} : memref<128x128xf32, #tpu.memory_space<vmem>>, vector<1x16xf32>,
      %get3A_664 = arith.index_cast %scan3A_580 : i32 to index
      %get3A_665 = arith.constant 112 : index
      %get3A_666 = tpu.vector_load %arg9[%get3A_664, %get3A_665] {strides = array<i32>} : memref<128x128xf32, #tpu.memory_space<vmem>>, vector<1x16xf32>,
      %get3A_667 = vector.shape_cast %get3A_666 : vector<1x16xf32> to vector<16xf32>
      %mul3A_668 = arith.constant 11.3137083 : f32
      %mul3A_669 = vector.broadcast %mul3A_668 : f32 to vector<16xf32>
      %mul3A_670 = arith.mulf %get3A_667, %mul3A_669 : vector<16xf32>
      %swap3A_671 = arith.index_cast %scan3A_580 : i32 to index
      %swap3A_672 = arith.constant 112 : index
      %swap3A_673 = tpu.vector_load %arg9[%swap3A_671, %swap3A_672] {strides = array<i32>} : memref<128x128xf32, #tpu.memory_space<vmem>>, vector<1x16xf32>,
      %swap3A_674 = vector.shape_cast %swap3A_673 : vector<1x16xf32> to vector<16xf32>
      %swap3A_675 = vector.shape_cast %mul3A_670 : vector<16xf32> to vector<1x16xf32>
      tpu.vector_store %arg9[%swap3A_671, %swap3A_672], %swap3A_675 {strides = array<i32>} : memref<128x128xf32, #tpu.memory_space<vmem>>, vector<1x16xf32>,
      %scan3A_676 = arith.constant 0 : i32
      scf.yield %scan3A_676 : i32
    }
    %scan3A_465 = arith.constant 128 : i32
    %add3A_466 = arith.constant 1920 : i32
    %add3A_467 = arith.addi %mul3A_2, %add3A_466 : i32
    %dma_start3A_468 = arith.constant 0 : i32
    %dma_start3A_469 = tpu.memref_slice %arg4[%add3A_467, %dma_start3A_468] : memref<81920x128xf32, #tpu.memory_space<hbm>> -> memref<128x128xf32, #tpu.memory_space<hbm>>
    %dma_start3A_470 = arith.constant 0 : i32
    %dma_start3A_471 = tpu.memref_slice %arg4[%add3A_467, %dma_start3A_470] : memref<81920x128xf32, #tpu.memory_space<hbm>> -> memref<128x128xf32, #tpu.memory_space<hbm>>
    tpu.enqueue_dma source(%arg9 : memref<128x128xf32, #tpu.memory_space<vmem>>) target(%dma_start3A_471 : memref<128x128xf32, #tpu.memory_space<hbm>>) target_semaphore(%arg21 : memref<!tpu.dma_semaphore, #tpu.memory_space<semaphore_mem>>)
    %dma_wait3A_472 = arith.constant 2048 : i32
    %dma_wait3A_473 = tpu.memref_slice %arg5[%dma_wait3A_472] : memref<2560xi32, #tpu.memory_space<vmem>> -> memref<128xi32, #tpu.memory_space<vmem>>
    %dma_wait3A_474 = arith.constant 0 : i32
    %dma_wait3A_475 = arith.constant 0 : i32
    %dma_wait3A_476 = tpu.memref_slice %arg3[%dma_wait3A_474, %dma_wait3A_475] : memref<100000x128xf32, #tpu.memory_space<hbm>> -> memref<100000x128xf32, #tpu.memory_space<hbm>>
    tpu.wait_indirect_dma semaphore(%arg16 : memref<!tpu.dma_semaphore, #tpu.memory_space<semaphore_mem>>) src(%dma_wait3A_476 : memref<100000x128xf32, #tpu.memory_space<hbm>>) dst(%arg10 : memref<128x128xf32, #tpu.memory_space<vmem>>)
    %scan3A_477 = arith.constant 0 : i32
    %scan3A_478 = arith.constant 0 : i32
    %scan3A_479 = arith.constant 128 : i32
    %scan3A_480 = arith.addi %scan3A_478, %scan3A_479 : i32
    %scan3A_481 = arith.constant 1 : i32
    %scan3A_482 = scf.for %scan3A_580 = %scan3A_478 to %scan3A_480 step %scan3A_481 iter_args(%scan3A_581 = %scan3A_477) -> (i32)  : i32 {
      %get3A = arith.index_cast %scan3A_580 : i32 to index
      %get3A_582 = arith.constant 0 : index
      %get3A_583 = tpu.vector_load %arg10[%get3A, %get3A_582] {strides = array<i32>} : memref<128x128xf32, #tpu.memory_space<vmem>>, vector<1x16xf32>,
      %get3A_584 = vector.shape_cast %get3A_583 : vector<1x16xf32> to vector<16xf32>
      %mul3A_585 = arith.constant 11.3137083 : f32
      %mul3A_586 = vector.broadcast %mul3A_585 : f32 to vector<16xf32>
      %mul3A_587 = arith.mulf %get3A_584, %mul3A_586 : vector<16xf32>
      %swap3A = arith.index_cast %scan3A_580 : i32 to index
      %swap3A_588 = arith.constant 0 : index
      %swap3A_589 = tpu.vector_load %arg10[%swap3A, %swap3A_588] {strides = array<i32>} : memref<128x128xf32, #tpu.memory_space<vmem>>, vector<1x16xf32>,
      %swap3A_590 = vector.shape_cast %swap3A_589 : vector<1x16xf32> to vector<16xf32>
      %swap3A_591 = vector.shape_cast %mul3A_587 : vector<16xf32> to vector<1x16xf32>
      tpu.vector_store %arg10[%swap3A, %swap3A_588], %swap3A_591 {strides = array<i32>} : memref<128x128xf32, #tpu.memory_space<vmem>>, vector<1x16xf32>,
      %get3A_592 = arith.index_cast %scan3A_580 : i32 to index
      %get3A_593 = arith.constant 16 : index
      %get3A_594 = tpu.vector_load %arg10[%get3A_592, %get3A_593] {strides = array<i32>} : memref<128x128xf32, #tpu.memory_space<vmem>>, vector<1x16xf32>,
      %get3A_595 = vector.shape_cast %get3A_594 : vector<1x16xf32> to vector<16xf32>
      %mul3A_596 = arith.constant 11.3137083 : f32
      %mul3A_597 = vector.broadcast %mul3A_596 : f32 to vector<16xf32>
      %mul3A_598 = arith.mulf %get3A_595, %mul3A_597 : vector<16xf32>
      %swap3A_599 = arith.index_cast %scan3A_580 : i32 to index
      %swap3A_600 = arith.constant 16 : index
      %swap3A_601 = tpu.vector_load %arg10[%swap3A_599, %swap3A_600] {strides = array<i32>} : memref<128x128xf32, #tpu.memory_space<vmem>>, vector<1x16xf32>,
      %swap3A_602 = vector.shape_cast %swap3A_601 : vector<1x16xf32> to vector<16xf32>
      %swap3A_603 = vector.shape_cast %mul3A_598 : vector<16xf32> to vector<1x16xf32>
      tpu.vector_store %arg10[%swap3A_599, %swap3A_600], %swap3A_603 {strides = array<i32>} : memref<128x128xf32, #tpu.memory_space<vmem>>, vector<1x16xf32>,
      %get3A_604 = arith.index_cast %scan3A_580 : i32 to index
      %get3A_605 = arith.constant 32 : index
      %get3A_606 = tpu.vector_load %arg10[%get3A_604, %get3A_605] {strides = array<i32>} : memref<128x128xf32, #tpu.memory_space<vmem>>, vector<1x16xf32>,
      %get3A_607 = vector.shape_cast %get3A_606 : vector<1x16xf32> to vector<16xf32>
      %mul3A_608 = arith.constant 11.3137083 : f32
      %mul3A_609 = vector.broadcast %mul3A_608 : f32 to vector<16xf32>
      %mul3A_610 = arith.mulf %get3A_607, %mul3A_609 : vector<16xf32>
      %swap3A_611 = arith.index_cast %scan3A_580 : i32 to index
      %swap3A_612 = arith.constant 32 : index
      %swap3A_613 = tpu.vector_load %arg10[%swap3A_611, %swap3A_612] {strides = array<i32>} : memref<128x128xf32, #tpu.memory_space<vmem>>, vector<1x16xf32>,
      %swap3A_614 = vector.shape_cast %swap3A_613 : vector<1x16xf32> to vector<16xf32>
      %swap3A_615 = vector.shape_cast %mul3A_610 : vector<16xf32> to vector<1x16xf32>
      tpu.vector_store %arg10[%swap3A_611, %swap3A_612], %swap3A_615 {strides = array<i32>} : memref<128x128xf32, #tpu.memory_space<vmem>>, vector<1x16xf32>,
      %get3A_616 = arith.index_cast %scan3A_580 : i32 to index
      %get3A_617 = arith.constant 48 : index
      %get3A_618 = tpu.vector_load %arg10[%get3A_616, %get3A_617] {strides = array<i32>} : memref<128x128xf32, #tpu.memory_space<vmem>>, vector<1x16xf32>,
      %get3A_619 = vector.shape_cast %get3A_618 : vector<1x16xf32> to vector<16xf32>
      %mul3A_620 = arith.constant 11.3137083 : f32
      %mul3A_621 = vector.broadcast %mul3A_620 : f32 to vector<16xf32>
      %mul3A_622 = arith.mulf %get3A_619, %mul3A_621 : vector<16xf32>
      %swap3A_623 = arith.index_cast %scan3A_580 : i32 to index
      %swap3A_624 = arith.constant 48 : index
      %swap3A_625 = tpu.vector_load %arg10[%swap3A_623, %swap3A_624] {strides = array<i32>} : memref<128x128xf32, #tpu.memory_space<vmem>>, vector<1x16xf32>,
      %swap3A_626 = vector.shape_cast %swap3A_625 : vector<1x16xf32> to vector<16xf32>
      %swap3A_627 = vector.shape_cast %mul3A_622 : vector<16xf32> to vector<1x16xf32>
      tpu.vector_store %arg10[%swap3A_623, %swap3A_624], %swap3A_627 {strides = array<i32>} : memref<128x128xf32, #tpu.memory_space<vmem>>, vector<1x16xf32>,
      %get3A_628 = arith.index_cast %scan3A_580 : i32 to index
      %get3A_629 = arith.constant 64 : index
      %get3A_630 = tpu.vector_load %arg10[%get3A_628, %get3A_629] {strides = array<i32>} : memref<128x128xf32, #tpu.memory_space<vmem>>, vector<1x16xf32>,
      %get3A_631 = vector.shape_cast %get3A_630 : vector<1x16xf32> to vector<16xf32>
      %mul3A_632 = arith.constant 11.3137083 : f32
      %mul3A_633 = vector.broadcast %mul3A_632 : f32 to vector<16xf32>
      %mul3A_634 = arith.mulf %get3A_631, %mul3A_633 : vector<16xf32>
      %swap3A_635 = arith.index_cast %scan3A_580 : i32 to index
      %swap3A_636 = arith.constant 64 : index
      %swap3A_637 = tpu.vector_load %arg10[%swap3A_635, %swap3A_636] {strides = array<i32>} : memref<128x128xf32, #tpu.memory_space<vmem>>, vector<1x16xf32>,
      %swap3A_638 = vector.shape_cast %swap3A_637 : vector<1x16xf32> to vector<16xf32>
      %swap3A_639 = vector.shape_cast %mul3A_634 : vector<16xf32> to vector<1x16xf32>
      tpu.vector_store %arg10[%swap3A_635, %swap3A_636], %swap3A_639 {strides = array<i32>} : memref<128x128xf32, #tpu.memory_space<vmem>>, vector<1x16xf32>,
      %get3A_640 = arith.index_cast %scan3A_580 : i32 to index
      %get3A_641 = arith.constant 80 : index
      %get3A_642 = tpu.vector_load %arg10[%get3A_640, %get3A_641] {strides = array<i32>} : memref<128x128xf32, #tpu.memory_space<vmem>>, vector<1x16xf32>,
      %get3A_643 = vector.shape_cast %get3A_642 : vector<1x16xf32> to vector<16xf32>
      %mul3A_644 = arith.constant 11.3137083 : f32
      %mul3A_645 = vector.broadcast %mul3A_644 : f32 to vector<16xf32>
      %mul3A_646 = arith.mulf %get3A_643, %mul3A_645 : vector<16xf32>
      %swap3A_647 = arith.index_cast %scan3A_580 : i32 to index
      %swap3A_648 = arith.constant 80 : index
      %swap3A_649 = tpu.vector_load %arg10[%swap3A_647, %swap3A_648] {strides = array<i32>} : memref<128x128xf32, #tpu.memory_space<vmem>>, vector<1x16xf32>,
      %swap3A_650 = vector.shape_cast %swap3A_649 : vector<1x16xf32> to vector<16xf32>
      %swap3A_651 = vector.shape_cast %mul3A_646 : vector<16xf32> to vector<1x16xf32>
      tpu.vector_store %arg10[%swap3A_647, %swap3A_648], %swap3A_651 {strides = array<i32>} : memref<128x128xf32, #tpu.memory_space<vmem>>, vector<1x16xf32>,
      %get3A_652 = arith.index_cast %scan3A_580 : i32 to index
      %get3A_653 = arith.constant 96 : index
      %get3A_654 = tpu.vector_load %arg10[%get3A_652, %get3A_653] {strides = array<i32>} : memref<128x128xf32, #tpu.memory_space<vmem>>, vector<1x16xf32>,
      %get3A_655 = vector.shape_cast %get3A_654 : vector<1x16xf32> to vector<16xf32>
      %mul3A_656 = arith.constant 11.3137083 : f32
      %mul3A_657 = vector.broadcast %mul3A_656 : f32 to vector<16xf32>
      %mul3A_658 = arith.mulf %get3A_655, %mul3A_657 : vector<16xf32>
      %swap3A_659 = arith.index_cast %scan3A_580 : i32 to index
      %swap3A_660 = arith.constant 96 : index
      %swap3A_661 = tpu.vector_load %arg10[%swap3A_659, %swap3A_660] {strides = array<i32>} : memref<128x128xf32, #tpu.memory_space<vmem>>, vector<1x16xf32>,
      %swap3A_662 = vector.shape_cast %swap3A_661 : vector<1x16xf32> to vector<16xf32>
      %swap3A_663 = vector.shape_cast %mul3A_658 : vector<16xf32> to vector<1x16xf32>
      tpu.vector_store %arg10[%swap3A_659, %swap3A_660], %swap3A_663 {strides = array<i32>} : memref<128x128xf32, #tpu.memory_space<vmem>>, vector<1x16xf32>,
      %get3A_664 = arith.index_cast %scan3A_580 : i32 to index
      %get3A_665 = arith.constant 112 : index
      %get3A_666 = tpu.vector_load %arg10[%get3A_664, %get3A_665] {strides = array<i32>} : memref<128x128xf32, #tpu.memory_space<vmem>>, vector<1x16xf32>,
      %get3A_667 = vector.shape_cast %get3A_666 : vector<1x16xf32> to vector<16xf32>
      %mul3A_668 = arith.constant 11.3137083 : f32
      %mul3A_669 = vector.broadcast %mul3A_668 : f32 to vector<16xf32>
      %mul3A_670 = arith.mulf %get3A_667, %mul3A_669 : vector<16xf32>
      %swap3A_671 = arith.index_cast %scan3A_580 : i32 to index
      %swap3A_672 = arith.constant 112 : index
      %swap3A_673 = tpu.vector_load %arg10[%swap3A_671, %swap3A_672] {strides = array<i32>} : memref<128x128xf32, #tpu.memory_space<vmem>>, vector<1x16xf32>,
      %swap3A_674 = vector.shape_cast %swap3A_673 : vector<1x16xf32> to vector<16xf32>
      %swap3A_675 = vector.shape_cast %mul3A_670 : vector<16xf32> to vector<1x16xf32>
      tpu.vector_store %arg10[%swap3A_671, %swap3A_672], %swap3A_675 {strides = array<i32>} : memref<128x128xf32, #tpu.memory_space<vmem>>, vector<1x16xf32>,
      %scan3A_676 = arith.constant 0 : i32
      scf.yield %scan3A_676 : i32
    }
    %scan3A_483 = arith.constant 128 : i32
    %add3A_484 = arith.constant 2048 : i32
    %add3A_485 = arith.addi %mul3A_2, %add3A_484 : i32
    %dma_start3A_486 = arith.constant 0 : i32
    %dma_start3A_487 = tpu.memref_slice %arg4[%add3A_485, %dma_start3A_486] : memref<81920x128xf32, #tpu.memory_space<hbm>> -> memref<128x128xf32, #tpu.memory_space<hbm>>
    %dma_start3A_488 = arith.constant 0 : i32
    %dma_start3A_489 = tpu.memref_slice %arg4[%add3A_485, %dma_start3A_488] : memref<81920x128xf32, #tpu.memory_space<hbm>> -> memref<128x128xf32, #tpu.memory_space<hbm>>
    tpu.enqueue_dma source(%arg10 : memref<128x128xf32, #tpu.memory_space<vmem>>) target(%dma_start3A_489 : memref<128x128xf32, #tpu.memory_space<hbm>>) target_semaphore(%arg22 : memref<!tpu.dma_semaphore, #tpu.memory_space<semaphore_mem>>)
    %dma_wait3A_490 = arith.constant 2176 : i32
    %dma_wait3A_491 = tpu.memref_slice %arg5[%dma_wait3A_490] : memref<2560xi32, #tpu.memory_space<vmem>> -> memref<128xi32, #tpu.memory_space<vmem>>
    %dma_wait3A_492 = arith.constant 0 : i32
    %dma_wait3A_493 = arith.constant 0 : i32
    %dma_wait3A_494 = tpu.memref_slice %arg3[%dma_wait3A_492, %dma_wait3A_493] : memref<100000x128xf32, #tpu.memory_space<hbm>> -> memref<100000x128xf32, #tpu.memory_space<hbm>>
    tpu.wait_indirect_dma semaphore(%arg17 : memref<!tpu.dma_semaphore, #tpu.memory_space<semaphore_mem>>) src(%dma_wait3A_494 : memref<100000x128xf32, #tpu.memory_space<hbm>>) dst(%arg11 : memref<128x128xf32, #tpu.memory_space<vmem>>)
    %scan3A_495 = arith.constant 0 : i32
    %scan3A_496 = arith.constant 0 : i32
    %scan3A_497 = arith.constant 128 : i32
    %scan3A_498 = arith.addi %scan3A_496, %scan3A_497 : i32
    %scan3A_499 = arith.constant 1 : i32
    %scan3A_500 = scf.for %scan3A_580 = %scan3A_496 to %scan3A_498 step %scan3A_499 iter_args(%scan3A_581 = %scan3A_495) -> (i32)  : i32 {
      %get3A = arith.index_cast %scan3A_580 : i32 to index
      %get3A_582 = arith.constant 0 : index
      %get3A_583 = tpu.vector_load %arg11[%get3A, %get3A_582] {strides = array<i32>} : memref<128x128xf32, #tpu.memory_space<vmem>>, vector<1x16xf32>,
      %get3A_584 = vector.shape_cast %get3A_583 : vector<1x16xf32> to vector<16xf32>
      %mul3A_585 = arith.constant 11.3137083 : f32
      %mul3A_586 = vector.broadcast %mul3A_585 : f32 to vector<16xf32>
      %mul3A_587 = arith.mulf %get3A_584, %mul3A_586 : vector<16xf32>
      %swap3A = arith.index_cast %scan3A_580 : i32 to index
      %swap3A_588 = arith.constant 0 : index
      %swap3A_589 = tpu.vector_load %arg11[%swap3A, %swap3A_588] {strides = array<i32>} : memref<128x128xf32, #tpu.memory_space<vmem>>, vector<1x16xf32>,
      %swap3A_590 = vector.shape_cast %swap3A_589 : vector<1x16xf32> to vector<16xf32>
      %swap3A_591 = vector.shape_cast %mul3A_587 : vector<16xf32> to vector<1x16xf32>
      tpu.vector_store %arg11[%swap3A, %swap3A_588], %swap3A_591 {strides = array<i32>} : memref<128x128xf32, #tpu.memory_space<vmem>>, vector<1x16xf32>,
      %get3A_592 = arith.index_cast %scan3A_580 : i32 to index
      %get3A_593 = arith.constant 16 : index
      %get3A_594 = tpu.vector_load %arg11[%get3A_592, %get3A_593] {strides = array<i32>} : memref<128x128xf32, #tpu.memory_space<vmem>>, vector<1x16xf32>,
      %get3A_595 = vector.shape_cast %get3A_594 : vector<1x16xf32> to vector<16xf32>
      %mul3A_596 = arith.constant 11.3137083 : f32
      %mul3A_597 = vector.broadcast %mul3A_596 : f32 to vector<16xf32>
      %mul3A_598 = arith.mulf %get3A_595, %mul3A_597 : vector<16xf32>
      %swap3A_599 = arith.index_cast %scan3A_580 : i32 to index
      %swap3A_600 = arith.constant 16 : index
      %swap3A_601 = tpu.vector_load %arg11[%swap3A_599, %swap3A_600] {strides = array<i32>} : memref<128x128xf32, #tpu.memory_space<vmem>>, vector<1x16xf32>,
      %swap3A_602 = vector.shape_cast %swap3A_601 : vector<1x16xf32> to vector<16xf32>
      %swap3A_603 = vector.shape_cast %mul3A_598 : vector<16xf32> to vector<1x16xf32>
      tpu.vector_store %arg11[%swap3A_599, %swap3A_600], %swap3A_603 {strides = array<i32>} : memref<128x128xf32, #tpu.memory_space<vmem>>, vector<1x16xf32>,
      %get3A_604 = arith.index_cast %scan3A_580 : i32 to index
      %get3A_605 = arith.constant 32 : index
      %get3A_606 = tpu.vector_load %arg11[%get3A_604, %get3A_605] {strides = array<i32>} : memref<128x128xf32, #tpu.memory_space<vmem>>, vector<1x16xf32>,
      %get3A_607 = vector.shape_cast %get3A_606 : vector<1x16xf32> to vector<16xf32>
      %mul3A_608 = arith.constant 11.3137083 : f32
      %mul3A_609 = vector.broadcast %mul3A_608 : f32 to vector<16xf32>
      %mul3A_610 = arith.mulf %get3A_607, %mul3A_609 : vector<16xf32>
      %swap3A_611 = arith.index_cast %scan3A_580 : i32 to index
      %swap3A_612 = arith.constant 32 : index
      %swap3A_613 = tpu.vector_load %arg11[%swap3A_611, %swap3A_612] {strides = array<i32>} : memref<128x128xf32, #tpu.memory_space<vmem>>, vector<1x16xf32>,
      %swap3A_614 = vector.shape_cast %swap3A_613 : vector<1x16xf32> to vector<16xf32>
      %swap3A_615 = vector.shape_cast %mul3A_610 : vector<16xf32> to vector<1x16xf32>
      tpu.vector_store %arg11[%swap3A_611, %swap3A_612], %swap3A_615 {strides = array<i32>} : memref<128x128xf32, #tpu.memory_space<vmem>>, vector<1x16xf32>,
      %get3A_616 = arith.index_cast %scan3A_580 : i32 to index
      %get3A_617 = arith.constant 48 : index
      %get3A_618 = tpu.vector_load %arg11[%get3A_616, %get3A_617] {strides = array<i32>} : memref<128x128xf32, #tpu.memory_space<vmem>>, vector<1x16xf32>,
      %get3A_619 = vector.shape_cast %get3A_618 : vector<1x16xf32> to vector<16xf32>
      %mul3A_620 = arith.constant 11.3137083 : f32
      %mul3A_621 = vector.broadcast %mul3A_620 : f32 to vector<16xf32>
      %mul3A_622 = arith.mulf %get3A_619, %mul3A_621 : vector<16xf32>
      %swap3A_623 = arith.index_cast %scan3A_580 : i32 to index
      %swap3A_624 = arith.constant 48 : index
      %swap3A_625 = tpu.vector_load %arg11[%swap3A_623, %swap3A_624] {strides = array<i32>} : memref<128x128xf32, #tpu.memory_space<vmem>>, vector<1x16xf32>,
      %swap3A_626 = vector.shape_cast %swap3A_625 : vector<1x16xf32> to vector<16xf32>
      %swap3A_627 = vector.shape_cast %mul3A_622 : vector<16xf32> to vector<1x16xf32>
      tpu.vector_store %arg11[%swap3A_623, %swap3A_624], %swap3A_627 {strides = array<i32>} : memref<128x128xf32, #tpu.memory_space<vmem>>, vector<1x16xf32>,
      %get3A_628 = arith.index_cast %scan3A_580 : i32 to index
      %get3A_629 = arith.constant 64 : index
      %get3A_630 = tpu.vector_load %arg11[%get3A_628, %get3A_629] {strides = array<i32>} : memref<128x128xf32, #tpu.memory_space<vmem>>, vector<1x16xf32>,
      %get3A_631 = vector.shape_cast %get3A_630 : vector<1x16xf32> to vector<16xf32>
      %mul3A_632 = arith.constant 11.3137083 : f32
      %mul3A_633 = vector.broadcast %mul3A_632 : f32 to vector<16xf32>
      %mul3A_634 = arith.mulf %get3A_631, %mul3A_633 : vector<16xf32>
      %swap3A_635 = arith.index_cast %scan3A_580 : i32 to index
      %swap3A_636 = arith.constant 64 : index
      %swap3A_637 = tpu.vector_load %arg11[%swap3A_635, %swap3A_636] {strides = array<i32>} : memref<128x128xf32, #tpu.memory_space<vmem>>, vector<1x16xf32>,
      %swap3A_638 = vector.shape_cast %swap3A_637 : vector<1x16xf32> to vector<16xf32>
      %swap3A_639 = vector.shape_cast %mul3A_634 : vector<16xf32> to vector<1x16xf32>
      tpu.vector_store %arg11[%swap3A_635, %swap3A_636], %swap3A_639 {strides = array<i32>} : memref<128x128xf32, #tpu.memory_space<vmem>>, vector<1x16xf32>,
      %get3A_640 = arith.index_cast %scan3A_580 : i32 to index
      %get3A_641 = arith.constant 80 : index
      %get3A_642 = tpu.vector_load %arg11[%get3A_640, %get3A_641] {strides = array<i32>} : memref<128x128xf32, #tpu.memory_space<vmem>>, vector<1x16xf32>,
      %get3A_643 = vector.shape_cast %get3A_642 : vector<1x16xf32> to vector<16xf32>
      %mul3A_644 = arith.constant 11.3137083 : f32
      %mul3A_645 = vector.broadcast %mul3A_644 : f32 to vector<16xf32>
      %mul3A_646 = arith.mulf %get3A_643, %mul3A_645 : vector<16xf32>
      %swap3A_647 = arith.index_cast %scan3A_580 : i32 to index
      %swap3A_648 = arith.constant 80 : index
      %swap3A_649 = tpu.vector_load %arg11[%swap3A_647, %swap3A_648] {strides = array<i32>} : memref<128x128xf32, #tpu.memory_space<vmem>>, vector<1x16xf32>,
      %swap3A_650 = vector.shape_cast %swap3A_649 : vector<1x16xf32> to vector<16xf32>
      %swap3A_651 = vector.shape_cast %mul3A_646 : vector<16xf32> to vector<1x16xf32>
      tpu.vector_store %arg11[%swap3A_647, %swap3A_648], %swap3A_651 {strides = array<i32>} : memref<128x128xf32, #tpu.memory_space<vmem>>, vector<1x16xf32>,
      %get3A_652 = arith.index_cast %scan3A_580 : i32 to index
      %get3A_653 = arith.constant 96 : index
      %get3A_654 = tpu.vector_load %arg11[%get3A_652, %get3A_653] {strides = array<i32>} : memref<128x128xf32, #tpu.memory_space<vmem>>, vector<1x16xf32>,
      %get3A_655 = vector.shape_cast %get3A_654 : vector<1x16xf32> to vector<16xf32>
      %mul3A_656 = arith.constant 11.3137083 : f32
      %mul3A_657 = vector.broadcast %mul3A_656 : f32 to vector<16xf32>
      %mul3A_658 = arith.mulf %get3A_655, %mul3A_657 : vector<16xf32>
      %swap3A_659 = arith.index_cast %scan3A_580 : i32 to index
      %swap3A_660 = arith.constant 96 : index
      %swap3A_661 = tpu.vector_load %arg11[%swap3A_659, %swap3A_660] {strides = array<i32>} : memref<128x128xf32, #tpu.memory_space<vmem>>, vector<1x16xf32>,
      %swap3A_662 = vector.shape_cast %swap3A_661 : vector<1x16xf32> to vector<16xf32>
      %swap3A_663 = vector.shape_cast %mul3A_658 : vector<16xf32> to vector<1x16xf32>
      tpu.vector_store %arg11[%swap3A_659, %swap3A_660], %swap3A_663 {strides = array<i32>} : memref<128x128xf32, #tpu.memory_space<vmem>>, vector<1x16xf32>,
      %get3A_664 = arith.index_cast %scan3A_580 : i32 to index
      %get3A_665 = arith.constant 112 : index
      %get3A_666 = tpu.vector_load %arg11[%get3A_664, %get3A_665] {strides = array<i32>} : memref<128x128xf32, #tpu.memory_space<vmem>>, vector<1x16xf32>,
      %get3A_667 = vector.shape_cast %get3A_666 : vector<1x16xf32> to vector<16xf32>
      %mul3A_668 = arith.constant 11.3137083 : f32
      %mul3A_669 = vector.broadcast %mul3A_668 : f32 to vector<16xf32>
      %mul3A_670 = arith.mulf %get3A_667, %mul3A_669 : vector<16xf32>
      %swap3A_671 = arith.index_cast %scan3A_580 : i32 to index
      %swap3A_672 = arith.constant 112 : index
      %swap3A_673 = tpu.vector_load %arg11[%swap3A_671, %swap3A_672] {strides = array<i32>} : memref<128x128xf32, #tpu.memory_space<vmem>>, vector<1x16xf32>,
      %swap3A_674 = vector.shape_cast %swap3A_673 : vector<1x16xf32> to vector<16xf32>
      %swap3A_675 = vector.shape_cast %mul3A_670 : vector<16xf32> to vector<1x16xf32>
      tpu.vector_store %arg11[%swap3A_671, %swap3A_672], %swap3A_675 {strides = array<i32>} : memref<128x128xf32, #tpu.memory_space<vmem>>, vector<1x16xf32>,
      %scan3A_676 = arith.constant 0 : i32
      scf.yield %scan3A_676 : i32
    }
    %scan3A_501 = arith.constant 128 : i32
    %add3A_502 = arith.constant 2176 : i32
    %add3A_503 = arith.addi %mul3A_2, %add3A_502 : i32
    %dma_start3A_504 = arith.constant 0 : i32
    %dma_start3A_505 = tpu.memref_slice %arg4[%add3A_503, %dma_start3A_504] : memref<81920x128xf32, #tpu.memory_space<hbm>> -> memref<128x128xf32, #tpu.memory_space<hbm>>
    %dma_start3A_506 = arith.constant 0 : i32
    %dma_start3A_507 = tpu.memref_slice %arg4[%add3A_503, %dma_start3A_506] : memref<81920x128xf32, #tpu.memory_space<hbm>> -> memref<128x128xf32, #tpu.memory_space<hbm>>
    tpu.enqueue_dma source(%arg11 : memref<128x128xf32, #tpu.memory_space<vmem>>) target(%dma_start3A_507 : memref<128x128xf32, #tpu.memory_space<hbm>>) target_semaphore(%arg23 : memref<!tpu.dma_semaphore, #tpu.memory_space<semaphore_mem>>)
    %dma_wait3A_508 = arith.constant 2304 : i32
    %dma_wait3A_509 = tpu.memref_slice %arg5[%dma_wait3A_508] : memref<2560xi32, #tpu.memory_space<vmem>> -> memref<128xi32, #tpu.memory_space<vmem>>
    %dma_wait3A_510 = arith.constant 0 : i32
    %dma_wait3A_511 = arith.constant 0 : i32
    %dma_wait3A_512 = tpu.memref_slice %arg3[%dma_wait3A_510, %dma_wait3A_511] : memref<100000x128xf32, #tpu.memory_space<hbm>> -> memref<100000x128xf32, #tpu.memory_space<hbm>>
    tpu.wait_indirect_dma semaphore(%arg12 : memref<!tpu.dma_semaphore, #tpu.memory_space<semaphore_mem>>) src(%dma_wait3A_512 : memref<100000x128xf32, #tpu.memory_space<hbm>>) dst(%arg6 : memref<128x128xf32, #tpu.memory_space<vmem>>)
    %scan3A_513 = arith.constant 0 : i32
    %scan3A_514 = arith.constant 0 : i32
    %scan3A_515 = arith.constant 128 : i32
    %scan3A_516 = arith.addi %scan3A_514, %scan3A_515 : i32
    %scan3A_517 = arith.constant 1 : i32
    %scan3A_518 = scf.for %scan3A_580 = %scan3A_514 to %scan3A_516 step %scan3A_517 iter_args(%scan3A_581 = %scan3A_513) -> (i32)  : i32 {
      %get3A = arith.index_cast %scan3A_580 : i32 to index
      %get3A_582 = arith.constant 0 : index
      %get3A_583 = tpu.vector_load %arg6[%get3A, %get3A_582] {strides = array<i32>} : memref<128x128xf32, #tpu.memory_space<vmem>>, vector<1x16xf32>,
      %get3A_584 = vector.shape_cast %get3A_583 : vector<1x16xf32> to vector<16xf32>
      %mul3A_585 = arith.constant 11.3137083 : f32
      %mul3A_586 = vector.broadcast %mul3A_585 : f32 to vector<16xf32>
      %mul3A_587 = arith.mulf %get3A_584, %mul3A_586 : vector<16xf32>
      %swap3A = arith.index_cast %scan3A_580 : i32 to index
      %swap3A_588 = arith.constant 0 : index
      %swap3A_589 = tpu.vector_load %arg6[%swap3A, %swap3A_588] {strides = array<i32>} : memref<128x128xf32, #tpu.memory_space<vmem>>, vector<1x16xf32>,
      %swap3A_590 = vector.shape_cast %swap3A_589 : vector<1x16xf32> to vector<16xf32>
      %swap3A_591 = vector.shape_cast %mul3A_587 : vector<16xf32> to vector<1x16xf32>
      tpu.vector_store %arg6[%swap3A, %swap3A_588], %swap3A_591 {strides = array<i32>} : memref<128x128xf32, #tpu.memory_space<vmem>>, vector<1x16xf32>,
      %get3A_592 = arith.index_cast %scan3A_580 : i32 to index
      %get3A_593 = arith.constant 16 : index
      %get3A_594 = tpu.vector_load %arg6[%get3A_592, %get3A_593] {strides = array<i32>} : memref<128x128xf32, #tpu.memory_space<vmem>>, vector<1x16xf32>,
      %get3A_595 = vector.shape_cast %get3A_594 : vector<1x16xf32> to vector<16xf32>
      %mul3A_596 = arith.constant 11.3137083 : f32
      %mul3A_597 = vector.broadcast %mul3A_596 : f32 to vector<16xf32>
      %mul3A_598 = arith.mulf %get3A_595, %mul3A_597 : vector<16xf32>
      %swap3A_599 = arith.index_cast %scan3A_580 : i32 to index
      %swap3A_600 = arith.constant 16 : index
      %swap3A_601 = tpu.vector_load %arg6[%swap3A_599, %swap3A_600] {strides = array<i32>} : memref<128x128xf32, #tpu.memory_space<vmem>>, vector<1x16xf32>,
      %swap3A_602 = vector.shape_cast %swap3A_601 : vector<1x16xf32> to vector<16xf32>
      %swap3A_603 = vector.shape_cast %mul3A_598 : vector<16xf32> to vector<1x16xf32>
      tpu.vector_store %arg6[%swap3A_599, %swap3A_600], %swap3A_603 {strides = array<i32>} : memref<128x128xf32, #tpu.memory_space<vmem>>, vector<1x16xf32>,
      %get3A_604 = arith.index_cast %scan3A_580 : i32 to index
      %get3A_605 = arith.constant 32 : index
      %get3A_606 = tpu.vector_load %arg6[%get3A_604, %get3A_605] {strides = array<i32>} : memref<128x128xf32, #tpu.memory_space<vmem>>, vector<1x16xf32>,
      %get3A_607 = vector.shape_cast %get3A_606 : vector<1x16xf32> to vector<16xf32>
      %mul3A_608 = arith.constant 11.3137083 : f32
      %mul3A_609 = vector.broadcast %mul3A_608 : f32 to vector<16xf32>
      %mul3A_610 = arith.mulf %get3A_607, %mul3A_609 : vector<16xf32>
      %swap3A_611 = arith.index_cast %scan3A_580 : i32 to index
      %swap3A_612 = arith.constant 32 : index
      %swap3A_613 = tpu.vector_load %arg6[%swap3A_611, %swap3A_612] {strides = array<i32>} : memref<128x128xf32, #tpu.memory_space<vmem>>, vector<1x16xf32>,
      %swap3A_614 = vector.shape_cast %swap3A_613 : vector<1x16xf32> to vector<16xf32>
      %swap3A_615 = vector.shape_cast %mul3A_610 : vector<16xf32> to vector<1x16xf32>
      tpu.vector_store %arg6[%swap3A_611, %swap3A_612], %swap3A_615 {strides = array<i32>} : memref<128x128xf32, #tpu.memory_space<vmem>>, vector<1x16xf32>,
      %get3A_616 = arith.index_cast %scan3A_580 : i32 to index
      %get3A_617 = arith.constant 48 : index
      %get3A_618 = tpu.vector_load %arg6[%get3A_616, %get3A_617] {strides = array<i32>} : memref<128x128xf32, #tpu.memory_space<vmem>>, vector<1x16xf32>,
      %get3A_619 = vector.shape_cast %get3A_618 : vector<1x16xf32> to vector<16xf32>
      %mul3A_620 = arith.constant 11.3137083 : f32
      %mul3A_621 = vector.broadcast %mul3A_620 : f32 to vector<16xf32>
      %mul3A_622 = arith.mulf %get3A_619, %mul3A_621 : vector<16xf32>
      %swap3A_623 = arith.index_cast %scan3A_580 : i32 to index
      %swap3A_624 = arith.constant 48 : index
      %swap3A_625 = tpu.vector_load %arg6[%swap3A_623, %swap3A_624] {strides = array<i32>} : memref<128x128xf32, #tpu.memory_space<vmem>>, vector<1x16xf32>,
      %swap3A_626 = vector.shape_cast %swap3A_625 : vector<1x16xf32> to vector<16xf32>
      %swap3A_627 = vector.shape_cast %mul3A_622 : vector<16xf32> to vector<1x16xf32>
      tpu.vector_store %arg6[%swap3A_623, %swap3A_624], %swap3A_627 {strides = array<i32>} : memref<128x128xf32, #tpu.memory_space<vmem>>, vector<1x16xf32>,
      %get3A_628 = arith.index_cast %scan3A_580 : i32 to index
      %get3A_629 = arith.constant 64 : index
      %get3A_630 = tpu.vector_load %arg6[%get3A_628, %get3A_629] {strides = array<i32>} : memref<128x128xf32, #tpu.memory_space<vmem>>, vector<1x16xf32>,
      %get3A_631 = vector.shape_cast %get3A_630 : vector<1x16xf32> to vector<16xf32>
      %mul3A_632 = arith.constant 11.3137083 : f32
      %mul3A_633 = vector.broadcast %mul3A_632 : f32 to vector<16xf32>
      %mul3A_634 = arith.mulf %get3A_631, %mul3A_633 : vector<16xf32>
      %swap3A_635 = arith.index_cast %scan3A_580 : i32 to index
      %swap3A_636 = arith.constant 64 : index
      %swap3A_637 = tpu.vector_load %arg6[%swap3A_635, %swap3A_636] {strides = array<i32>} : memref<128x128xf32, #tpu.memory_space<vmem>>, vector<1x16xf32>,
      %swap3A_638 = vector.shape_cast %swap3A_637 : vector<1x16xf32> to vector<16xf32>
      %swap3A_639 = vector.shape_cast %mul3A_634 : vector<16xf32> to vector<1x16xf32>
      tpu.vector_store %arg6[%swap3A_635, %swap3A_636], %swap3A_639 {strides = array<i32>} : memref<128x128xf32, #tpu.memory_space<vmem>>, vector<1x16xf32>,
      %get3A_640 = arith.index_cast %scan3A_580 : i32 to index
      %get3A_641 = arith.constant 80 : index
      %get3A_642 = tpu.vector_load %arg6[%get3A_640, %get3A_641] {strides = array<i32>} : memref<128x128xf32, #tpu.memory_space<vmem>>, vector<1x16xf32>,
      %get3A_643 = vector.shape_cast %get3A_642 : vector<1x16xf32> to vector<16xf32>
      %mul3A_644 = arith.constant 11.3137083 : f32
      %mul3A_645 = vector.broadcast %mul3A_644 : f32 to vector<16xf32>
      %mul3A_646 = arith.mulf %get3A_643, %mul3A_645 : vector<16xf32>
      %swap3A_647 = arith.index_cast %scan3A_580 : i32 to index
      %swap3A_648 = arith.constant 80 : index
      %swap3A_649 = tpu.vector_load %arg6[%swap3A_647, %swap3A_648] {strides = array<i32>} : memref<128x128xf32, #tpu.memory_space<vmem>>, vector<1x16xf32>,
      %swap3A_650 = vector.shape_cast %swap3A_649 : vector<1x16xf32> to vector<16xf32>
      %swap3A_651 = vector.shape_cast %mul3A_646 : vector<16xf32> to vector<1x16xf32>
      tpu.vector_store %arg6[%swap3A_647, %swap3A_648], %swap3A_651 {strides = array<i32>} : memref<128x128xf32, #tpu.memory_space<vmem>>, vector<1x16xf32>,
      %get3A_652 = arith.index_cast %scan3A_580 : i32 to index
      %get3A_653 = arith.constant 96 : index
      %get3A_654 = tpu.vector_load %arg6[%get3A_652, %get3A_653] {strides = array<i32>} : memref<128x128xf32, #tpu.memory_space<vmem>>, vector<1x16xf32>,
      %get3A_655 = vector.shape_cast %get3A_654 : vector<1x16xf32> to vector<16xf32>
      %mul3A_656 = arith.constant 11.3137083 : f32
      %mul3A_657 = vector.broadcast %mul3A_656 : f32 to vector<16xf32>
      %mul3A_658 = arith.mulf %get3A_655, %mul3A_657 : vector<16xf32>
      %swap3A_659 = arith.index_cast %scan3A_580 : i32 to index
      %swap3A_660 = arith.constant 96 : index
      %swap3A_661 = tpu.vector_load %arg6[%swap3A_659, %swap3A_660] {strides = array<i32>} : memref<128x128xf32, #tpu.memory_space<vmem>>, vector<1x16xf32>,
      %swap3A_662 = vector.shape_cast %swap3A_661 : vector<1x16xf32> to vector<16xf32>
      %swap3A_663 = vector.shape_cast %mul3A_658 : vector<16xf32> to vector<1x16xf32>
      tpu.vector_store %arg6[%swap3A_659, %swap3A_660], %swap3A_663 {strides = array<i32>} : memref<128x128xf32, #tpu.memory_space<vmem>>, vector<1x16xf32>,
      %get3A_664 = arith.index_cast %scan3A_580 : i32 to index
      %get3A_665 = arith.constant 112 : index
      %get3A_666 = tpu.vector_load %arg6[%get3A_664, %get3A_665] {strides = array<i32>} : memref<128x128xf32, #tpu.memory_space<vmem>>, vector<1x16xf32>,
      %get3A_667 = vector.shape_cast %get3A_666 : vector<1x16xf32> to vector<16xf32>
      %mul3A_668 = arith.constant 11.3137083 : f32
      %mul3A_669 = vector.broadcast %mul3A_668 : f32 to vector<16xf32>
      %mul3A_670 = arith.mulf %get3A_667, %mul3A_669 : vector<16xf32>
      %swap3A_671 = arith.index_cast %scan3A_580 : i32 to index
      %swap3A_672 = arith.constant 112 : index
      %swap3A_673 = tpu.vector_load %arg6[%swap3A_671, %swap3A_672] {strides = array<i32>} : memref<128x128xf32, #tpu.memory_space<vmem>>, vector<1x16xf32>,
      %swap3A_674 = vector.shape_cast %swap3A_673 : vector<1x16xf32> to vector<16xf32>
      %swap3A_675 = vector.shape_cast %mul3A_670 : vector<16xf32> to vector<1x16xf32>
      tpu.vector_store %arg6[%swap3A_671, %swap3A_672], %swap3A_675 {strides = array<i32>} : memref<128x128xf32, #tpu.memory_space<vmem>>, vector<1x16xf32>,
      %scan3A_676 = arith.constant 0 : i32
      scf.yield %scan3A_676 : i32
    }
    %scan3A_519 = arith.constant 128 : i32
    %add3A_520 = arith.constant 2304 : i32
    %add3A_521 = arith.addi %mul3A_2, %add3A_520 : i32
    %dma_start3A_522 = arith.constant 0 : i32
    %dma_start3A_523 = tpu.memref_slice %arg4[%add3A_521, %dma_start3A_522] : memref<81920x128xf32, #tpu.memory_space<hbm>> -> memref<128x128xf32, #tpu.memory_space<hbm>>
    %dma_start3A_524 = arith.constant 0 : i32
    %dma_start3A_525 = tpu.memref_slice %arg4[%add3A_521, %dma_start3A_524] : memref<81920x128xf32, #tpu.memory_space<hbm>> -> memref<128x128xf32, #tpu.memory_space<hbm>>
    tpu.enqueue_dma source(%arg6 : memref<128x128xf32, #tpu.memory_space<vmem>>) target(%dma_start3A_525 : memref<128x128xf32, #tpu.memory_space<hbm>>) target_semaphore(%arg18 : memref<!tpu.dma_semaphore, #tpu.memory_space<semaphore_mem>>)
    %dma_wait3A_526 = arith.constant 2432 : i32
    %dma_wait3A_527 = tpu.memref_slice %arg5[%dma_wait3A_526] : memref<2560xi32, #tpu.memory_space<vmem>> -> memref<128xi32, #tpu.memory_space<vmem>>
    %dma_wait3A_528 = arith.constant 0 : i32
    %dma_wait3A_529 = arith.constant 0 : i32
    %dma_wait3A_530 = tpu.memref_slice %arg3[%dma_wait3A_528, %dma_wait3A_529] : memref<100000x128xf32, #tpu.memory_space<hbm>> -> memref<100000x128xf32, #tpu.memory_space<hbm>>
    tpu.wait_indirect_dma semaphore(%arg13 : memref<!tpu.dma_semaphore, #tpu.memory_space<semaphore_mem>>) src(%dma_wait3A_530 : memref<100000x128xf32, #tpu.memory_space<hbm>>) dst(%arg7 : memref<128x128xf32, #tpu.memory_space<vmem>>)
    %scan3A_531 = arith.constant 0 : i32
    %scan3A_532 = arith.constant 0 : i32
    %scan3A_533 = arith.constant 128 : i32
    %scan3A_534 = arith.addi %scan3A_532, %scan3A_533 : i32
    %scan3A_535 = arith.constant 1 : i32
    %scan3A_536 = scf.for %scan3A_580 = %scan3A_532 to %scan3A_534 step %scan3A_535 iter_args(%scan3A_581 = %scan3A_531) -> (i32)  : i32 {
      %get3A = arith.index_cast %scan3A_580 : i32 to index
      %get3A_582 = arith.constant 0 : index
      %get3A_583 = tpu.vector_load %arg7[%get3A, %get3A_582] {strides = array<i32>} : memref<128x128xf32, #tpu.memory_space<vmem>>, vector<1x16xf32>,
      %get3A_584 = vector.shape_cast %get3A_583 : vector<1x16xf32> to vector<16xf32>
      %mul3A_585 = arith.constant 11.3137083 : f32
      %mul3A_586 = vector.broadcast %mul3A_585 : f32 to vector<16xf32>
      %mul3A_587 = arith.mulf %get3A_584, %mul3A_586 : vector<16xf32>
      %swap3A = arith.index_cast %scan3A_580 : i32 to index
      %swap3A_588 = arith.constant 0 : index
      %swap3A_589 = tpu.vector_load %arg7[%swap3A, %swap3A_588] {strides = array<i32>} : memref<128x128xf32, #tpu.memory_space<vmem>>, vector<1x16xf32>,
      %swap3A_590 = vector.shape_cast %swap3A_589 : vector<1x16xf32> to vector<16xf32>
      %swap3A_591 = vector.shape_cast %mul3A_587 : vector<16xf32> to vector<1x16xf32>
      tpu.vector_store %arg7[%swap3A, %swap3A_588], %swap3A_591 {strides = array<i32>} : memref<128x128xf32, #tpu.memory_space<vmem>>, vector<1x16xf32>,
      %get3A_592 = arith.index_cast %scan3A_580 : i32 to index
      %get3A_593 = arith.constant 16 : index
      %get3A_594 = tpu.vector_load %arg7[%get3A_592, %get3A_593] {strides = array<i32>} : memref<128x128xf32, #tpu.memory_space<vmem>>, vector<1x16xf32>,
      %get3A_595 = vector.shape_cast %get3A_594 : vector<1x16xf32> to vector<16xf32>
      %mul3A_596 = arith.constant 11.3137083 : f32
      %mul3A_597 = vector.broadcast %mul3A_596 : f32 to vector<16xf32>
      %mul3A_598 = arith.mulf %get3A_595, %mul3A_597 : vector<16xf32>
      %swap3A_599 = arith.index_cast %scan3A_580 : i32 to index
      %swap3A_600 = arith.constant 16 : index
      %swap3A_601 = tpu.vector_load %arg7[%swap3A_599, %swap3A_600] {strides = array<i32>} : memref<128x128xf32, #tpu.memory_space<vmem>>, vector<1x16xf32>,
      %swap3A_602 = vector.shape_cast %swap3A_601 : vector<1x16xf32> to vector<16xf32>
      %swap3A_603 = vector.shape_cast %mul3A_598 : vector<16xf32> to vector<1x16xf32>
      tpu.vector_store %arg7[%swap3A_599, %swap3A_600], %swap3A_603 {strides = array<i32>} : memref<128x128xf32, #tpu.memory_space<vmem>>, vector<1x16xf32>,
      %get3A_604 = arith.index_cast %scan3A_580 : i32 to index
      %get3A_605 = arith.constant 32 : index
      %get3A_606 = tpu.vector_load %arg7[%get3A_604, %get3A_605] {strides = array<i32>} : memref<128x128xf32, #tpu.memory_space<vmem>>, vector<1x16xf32>,
      %get3A_607 = vector.shape_cast %get3A_606 : vector<1x16xf32> to vector<16xf32>
      %mul3A_608 = arith.constant 11.3137083 : f32
      %mul3A_609 = vector.broadcast %mul3A_608 : f32 to vector<16xf32>
      %mul3A_610 = arith.mulf %get3A_607, %mul3A_609 : vector<16xf32>
      %swap3A_611 = arith.index_cast %scan3A_580 : i32 to index
      %swap3A_612 = arith.constant 32 : index
      %swap3A_613 = tpu.vector_load %arg7[%swap3A_611, %swap3A_612] {strides = array<i32>} : memref<128x128xf32, #tpu.memory_space<vmem>>, vector<1x16xf32>,
      %swap3A_614 = vector.shape_cast %swap3A_613 : vector<1x16xf32> to vector<16xf32>
      %swap3A_615 = vector.shape_cast %mul3A_610 : vector<16xf32> to vector<1x16xf32>
      tpu.vector_store %arg7[%swap3A_611, %swap3A_612], %swap3A_615 {strides = array<i32>} : memref<128x128xf32, #tpu.memory_space<vmem>>, vector<1x16xf32>,
      %get3A_616 = arith.index_cast %scan3A_580 : i32 to index
      %get3A_617 = arith.constant 48 : index
      %get3A_618 = tpu.vector_load %arg7[%get3A_616, %get3A_617] {strides = array<i32>} : memref<128x128xf32, #tpu.memory_space<vmem>>, vector<1x16xf32>,
      %get3A_619 = vector.shape_cast %get3A_618 : vector<1x16xf32> to vector<16xf32>
      %mul3A_620 = arith.constant 11.3137083 : f32
      %mul3A_621 = vector.broadcast %mul3A_620 : f32 to vector<16xf32>
      %mul3A_622 = arith.mulf %get3A_619, %mul3A_621 : vector<16xf32>
      %swap3A_623 = arith.index_cast %scan3A_580 : i32 to index
      %swap3A_624 = arith.constant 48 : index
      %swap3A_625 = tpu.vector_load %arg7[%swap3A_623, %swap3A_624] {strides = array<i32>} : memref<128x128xf32, #tpu.memory_space<vmem>>, vector<1x16xf32>,
      %swap3A_626 = vector.shape_cast %swap3A_625 : vector<1x16xf32> to vector<16xf32>
      %swap3A_627 = vector.shape_cast %mul3A_622 : vector<16xf32> to vector<1x16xf32>
      tpu.vector_store %arg7[%swap3A_623, %swap3A_624], %swap3A_627 {strides = array<i32>} : memref<128x128xf32, #tpu.memory_space<vmem>>, vector<1x16xf32>,
      %get3A_628 = arith.index_cast %scan3A_580 : i32 to index
      %get3A_629 = arith.constant 64 : index
      %get3A_630 = tpu.vector_load %arg7[%get3A_628, %get3A_629] {strides = array<i32>} : memref<128x128xf32, #tpu.memory_space<vmem>>, vector<1x16xf32>,
      %get3A_631 = vector.shape_cast %get3A_630 : vector<1x16xf32> to vector<16xf32>
      %mul3A_632 = arith.constant 11.3137083 : f32
      %mul3A_633 = vector.broadcast %mul3A_632 : f32 to vector<16xf32>
      %mul3A_634 = arith.mulf %get3A_631, %mul3A_633 : vector<16xf32>
      %swap3A_635 = arith.index_cast %scan3A_580 : i32 to index
      %swap3A_636 = arith.constant 64 : index
      %swap3A_637 = tpu.vector_load %arg7[%swap3A_635, %swap3A_636] {strides = array<i32>} : memref<128x128xf32, #tpu.memory_space<vmem>>, vector<1x16xf32>,
      %swap3A_638 = vector.shape_cast %swap3A_637 : vector<1x16xf32> to vector<16xf32>
      %swap3A_639 = vector.shape_cast %mul3A_634 : vector<16xf32> to vector<1x16xf32>
      tpu.vector_store %arg7[%swap3A_635, %swap3A_636], %swap3A_639 {strides = array<i32>} : memref<128x128xf32, #tpu.memory_space<vmem>>, vector<1x16xf32>,
      %get3A_640 = arith.index_cast %scan3A_580 : i32 to index
      %get3A_641 = arith.constant 80 : index
      %get3A_642 = tpu.vector_load %arg7[%get3A_640, %get3A_641] {strides = array<i32>} : memref<128x128xf32, #tpu.memory_space<vmem>>, vector<1x16xf32>,
      %get3A_643 = vector.shape_cast %get3A_642 : vector<1x16xf32> to vector<16xf32>
      %mul3A_644 = arith.constant 11.3137083 : f32
      %mul3A_645 = vector.broadcast %mul3A_644 : f32 to vector<16xf32>
      %mul3A_646 = arith.mulf %get3A_643, %mul3A_645 : vector<16xf32>
      %swap3A_647 = arith.index_cast %scan3A_580 : i32 to index
      %swap3A_648 = arith.constant 80 : index
      %swap3A_649 = tpu.vector_load %arg7[%swap3A_647, %swap3A_648] {strides = array<i32>} : memref<128x128xf32, #tpu.memory_space<vmem>>, vector<1x16xf32>,
      %swap3A_650 = vector.shape_cast %swap3A_649 : vector<1x16xf32> to vector<16xf32>
      %swap3A_651 = vector.shape_cast %mul3A_646 : vector<16xf32> to vector<1x16xf32>
      tpu.vector_store %arg7[%swap3A_647, %swap3A_648], %swap3A_651 {strides = array<i32>} : memref<128x128xf32, #tpu.memory_space<vmem>>, vector<1x16xf32>,
      %get3A_652 = arith.index_cast %scan3A_580 : i32 to index
      %get3A_653 = arith.constant 96 : index
      %get3A_654 = tpu.vector_load %arg7[%get3A_652, %get3A_653] {strides = array<i32>} : memref<128x128xf32, #tpu.memory_space<vmem>>, vector<1x16xf32>,
      %get3A_655 = vector.shape_cast %get3A_654 : vector<1x16xf32> to vector<16xf32>
      %mul3A_656 = arith.constant 11.3137083 : f32
      %mul3A_657 = vector.broadcast %mul3A_656 : f32 to vector<16xf32>
      %mul3A_658 = arith.mulf %get3A_655, %mul3A_657 : vector<16xf32>
      %swap3A_659 = arith.index_cast %scan3A_580 : i32 to index
      %swap3A_660 = arith.constant 96 : index
      %swap3A_661 = tpu.vector_load %arg7[%swap3A_659, %swap3A_660] {strides = array<i32>} : memref<128x128xf32, #tpu.memory_space<vmem>>, vector<1x16xf32>,
      %swap3A_662 = vector.shape_cast %swap3A_661 : vector<1x16xf32> to vector<16xf32>
      %swap3A_663 = vector.shape_cast %mul3A_658 : vector<16xf32> to vector<1x16xf32>
      tpu.vector_store %arg7[%swap3A_659, %swap3A_660], %swap3A_663 {strides = array<i32>} : memref<128x128xf32, #tpu.memory_space<vmem>>, vector<1x16xf32>,
      %get3A_664 = arith.index_cast %scan3A_580 : i32 to index
      %get3A_665 = arith.constant 112 : index
      %get3A_666 = tpu.vector_load %arg7[%get3A_664, %get3A_665] {strides = array<i32>} : memref<128x128xf32, #tpu.memory_space<vmem>>, vector<1x16xf32>,
      %get3A_667 = vector.shape_cast %get3A_666 : vector<1x16xf32> to vector<16xf32>
      %mul3A_668 = arith.constant 11.3137083 : f32
      %mul3A_669 = vector.broadcast %mul3A_668 : f32 to vector<16xf32>
      %mul3A_670 = arith.mulf %get3A_667, %mul3A_669 : vector<16xf32>
      %swap3A_671 = arith.index_cast %scan3A_580 : i32 to index
      %swap3A_672 = arith.constant 112 : index
      %swap3A_673 = tpu.vector_load %arg7[%swap3A_671, %swap3A_672] {strides = array<i32>} : memref<128x128xf32, #tpu.memory_space<vmem>>, vector<1x16xf32>,
      %swap3A_674 = vector.shape_cast %swap3A_673 : vector<1x16xf32> to vector<16xf32>
      %swap3A_675 = vector.shape_cast %mul3A_670 : vector<16xf32> to vector<1x16xf32>
      tpu.vector_store %arg7[%swap3A_671, %swap3A_672], %swap3A_675 {strides = array<i32>} : memref<128x128xf32, #tpu.memory_space<vmem>>, vector<1x16xf32>,
      %scan3A_676 = arith.constant 0 : i32
      scf.yield %scan3A_676 : i32
    }
    %scan3A_537 = arith.constant 128 : i32
    %add3A_538 = arith.constant 2432 : i32
    %add3A_539 = arith.addi %mul3A_2, %add3A_538 : i32
    %dma_start3A_540 = arith.constant 0 : i32
    %dma_start3A_541 = tpu.memref_slice %arg4[%add3A_539, %dma_start3A_540] : memref<81920x128xf32, #tpu.memory_space<hbm>> -> memref<128x128xf32, #tpu.memory_space<hbm>>
    %dma_start3A_542 = arith.constant 0 : i32
    %dma_start3A_543 = tpu.memref_slice %arg4[%add3A_539, %dma_start3A_542] : memref<81920x128xf32, #tpu.memory_space<hbm>> -> memref<128x128xf32, #tpu.memory_space<hbm>>
    tpu.enqueue_dma source(%arg7 : memref<128x128xf32, #tpu.memory_space<vmem>>) target(%dma_start3A_543 : memref<128x128xf32, #tpu.memory_space<hbm>>) target_semaphore(%arg19 : memref<!tpu.dma_semaphore, #tpu.memory_space<semaphore_mem>>)
    %add3A_544 = arith.constant 1792 : i32
    %add3A_545 = arith.addi %mul3A_2, %add3A_544 : i32
    %dma_wait3A_546 = arith.constant 0 : i32
    %dma_wait3A_547 = tpu.memref_slice %arg4[%add3A_545, %dma_wait3A_546] : memref<81920x128xf32, #tpu.memory_space<hbm>> -> memref<128x128xf32, #tpu.memory_space<hbm>>
    %dma_wait3A_548 = arith.constant 0 : i32
    %dma_wait3A_549 = tpu.memref_slice %arg4[%add3A_545, %dma_wait3A_548] : memref<81920x128xf32, #tpu.memory_space<hbm>> -> memref<128x128xf32, #tpu.memory_space<hbm>>
    tpu.wait_dma2 semaphore(%arg20 : memref<!tpu.dma_semaphore, #tpu.memory_space<semaphore_mem>>) src(%arg8 : memref<128x128xf32, #tpu.memory_space<vmem>>) dst(%dma_wait3A_549 : memref<128x128xf32, #tpu.memory_space<hbm>>)
    %add3A_550 = arith.constant 1920 : i32
    %add3A_551 = arith.addi %mul3A_2, %add3A_550 : i32
    %dma_wait3A_552 = arith.constant 0 : i32
    %dma_wait3A_553 = tpu.memref_slice %arg4[%add3A_551, %dma_wait3A_552] : memref<81920x128xf32, #tpu.memory_space<hbm>> -> memref<128x128xf32, #tpu.memory_space<hbm>>
    %dma_wait3A_554 = arith.constant 0 : i32
    %dma_wait3A_555 = tpu.memref_slice %arg4[%add3A_551, %dma_wait3A_554] : memref<81920x128xf32, #tpu.memory_space<hbm>> -> memref<128x128xf32, #tpu.memory_space<hbm>>
    tpu.wait_dma2 semaphore(%arg21 : memref<!tpu.dma_semaphore, #tpu.memory_space<semaphore_mem>>) src(%arg9 : memref<128x128xf32, #tpu.memory_space<vmem>>) dst(%dma_wait3A_555 : memref<128x128xf32, #tpu.memory_space<hbm>>)
    %add3A_556 = arith.constant 2048 : i32
    %add3A_557 = arith.addi %mul3A_2, %add3A_556 : i32
    %dma_wait3A_558 = arith.constant 0 : i32
    %dma_wait3A_559 = tpu.memref_slice %arg4[%add3A_557, %dma_wait3A_558] : memref<81920x128xf32, #tpu.memory_space<hbm>> -> memref<128x128xf32, #tpu.memory_space<hbm>>
    %dma_wait3A_560 = arith.constant 0 : i32
    %dma_wait3A_561 = tpu.memref_slice %arg4[%add3A_557, %dma_wait3A_560] : memref<81920x128xf32, #tpu.memory_space<hbm>> -> memref<128x128xf32, #tpu.memory_space<hbm>>
    tpu.wait_dma2 semaphore(%arg22 : memref<!tpu.dma_semaphore, #tpu.memory_space<semaphore_mem>>) src(%arg10 : memref<128x128xf32, #tpu.memory_space<vmem>>) dst(%dma_wait3A_561 : memref<128x128xf32, #tpu.memory_space<hbm>>)
    %add3A_562 = arith.constant 2176 : i32
    %add3A_563 = arith.addi %mul3A_2, %add3A_562 : i32
    %dma_wait3A_564 = arith.constant 0 : i32
    %dma_wait3A_565 = tpu.memref_slice %arg4[%add3A_563, %dma_wait3A_564] : memref<81920x128xf32, #tpu.memory_space<hbm>> -> memref<128x128xf32, #tpu.memory_space<hbm>>
    %dma_wait3A_566 = arith.constant 0 : i32
    %dma_wait3A_567 = tpu.memref_slice %arg4[%add3A_563, %dma_wait3A_566] : memref<81920x128xf32, #tpu.memory_space<hbm>> -> memref<128x128xf32, #tpu.memory_space<hbm>>
    tpu.wait_dma2 semaphore(%arg23 : memref<!tpu.dma_semaphore, #tpu.memory_space<semaphore_mem>>) src(%arg11 : memref<128x128xf32, #tpu.memory_space<vmem>>) dst(%dma_wait3A_567 : memref<128x128xf32, #tpu.memory_space<hbm>>)
    %add3A_568 = arith.constant 2304 : i32
    %add3A_569 = arith.addi %mul3A_2, %add3A_568 : i32
    %dma_wait3A_570 = arith.constant 0 : i32
    %dma_wait3A_571 = tpu.memref_slice %arg4[%add3A_569, %dma_wait3A_570] : memref<81920x128xf32, #tpu.memory_space<hbm>> -> memref<128x128xf32, #tpu.memory_space<hbm>>
    %dma_wait3A_572 = arith.constant 0 : i32
    %dma_wait3A_573 = tpu.memref_slice %arg4[%add3A_569, %dma_wait3A_572] : memref<81920x128xf32, #tpu.memory_space<hbm>> -> memref<128x128xf32, #tpu.memory_space<hbm>>
    tpu.wait_dma2 semaphore(%arg18 : memref<!tpu.dma_semaphore, #tpu.memory_space<semaphore_mem>>) src(%arg6 : memref<128x128xf32, #tpu.memory_space<vmem>>) dst(%dma_wait3A_573 : memref<128x128xf32, #tpu.memory_space<hbm>>)
    %add3A_574 = arith.constant 2432 : i32
    %add3A_575 = arith.addi %mul3A_2, %add3A_574 : i32
    %dma_wait3A_576 = arith.constant 0 : i32
    %dma_wait3A_577 = tpu.memref_slice %arg4[%add3A_575, %dma_wait3A_576] : memref<81920x128xf32, #tpu.memory_space<hbm>> -> memref<128x128xf32, #tpu.memory_space<hbm>>
    %dma_wait3A_578 = arith.constant 0 : i32
    %dma_wait3A_579 = tpu.memref_slice %arg4[%add3A_575, %dma_wait3A_578] : memref<81920x128xf32, #tpu.memory_space<hbm>> -> memref<128x128xf32, #tpu.memory_space<hbm>>
    tpu.wait_dma2 semaphore(%arg19 : memref<!tpu.dma_semaphore, #tpu.memory_space<semaphore_mem>>) src(%arg7 : memref<128x128xf32, #tpu.memory_space<vmem>>) dst(%dma_wait3A_579 : memref<128x128xf32, #tpu.memory_space<hbm>>)
    return
  }
}

</mosaic_0001>

<sc_bundles>
// kernel: kernel.3.cloned.1.call-start
scs
__scs_entry_jumppad:
0x0: {  	(pc) =	sbr.rel $0x88, $3  }
0x1: {  	(tag) =	ssettag $0x0;
	lr =	simm.s32 $0x1  }
0x2: {  	[smem:$0x3F9F] =	sst lr;
	_ =	strace $0xD0000000  }
0x3: {  	_ = 	snop  }
0x4: {  	_ = 	snop  }
0x5: {  	_ = 	snop  }
0x6: {  	_ = 	snop  }
0x7: {  	_ = 	snop  }
__scs_overlays_trampoline_lowered:
0x8: {  	[smem:$0x3FAE] =	sst s0  }
0x9: {  	[smem:$0x3FAF] =	sst s1  }
0xa: {  	[smem:$0x3FB0] =	sst s2  }
0xb: {  	[smem:$0x3FB1] =	sst s3  }
0xc: {  	[smem:$0x3FB2] =	sst s4  }
0xd: {  	[smem:$0x3FB3] =	sst s5  }
0xe: {  	[smem:$0x3FB4] =	sst s6  }
0xf: {  	[smem:$0x3FB5] =	sst s7  }
0x10: {  	[smem:$0x3FB6] =	sst s8  }
0x11: {  	[smem:$0x3FB7] =	sst s9;
	s0 =	simm.s32 @!p0 $0x0  }
0x12: {  	s1 =	sld [smem:$0x3F9D];
	s0 =	simm.s32 @p0 $0x1  }
0x13: {  	[smem:$0x3FB8] =	sst s0;
	s0 =	simm.s32 @!p1 $0x0  }
0x14: {  	s2 =	sld [smem:$0x3F9C];
	s0 =	simm.s32 @p1 $0x1  }
0x15: {  	[smem:$0x3FB9] =	sst s0;
	s0 =	simm.s32 @!p2 $0x0  }
0x16: {  	s3 =	sld [smem:$0x3FDB];
	s0 =	simm.s32 @p2 $0x1  }
0x17: {  	s4 =	simm.s32 $0x1BF5;
	[smem:$0x3FBB] =	sst s0  }
0x18: {  	s0 =	sld [smem:$0x3F9E];
	_ =	swait.ge [sflag:s4], $0x0  }
0x19: {  	s7 =	sld [smem:$0x3F9F]  }
0x1a: {  	s8 =	sadd.s32 $0xFFFFE003, lr  }
0x1b: {  	s9 =	sadd.s32 $0xFFFFFEF7, lr;
	s5 =	simm.s32 $0xFFFFFFFF;
	p2 =	slt.u32 s8, $0xFFFFF086  }
0x1c: {  	p1 =	slt.u32 s9, $0xF7A;
	s5 =	simm.s32 @!p2 $0x0  }
0x1d: {  	s5 =	simm.s32 @p1 $0x1;
	p0 =	seq.s32 s7, s2  }
0x1e: {  	s7 =	smul.u32 @!p0 $0xF7A, s2;
	p2 =	seq.s32 @!p0 s5, $0x0  }
0x1f: {  	s9 =	smul.u32 $0xF7A, s1;
	s8 =	simm.s32 @!p0 $0x1BF5;
	p2 =	por !p2, p0  }
0x20: {  	[sflag:s8] =	ssyncset.s32 @!p0 $0xFFFFF086;
	s6 =	sadd.s32 @!p0 s3, s7;
	s7 =	simm.s32 @!p0 $0x108  }
0x21: {  	s3 =	sadd.s32 s3, s9;
	s6 =	sadd.s32 @!p0 $0x88, s6;
	s7 =	simm.s32 @p2 $0x1082  }
0x22: {  	[simem:s7], [sflag:s8] =	dma.local @!p0 [hbm:s6], $0xF7A  }
0x23: {  	s9 =	sor.u32 $0xD0000000, s2;
	s6 =	simm.s32 $0x108;
	_ =	swait.ge @!p0 [sflag:s8], $0x0  }
0x24: {  	s3 =	sadd.s32 $0x88, s3;
	s6 =	simm.s32 @!p1 $0x1082;
	[sflag:s4] =	ssyncset.s32 $0xFFFFF086  }
0x25: {  	[simem:s6], [sflag:s4] =	dma.local [hbm:s3], $0xF7A  }
0x26: {  	[smem:$0x3F9F] =	sst s1;
	(tag) =	ssettag s2;
	_ =	strace s9  }
0x27: {  	s1 =	sld [smem:$0x3FAF]  }
0x28: {  	s2 =	sld [smem:$0x3FB0]  }
0x29: {  	s4 =	sld [smem:$0x3FB2]  }
0x2a: {  	p0 =	seq.s32 s5, $0x0;
	s5 =	sld [smem:$0x3FB3]  }
0x2b: {  	s6 =	sld [smem:$0x3FB4]  }
0x2c: {  	s7 =	sld [smem:$0x3FB5]  }
0x2d: {  	s3 =	simm.s32 $0x108;
	s8 =	sld [smem:$0x3FB6]  }
0x2e: {  	s3 =	simm.s32 @!p0 $0x1082;
	s9 =	sld [smem:$0x3FB7]  }
0x2f: {  	lr =	sadd.s32 s0, s3;
	s0 =	sld [smem:$0x3FAE]  }
0x30: {  	s3 =	sld [smem:$0x3FB1]  }
0x31: {  	[smem:$0x3FBA] =	sst s10  }
0x32: {  	s10 =	sld [smem:$0x3FB8];
	_ =	sdelay $0x3  }
0x33: {  	p0 =	seq.s32 s10, $0x1;
	s10 =	sld [smem:$0x3FBA];
	_ =	sdelay $0x3  }
0x34: {  	[smem:$0x3FBA] =	sst s10  }
0x35: {  	s10 =	sld [smem:$0x3FB9];
	_ =	sdelay $0x3  }
0x36: {  	p1 =	seq.s32 s10, $0x1;
	s10 =	sld [smem:$0x3FBA];
	_ =	sdelay $0x3  }
0x37: {  	[smem:$0x3FBA] =	sst s10  }
0x38: {  	s10 =	sld [smem:$0x3FBB]  }
0x39: {  	_ = 	snop;
	(pc) =	sbr.ind lr, $3  }
0x3a: {  	_ = 	snop  }
0x3b: {  	_ = 	snop  }
0x3c: {  	p2 =	seq.s32 s10, $0x1;
	s10 =	sld [smem:$0x3FBA]  }
0x3d: {  	_ =	shalt  }
0x3e: {  	_ =	shalt  }
0x3f: {  	_ =	shalt  }
0x40: {  	_ =	shalt  }
0x41: {  	_ =	shalt  }
0x42: {  	_ =	shalt  }
0x43: {  	_ =	shalt  }
0x44: {  	_ =	shalt  }
0x45: {  	_ =	shalt  }
0x46: {  	_ =	shalt  }
0x47: {  	_ =	shalt  }
0x48: {  	_ =	shalt  }
0x49: {  	_ =	shalt  }
0x4a: {  	_ =	shalt  }
0x4b: {  	_ =	shalt  }
0x4c: {  	_ =	shalt  }
0x4d: {  	_ =	shalt  }
0x4e: {  	_ =	shalt  }
0x4f: {  	_ =	shalt  }
0x50: {  	_ =	shalt  }
0x51: {  	_ =	shalt  }
0x52: {  	_ =	shalt  }
0x53: {  	_ =	shalt  }
0x54: {  	_ =	shalt  }
0x55: {  	_ =	shalt  }
0x56: {  	_ =	shalt  }
0x57: {  	_ =	shalt  }
0x58: {  	_ =	shalt  }
0x59: {  	_ =	shalt  }
0x5a: {  	_ =	shalt  }
0x5b: {  	_ =	shalt  }
0x5c: {  	_ =	shalt  }
0x5d: {  	_ =	shalt  }
0x5e: {  	_ =	shalt  }
0x5f: {  	_ =	shalt  }
0x60: {  	_ =	shalt  }
0x61: {  	_ =	shalt  }
0x62: {  	_ =	shalt  }
0x63: {  	_ =	shalt  }
0x64: {  	_ =	shalt  }
0x65: {  	_ =	shalt  }
0x66: {  	_ =	shalt  }
0x67: {  	_ =	shalt  }
0x68: {  	_ =	shalt  }
0x69: {  	_ =	shalt  }
0x6a: {  	_ =	shalt  }
0x6b: {  	_ =	shalt  }
0x6c: {  	_ =	shalt  }
0x6d: {  	_ =	shalt  }
0x6e: {  	_ =	shalt  }
0x6f: {  	_ =	shalt  }
0x70: {  	_ =	shalt  }
0x71: {  	_ =	shalt  }
0x72: {  	_ =	shalt  }
0x73: {  	_ =	shalt  }
0x74: {  	_ =	shalt  }
0x75: {  	_ =	shalt  }
0x76: {  	_ =	shalt  }
0x77: {  	_ =	shalt  }
0x78: {  	_ =	shalt  }
0x79: {  	_ =	shalt  }
0x7a: {  	_ =	shalt  }
0x7b: {  	_ =	shalt  }
0x7c: {  	_ =	shalt  }
0x7d: {  	_ =	shalt  }
0x7e: {  	_ =	shalt  }
0x7f: {  	_ =	shalt  }
0x80: {  	_ =	shalt  }
0x81: {  	_ =	shalt  }
0x82: {  	_ =	shalt  }
0x83: {  	_ =	shalt  }
0x84: {  	_ =	shalt  }
0x85: {  	_ =	shalt  }
0x86: {  	_ =	shalt  }
0x87: {  	_ =	shalt  }
.Lfunc_end0:
.L_simem_size_0:
called_computation_lowered:
.L_overlay_start_0:
0x88: {  	s2 =	sld [smem:$0x3FD9]  }
0x89: {  	s3 =	sld [smem:$0x3FFE];
	_ =	sdelay $0x1  }
0x8a: {  	s1 =	srdreg.scid  }
0x8b: {  	s0 =	sand.u32 $0x1, s1  }
0x8c: {  	s17 =	sshll.u32 s0, $0xA;
	s2 =	sadd.s32 s3, s2  }
0x8d: {  	s2 =	sadd.s32 s2, s17  }
0x8e: {  	[smem:$0x3FC6] =	sst s2  }
0x8f: {  	_ = 	snop  }
0x90: {  	s2 =	sld [smem:$0x3FC8]  }
0x91: {  	s18 =	sld [smem:$0x3FD0];
	(tm) =	ssettm $0x1  }
0x92: {  	s4 =	sld [smem:$0x3FFB];
	_ =	sdelay $0x3  }
0x93: {  	_ =	strace s4  }
0x94: {  	s4 =	sld [smem:$0x3FFC];
	_ =	sdelay $0x3  }
0x95: {  	_ =	strace s4  }
0x96: {  	s4 =	sld [smem:$0x3FFD];
	_ =	sdelay $0x3  }
0x97: {  	_ =	strace s4  }
0x98: {  	_ =	strace $0x8FFFFFFF  }
0x99: {  	s19 =	sld [smem:$0x3FDB];
	_ =	sdelay $0x1  }
0x9a: {  	s5 =	simm.s32 $_scs_section_size  }
0x9b: {  	s6 =	simm.s32 $_size__tile_overlayer_lowered;
	s7 =	simm.s32 $_tile_overlayer_lowered  }
0x9c: {  	s22 =	simm.s32 $0x1BFF;
	s21 =	sshll.u32 s7, $0x1;
	s4 =	sadd.s32 s5, s19  }
0x9d: {  	s8 =	simm.s32 $0x0;
	s20 =	sshll.u32 s6, $0x1;
	s6 =	sadd.s32 s21, s4  }
0x9e: {  	[timem:s8], [sflag:s22] =	dma.local [hbm:s6], s20  }
0x9f: {  	_ =	swait.ge [sflag:s22], s20  }
0xa0: {  	s5 =	ssub.s32 $0x0, s20;
	[sflag:s22] =	ssyncset.done $0x0  }
0xa1: {  	[sflag:s22] =	ssyncadd.s32 s5;
	_ =	sdelay $0x1  }
0xa2: {  	s23 =	simm.s32 $0x1B8B  }
0xa3: {  	_ =	swait.ge [sflag:s23], $0x1  }
0xa4: {  	[sflag:s23] =	ssyncset.done $0x0  }
0xa5: {  	s25 =	simm.s32 $0x1B8E;
	s24 =	sld [smem:$0x3FFE];
	[sflag:s23] =	ssyncadd.s32 $0xFFFFFFFF  }
0xa6: {  	s26 =	simm.s32 $execute0_lowered;
	[smem:$0x3FD2] =	sst s25  }
0xa7: {  	s6 =	sshll.u32 s26, $0x1;
	_ =	strace $0x80000046;
	[dreg:$0x1] =	wrdreg $0xFFFFFFFF  }
0xa8: {  	s28 =	simm.s32 $_size_execute0_lowered;
	s4 =	sadd.s32 s4, s6;
	[dreg:$0x0] =	wrdreg $0x0  }
0xa9: {  	s6 =	sshll.u32 s28, $0x1;
	[dreg:$0x2] =	wrdreg s4  }
0xaa: {  	[dreg:$0x3] =	wrdreg s6  }
0xab: {  	[dreg:$0x4] =	wrdreg $0xC0  }
0xac: {  	_ =	task [dreg:s8], $0x5FFFF  }
0xad: {  	[dreg:$0x1] =	wrdreg $0xFFFFFFFF  }
0xae: {  	[dreg:$0x0] =	wrdreg $0x60  }
0xaf: {  	[dreg:$0x2] =	wrdreg s24  }
0xb0: {  	[dreg:$0x3] =	wrdreg s2  }
0xb1: {  	[dreg:$0x4] =	wrdreg s18  }
0xb2: {  	[dreg:$0x5] =	wrdreg $0x9  }
0xb3: {  	_ =	task.clear_ibuf [dreg:s8], $0x6FFFF;
	_ =	strace $0x90000046  }
0xb4: {  	s29 =	simm.s32 $0x9;
	_ =	strace $0x80000048  }
0xb5: {  	_ =	swait.ge [sflag:s29], $0x1  }
0xb6: {  	[sflag:s29] =	ssyncadd.s32 $0xFFFFFFFF  }
0xb7: {  	_ =	strace $0x90000048  }
0xb8: {  	_ =	sfence  }
0xb9: {  	s30 =	sld [smem:$0x0];
	_ =	sdelay $0x2  }
0xba: {  	s31 =	sshll.u32 s1, $0xD;
	s1 =	sshrl.u32 s1, $0x2  }
0xbb: {  	s3 =	sand.u32 $0x4000, s31;
	s1 =	sadd.s32 s1, s30  }
0xbc: {  	s0 =	sor.u32 s3, s0;
	s1 =	sshll.u32 s1, $0x11  }
0xbd: {  	s0 =	sor.u32 s1, s0  }
0xbe: {  	s0 =	sadd.s32 $0x8F2B, s0  }
0xbf: {  	[sflag:s0] =	ssyncadd.remote.s32 $0x1  }
0xc0: {  	_ =	sfence.sel $0xFFFF  }
0xc1: {  	[dreg:$0x0] =	wrdreg $0xFFFFFFFF;
	(pc) =	sbr.abs _section_cstart, $3  }
0xc2: {  	[dreg:$0x1] =	wrdreg $0xFFFFFFFF  }
0xc3: {  	_ =	task.clear_ibuf [dreg:s8], $0x2FFFF;
	_ =	strace $0x9FFFFFFF  }
0xc4: {  	(tm) =	ssettm $0x7FFFFFFF  }
0xc5: {  	_ =	shalt  }
tec
execute0_lowered:
.L_overlay_start_1:
0x0: {  	(tag) =	ssettag $0x1  }
0x1: {  	s1 =	srdreg.scid;
	s3 =	stileid.u32  }
0x2: {  	s1 =	sand.u32 $0x1, s1;
	s3 =	sshll.u32 s3, $0x1  }
0x3: {  	s0 =	rddreg [dreg:$0x0];
	s5 =	sor.u32 s1, s3  }
0x4: {  	s2 =	rddreg [dreg:$0x1];
	s6 =	smul.u32 $0x140, s5  }
0x5: {  	s4 =	rddreg [dreg:$0x2];
	s3 =	simm.s32 $0x0;
	s7 =	smul.u32 $0xA000, s5  }
0x6: {  	s28 =	simm.s32 $0x80;
	[smem:$0x7FF] =	sst s3;
	s0 =	sadd.s32 s6, s0  }
0x7: {  	s9 =	smul.u32 $0x50000, s5;
	s5 =	sadd.s32 s4, s7;
	s0 =	sadd.s32 $0x400, s0  }
0x8: {  	_ =	strace $0x80000047;
	s11 =	sadd.s32 $0x800, s5;
	[dreg:$0x4] =	wrdreg s0  }
0x9: {  	s10 =	sshrl.u32 s9, $0x3;
	s12 =	sadd.s32 $0x1000, s5;
	[dreg:$0x5] =	wrdreg s11  }
0xa: {  	s13 =	sadd.s32 $0x1800, s5;
	[dreg:$0x6] =	wrdreg s12;
	s0 =	sadd.s32 s4, s10  }
0xb: {  	s29 =	simm.s32 $0xA00;
	[dreg:$0x7] =	wrdreg s13;
	s14 =	sadd.s32 $0x2000, s0  }
0xc: {  	s30 =	simm.s32 $0x4A00;
	s15 =	sadd.s32 $0x2800, s0;
	[dreg:$0x8] =	wrdreg s14  }
0xd: {  	s31 =	simm.s32 $0xCA00;
	s16 =	sadd.s32 $0x3000, s0;
	[dreg:$0x9] =	wrdreg s15  }
0xe: {  	s1 =	ssub.s32 $0x2, s1;
	s17 =	sadd.s32 $0x3800, s0;
	[dreg:$0xa] =	wrdreg s16  }
0xf: {  	s8 =	sshrl.u32 s1, $0x1;
	s18 =	sadd.s32 $0x4000, s0;
	[dreg:$0xb] =	wrdreg s17  }
0x10: {  	s1 =	ssub.s32 s1, s8;
	s19 =	sadd.s32 $0x4800, s0;
	[dreg:$0xc] =	wrdreg s18  }
0x11: {  	s8 =	simm.s32 $0x3;
	s20 =	sadd.s32 $0x5000, s0;
	[dreg:$0xd] =	wrdreg s19  }
0x12: {  	s6 =	simm.s32 $0x2;
	s21 =	sadd.s32 $0x5800, s0;
	[dreg:$0xe] =	wrdreg s20  }
0x13: {  	s7 =	simm.s32 $0x14A00;
	s22 =	sadd.s32 $0x6000, s0;
	[dreg:$0xf] =	wrdreg s21  }
0x14: {  	s9 =	simm.s32 $0x7;
	s23 =	sadd.s32 $0x6800, s0;
	[dreg:$0x10] =	wrdreg s22  }
0x15: {  	s4 =	simm.s32 $0x10A00;
	s24 =	sadd.s32 $0x7000, s0;
	[dreg:$0x11] =	wrdreg s23  }
0x16: {  	s10 =	simm.s32 $0x4;
	s25 =	sadd.s32 $0x7800, s0;
	[dreg:$0x12] =	wrdreg s24  }
0x17: {  	s11 =	simm.s32 $0x8;
	s26 =	sadd.s32 $0x8000, s0;
	[dreg:$0x13] =	wrdreg s25  }
0x18: {  	s12 =	simm.s32 $0x5;
	s13 =	simm.s32 $0x9;
	[dreg:$0x14] =	wrdreg s26  }
0x19: {  	s22 =	sadd.s32 $0x8800, s0;
	s23 =	sadd.s32 $0x9000, s0;
	s24 =	sadd.s32 $0x9800, s0  }
0x1a: {  	s25 =	smax.u32 s1, $0x1;
	s26 =	simm.s32 $0xD;
	s1 =	simm.s32 $0x8A00  }
0x1b: {  	s0 =	simm.s32 $0x1;
	s14 =	simm.s32 $0x6;
	s15 =	simm.s32 $0xA  }
0x1c: {  	s16 =	simm.s32 $0xB;
	s17 =	simm.s32 $0xC;
	s18 =	simm.s32 $0x0  }
.LBB2_1:
0x1d: {  	s19 =	rddreg [dreg:$0x4]  }
0x1e: {  	[tilespmem:s3], [sflag:$0xD] =	stream.linear.gather [hbm4b:s19+s3], $0xA00, $0x38;
	[tilespmem:$0x18A00] =	vst v63  }
0x1f: {  	_ =	swait.ge [sflag:s26], $0xA00  }
0x20: {  	[sflag:s26] =	ssyncset.done $0x0  }
0x21: {  	[sflag:s26] =	ssyncadd.s32 $0xFFFFF600  }
0x22: {  	[tilespmem:s29], [sflag:$0x1] =	stream.indirect.gather [hbm4b:s2+s28], $0x80, s3, s28, $0xb8;
	[tilespmem:$0x18A00] =	vst v63  }
0x23: {  	_ = 	snop  }
0x24: {  	[tilespmem:s30], [sflag:$0x2] =	stream.indirect.gather [hbm4b:s2+s28], $0x80, s28, s28, $0xb8;
	[tilespmem:$0x18A00] =	vst v63  }
0x25: {  	s21 =	simm.s32 $0x100  }
0x26: {  	[tilespmem:s1], [sflag:$0x3] =	stream.indirect.gather [hbm4b:s2+s28], $0x80, s21, s28, $0xb8;
	[tilespmem:$0x18A00] =	vst v63  }
0x27: {  	s20 =	simm.s32 $0x180  }
0x28: {  	[tilespmem:s31], [sflag:$0x4] =	stream.indirect.gather [hbm4b:s2+s28], $0x80, s20, s28, $0xb8;
	[tilespmem:$0x18A00] =	vst v63  }
0x29: {  	_ =	swait.ge [sflag:s0], $0x4000  }
0x2a: {  	[sflag:s0] =	ssyncset.done $0x0  }
0x2b: {  	s19 =	simm.s32 $0x0;
	s21 =	simm.s32 $0x200;
	[sflag:s0] =	ssyncadd.s32 $0xFFFFC000  }
0x2c: {  	[tilespmem:s4], [sflag:$0x5] =	stream.indirect.gather [hbm4b:s2+s28], $0x80, s21, s28, $0xb8;
	[tilespmem:$0x18A00] =	vst v63  }
0x2d: {  	v3 =	vld [tilespmem:s19+$0xA00]  }
0x2e: {  	v5 =	vld [tilespmem:s19+$0xA10]  }
0x2f: {  	v4 =	vld [tilespmem:s19+$0xA20]  }
0x30: {  	v2 =	vld [tilespmem:s19+$0xA30]  }
0x31: {  	v0 =	vld [tilespmem:s19+$0xA40]  }
0x32: {  	v1 =	vld [tilespmem:s19+$0xA50];
	v6 =	vmul.f32 $1.131370830e+01, v3  }
0x33: {  	s20 =	simm.s32 $0x200;
	v5 =	vmul.f32 $1.131370830e+01, v5;
	v3 =	vld [tilespmem:s19+$0xA60]  }
.LBB2_2:
0x34: {  	s21 =	sshra.s32 s20, $0x2;
	p0 =	sne.s32 s20, $0xFE00;
	[tilespmem:s19+$0xA00] =	vst v6;
	v4 =	vmul.f32 $1.131370830e+01, v4;
	v6 =	vld [tilespmem:s19+$0xA70]  }
0x35: {  	v7 =	vld [tilespmem:s21+$0xA00];
	[tilespmem:s19+$0xA10] =	vst v5;
	v2 =	vmul.f32 $1.131370830e+01, v2  }
0x36: {  	v5 =	vld [tilespmem:s21+$0xA10];
	[tilespmem:s19+$0xA20] =	vst v4;
	v0 =	vmul.f32 $1.131370830e+01, v0  }
.Ltmp0:
0x37: {  	v4 =	vld [tilespmem:s21+$0xA20];
	[tilespmem:s19+$0xA30] =	vst v2;
	v1 =	vmul.f32 $1.131370830e+01, v1;
	(pc) =	sbr.rel @p0 .LBB2_2-.Ltmp0, $4  }
0x38: {  	v2 =	vld [tilespmem:s21+$0xA30];
	[tilespmem:s19+$0xA40] =	vst v0;
	v3 =	vmul.f32 $1.131370830e+01, v3  }
0x39: {  	v0 =	vld [tilespmem:s21+$0xA40];
	[tilespmem:s19+$0xA50] =	vst v1;
	v8 =	vmul.f32 $1.131370830e+01, v6  }
0x3a: {  	v6 =	vmul.f32 $1.131370830e+01, v7;
	v1 =	vld [tilespmem:s21+$0xA50];
	[tilespmem:s19+$0xA60] =	vst v3  }
0x3b: {  	s20 =	sadd.s32 $0x200, s20;
	v5 =	vmul.f32 $1.131370830e+01, v5;
	v3 =	vld [tilespmem:s21+$0xA60];
	[tilespmem:s19+$0xA70] =	vst v8;
	s19 =	smov.u32 s21  }
0x3c: {  	[tilespmem:s19+$0xA00] =	vst v6;
	v4 =	vmul.f32 $1.131370830e+01, v4;
	v6 =	vld [tilespmem:s19+$0xA70]  }
0x3d: {  	[tilespmem:s19+$0xA10] =	vst v5;
	v2 =	vmul.f32 $1.131370830e+01, v2  }
0x3e: {  	[tilespmem:s19+$0xA20] =	vst v4;
	v0 =	vmul.f32 $1.131370830e+01, v0  }
0x3f: {  	[tilespmem:s19+$0xA30] =	vst v2;
	v1 =	vmul.f32 $1.131370830e+01, v1  }
0x40: {  	[tilespmem:s19+$0xA40] =	vst v0;
	v0 =	vmul.f32 $1.131370830e+01, v3  }
0x41: {  	[tilespmem:s19+$0xA50] =	vst v1;
	v1 =	vmul.f32 $1.131370830e+01, v6  }
0x42: {  	[tilespmem:s19+$0xA60] =	vst v0  }
0x43: {  	s20 =	simm.s32 $0x0;
	[tilespmem:s19+$0xA70] =	vst v1  }
0x44: {  	[hbm4b:s5+s20] =	stream.linear.scatter [tilespmem:s29], [sflag:$0x7], $0x4000, $0x38;
	[tilespmem:$0x18A00] =	vst v63  }
0x45: {  	_ =	swait.ge [sflag:s6], $0x4000  }
0x46: {  	[sflag:s6] =	ssyncset.done $0x0  }
0x47: {  	s21 =	simm.s32 $0x280;
	s19 =	simm.s32 $0x0;
	[sflag:s6] =	ssyncadd.s32 $0xFFFFC000  }
0x48: {  	[tilespmem:s7], [sflag:$0x6] =	stream.indirect.gather [hbm4b:s2+s28], $0x80, s21, s28, $0xb8;
	[tilespmem:$0x18A00] =	vst v63  }
0x49: {  	v3 =	vld [tilespmem:s19+$0x4A00]  }
0x4a: {  	v5 =	vld [tilespmem:s19+$0x4A10]  }
0x4b: {  	v4 =	vld [tilespmem:s19+$0x4A20]  }
0x4c: {  	v2 =	vld [tilespmem:s19+$0x4A30]  }
0x4d: {  	v0 =	vld [tilespmem:s19+$0x4A40]  }
0x4e: {  	v1 =	vld [tilespmem:s19+$0x4A50];
	v6 =	vmul.f32 $1.131370830e+01, v3  }
0x4f: {  	s20 =	simm.s32 $0x200;
	v5 =	vmul.f32 $1.131370830e+01, v5;
	v3 =	vld [tilespmem:s19+$0x4A60]  }
.LBB2_4:
0x50: {  	s21 =	sshra.s32 s20, $0x2;
	p0 =	sne.s32 s20, $0xFE00;
	[tilespmem:s19+$0x4A00] =	vst v6;
	v4 =	vmul.f32 $1.131370830e+01, v4;
	v6 =	vld [tilespmem:s19+$0x4A70]  }
0x51: {  	v7 =	vld [tilespmem:s21+$0x4A00];
	[tilespmem:s19+$0x4A10] =	vst v5;
	v2 =	vmul.f32 $1.131370830e+01, v2  }
0x52: {  	v5 =	vld [tilespmem:s21+$0x4A10];
	[tilespmem:s19+$0x4A20] =	vst v4;
	v0 =	vmul.f32 $1.131370830e+01, v0  }
.Ltmp1:
0x53: {  	v4 =	vld [tilespmem:s21+$0x4A20];
	[tilespmem:s19+$0x4A30] =	vst v2;
	v1 =	vmul.f32 $1.131370830e+01, v1;
	(pc) =	sbr.rel @p0 .LBB2_4-.Ltmp1, $4  }
0x54: {  	v2 =	vld [tilespmem:s21+$0x4A30];
	[tilespmem:s19+$0x4A40] =	vst v0;
	v3 =	vmul.f32 $1.131370830e+01, v3  }
0x55: {  	v0 =	vld [tilespmem:s21+$0x4A40];
	[tilespmem:s19+$0x4A50] =	vst v1;
	v8 =	vmul.f32 $1.131370830e+01, v6  }
0x56: {  	v6 =	vmul.f32 $1.131370830e+01, v7;
	v1 =	vld [tilespmem:s21+$0x4A50];
	[tilespmem:s19+$0x4A60] =	vst v3  }
0x57: {  	s20 =	sadd.s32 $0x200, s20;
	v5 =	vmul.f32 $1.131370830e+01, v5;
	v3 =	vld [tilespmem:s21+$0x4A60];
	[tilespmem:s19+$0x4A70] =	vst v8;
	s19 =	smov.u32 s21  }
0x58: {  	[tilespmem:s19+$0x4A00] =	vst v6;
	v4 =	vmul.f32 $1.131370830e+01, v4;
	v6 =	vld [tilespmem:s19+$0x4A70]  }
0x59: {  	[tilespmem:s19+$0x4A10] =	vst v5;
	v2 =	vmul.f32 $1.131370830e+01, v2  }
0x5a: {  	[tilespmem:s19+$0x4A20] =	vst v4;
	v0 =	vmul.f32 $1.131370830e+01, v0  }
0x5b: {  	[tilespmem:s19+$0x4A30] =	vst v2;
	v1 =	vmul.f32 $1.131370830e+01, v1  }
0x5c: {  	[tilespmem:s19+$0x4A40] =	vst v0;
	v0 =	vmul.f32 $1.131370830e+01, v3  }
0x5d: {  	[tilespmem:s19+$0x4A50] =	vst v1;
	v1 =	vmul.f32 $1.131370830e+01, v6  }
0x5e: {  	[tilespmem:s19+$0x4A60] =	vst v0  }
0x5f: {  	s21 =	simm.s32 $0x0;
	s20 =	rddreg [dreg:$0x5];
	[tilespmem:s19+$0x4A70] =	vst v1  }
0x60: {  	[hbm4b:s20+s21] =	stream.linear.scatter [tilespmem:s30], [sflag:$0x8], $0x4000, $0x38;
	[tilespmem:$0x18A00] =	vst v63  }
0x61: {  	_ =	swait.ge [sflag:s8], $0x4000  }
0x62: {  	[sflag:s8] =	ssyncset.done $0x0  }
0x63: {  	[sflag:s8] =	ssyncadd.s32 $0xFFFFC000  }
0x64: {  	_ =	swait.ge [sflag:s9], $0x4000  }
0x65: {  	[sflag:s9] =	ssyncset.done $0x0  }
0x66: {  	s19 =	simm.s32 $0x0;
	s21 =	simm.s32 $0x300;
	[sflag:s9] =	ssyncadd.s32 $0xFFFFC000  }
0x67: {  	[tilespmem:s29], [sflag:$0x1] =	stream.indirect.gather [hbm4b:s2+s28], $0x80, s21, s28, $0xb8;
	[tilespmem:$0x18A00] =	vst v63  }
0x68: {  	v3 =	vld [tilespmem:s19+$0x8A00]  }
0x69: {  	v5 =	vld [tilespmem:s19+$0x8A10]  }
0x6a: {  	v4 =	vld [tilespmem:s19+$0x8A20]  }
0x6b: {  	v2 =	vld [tilespmem:s19+$0x8A30]  }
0x6c: {  	v0 =	vld [tilespmem:s19+$0x8A40]  }
0x6d: {  	v1 =	vld [tilespmem:s19+$0x8A50];
	v6 =	vmul.f32 $1.131370830e+01, v3  }
0x6e: {  	s20 =	simm.s32 $0x200;
	v5 =	vmul.f32 $1.131370830e+01, v5;
	v3 =	vld [tilespmem:s19+$0x8A60]  }
.LBB2_6:
0x6f: {  	s21 =	sshra.s32 s20, $0x2;
	p0 =	sne.s32 s20, $0xFE00;
	[tilespmem:s19+$0x8A00] =	vst v6;
	v4 =	vmul.f32 $1.131370830e+01, v4;
	v6 =	vld [tilespmem:s19+$0x8A70]  }
0x70: {  	v7 =	vld [tilespmem:s21+$0x8A00];
	[tilespmem:s19+$0x8A10] =	vst v5;
	v2 =	vmul.f32 $1.131370830e+01, v2  }
0x71: {  	v5 =	vld [tilespmem:s21+$0x8A10];
	[tilespmem:s19+$0x8A20] =	vst v4;
	v0 =	vmul.f32 $1.131370830e+01, v0  }
.Ltmp2:
0x72: {  	v4 =	vld [tilespmem:s21+$0x8A20];
	[tilespmem:s19+$0x8A30] =	vst v2;
	v1 =	vmul.f32 $1.131370830e+01, v1;
	(pc) =	sbr.rel @p0 .LBB2_6-.Ltmp2, $4  }
0x73: {  	v2 =	vld [tilespmem:s21+$0x8A30];
	[tilespmem:s19+$0x8A40] =	vst v0;
	v3 =	vmul.f32 $1.131370830e+01, v3  }
0x74: {  	v0 =	vld [tilespmem:s21+$0x8A40];
	[tilespmem:s19+$0x8A50] =	vst v1;
	v8 =	vmul.f32 $1.131370830e+01, v6  }
0x75: {  	v6 =	vmul.f32 $1.131370830e+01, v7;
	v1 =	vld [tilespmem:s21+$0x8A50];
	[tilespmem:s19+$0x8A60] =	vst v3  }
0x76: {  	s20 =	sadd.s32 $0x200, s20;
	v5 =	vmul.f32 $1.131370830e+01, v5;
	v3 =	vld [tilespmem:s21+$0x8A60];
	[tilespmem:s19+$0x8A70] =	vst v8;
	s19 =	smov.u32 s21  }
0x77: {  	[tilespmem:s19+$0x8A00] =	vst v6;
	v4 =	vmul.f32 $1.131370830e+01, v4;
	v6 =	vld [tilespmem:s19+$0x8A70]  }
0x78: {  	[tilespmem:s19+$0x8A10] =	vst v5;
	v2 =	vmul.f32 $1.131370830e+01, v2  }
0x79: {  	[tilespmem:s19+$0x8A20] =	vst v4;
	v0 =	vmul.f32 $1.131370830e+01, v0  }
0x7a: {  	[tilespmem:s19+$0x8A30] =	vst v2;
	v1 =	vmul.f32 $1.131370830e+01, v1  }
0x7b: {  	[tilespmem:s19+$0x8A40] =	vst v0;
	v0 =	vmul.f32 $1.131370830e+01, v3  }
0x7c: {  	[tilespmem:s19+$0x8A50] =	vst v1;
	v1 =	vmul.f32 $1.131370830e+01, v6  }
0x7d: {  	[tilespmem:s19+$0x8A60] =	vst v0  }
0x7e: {  	s21 =	simm.s32 $0x0;
	s20 =	rddreg [dreg:$0x6];
	[tilespmem:s19+$0x8A70] =	vst v1  }
0x7f: {  	[hbm4b:s20+s21] =	stream.linear.scatter [tilespmem:s1], [sflag:$0x9], $0x4000, $0x38;
	[tilespmem:$0x18A00] =	vst v63  }
0x80: {  	_ =	swait.ge [sflag:s10], $0x4000  }
0x81: {  	[sflag:s10] =	ssyncset.done $0x0  }
0x82: {  	[sflag:s10] =	ssyncadd.s32 $0xFFFFC000  }
0x83: {  	_ =	swait.ge [sflag:s11], $0x4000  }
0x84: {  	[sflag:s11] =	ssyncset.done $0x0  }
0x85: {  	s19 =	simm.s32 $0x0;
	s21 =	simm.s32 $0x380;
	[sflag:s11] =	ssyncadd.s32 $0xFFFFC000  }
0x86: {  	[tilespmem:s30], [sflag:$0x2] =	stream.indirect.gather [hbm4b:s2+s28], $0x80, s21, s28, $0xb8;
	[tilespmem:$0x18A00] =	vst v63  }
0x87: {  	v3 =	vld [tilespmem:s19+$0xCA00]  }
0x88: {  	v5 =	vld [tilespmem:s19+$0xCA10]  }
0x89: {  	v4 =	vld [tilespmem:s19+$0xCA20]  }
0x8a: {  	v2 =	vld [tilespmem:s19+$0xCA30]  }
0x8b: {  	v0 =	vld [tilespmem:s19+$0xCA40]  }
0x8c: {  	v1 =	vld [tilespmem:s19+$0xCA50];
	v6 =	vmul.f32 $1.131370830e+01, v3  }
0x8d: {  	s20 =	simm.s32 $0x200;
	v5 =	vmul.f32 $1.131370830e+01, v5;
	v3 =	vld [tilespmem:s19+$0xCA60]  }
.LBB2_8:
0x8e: {  	s21 =	sshra.s32 s20, $0x2;
	p0 =	sne.s32 s20, $0xFE00;
	[tilespmem:s19+$0xCA00] =	vst v6;
	v4 =	vmul.f32 $1.131370830e+01, v4;
	v6 =	vld [tilespmem:s19+$0xCA70]  }
0x8f: {  	v7 =	vld [tilespmem:s21+$0xCA00];
	[tilespmem:s19+$0xCA10] =	vst v5;
	v2 =	vmul.f32 $1.131370830e+01, v2  }
0x90: {  	v5 =	vld [tilespmem:s21+$0xCA10];
	[tilespmem:s19+$0xCA20] =	vst v4;
	v0 =	vmul.f32 $1.131370830e+01, v0  }
.Ltmp3:
0x91: {  	v4 =	vld [tilespmem:s21+$0xCA20];
	[tilespmem:s19+$0xCA30] =	vst v2;
	v1 =	vmul.f32 $1.131370830e+01, v1;
	(pc) =	sbr.rel @p0 .LBB2_8-.Ltmp3, $4  }
0x92: {  	v2 =	vld [tilespmem:s21+$0xCA30];
	[tilespmem:s19+$0xCA40] =	vst v0;
	v3 =	vmul.f32 $1.131370830e+01, v3  }
0x93: {  	v0 =	vld [tilespmem:s21+$0xCA40];
	[tilespmem:s19+$0xCA50] =	vst v1;
	v8 =	vmul.f32 $1.131370830e+01, v6  }
0x94: {  	v6 =	vmul.f32 $1.131370830e+01, v7;
	v1 =	vld [tilespmem:s21+$0xCA50];
	[tilespmem:s19+$0xCA60] =	vst v3  }
0x95: {  	s20 =	sadd.s32 $0x200, s20;
	v5 =	vmul.f32 $1.131370830e+01, v5;
	v3 =	vld [tilespmem:s21+$0xCA60];
	[tilespmem:s19+$0xCA70] =	vst v8;
	s19 =	smov.u32 s21  }
0x96: {  	[tilespmem:s19+$0xCA00] =	vst v6;
	v4 =	vmul.f32 $1.131370830e+01, v4;
	v6 =	vld [tilespmem:s19+$0xCA70]  }
0x97: {  	[tilespmem:s19+$0xCA10] =	vst v5;
	v2 =	vmul.f32 $1.131370830e+01, v2  }
0x98: {  	[tilespmem:s19+$0xCA20] =	vst v4;
	v0 =	vmul.f32 $1.131370830e+01, v0  }
0x99: {  	[tilespmem:s19+$0xCA30] =	vst v2;
	v1 =	vmul.f32 $1.131370830e+01, v1  }
0x9a: {  	[tilespmem:s19+$0xCA40] =	vst v0;
	v0 =	vmul.f32 $1.131370830e+01, v3  }
0x9b: {  	[tilespmem:s19+$0xCA50] =	vst v1;
	v1 =	vmul.f32 $1.131370830e+01, v6  }
0x9c: {  	[tilespmem:s19+$0xCA60] =	vst v0  }
0x9d: {  	s21 =	simm.s32 $0x0;
	s20 =	rddreg [dreg:$0x7];
	[tilespmem:s19+$0xCA70] =	vst v1  }
0x9e: {  	[hbm4b:s20+s21] =	stream.linear.scatter [tilespmem:s31], [sflag:$0xA], $0x4000, $0x38;
	[tilespmem:$0x18A00] =	vst v63  }
0x9f: {  	_ =	swait.ge [sflag:s12], $0x4000  }
0xa0: {  	[sflag:s12] =	ssyncset.done $0x0  }
0xa1: {  	[sflag:s12] =	ssyncadd.s32 $0xFFFFC000  }
0xa2: {  	_ =	swait.ge [sflag:s13], $0x4000  }
0xa3: {  	[sflag:s13] =	ssyncset.done $0x0  }
0xa4: {  	s19 =	simm.s32 $0x0;
	s21 =	simm.s32 $0x400;
	[sflag:s13] =	ssyncadd.s32 $0xFFFFC000  }
0xa5: {  	[tilespmem:s1], [sflag:$0x3] =	stream.indirect.gather [hbm4b:s2+s28], $0x80, s21, s28, $0xb8;
	[tilespmem:$0x18A00] =	vst v63  }
0xa6: {  	v3 =	vld [tilespmem:s19+$0x10A00]  }
0xa7: {  	v5 =	vld [tilespmem:s19+$0x10A10]  }
0xa8: {  	v4 =	vld [tilespmem:s19+$0x10A20]  }
0xa9: {  	v2 =	vld [tilespmem:s19+$0x10A30]  }
0xaa: {  	v0 =	vld [tilespmem:s19+$0x10A40]  }
0xab: {  	v1 =	vld [tilespmem:s19+$0x10A50];
	v6 =	vmul.f32 $1.131370830e+01, v3  }
0xac: {  	s20 =	simm.s32 $0x200;
	v5 =	vmul.f32 $1.131370830e+01, v5;
	v3 =	vld [tilespmem:s19+$0x10A60]  }
.LBB2_10:
0xad: {  	s21 =	sshra.s32 s20, $0x2;
	p0 =	sne.s32 s20, $0xFE00;
	[tilespmem:s19+$0x10A00] =	vst v6;
	v4 =	vmul.f32 $1.131370830e+01, v4;
	v6 =	vld [tilespmem:s19+$0x10A70]  }
0xae: {  	v7 =	vld [tilespmem:s21+$0x10A00];
	[tilespmem:s19+$0x10A10] =	vst v5;
	v2 =	vmul.f32 $1.131370830e+01, v2  }
0xaf: {  	v5 =	vld [tilespmem:s21+$0x10A10];
	[tilespmem:s19+$0x10A20] =	vst v4;
	v0 =	vmul.f32 $1.131370830e+01, v0  }
.Ltmp4:
0xb0: {  	v4 =	vld [tilespmem:s21+$0x10A20];
	[tilespmem:s19+$0x10A30] =	vst v2;
	v1 =	vmul.f32 $1.131370830e+01, v1;
	(pc) =	sbr.rel @p0 .LBB2_10-.Ltmp4, $4  }
0xb1: {  	v2 =	vld [tilespmem:s21+$0x10A30];
	[tilespmem:s19+$0x10A40] =	vst v0;
	v3 =	vmul.f32 $1.131370830e+01, v3  }
0xb2: {  	v0 =	vld [tilespmem:s21+$0x10A40];
	[tilespmem:s19+$0x10A50] =	vst v1;
	v8 =	vmul.f32 $1.131370830e+01, v6  }
0xb3: {  	v6 =	vmul.f32 $1.131370830e+01, v7;
	v1 =	vld [tilespmem:s21+$0x10A50];
	[tilespmem:s19+$0x10A60] =	vst v3  }
0xb4: {  	s20 =	sadd.s32 $0x200, s20;
	v5 =	vmul.f32 $1.131370830e+01, v5;
	v3 =	vld [tilespmem:s21+$0x10A60];
	[tilespmem:s19+$0x10A70] =	vst v8;
	s19 =	smov.u32 s21  }
0xb5: {  	[tilespmem:s19+$0x10A00] =	vst v6;
	v4 =	vmul.f32 $1.131370830e+01, v4;
	v6 =	vld [tilespmem:s19+$0x10A70]  }
0xb6: {  	[tilespmem:s19+$0x10A10] =	vst v5;
	v2 =	vmul.f32 $1.131370830e+01, v2  }
0xb7: {  	[tilespmem:s19+$0x10A20] =	vst v4;
	v0 =	vmul.f32 $1.131370830e+01, v0  }
0xb8: {  	[tilespmem:s19+$0x10A30] =	vst v2;
	v1 =	vmul.f32 $1.131370830e+01, v1  }
0xb9: {  	[tilespmem:s19+$0x10A40] =	vst v0;
	v0 =	vmul.f32 $1.131370830e+01, v3  }
0xba: {  	[tilespmem:s19+$0x10A50] =	vst v1;
	v1 =	vmul.f32 $1.131370830e+01, v6  }
0xbb: {  	[tilespmem:s19+$0x10A60] =	vst v0  }
0xbc: {  	s21 =	simm.s32 $0x0;
	s20 =	rddreg [dreg:$0x8];
	[tilespmem:s19+$0x10A70] =	vst v1  }
0xbd: {  	[hbm4b:s20+s21] =	stream.linear.scatter [tilespmem:s4], [sflag:$0xB], $0x4000, $0x38;
	[tilespmem:$0x18A00] =	vst v63  }
0xbe: {  	_ =	swait.ge [sflag:s14], $0x4000  }
0xbf: {  	[sflag:s14] =	ssyncset.done $0x0  }
0xc0: {  	[sflag:s14] =	ssyncadd.s32 $0xFFFFC000  }
0xc1: {  	_ =	swait.ge [sflag:s15], $0x4000  }
0xc2: {  	[sflag:s15] =	ssyncset.done $0x0  }
0xc3: {  	s19 =	simm.s32 $0x0;
	s21 =	simm.s32 $0x480;
	[sflag:s15] =	ssyncadd.s32 $0xFFFFC000  }
0xc4: {  	[tilespmem:s31], [sflag:$0x4] =	stream.indirect.gather [hbm4b:s2+s28], $0x80, s21, s28, $0xb8;
	[tilespmem:$0x18A00] =	vst v63  }
0xc5: {  	v3 =	vld [tilespmem:s19+$0x14A00]  }
0xc6: {  	v5 =	vld [tilespmem:s19+$0x14A10]  }
0xc7: {  	v4 =	vld [tilespmem:s19+$0x14A20]  }
0xc8: {  	v2 =	vld [tilespmem:s19+$0x14A30]  }
0xc9: {  	v0 =	vld [tilespmem:s19+$0x14A40]  }
0xca: {  	v1 =	vld [tilespmem:s19+$0x14A50];
	v6 =	vmul.f32 $1.131370830e+01, v3  }
0xcb: {  	s20 =	simm.s32 $0x200;
	v5 =	vmul.f32 $1.131370830e+01, v5;
	v3 =	vld [tilespmem:s19+$0x14A60]  }
.LBB2_12:
0xcc: {  	s21 =	sshra.s32 s20, $0x2;
	p0 =	sne.s32 s20, $0xFE00;
	[tilespmem:s19+$0x14A00] =	vst v6;
	v4 =	vmul.f32 $1.131370830e+01, v4;
	v6 =	vld [tilespmem:s19+$0x14A70]  }
0xcd: {  	v7 =	vld [tilespmem:s21+$0x14A00];
	[tilespmem:s19+$0x14A10] =	vst v5;
	v2 =	vmul.f32 $1.131370830e+01, v2  }
0xce: {  	v5 =	vld [tilespmem:s21+$0x14A10];
	[tilespmem:s19+$0x14A20] =	vst v4;
	v0 =	vmul.f32 $1.131370830e+01, v0  }
.Ltmp5:
0xcf: {  	v4 =	vld [tilespmem:s21+$0x14A20];
	[tilespmem:s19+$0x14A30] =	vst v2;
	v1 =	vmul.f32 $1.131370830e+01, v1;
	(pc) =	sbr.rel @p0 .LBB2_12-.Ltmp5, $4  }
0xd0: {  	v2 =	vld [tilespmem:s21+$0x14A30];
	[tilespmem:s19+$0x14A40] =	vst v0;
	v3 =	vmul.f32 $1.131370830e+01, v3  }
0xd1: {  	v0 =	vld [tilespmem:s21+$0x14A40];
	[tilespmem:s19+$0x14A50] =	vst v1;
	v8 =	vmul.f32 $1.131370830e+01, v6  }
0xd2: {  	v6 =	vmul.f32 $1.131370830e+01, v7;
	v1 =	vld [tilespmem:s21+$0x14A50];
	[tilespmem:s19+$0x14A60] =	vst v3  }
0xd3: {  	s20 =	sadd.s32 $0x200, s20;
	v5 =	vmul.f32 $1.131370830e+01, v5;
	v3 =	vld [tilespmem:s21+$0x14A60];
	[tilespmem:s19+$0x14A70] =	vst v8;
	s19 =	smov.u32 s21  }
0xd4: {  	[tilespmem:s19+$0x14A00] =	vst v6;
	v4 =	vmul.f32 $1.131370830e+01, v4;
	v6 =	vld [tilespmem:s19+$0x14A70]  }
0xd5: {  	[tilespmem:s19+$0x14A10] =	vst v5;
	v2 =	vmul.f32 $1.131370830e+01, v2  }
0xd6: {  	[tilespmem:s19+$0x14A20] =	vst v4;
	v0 =	vmul.f32 $1.131370830e+01, v0  }
0xd7: {  	[tilespmem:s19+$0x14A30] =	vst v2;
	v1 =	vmul.f32 $1.131370830e+01, v1  }
0xd8: {  	[tilespmem:s19+$0x14A40] =	vst v0;
	v0 =	vmul.f32 $1.131370830e+01, v3  }
0xd9: {  	[tilespmem:s19+$0x14A50] =	vst v1;
	v1 =	vmul.f32 $1.131370830e+01, v6  }
0xda: {  	[tilespmem:s19+$0x14A60] =	vst v0  }
0xdb: {  	s21 =	simm.s32 $0x0;
	s20 =	rddreg [dreg:$0x9];
	[tilespmem:s19+$0x14A70] =	vst v1  }
0xdc: {  	[hbm4b:s20+s21] =	stream.linear.scatter [tilespmem:s7], [sflag:$0xC], $0x4000, $0x38;
	[tilespmem:$0x18A00] =	vst v63  }
0xdd: {  	_ =	swait.ge [sflag:s0], $0x4000  }
0xde: {  	[sflag:s0] =	ssyncset.done $0x0  }
0xdf: {  	[sflag:s0] =	ssyncadd.s32 $0xFFFFC000  }
0xe0: {  	_ =	swait.ge [sflag:s16], $0x4000  }
0xe1: {  	[sflag:s16] =	ssyncset.done $0x0  }
0xe2: {  	s19 =	simm.s32 $0x0;
	s21 =	simm.s32 $0x500;
	[sflag:s16] =	ssyncadd.s32 $0xFFFFC000  }
0xe3: {  	[tilespmem:s4], [sflag:$0x5] =	stream.indirect.gather [hbm4b:s2+s28], $0x80, s21, s28, $0xb8;
	[tilespmem:$0x18A00] =	vst v63  }
0xe4: {  	v3 =	vld [tilespmem:s19+$0xA00]  }
0xe5: {  	v5 =	vld [tilespmem:s19+$0xA10]  }
0xe6: {  	v4 =	vld [tilespmem:s19+$0xA20]  }
0xe7: {  	v2 =	vld [tilespmem:s19+$0xA30]  }
0xe8: {  	v0 =	vld [tilespmem:s19+$0xA40]  }
0xe9: {  	v1 =	vld [tilespmem:s19+$0xA50];
	v6 =	vmul.f32 $1.131370830e+01, v3  }
0xea: {  	s20 =	simm.s32 $0x200;
	v5 =	vmul.f32 $1.131370830e+01, v5;
	v3 =	vld [tilespmem:s19+$0xA60]  }
.LBB2_14:
0xeb: {  	s21 =	sshra.s32 s20, $0x2;
	p0 =	sne.s32 s20, $0xFE00;
	[tilespmem:s19+$0xA00] =	vst v6;
	v4 =	vmul.f32 $1.131370830e+01, v4;
	v6 =	vld [tilespmem:s19+$0xA70]  }
0xec: {  	v7 =	vld [tilespmem:s21+$0xA00];
	[tilespmem:s19+$0xA10] =	vst v5;
	v2 =	vmul.f32 $1.131370830e+01, v2  }
0xed: {  	v5 =	vld [tilespmem:s21+$0xA10];
	[tilespmem:s19+$0xA20] =	vst v4;
	v0 =	vmul.f32 $1.131370830e+01, v0  }
.Ltmp6:
0xee: {  	v4 =	vld [tilespmem:s21+$0xA20];
	[tilespmem:s19+$0xA30] =	vst v2;
	v1 =	vmul.f32 $1.131370830e+01, v1;
	(pc) =	sbr.rel @p0 .LBB2_14-.Ltmp6, $4  }
0xef: {  	v2 =	vld [tilespmem:s21+$0xA30];
	[tilespmem:s19+$0xA40] =	vst v0;
	v3 =	vmul.f32 $1.131370830e+01, v3  }
0xf0: {  	v0 =	vld [tilespmem:s21+$0xA40];
	[tilespmem:s19+$0xA50] =	vst v1;
	v8 =	vmul.f32 $1.131370830e+01, v6  }
0xf1: {  	v6 =	vmul.f32 $1.131370830e+01, v7;
	v1 =	vld [tilespmem:s21+$0xA50];
	[tilespmem:s19+$0xA60] =	vst v3  }
0xf2: {  	s20 =	sadd.s32 $0x200, s20;
	v5 =	vmul.f32 $1.131370830e+01, v5;
	v3 =	vld [tilespmem:s21+$0xA60];
	[tilespmem:s19+$0xA70] =	vst v8;
	s19 =	smov.u32 s21  }
0xf3: {  	[tilespmem:s19+$0xA00] =	vst v6;
	v4 =	vmul.f32 $1.131370830e+01, v4;
	v6 =	vld [tilespmem:s19+$0xA70]  }
0xf4: {  	[tilespmem:s19+$0xA10] =	vst v5;
	v2 =	vmul.f32 $1.131370830e+01, v2  }
0xf5: {  	[tilespmem:s19+$0xA20] =	vst v4;
	v0 =	vmul.f32 $1.131370830e+01, v0  }
0xf6: {  	[tilespmem:s19+$0xA30] =	vst v2;
	v1 =	vmul.f32 $1.131370830e+01, v1  }
0xf7: {  	[tilespmem:s19+$0xA40] =	vst v0;
	v0 =	vmul.f32 $1.131370830e+01, v3  }
0xf8: {  	[tilespmem:s19+$0xA50] =	vst v1;
	v1 =	vmul.f32 $1.131370830e+01, v6  }
0xf9: {  	[tilespmem:s19+$0xA60] =	vst v0  }
0xfa: {  	s21 =	simm.s32 $0x0;
	s20 =	rddreg [dreg:$0xa];
	[tilespmem:s19+$0xA70] =	vst v1  }
0xfb: {  	[hbm4b:s20+s21] =	stream.linear.scatter [tilespmem:s29], [sflag:$0x7], $0x4000, $0x38;
	[tilespmem:$0x18A00] =	vst v63  }
0xfc: {  	_ =	swait.ge [sflag:s6], $0x4000  }
0xfd: {  	[sflag:s6] =	ssyncset.done $0x0  }
0xfe: {  	[sflag:s6] =	ssyncadd.s32 $0xFFFFC000  }
0xff: {  	_ =	swait.ge [sflag:s17], $0x4000  }
0x100: {  	[sflag:s17] =	ssyncset.done $0x0  }
0x101: {  	s19 =	simm.s32 $0x0;
	s21 =	simm.s32 $0x580;
	[sflag:s17] =	ssyncadd.s32 $0xFFFFC000  }
0x102: {  	[tilespmem:s7], [sflag:$0x6] =	stream.indirect.gather [hbm4b:s2+s28], $0x80, s21, s28, $0xb8;
	[tilespmem:$0x18A00] =	vst v63  }
0x103: {  	v3 =	vld [tilespmem:s19+$0x4A00]  }
0x104: {  	v5 =	vld [tilespmem:s19+$0x4A10]  }
0x105: {  	v4 =	vld [tilespmem:s19+$0x4A20]  }
0x106: {  	v2 =	vld [tilespmem:s19+$0x4A30]  }
0x107: {  	v0 =	vld [tilespmem:s19+$0x4A40]  }
0x108: {  	v1 =	vld [tilespmem:s19+$0x4A50];
	v6 =	vmul.f32 $1.131370830e+01, v3  }
0x109: {  	s20 =	simm.s32 $0x200;
	v5 =	vmul.f32 $1.131370830e+01, v5;
	v3 =	vld [tilespmem:s19+$0x4A60]  }
.LBB2_16:
0x10a: {  	s21 =	sshra.s32 s20, $0x2;
	p0 =	sne.s32 s20, $0xFE00;
	[tilespmem:s19+$0x4A00] =	vst v6;
	v4 =	vmul.f32 $1.131370830e+01, v4;
	v6 =	vld [tilespmem:s19+$0x4A70]  }
0x10b: {  	v7 =	vld [tilespmem:s21+$0x4A00];
	[tilespmem:s19+$0x4A10] =	vst v5;
	v2 =	vmul.f32 $1.131370830e+01, v2  }
0x10c: {  	v5 =	vld [tilespmem:s21+$0x4A10];
	[tilespmem:s19+$0x4A20] =	vst v4;
	v0 =	vmul.f32 $1.131370830e+01, v0  }
.Ltmp7:
0x10d: {  	v4 =	vld [tilespmem:s21+$0x4A20];
	[tilespmem:s19+$0x4A30] =	vst v2;
	v1 =	vmul.f32 $1.131370830e+01, v1;
	(pc) =	sbr.rel @p0 .LBB2_16-.Ltmp7, $4  }
0x10e: {  	v2 =	vld [tilespmem:s21+$0x4A30];
	[tilespmem:s19+$0x4A40] =	vst v0;
	v3 =	vmul.f32 $1.131370830e+01, v3  }
0x10f: {  	v0 =	vld [tilespmem:s21+$0x4A40];
	[tilespmem:s19+$0x4A50] =	vst v1;
	v8 =	vmul.f32 $1.131370830e+01, v6  }
0x110: {  	v6 =	vmul.f32 $1.131370830e+01, v7;
	v1 =	vld [tilespmem:s21+$0x4A50];
	[tilespmem:s19+$0x4A60] =	vst v3  }
0x111: {  	s20 =	sadd.s32 $0x200, s20;
	v5 =	vmul.f32 $1.131370830e+01, v5;
	v3 =	vld [tilespmem:s21+$0x4A60];
	[tilespmem:s19+$0x4A70] =	vst v8;
	s19 =	smov.u32 s21  }
0x112: {  	[tilespmem:s19+$0x4A00] =	vst v6;
	v4 =	vmul.f32 $1.131370830e+01, v4;
	v6 =	vld [tilespmem:s19+$0x4A70]  }
0x113: {  	[tilespmem:s19+$0x4A10] =	vst v5;
	v2 =	vmul.f32 $1.131370830e+01, v2  }
0x114: {  	[tilespmem:s19+$0x4A20] =	vst v4;
	v0 =	vmul.f32 $1.131370830e+01, v0  }
0x115: {  	[tilespmem:s19+$0x4A30] =	vst v2;
	v1 =	vmul.f32 $1.131370830e+01, v1  }
0x116: {  	[tilespmem:s19+$0x4A40] =	vst v0;
	v0 =	vmul.f32 $1.131370830e+01, v3  }
0x117: {  	[tilespmem:s19+$0x4A50] =	vst v1;
	v1 =	vmul.f32 $1.131370830e+01, v6  }
0x118: {  	[tilespmem:s19+$0x4A60] =	vst v0  }
0x119: {  	s21 =	simm.s32 $0x0;
	s20 =	rddreg [dreg:$0xb];
	[tilespmem:s19+$0x4A70] =	vst v1  }
0x11a: {  	[hbm4b:s20+s21] =	stream.linear.scatter [tilespmem:s30], [sflag:$0x8], $0x4000, $0x38;
	[tilespmem:$0x18A00] =	vst v63  }
0x11b: {  	_ =	swait.ge [sflag:s8], $0x4000  }
0x11c: {  	[sflag:s8] =	ssyncset.done $0x0  }
0x11d: {  	[sflag:s8] =	ssyncadd.s32 $0xFFFFC000  }
0x11e: {  	_ =	swait.ge [sflag:s9], $0x4000  }
0x11f: {  	[sflag:s9] =	ssyncset.done $0x0  }
0x120: {  	s19 =	simm.s32 $0x0;
	s21 =	simm.s32 $0x600;
	[sflag:s9] =	ssyncadd.s32 $0xFFFFC000  }
0x121: {  	[tilespmem:s29], [sflag:$0x1] =	stream.indirect.gather [hbm4b:s2+s28], $0x80, s21, s28, $0xb8;
	[tilespmem:$0x18A00] =	vst v63  }
0x122: {  	v3 =	vld [tilespmem:s19+$0x8A00]  }
0x123: {  	v5 =	vld [tilespmem:s19+$0x8A10]  }
0x124: {  	v4 =	vld [tilespmem:s19+$0x8A20]  }
0x125: {  	v2 =	vld [tilespmem:s19+$0x8A30]  }
0x126: {  	v0 =	vld [tilespmem:s19+$0x8A40]  }
0x127: {  	v1 =	vld [tilespmem:s19+$0x8A50];
	v6 =	vmul.f32 $1.131370830e+01, v3  }
0x128: {  	s20 =	simm.s32 $0x200;
	v5 =	vmul.f32 $1.131370830e+01, v5;
	v3 =	vld [tilespmem:s19+$0x8A60]  }
.LBB2_18:
0x129: {  	s21 =	sshra.s32 s20, $0x2;
	p0 =	sne.s32 s20, $0xFE00;
	[tilespmem:s19+$0x8A00] =	vst v6;
	v4 =	vmul.f32 $1.131370830e+01, v4;
	v6 =	vld [tilespmem:s19+$0x8A70]  }
0x12a: {  	v7 =	vld [tilespmem:s21+$0x8A00];
	[tilespmem:s19+$0x8A10] =	vst v5;
	v2 =	vmul.f32 $1.131370830e+01, v2  }
0x12b: {  	v5 =	vld [tilespmem:s21+$0x8A10];
	[tilespmem:s19+$0x8A20] =	vst v4;
	v0 =	vmul.f32 $1.131370830e+01, v0  }
.Ltmp8:
0x12c: {  	v4 =	vld [tilespmem:s21+$0x8A20];
	[tilespmem:s19+$0x8A30] =	vst v2;
	v1 =	vmul.f32 $1.131370830e+01, v1;
	(pc) =	sbr.rel @p0 .LBB2_18-.Ltmp8, $4  }
0x12d: {  	v2 =	vld [tilespmem:s21+$0x8A30];
	[tilespmem:s19+$0x8A40] =	vst v0;
	v3 =	vmul.f32 $1.131370830e+01, v3  }
0x12e: {  	v0 =	vld [tilespmem:s21+$0x8A40];
	[tilespmem:s19+$0x8A50] =	vst v1;
	v8 =	vmul.f32 $1.131370830e+01, v6  }
0x12f: {  	v6 =	vmul.f32 $1.131370830e+01, v7;
	v1 =	vld [tilespmem:s21+$0x8A50];
	[tilespmem:s19+$0x8A60] =	vst v3  }
0x130: {  	s20 =	sadd.s32 $0x200, s20;
	v5 =	vmul.f32 $1.131370830e+01, v5;
	v3 =	vld [tilespmem:s21+$0x8A60];
	[tilespmem:s19+$0x8A70] =	vst v8;
	s19 =	smov.u32 s21  }
0x131: {  	[tilespmem:s19+$0x8A00] =	vst v6;
	v4 =	vmul.f32 $1.131370830e+01, v4;
	v6 =	vld [tilespmem:s19+$0x8A70]  }
0x132: {  	[tilespmem:s19+$0x8A10] =	vst v5;
	v2 =	vmul.f32 $1.131370830e+01, v2  }
0x133: {  	[tilespmem:s19+$0x8A20] =	vst v4;
	v0 =	vmul.f32 $1.131370830e+01, v0  }
0x134: {  	[tilespmem:s19+$0x8A30] =	vst v2;
	v1 =	vmul.f32 $1.131370830e+01, v1  }
0x135: {  	[tilespmem:s19+$0x8A40] =	vst v0;
	v0 =	vmul.f32 $1.131370830e+01, v3  }
0x136: {  	[tilespmem:s19+$0x8A50] =	vst v1;
	v1 =	vmul.f32 $1.131370830e+01, v6  }
0x137: {  	[tilespmem:s19+$0x8A60] =	vst v0  }
0x138: {  	s21 =	simm.s32 $0x0;
	s20 =	rddreg [dreg:$0xc];
	[tilespmem:s19+$0x8A70] =	vst v1  }
0x139: {  	[hbm4b:s20+s21] =	stream.linear.scatter [tilespmem:s1], [sflag:$0x9], $0x4000, $0x38;
	[tilespmem:$0x18A00] =	vst v63  }
0x13a: {  	_ =	swait.ge [sflag:s10], $0x4000  }
0x13b: {  	[sflag:s10] =	ssyncset.done $0x0  }
0x13c: {  	[sflag:s10] =	ssyncadd.s32 $0xFFFFC000  }
0x13d: {  	_ =	swait.ge [sflag:s11], $0x4000  }
0x13e: {  	[sflag:s11] =	ssyncset.done $0x0  }
0x13f: {  	s19 =	simm.s32 $0x0;
	s21 =	simm.s32 $0x680;
	[sflag:s11] =	ssyncadd.s32 $0xFFFFC000  }
0x140: {  	[tilespmem:s30], [sflag:$0x2] =	stream.indirect.gather [hbm4b:s2+s28], $0x80, s21, s28, $0xb8;
	[tilespmem:$0x18A00] =	vst v63  }
0x141: {  	v3 =	vld [tilespmem:s19+$0xCA00]  }
0x142: {  	v5 =	vld [tilespmem:s19+$0xCA10]  }
0x143: {  	v4 =	vld [tilespmem:s19+$0xCA20]  }
0x144: {  	v2 =	vld [tilespmem:s19+$0xCA30]  }
0x145: {  	v0 =	vld [tilespmem:s19+$0xCA40]  }
0x146: {  	v1 =	vld [tilespmem:s19+$0xCA50];
	v6 =	vmul.f32 $1.131370830e+01, v3  }
0x147: {  	s20 =	simm.s32 $0x200;
	v5 =	vmul.f32 $1.131370830e+01, v5;
	v3 =	vld [tilespmem:s19+$0xCA60]  }
.LBB2_20:
0x148: {  	s21 =	sshra.s32 s20, $0x2;
	p0 =	sne.s32 s20, $0xFE00;
	[tilespmem:s19+$0xCA00] =	vst v6;
	v4 =	vmul.f32 $1.131370830e+01, v4;
	v6 =	vld [tilespmem:s19+$0xCA70]  }
0x149: {  	v7 =	vld [tilespmem:s21+$0xCA00];
	[tilespmem:s19+$0xCA10] =	vst v5;
	v2 =	vmul.f32 $1.131370830e+01, v2  }
0x14a: {  	v5 =	vld [tilespmem:s21+$0xCA10];
	[tilespmem:s19+$0xCA20] =	vst v4;
	v0 =	vmul.f32 $1.131370830e+01, v0  }
.Ltmp9:
0x14b: {  	v4 =	vld [tilespmem:s21+$0xCA20];
	[tilespmem:s19+$0xCA30] =	vst v2;
	v1 =	vmul.f32 $1.131370830e+01, v1;
	(pc) =	sbr.rel @p0 .LBB2_20-.Ltmp9, $4  }
0x14c: {  	v2 =	vld [tilespmem:s21+$0xCA30];
	[tilespmem:s19+$0xCA40] =	vst v0;
	v3 =	vmul.f32 $1.131370830e+01, v3  }
0x14d: {  	v0 =	vld [tilespmem:s21+$0xCA40];
	[tilespmem:s19+$0xCA50] =	vst v1;
	v8 =	vmul.f32 $1.131370830e+01, v6  }
0x14e: {  	v6 =	vmul.f32 $1.131370830e+01, v7;
	v1 =	vld [tilespmem:s21+$0xCA50];
	[tilespmem:s19+$0xCA60] =	vst v3  }
0x14f: {  	s20 =	sadd.s32 $0x200, s20;
	v5 =	vmul.f32 $1.131370830e+01, v5;
	v3 =	vld [tilespmem:s21+$0xCA60];
	[tilespmem:s19+$0xCA70] =	vst v8;
	s19 =	smov.u32 s21  }
0x150: {  	[tilespmem:s19+$0xCA00] =	vst v6;
	v4 =	vmul.f32 $1.131370830e+01, v4;
	v6 =	vld [tilespmem:s19+$0xCA70]  }
0x151: {  	[tilespmem:s19+$0xCA10] =	vst v5;
	v2 =	vmul.f32 $1.131370830e+01, v2  }
0x152: {  	[tilespmem:s19+$0xCA20] =	vst v4;
	v0 =	vmul.f32 $1.131370830e+01, v0  }
0x153: {  	[tilespmem:s19+$0xCA30] =	vst v2;
	v1 =	vmul.f32 $1.131370830e+01, v1  }
0x154: {  	[tilespmem:s19+$0xCA40] =	vst v0;
	v0 =	vmul.f32 $1.131370830e+01, v3  }
0x155: {  	[tilespmem:s19+$0xCA50] =	vst v1;
	v1 =	vmul.f32 $1.131370830e+01, v6  }
0x156: {  	[tilespmem:s19+$0xCA60] =	vst v0  }
0x157: {  	s21 =	simm.s32 $0x0;
	s20 =	rddreg [dreg:$0xd];
	[tilespmem:s19+$0xCA70] =	vst v1  }
0x158: {  	[hbm4b:s20+s21] =	stream.linear.scatter [tilespmem:s31], [sflag:$0xA], $0x4000, $0x38;
	[tilespmem:$0x18A00] =	vst v63  }
0x159: {  	_ =	swait.ge [sflag:s12], $0x4000  }
0x15a: {  	[sflag:s12] =	ssyncset.done $0x0  }
0x15b: {  	[sflag:s12] =	ssyncadd.s32 $0xFFFFC000  }
0x15c: {  	_ =	swait.ge [sflag:s13], $0x4000  }
0x15d: {  	[sflag:s13] =	ssyncset.done $0x0  }
0x15e: {  	s19 =	simm.s32 $0x0;
	s21 =	simm.s32 $0x700;
	[sflag:s13] =	ssyncadd.s32 $0xFFFFC000  }
0x15f: {  	[tilespmem:s1], [sflag:$0x3] =	stream.indirect.gather [hbm4b:s2+s28], $0x80, s21, s28, $0xb8;
	[tilespmem:$0x18A00] =	vst v63  }
0x160: {  	v3 =	vld [tilespmem:s19+$0x10A00]  }
0x161: {  	v5 =	vld [tilespmem:s19+$0x10A10]  }
0x162: {  	v4 =	vld [tilespmem:s19+$0x10A20]  }
0x163: {  	v2 =	vld [tilespmem:s19+$0x10A30]  }
0x164: {  	v0 =	vld [tilespmem:s19+$0x10A40]  }
0x165: {  	v1 =	vld [tilespmem:s19+$0x10A50];
	v6 =	vmul.f32 $1.131370830e+01, v3  }
0x166: {  	s20 =	simm.s32 $0x200;
	v5 =	vmul.f32 $1.131370830e+01, v5;
	v3 =	vld [tilespmem:s19+$0x10A60]  }
.LBB2_22:
0x167: {  	s21 =	sshra.s32 s20, $0x2;
	p0 =	sne.s32 s20, $0xFE00;
	[tilespmem:s19+$0x10A00] =	vst v6;
	v4 =	vmul.f32 $1.131370830e+01, v4;
	v6 =	vld [tilespmem:s19+$0x10A70]  }
0x168: {  	v7 =	vld [tilespmem:s21+$0x10A00];
	[tilespmem:s19+$0x10A10] =	vst v5;
	v2 =	vmul.f32 $1.131370830e+01, v2  }
0x169: {  	v5 =	vld [tilespmem:s21+$0x10A10];
	[tilespmem:s19+$0x10A20] =	vst v4;
	v0 =	vmul.f32 $1.131370830e+01, v0  }
.Ltmp10:
0x16a: {  	v4 =	vld [tilespmem:s21+$0x10A20];
	[tilespmem:s19+$0x10A30] =	vst v2;
	v1 =	vmul.f32 $1.131370830e+01, v1;
	(pc) =	sbr.rel @p0 .LBB2_22-.Ltmp10, $4  }
0x16b: {  	v2 =	vld [tilespmem:s21+$0x10A30];
	[tilespmem:s19+$0x10A40] =	vst v0;
	v3 =	vmul.f32 $1.131370830e+01, v3  }
0x16c: {  	v0 =	vld [tilespmem:s21+$0x10A40];
	[tilespmem:s19+$0x10A50] =	vst v1;
	v8 =	vmul.f32 $1.131370830e+01, v6  }
0x16d: {  	v6 =	vmul.f32 $1.131370830e+01, v7;
	v1 =	vld [tilespmem:s21+$0x10A50];
	[tilespmem:s19+$0x10A60] =	vst v3  }
0x16e: {  	s20 =	sadd.s32 $0x200, s20;
	v5 =	vmul.f32 $1.131370830e+01, v5;
	v3 =	vld [tilespmem:s21+$0x10A60];
	[tilespmem:s19+$0x10A70] =	vst v8;
	s19 =	smov.u32 s21  }
0x16f: {  	[tilespmem:s19+$0x10A00] =	vst v6;
	v4 =	vmul.f32 $1.131370830e+01, v4;
	v6 =	vld [tilespmem:s19+$0x10A70]  }
0x170: {  	[tilespmem:s19+$0x10A10] =	vst v5;
	v2 =	vmul.f32 $1.131370830e+01, v2  }
0x171: {  	[tilespmem:s19+$0x10A20] =	vst v4;
	v0 =	vmul.f32 $1.131370830e+01, v0  }
0x172: {  	[tilespmem:s19+$0x10A30] =	vst v2;
	v1 =	vmul.f32 $1.131370830e+01, v1  }
0x173: {  	[tilespmem:s19+$0x10A40] =	vst v0;
	v0 =	vmul.f32 $1.131370830e+01, v3  }
0x174: {  	[tilespmem:s19+$0x10A50] =	vst v1;
	v1 =	vmul.f32 $1.131370830e+01, v6  }
0x175: {  	[tilespmem:s19+$0x10A60] =	vst v0  }
0x176: {  	s21 =	simm.s32 $0x0;
	s20 =	rddreg [dreg:$0xe];
	[tilespmem:s19+$0x10A70] =	vst v1  }
0x177: {  	[hbm4b:s20+s21] =	stream.linear.scatter [tilespmem:s4], [sflag:$0xB], $0x4000, $0x38;
	[tilespmem:$0x18A00] =	vst v63  }
0x178: {  	_ =	swait.ge [sflag:s14], $0x4000  }
0x179: {  	[sflag:s14] =	ssyncset.done $0x0  }
0x17a: {  	[sflag:s14] =	ssyncadd.s32 $0xFFFFC000  }
0x17b: {  	_ =	swait.ge [sflag:s15], $0x4000  }
0x17c: {  	[sflag:s15] =	ssyncset.done $0x0  }
0x17d: {  	s19 =	simm.s32 $0x0;
	s21 =	simm.s32 $0x780;
	[sflag:s15] =	ssyncadd.s32 $0xFFFFC000  }
0x17e: {  	[tilespmem:s31], [sflag:$0x4] =	stream.indirect.gather [hbm4b:s2+s28], $0x80, s21, s28, $0xb8;
	[tilespmem:$0x18A00] =	vst v63  }
0x17f: {  	v3 =	vld [tilespmem:s19+$0x14A00]  }
0x180: {  	v5 =	vld [tilespmem:s19+$0x14A10]  }
0x181: {  	v4 =	vld [tilespmem:s19+$0x14A20]  }
0x182: {  	v2 =	vld [tilespmem:s19+$0x14A30]  }
0x183: {  	v0 =	vld [tilespmem:s19+$0x14A40]  }
0x184: {  	v1 =	vld [tilespmem:s19+$0x14A50];
	v6 =	vmul.f32 $1.131370830e+01, v3  }
0x185: {  	s20 =	simm.s32 $0x200;
	v5 =	vmul.f32 $1.131370830e+01, v5;
	v3 =	vld [tilespmem:s19+$0x14A60]  }
.LBB2_24:
0x186: {  	s21 =	sshra.s32 s20, $0x2;
	p0 =	sne.s32 s20, $0xFE00;
	[tilespmem:s19+$0x14A00] =	vst v6;
	v4 =	vmul.f32 $1.131370830e+01, v4;
	v6 =	vld [tilespmem:s19+$0x14A70]  }
0x187: {  	v7 =	vld [tilespmem:s21+$0x14A00];
	[tilespmem:s19+$0x14A10] =	vst v5;
	v2 =	vmul.f32 $1.131370830e+01, v2  }
0x188: {  	v5 =	vld [tilespmem:s21+$0x14A10];
	[tilespmem:s19+$0x14A20] =	vst v4;
	v0 =	vmul.f32 $1.131370830e+01, v0  }
.Ltmp11:
0x189: {  	v4 =	vld [tilespmem:s21+$0x14A20];
	[tilespmem:s19+$0x14A30] =	vst v2;
	v1 =	vmul.f32 $1.131370830e+01, v1;
	(pc) =	sbr.rel @p0 .LBB2_24-.Ltmp11, $4  }
0x18a: {  	v2 =	vld [tilespmem:s21+$0x14A30];
	[tilespmem:s19+$0x14A40] =	vst v0;
	v3 =	vmul.f32 $1.131370830e+01, v3  }
0x18b: {  	v0 =	vld [tilespmem:s21+$0x14A40];
	[tilespmem:s19+$0x14A50] =	vst v1;
	v8 =	vmul.f32 $1.131370830e+01, v6  }
0x18c: {  	v6 =	vmul.f32 $1.131370830e+01, v7;
	v1 =	vld [tilespmem:s21+$0x14A50];
	[tilespmem:s19+$0x14A60] =	vst v3  }
0x18d: {  	s20 =	sadd.s32 $0x200, s20;
	v5 =	vmul.f32 $1.131370830e+01, v5;
	v3 =	vld [tilespmem:s21+$0x14A60];
	[tilespmem:s19+$0x14A70] =	vst v8;
	s19 =	smov.u32 s21  }
0x18e: {  	[tilespmem:s19+$0x14A00] =	vst v6;
	v4 =	vmul.f32 $1.131370830e+01, v4;
	v6 =	vld [tilespmem:s19+$0x14A70]  }
0x18f: {  	[tilespmem:s19+$0x14A10] =	vst v5;
	v2 =	vmul.f32 $1.131370830e+01, v2  }
0x190: {  	[tilespmem:s19+$0x14A20] =	vst v4;
	v0 =	vmul.f32 $1.131370830e+01, v0  }
0x191: {  	[tilespmem:s19+$0x14A30] =	vst v2;
	v1 =	vmul.f32 $1.131370830e+01, v1  }
0x192: {  	[tilespmem:s19+$0x14A40] =	vst v0;
	v0 =	vmul.f32 $1.131370830e+01, v3  }
0x193: {  	[tilespmem:s19+$0x14A50] =	vst v1;
	v1 =	vmul.f32 $1.131370830e+01, v6  }
0x194: {  	[tilespmem:s19+$0x14A60] =	vst v0  }
0x195: {  	s21 =	simm.s32 $0x0;
	s20 =	rddreg [dreg:$0xf];
	[tilespmem:s19+$0x14A70] =	vst v1  }
0x196: {  	[hbm4b:s20+s21] =	stream.linear.scatter [tilespmem:s7], [sflag:$0xC], $0x4000, $0x38;
	[tilespmem:$0x18A00] =	vst v63  }
0x197: {  	_ =	swait.ge [sflag:s0], $0x4000  }
0x198: {  	[sflag:s0] =	ssyncset.done $0x0  }
0x199: {  	[sflag:s0] =	ssyncadd.s32 $0xFFFFC000  }
0x19a: {  	_ =	swait.ge [sflag:s16], $0x4000  }
0x19b: {  	[sflag:s16] =	ssyncset.done $0x0  }
0x19c: {  	s19 =	simm.s32 $0x0;
	s21 =	simm.s32 $0x800;
	[sflag:s16] =	ssyncadd.s32 $0xFFFFC000  }
0x19d: {  	[tilespmem:s4], [sflag:$0x5] =	stream.indirect.gather [hbm4b:s2+s28], $0x80, s21, s28, $0xb8;
	[tilespmem:$0x18A00] =	vst v63  }
0x19e: {  	v3 =	vld [tilespmem:s19+$0xA00]  }
0x19f: {  	v5 =	vld [tilespmem:s19+$0xA10]  }
0x1a0: {  	v4 =	vld [tilespmem:s19+$0xA20]  }
0x1a1: {  	v2 =	vld [tilespmem:s19+$0xA30]  }
0x1a2: {  	v0 =	vld [tilespmem:s19+$0xA40]  }
0x1a3: {  	v1 =	vld [tilespmem:s19+$0xA50];
	v6 =	vmul.f32 $1.131370830e+01, v3  }
0x1a4: {  	s20 =	simm.s32 $0x200;
	v5 =	vmul.f32 $1.131370830e+01, v5;
	v3 =	vld [tilespmem:s19+$0xA60]  }
.LBB2_26:
0x1a5: {  	s21 =	sshra.s32 s20, $0x2;
	p0 =	sne.s32 s20, $0xFE00;
	[tilespmem:s19+$0xA00] =	vst v6;
	v4 =	vmul.f32 $1.131370830e+01, v4;
	v6 =	vld [tilespmem:s19+$0xA70]  }
0x1a6: {  	v7 =	vld [tilespmem:s21+$0xA00];
	[tilespmem:s19+$0xA10] =	vst v5;
	v2 =	vmul.f32 $1.131370830e+01, v2  }
0x1a7: {  	v5 =	vld [tilespmem:s21+$0xA10];
	[tilespmem:s19+$0xA20] =	vst v4;
	v0 =	vmul.f32 $1.131370830e+01, v0  }
.Ltmp12:
0x1a8: {  	v4 =	vld [tilespmem:s21+$0xA20];
	[tilespmem:s19+$0xA30] =	vst v2;
	v1 =	vmul.f32 $1.131370830e+01, v1;
	(pc) =	sbr.rel @p0 .LBB2_26-.Ltmp12, $4  }
0x1a9: {  	v2 =	vld [tilespmem:s21+$0xA30];
	[tilespmem:s19+$0xA40] =	vst v0;
	v3 =	vmul.f32 $1.131370830e+01, v3  }
0x1aa: {  	v0 =	vld [tilespmem:s21+$0xA40];
	[tilespmem:s19+$0xA50] =	vst v1;
	v8 =	vmul.f32 $1.131370830e+01, v6  }
0x1ab: {  	v6 =	vmul.f32 $1.131370830e+01, v7;
	v1 =	vld [tilespmem:s21+$0xA50];
	[tilespmem:s19+$0xA60] =	vst v3  }
0x1ac: {  	s20 =	sadd.s32 $0x200, s20;
	v5 =	vmul.f32 $1.131370830e+01, v5;
	v3 =	vld [tilespmem:s21+$0xA60];
	[tilespmem:s19+$0xA70] =	vst v8;
	s19 =	smov.u32 s21  }
0x1ad: {  	[tilespmem:s19+$0xA00] =	vst v6;
	v4 =	vmul.f32 $1.131370830e+01, v4;
	v6 =	vld [tilespmem:s19+$0xA70]  }
0x1ae: {  	[tilespmem:s19+$0xA10] =	vst v5;
	v2 =	vmul.f32 $1.131370830e+01, v2  }
0x1af: {  	[tilespmem:s19+$0xA20] =	vst v4;
	v0 =	vmul.f32 $1.131370830e+01, v0  }
0x1b0: {  	[tilespmem:s19+$0xA30] =	vst v2;
	v1 =	vmul.f32 $1.131370830e+01, v1  }
0x1b1: {  	[tilespmem:s19+$0xA40] =	vst v0;
	v0 =	vmul.f32 $1.131370830e+01, v3  }
0x1b2: {  	[tilespmem:s19+$0xA50] =	vst v1;
	v1 =	vmul.f32 $1.131370830e+01, v6  }
0x1b3: {  	[tilespmem:s19+$0xA60] =	vst v0  }
0x1b4: {  	s21 =	simm.s32 $0x0;
	s20 =	rddreg [dreg:$0x10];
	[tilespmem:s19+$0xA70] =	vst v1  }
0x1b5: {  	[hbm4b:s20+s21] =	stream.linear.scatter [tilespmem:s29], [sflag:$0x7], $0x4000, $0x38;
	[tilespmem:$0x18A00] =	vst v63  }
0x1b6: {  	_ =	swait.ge [sflag:s6], $0x4000  }
0x1b7: {  	[sflag:s6] =	ssyncset.done $0x0  }
0x1b8: {  	[sflag:s6] =	ssyncadd.s32 $0xFFFFC000  }
0x1b9: {  	_ =	swait.ge [sflag:s17], $0x4000  }
0x1ba: {  	[sflag:s17] =	ssyncset.done $0x0  }
0x1bb: {  	s19 =	simm.s32 $0x0;
	s21 =	simm.s32 $0x880;
	[sflag:s17] =	ssyncadd.s32 $0xFFFFC000  }
0x1bc: {  	[tilespmem:s7], [sflag:$0x6] =	stream.indirect.gather [hbm4b:s2+s28], $0x80, s21, s28, $0xb8;
	[tilespmem:$0x18A00] =	vst v63  }
0x1bd: {  	v3 =	vld [tilespmem:s19+$0x4A00]  }
0x1be: {  	v5 =	vld [tilespmem:s19+$0x4A10]  }
0x1bf: {  	v4 =	vld [tilespmem:s19+$0x4A20]  }
0x1c0: {  	v2 =	vld [tilespmem:s19+$0x4A30]  }
0x1c1: {  	v0 =	vld [tilespmem:s19+$0x4A40]  }
0x1c2: {  	v1 =	vld [tilespmem:s19+$0x4A50];
	v6 =	vmul.f32 $1.131370830e+01, v3  }
0x1c3: {  	s20 =	simm.s32 $0x200;
	v5 =	vmul.f32 $1.131370830e+01, v5;
	v3 =	vld [tilespmem:s19+$0x4A60]  }
.LBB2_28:
0x1c4: {  	s21 =	sshra.s32 s20, $0x2;
	p0 =	sne.s32 s20, $0xFE00;
	[tilespmem:s19+$0x4A00] =	vst v6;
	v4 =	vmul.f32 $1.131370830e+01, v4;
	v6 =	vld [tilespmem:s19+$0x4A70]  }
0x1c5: {  	v7 =	vld [tilespmem:s21+$0x4A00];
	[tilespmem:s19+$0x4A10] =	vst v5;
	v2 =	vmul.f32 $1.131370830e+01, v2  }
0x1c6: {  	v5 =	vld [tilespmem:s21+$0x4A10];
	[tilespmem:s19+$0x4A20] =	vst v4;
	v0 =	vmul.f32 $1.131370830e+01, v0  }
.Ltmp13:
0x1c7: {  	v4 =	vld [tilespmem:s21+$0x4A20];
	[tilespmem:s19+$0x4A30] =	vst v2;
	v1 =	vmul.f32 $1.131370830e+01, v1;
	(pc) =	sbr.rel @p0 .LBB2_28-.Ltmp13, $4  }
0x1c8: {  	v2 =	vld [tilespmem:s21+$0x4A30];
	[tilespmem:s19+$0x4A40] =	vst v0;
	v3 =	vmul.f32 $1.131370830e+01, v3  }
0x1c9: {  	v0 =	vld [tilespmem:s21+$0x4A40];
	[tilespmem:s19+$0x4A50] =	vst v1;
	v8 =	vmul.f32 $1.131370830e+01, v6  }
0x1ca: {  	v6 =	vmul.f32 $1.131370830e+01, v7;
	v1 =	vld [tilespmem:s21+$0x4A50];
	[tilespmem:s19+$0x4A60] =	vst v3  }
0x1cb: {  	s20 =	sadd.s32 $0x200, s20;
	v5 =	vmul.f32 $1.131370830e+01, v5;
	v3 =	vld [tilespmem:s21+$0x4A60];
	[tilespmem:s19+$0x4A70] =	vst v8;
	s19 =	smov.u32 s21  }
0x1cc: {  	[tilespmem:s19+$0x4A00] =	vst v6;
	v4 =	vmul.f32 $1.131370830e+01, v4;
	v6 =	vld [tilespmem:s19+$0x4A70]  }
0x1cd: {  	[tilespmem:s19+$0x4A10] =	vst v5;
	v2 =	vmul.f32 $1.131370830e+01, v2  }
0x1ce: {  	[tilespmem:s19+$0x4A20] =	vst v4;
	v0 =	vmul.f32 $1.131370830e+01, v0  }
0x1cf: {  	[tilespmem:s19+$0x4A30] =	vst v2;
	v1 =	vmul.f32 $1.131370830e+01, v1  }
0x1d0: {  	[tilespmem:s19+$0x4A40] =	vst v0;
	v0 =	vmul.f32 $1.131370830e+01, v3  }
0x1d1: {  	[tilespmem:s19+$0x4A50] =	vst v1;
	v1 =	vmul.f32 $1.131370830e+01, v6  }
0x1d2: {  	[tilespmem:s19+$0x4A60] =	vst v0  }
0x1d3: {  	s21 =	simm.s32 $0x0;
	s20 =	rddreg [dreg:$0x11];
	[tilespmem:s19+$0x4A70] =	vst v1  }
0x1d4: {  	[hbm4b:s20+s21] =	stream.linear.scatter [tilespmem:s30], [sflag:$0x8], $0x4000, $0x38;
	[tilespmem:$0x18A00] =	vst v63  }
0x1d5: {  	_ =	swait.ge [sflag:s8], $0x4000  }
0x1d6: {  	[sflag:s8] =	ssyncset.done $0x0  }
0x1d7: {  	[sflag:s8] =	ssyncadd.s32 $0xFFFFC000  }
0x1d8: {  	_ =	swait.ge [sflag:s9], $0x4000  }
0x1d9: {  	[sflag:s9] =	ssyncset.done $0x0  }
0x1da: {  	s19 =	simm.s32 $0x0;
	s21 =	simm.s32 $0x900;
	[sflag:s9] =	ssyncadd.s32 $0xFFFFC000  }
0x1db: {  	[tilespmem:s29], [sflag:$0x1] =	stream.indirect.gather [hbm4b:s2+s28], $0x80, s21, s28, $0xb8;
	[tilespmem:$0x18A00] =	vst v63  }
0x1dc: {  	v3 =	vld [tilespmem:s19+$0x8A00]  }
0x1dd: {  	v5 =	vld [tilespmem:s19+$0x8A10]  }
0x1de: {  	v4 =	vld [tilespmem:s19+$0x8A20]  }
0x1df: {  	v2 =	vld [tilespmem:s19+$0x8A30]  }
0x1e0: {  	v0 =	vld [tilespmem:s19+$0x8A40]  }
0x1e1: {  	v1 =	vld [tilespmem:s19+$0x8A50];
	v6 =	vmul.f32 $1.131370830e+01, v3  }
0x1e2: {  	s20 =	simm.s32 $0x200;
	v5 =	vmul.f32 $1.131370830e+01, v5;
	v3 =	vld [tilespmem:s19+$0x8A60]  }
.LBB2_30:
0x1e3: {  	s21 =	sshra.s32 s20, $0x2;
	p0 =	sne.s32 s20, $0xFE00;
	[tilespmem:s19+$0x8A00] =	vst v6;
	v4 =	vmul.f32 $1.131370830e+01, v4;
	v6 =	vld [tilespmem:s19+$0x8A70]  }
0x1e4: {  	v7 =	vld [tilespmem:s21+$0x8A00];
	[tilespmem:s19+$0x8A10] =	vst v5;
	v2 =	vmul.f32 $1.131370830e+01, v2  }
0x1e5: {  	v5 =	vld [tilespmem:s21+$0x8A10];
	[tilespmem:s19+$0x8A20] =	vst v4;
	v0 =	vmul.f32 $1.131370830e+01, v0  }
.Ltmp14:
0x1e6: {  	v4 =	vld [tilespmem:s21+$0x8A20];
	[tilespmem:s19+$0x8A30] =	vst v2;
	v1 =	vmul.f32 $1.131370830e+01, v1;
	(pc) =	sbr.rel @p0 .LBB2_30-.Ltmp14, $4  }
0x1e7: {  	v2 =	vld [tilespmem:s21+$0x8A30];
	[tilespmem:s19+$0x8A40] =	vst v0;
	v3 =	vmul.f32 $1.131370830e+01, v3  }
0x1e8: {  	v0 =	vld [tilespmem:s21+$0x8A40];
	[tilespmem:s19+$0x8A50] =	vst v1;
	v8 =	vmul.f32 $1.131370830e+01, v6  }
0x1e9: {  	v6 =	vmul.f32 $1.131370830e+01, v7;
	v1 =	vld [tilespmem:s21+$0x8A50];
	[tilespmem:s19+$0x8A60] =	vst v3  }
0x1ea: {  	s20 =	sadd.s32 $0x200, s20;
	v5 =	vmul.f32 $1.131370830e+01, v5;
	v3 =	vld [tilespmem:s21+$0x8A60];
	[tilespmem:s19+$0x8A70] =	vst v8;
	s19 =	smov.u32 s21  }
0x1eb: {  	[tilespmem:s19+$0x8A00] =	vst v6;
	v4 =	vmul.f32 $1.131370830e+01, v4;
	v6 =	vld [tilespmem:s19+$0x8A70]  }
0x1ec: {  	[tilespmem:s19+$0x8A10] =	vst v5;
	v2 =	vmul.f32 $1.131370830e+01, v2  }
0x1ed: {  	[tilespmem:s19+$0x8A20] =	vst v4;
	v0 =	vmul.f32 $1.131370830e+01, v0  }
0x1ee: {  	[tilespmem:s19+$0x8A30] =	vst v2;
	v1 =	vmul.f32 $1.131370830e+01, v1  }
0x1ef: {  	[tilespmem:s19+$0x8A40] =	vst v0;
	v0 =	vmul.f32 $1.131370830e+01, v3  }
0x1f0: {  	[tilespmem:s19+$0x8A50] =	vst v1;
	v1 =	vmul.f32 $1.131370830e+01, v6  }
0x1f1: {  	[tilespmem:s19+$0x8A60] =	vst v0  }
0x1f2: {  	s21 =	simm.s32 $0x0;
	s20 =	rddreg [dreg:$0x12];
	[tilespmem:s19+$0x8A70] =	vst v1  }
0x1f3: {  	[hbm4b:s20+s21] =	stream.linear.scatter [tilespmem:s1], [sflag:$0x9], $0x4000, $0x38;
	[tilespmem:$0x18A00] =	vst v63  }
0x1f4: {  	_ =	swait.ge [sflag:s10], $0x4000  }
0x1f5: {  	[sflag:s10] =	ssyncset.done $0x0  }
0x1f6: {  	[sflag:s10] =	ssyncadd.s32 $0xFFFFC000  }
0x1f7: {  	_ =	swait.ge [sflag:s11], $0x4000  }
0x1f8: {  	[sflag:s11] =	ssyncset.done $0x0  }
0x1f9: {  	s19 =	simm.s32 $0x0;
	s21 =	simm.s32 $0x980;
	[sflag:s11] =	ssyncadd.s32 $0xFFFFC000  }
0x1fa: {  	[tilespmem:s30], [sflag:$0x2] =	stream.indirect.gather [hbm4b:s2+s28], $0x80, s21, s28, $0xb8;
	[tilespmem:$0x18A00] =	vst v63  }
0x1fb: {  	v3 =	vld [tilespmem:s19+$0xCA00]  }
0x1fc: {  	v5 =	vld [tilespmem:s19+$0xCA10]  }
0x1fd: {  	v4 =	vld [tilespmem:s19+$0xCA20]  }
0x1fe: {  	v2 =	vld [tilespmem:s19+$0xCA30]  }
0x1ff: {  	v0 =	vld [tilespmem:s19+$0xCA40]  }
0x200: {  	v1 =	vld [tilespmem:s19+$0xCA50];
	v6 =	vmul.f32 $1.131370830e+01, v3  }
0x201: {  	s20 =	simm.s32 $0x200;
	v5 =	vmul.f32 $1.131370830e+01, v5;
	v3 =	vld [tilespmem:s19+$0xCA60]  }
.LBB2_32:
0x202: {  	s21 =	sshra.s32 s20, $0x2;
	p0 =	sne.s32 s20, $0xFE00;
	[tilespmem:s19+$0xCA00] =	vst v6;
	v4 =	vmul.f32 $1.131370830e+01, v4;
	v6 =	vld [tilespmem:s19+$0xCA70]  }
0x203: {  	v7 =	vld [tilespmem:s21+$0xCA00];
	[tilespmem:s19+$0xCA10] =	vst v5;
	v2 =	vmul.f32 $1.131370830e+01, v2  }
0x204: {  	v5 =	vld [tilespmem:s21+$0xCA10];
	[tilespmem:s19+$0xCA20] =	vst v4;
	v0 =	vmul.f32 $1.131370830e+01, v0  }
.Ltmp15:
0x205: {  	v4 =	vld [tilespmem:s21+$0xCA20];
	[tilespmem:s19+$0xCA30] =	vst v2;
	v1 =	vmul.f32 $1.131370830e+01, v1;
	(pc) =	sbr.rel @p0 .LBB2_32-.Ltmp15, $4  }
0x206: {  	v2 =	vld [tilespmem:s21+$0xCA30];
	[tilespmem:s19+$0xCA40] =	vst v0;
	v3 =	vmul.f32 $1.131370830e+01, v3  }
0x207: {  	v0 =	vld [tilespmem:s21+$0xCA40];
	[tilespmem:s19+$0xCA50] =	vst v1;
	v8 =	vmul.f32 $1.131370830e+01, v6  }
0x208: {  	v6 =	vmul.f32 $1.131370830e+01, v7;
	v1 =	vld [tilespmem:s21+$0xCA50];
	[tilespmem:s19+$0xCA60] =	vst v3  }
0x209: {  	s20 =	sadd.s32 $0x200, s20;
	v5 =	vmul.f32 $1.131370830e+01, v5;
	v3 =	vld [tilespmem:s21+$0xCA60];
	[tilespmem:s19+$0xCA70] =	vst v8;
	s19 =	smov.u32 s21  }
0x20a: {  	[tilespmem:s19+$0xCA00] =	vst v6;
	v4 =	vmul.f32 $1.131370830e+01, v4;
	v6 =	vld [tilespmem:s19+$0xCA70]  }
0x20b: {  	[tilespmem:s19+$0xCA10] =	vst v5;
	v2 =	vmul.f32 $1.131370830e+01, v2  }
0x20c: {  	[tilespmem:s19+$0xCA20] =	vst v4;
	v0 =	vmul.f32 $1.131370830e+01, v0  }
0x20d: {  	[tilespmem:s19+$0xCA30] =	vst v2;
	v1 =	vmul.f32 $1.131370830e+01, v1  }
0x20e: {  	[tilespmem:s19+$0xCA40] =	vst v0;
	v0 =	vmul.f32 $1.131370830e+01, v3  }
0x20f: {  	[tilespmem:s19+$0xCA50] =	vst v1;
	v1 =	vmul.f32 $1.131370830e+01, v6  }
0x210: {  	[tilespmem:s19+$0xCA60] =	vst v0  }
0x211: {  	s21 =	simm.s32 $0x0;
	s20 =	rddreg [dreg:$0x13];
	[tilespmem:s19+$0xCA70] =	vst v1  }
0x212: {  	[hbm4b:s20+s21] =	stream.linear.scatter [tilespmem:s31], [sflag:$0xA], $0x4000, $0x38;
	[tilespmem:$0x18A00] =	vst v63  }
0x213: {  	_ =	swait.ge [sflag:s12], $0x4000  }
0x214: {  	[sflag:s12] =	ssyncset.done $0x0  }
0x215: {  	s19 =	simm.s32 $0x0;
	[sflag:s12] =	ssyncadd.s32 $0xFFFFC000  }
0x216: {  	v3 =	vld [tilespmem:s19+$0x10A00]  }
0x217: {  	v5 =	vld [tilespmem:s19+$0x10A10]  }
0x218: {  	v4 =	vld [tilespmem:s19+$0x10A20]  }
0x219: {  	v2 =	vld [tilespmem:s19+$0x10A30]  }
0x21a: {  	v0 =	vld [tilespmem:s19+$0x10A40]  }
0x21b: {  	v1 =	vld [tilespmem:s19+$0x10A50];
	v6 =	vmul.f32 $1.131370830e+01, v3  }
0x21c: {  	s20 =	simm.s32 $0x200;
	v5 =	vmul.f32 $1.131370830e+01, v5;
	v3 =	vld [tilespmem:s19+$0x10A60]  }
.LBB2_34:
0x21d: {  	s21 =	sshra.s32 s20, $0x2;
	p0 =	sne.s32 s20, $0xFE00;
	[tilespmem:s19+$0x10A00] =	vst v6;
	v4 =	vmul.f32 $1.131370830e+01, v4;
	v6 =	vld [tilespmem:s19+$0x10A70]  }
0x21e: {  	v7 =	vld [tilespmem:s21+$0x10A00];
	[tilespmem:s19+$0x10A10] =	vst v5;
	v2 =	vmul.f32 $1.131370830e+01, v2  }
0x21f: {  	v5 =	vld [tilespmem:s21+$0x10A10];
	[tilespmem:s19+$0x10A20] =	vst v4;
	v0 =	vmul.f32 $1.131370830e+01, v0  }
.Ltmp16:
0x220: {  	v4 =	vld [tilespmem:s21+$0x10A20];
	[tilespmem:s19+$0x10A30] =	vst v2;
	v1 =	vmul.f32 $1.131370830e+01, v1;
	(pc) =	sbr.rel @p0 .LBB2_34-.Ltmp16, $4  }
0x221: {  	v2 =	vld [tilespmem:s21+$0x10A30];
	[tilespmem:s19+$0x10A40] =	vst v0;
	v3 =	vmul.f32 $1.131370830e+01, v3  }
0x222: {  	v0 =	vld [tilespmem:s21+$0x10A40];
	[tilespmem:s19+$0x10A50] =	vst v1;
	v8 =	vmul.f32 $1.131370830e+01, v6  }
0x223: {  	v6 =	vmul.f32 $1.131370830e+01, v7;
	v1 =	vld [tilespmem:s21+$0x10A50];
	[tilespmem:s19+$0x10A60] =	vst v3  }
0x224: {  	s20 =	sadd.s32 $0x200, s20;
	v5 =	vmul.f32 $1.131370830e+01, v5;
	v3 =	vld [tilespmem:s21+$0x10A60];
	[tilespmem:s19+$0x10A70] =	vst v8;
	s19 =	smov.u32 s21  }
0x225: {  	[tilespmem:s19+$0x10A00] =	vst v6;
	v4 =	vmul.f32 $1.131370830e+01, v4;
	v6 =	vld [tilespmem:s19+$0x10A70]  }
0x226: {  	[tilespmem:s19+$0x10A10] =	vst v5;
	v2 =	vmul.f32 $1.131370830e+01, v2  }
0x227: {  	[tilespmem:s19+$0x10A20] =	vst v4;
	v0 =	vmul.f32 $1.131370830e+01, v0  }
0x228: {  	[tilespmem:s19+$0x10A30] =	vst v2;
	v1 =	vmul.f32 $1.131370830e+01, v1  }
0x229: {  	[tilespmem:s19+$0x10A40] =	vst v0;
	v0 =	vmul.f32 $1.131370830e+01, v3  }
0x22a: {  	[tilespmem:s19+$0x10A50] =	vst v1;
	v1 =	vmul.f32 $1.131370830e+01, v6  }
0x22b: {  	[tilespmem:s19+$0x10A60] =	vst v0  }
0x22c: {  	s21 =	simm.s32 $0x0;
	s20 =	rddreg [dreg:$0x14];
	[tilespmem:s19+$0x10A70] =	vst v1  }
0x22d: {  	[hbm4b:s20+s21] =	stream.linear.scatter [tilespmem:s4], [sflag:$0xB], $0x4000, $0x38;
	[tilespmem:$0x18A00] =	vst v63  }
0x22e: {  	_ =	swait.ge [sflag:s14], $0x4000  }
0x22f: {  	[sflag:s14] =	ssyncset.done $0x0  }
0x230: {  	s19 =	simm.s32 $0x0;
	[sflag:s14] =	ssyncadd.s32 $0xFFFFC000  }
0x231: {  	v3 =	vld [tilespmem:s19+$0x14A00]  }
0x232: {  	v5 =	vld [tilespmem:s19+$0x14A10]  }
0x233: {  	v4 =	vld [tilespmem:s19+$0x14A20]  }
0x234: {  	v2 =	vld [tilespmem:s19+$0x14A30]  }
0x235: {  	v0 =	vld [tilespmem:s19+$0x14A40]  }
0x236: {  	v1 =	vld [tilespmem:s19+$0x14A50];
	v6 =	vmul.f32 $1.131370830e+01, v3  }
0x237: {  	s20 =	simm.s32 $0x200;
	v5 =	vmul.f32 $1.131370830e+01, v5;
	v3 =	vld [tilespmem:s19+$0x14A60]  }
.LBB2_36:
0x238: {  	s21 =	sshra.s32 s20, $0x2;
	p0 =	sne.s32 s20, $0xFE00;
	[tilespmem:s19+$0x14A00] =	vst v6;
	v4 =	vmul.f32 $1.131370830e+01, v4;
	v6 =	vld [tilespmem:s19+$0x14A70]  }
0x239: {  	v7 =	vld [tilespmem:s21+$0x14A00];
	[tilespmem:s19+$0x14A10] =	vst v5;
	v2 =	vmul.f32 $1.131370830e+01, v2  }
0x23a: {  	v5 =	vld [tilespmem:s21+$0x14A10];
	[tilespmem:s19+$0x14A20] =	vst v4;
	v0 =	vmul.f32 $1.131370830e+01, v0  }
.Ltmp17:
0x23b: {  	v4 =	vld [tilespmem:s21+$0x14A20];
	[tilespmem:s19+$0x14A30] =	vst v2;
	v1 =	vmul.f32 $1.131370830e+01, v1;
	(pc) =	sbr.rel @p0 .LBB2_36-.Ltmp17, $4  }
0x23c: {  	v2 =	vld [tilespmem:s21+$0x14A30];
	[tilespmem:s19+$0x14A40] =	vst v0;
	v3 =	vmul.f32 $1.131370830e+01, v3  }
0x23d: {  	v0 =	vld [tilespmem:s21+$0x14A40];
	[tilespmem:s19+$0x14A50] =	vst v1;
	v8 =	vmul.f32 $1.131370830e+01, v6  }
0x23e: {  	v6 =	vmul.f32 $1.131370830e+01, v7;
	v1 =	vld [tilespmem:s21+$0x14A50];
	[tilespmem:s19+$0x14A60] =	vst v3  }
0x23f: {  	s20 =	sadd.s32 $0x200, s20;
	v5 =	vmul.f32 $1.131370830e+01, v5;
	v3 =	vld [tilespmem:s21+$0x14A60];
	[tilespmem:s19+$0x14A70] =	vst v8;
	s19 =	smov.u32 s21  }
0x240: {  	[tilespmem:s19+$0x14A00] =	vst v6;
	v4 =	vmul.f32 $1.131370830e+01, v4;
	v6 =	vld [tilespmem:s19+$0x14A70]  }
0x241: {  	[tilespmem:s19+$0x14A10] =	vst v5;
	v2 =	vmul.f32 $1.131370830e+01, v2  }
0x242: {  	[tilespmem:s19+$0x14A20] =	vst v4;
	v0 =	vmul.f32 $1.131370830e+01, v0  }
0x243: {  	[tilespmem:s19+$0x14A30] =	vst v2;
	v1 =	vmul.f32 $1.131370830e+01, v1  }
0x244: {  	[tilespmem:s19+$0x14A40] =	vst v0;
	v0 =	vmul.f32 $1.131370830e+01, v3  }
0x245: {  	[tilespmem:s19+$0x14A50] =	vst v1;
	v1 =	vmul.f32 $1.131370830e+01, v6  }
0x246: {  	[tilespmem:s19+$0x14A60] =	vst v0  }
0x247: {  	s21 =	simm.s32 $0x0;
	[tilespmem:s19+$0x14A70] =	vst v1  }
0x248: {  	[hbm4b:s22+s21] =	stream.linear.scatter [tilespmem:s7], [sflag:$0xC], $0x4000, $0x38;
	[tilespmem:$0x18A00] =	vst v63  }
0x249: {  	_ =	swait.ge [sflag:s0], $0x4000  }
0x24a: {  	[sflag:s0] =	ssyncset.done $0x0  }
0x24b: {  	s19 =	simm.s32 $0x0;
	[sflag:s0] =	ssyncadd.s32 $0xFFFFC000  }
0x24c: {  	v3 =	vld [tilespmem:s19+$0xA00]  }
0x24d: {  	v5 =	vld [tilespmem:s19+$0xA10]  }
0x24e: {  	v4 =	vld [tilespmem:s19+$0xA20]  }
0x24f: {  	v2 =	vld [tilespmem:s19+$0xA30]  }
0x250: {  	v0 =	vld [tilespmem:s19+$0xA40]  }
0x251: {  	v1 =	vld [tilespmem:s19+$0xA50];
	v6 =	vmul.f32 $1.131370830e+01, v3  }
0x252: {  	s20 =	simm.s32 $0x200;
	v5 =	vmul.f32 $1.131370830e+01, v5;
	v3 =	vld [tilespmem:s19+$0xA60]  }
.LBB2_38:
0x253: {  	s21 =	sshra.s32 s20, $0x2;
	p0 =	sne.s32 s20, $0xFE00;
	[tilespmem:s19+$0xA00] =	vst v6;
	v4 =	vmul.f32 $1.131370830e+01, v4;
	v6 =	vld [tilespmem:s19+$0xA70]  }
0x254: {  	v7 =	vld [tilespmem:s21+$0xA00];
	[tilespmem:s19+$0xA10] =	vst v5;
	v2 =	vmul.f32 $1.131370830e+01, v2  }
0x255: {  	v5 =	vld [tilespmem:s21+$0xA10];
	[tilespmem:s19+$0xA20] =	vst v4;
	v0 =	vmul.f32 $1.131370830e+01, v0  }
.Ltmp18:
0x256: {  	v4 =	vld [tilespmem:s21+$0xA20];
	[tilespmem:s19+$0xA30] =	vst v2;
	v1 =	vmul.f32 $1.131370830e+01, v1;
	(pc) =	sbr.rel @p0 .LBB2_38-.Ltmp18, $4  }
0x257: {  	v2 =	vld [tilespmem:s21+$0xA30];
	[tilespmem:s19+$0xA40] =	vst v0;
	v3 =	vmul.f32 $1.131370830e+01, v3  }
0x258: {  	v0 =	vld [tilespmem:s21+$0xA40];
	[tilespmem:s19+$0xA50] =	vst v1;
	v8 =	vmul.f32 $1.131370830e+01, v6  }
0x259: {  	v6 =	vmul.f32 $1.131370830e+01, v7;
	v1 =	vld [tilespmem:s21+$0xA50];
	[tilespmem:s19+$0xA60] =	vst v3  }
0x25a: {  	s20 =	sadd.s32 $0x200, s20;
	v5 =	vmul.f32 $1.131370830e+01, v5;
	v3 =	vld [tilespmem:s21+$0xA60];
	[tilespmem:s19+$0xA70] =	vst v8;
	s19 =	smov.u32 s21  }
0x25b: {  	[tilespmem:s19+$0xA00] =	vst v6;
	v4 =	vmul.f32 $1.131370830e+01, v4;
	v6 =	vld [tilespmem:s19+$0xA70]  }
0x25c: {  	[tilespmem:s19+$0xA10] =	vst v5;
	v2 =	vmul.f32 $1.131370830e+01, v2  }
0x25d: {  	[tilespmem:s19+$0xA20] =	vst v4;
	v0 =	vmul.f32 $1.131370830e+01, v0  }
0x25e: {  	[tilespmem:s19+$0xA30] =	vst v2;
	v1 =	vmul.f32 $1.131370830e+01, v1  }
0x25f: {  	[tilespmem:s19+$0xA40] =	vst v0;
	v0 =	vmul.f32 $1.131370830e+01, v3  }
0x260: {  	[tilespmem:s19+$0xA50] =	vst v1;
	v1 =	vmul.f32 $1.131370830e+01, v6  }
0x261: {  	[tilespmem:s19+$0xA60] =	vst v0  }
0x262: {  	s21 =	simm.s32 $0x0;
	[tilespmem:s19+$0xA70] =	vst v1  }
0x263: {  	[hbm4b:s23+s21] =	stream.linear.scatter [tilespmem:s29], [sflag:$0x7], $0x4000, $0x38;
	[tilespmem:$0x18A00] =	vst v63  }
0x264: {  	_ =	swait.ge [sflag:s6], $0x4000  }
0x265: {  	[sflag:s6] =	ssyncset.done $0x0  }
0x266: {  	s19 =	simm.s32 $0x0;
	[sflag:s6] =	ssyncadd.s32 $0xFFFFC000  }
0x267: {  	v3 =	vld [tilespmem:s19+$0x4A00]  }
0x268: {  	v5 =	vld [tilespmem:s19+$0x4A10]  }
0x269: {  	v4 =	vld [tilespmem:s19+$0x4A20]  }
0x26a: {  	v2 =	vld [tilespmem:s19+$0x4A30]  }
0x26b: {  	v0 =	vld [tilespmem:s19+$0x4A40]  }
0x26c: {  	v1 =	vld [tilespmem:s19+$0x4A50];
	v6 =	vmul.f32 $1.131370830e+01, v3  }
0x26d: {  	s20 =	simm.s32 $0x200;
	v5 =	vmul.f32 $1.131370830e+01, v5;
	v3 =	vld [tilespmem:s19+$0x4A60]  }
.LBB2_40:
0x26e: {  	s21 =	sshra.s32 s20, $0x2;
	p0 =	sne.s32 s20, $0xFE00;
	[tilespmem:s19+$0x4A00] =	vst v6;
	v4 =	vmul.f32 $1.131370830e+01, v4;
	v6 =	vld [tilespmem:s19+$0x4A70]  }
0x26f: {  	v7 =	vld [tilespmem:s21+$0x4A00];
	[tilespmem:s19+$0x4A10] =	vst v5;
	v2 =	vmul.f32 $1.131370830e+01, v2  }
0x270: {  	v5 =	vld [tilespmem:s21+$0x4A10];
	[tilespmem:s19+$0x4A20] =	vst v4;
	v0 =	vmul.f32 $1.131370830e+01, v0  }
.Ltmp19:
0x271: {  	v4 =	vld [tilespmem:s21+$0x4A20];
	[tilespmem:s19+$0x4A30] =	vst v2;
	v1 =	vmul.f32 $1.131370830e+01, v1;
	(pc) =	sbr.rel @p0 .LBB2_40-.Ltmp19, $4  }
0x272: {  	v2 =	vld [tilespmem:s21+$0x4A30];
	[tilespmem:s19+$0x4A40] =	vst v0;
	v3 =	vmul.f32 $1.131370830e+01, v3  }
0x273: {  	v0 =	vld [tilespmem:s21+$0x4A40];
	[tilespmem:s19+$0x4A50] =	vst v1;
	v8 =	vmul.f32 $1.131370830e+01, v6  }
0x274: {  	v6 =	vmul.f32 $1.131370830e+01, v7;
	v1 =	vld [tilespmem:s21+$0x4A50];
	[tilespmem:s19+$0x4A60] =	vst v3  }
0x275: {  	s20 =	sadd.s32 $0x200, s20;
	v5 =	vmul.f32 $1.131370830e+01, v5;
	v3 =	vld [tilespmem:s21+$0x4A60];
	[tilespmem:s19+$0x4A70] =	vst v8;
	s19 =	smov.u32 s21  }
0x276: {  	[tilespmem:s19+$0x4A00] =	vst v6;
	v4 =	vmul.f32 $1.131370830e+01, v4;
	v61 =	vld [tilespmem:s19+$0x4A70]  }
0x277: {  	[tilespmem:s19+$0x4A10] =	vst v5;
	v2 =	vmul.f32 $1.131370830e+01, v2  }
0x278: {  	[tilespmem:s19+$0x4A20] =	vst v4;
	v0 =	vmul.f32 $1.131370830e+01, v0  }
0x279: {  	[tilespmem:s19+$0x4A30] =	vst v2;
	v1 =	vmul.f32 $1.131370830e+01, v1  }
0x27a: {  	[tilespmem:s19+$0x4A40] =	vst v0;
	v62 =	vmul.f32 $1.131370830e+01, v3  }
0x27b: {  	[tilespmem:s19+$0x4A50] =	vst v1;
	v63 =	vmul.f32 $1.131370830e+01, v61  }
0x27c: {  	[tilespmem:s19+$0x4A60] =	vst v62  }
0x27d: {  	[tilespmem:s19+$0x4A70] =	vst v63  }
0x27e: {  	[hbm4b:s24+s3] =	stream.linear.scatter [tilespmem:s30], [sflag:$0x8], $0x4000, $0x38;
	[tilespmem:$0x18A00] =	vst v63  }
0x27f: {  	_ =	swait.ge [sflag:s13], $0x4000  }
0x280: {  	[sflag:s13] =	ssyncset.done $0x0  }
0x281: {  	[sflag:s13] =	ssyncadd.s32 $0xFFFFC000  }
0x282: {  	_ =	swait.ge [sflag:s15], $0x4000  }
0x283: {  	[sflag:s15] =	ssyncset.done $0x0  }
0x284: {  	[sflag:s15] =	ssyncadd.s32 $0xFFFFC000  }
0x285: {  	_ =	swait.ge [sflag:s16], $0x4000  }
0x286: {  	[sflag:s16] =	ssyncset.done $0x0  }
0x287: {  	[sflag:s16] =	ssyncadd.s32 $0xFFFFC000  }
0x288: {  	_ =	swait.ge [sflag:s17], $0x4000  }
0x289: {  	[sflag:s17] =	ssyncset.done $0x0  }
0x28a: {  	s18 =	sadd.s32 $0x1, s18;
	[sflag:s17] =	ssyncadd.s32 $0xFFFFC000  }
0x28b: {  	p0 =	sne.s32 s18, s25;
	_ =	swait.ge [sflag:s9], $0x4000  }
.Ltmp20:
0x28c: {  	[sflag:s9] =	ssyncset.done $0x0;
	(pc) =	sbr.rel @p0 .LBB2_1-.Ltmp20, $4  }
0x28d: {  	[sflag:s9] =	ssyncadd.s32 $0xFFFFC000  }
0x28e: {  	_ =	swait.ge [sflag:s11], $0x4000  }
0x28f: {  	[sflag:s11] =	ssyncset.done $0x0  }
0x290: {  	[sflag:s11] =	ssyncadd.s32 $0xFFFFC000  }
0x291: {  	_ =	sfence.sel $0x180000  }
0x292: {  	[bflag:$0x0] =	sbarrier.arrive $0xFFFF  }
0x293: {  	_ =	strace $0x90000047  }
0x294: {  	s0 =	stileid.u32;
	[bflag:$0x2] =	sbarrier.arrive $0xFFFF  }
0x295: {  	p0 =	sne.s32 s0, $0x0;
	s0 =	rddreg [dreg:$0x3]  }
0x296: {  	s0 =	sadd.s32 @!p0 $0x100000, s0  }
0x297: {  	[sflag:s0] =	ssyncadd.tile.s32 @!p0 $0x1;
	_ =	shalt  }
.Lfunc_end2:
_tile_overlayer_lowered:
.L_overlay_start_2:
0x298: {  	(tag) =	ssettag $0x2  }
0x299: {  	s0 =	rddreg [dreg:$0x0];
	s2 =	stileid.u32  }
0x29a: {  	s1 =	rddreg [dreg:$0x1];
	p0 =	sne.s32 s2, $0x0  }
0x29b: {  	s3 =	rddreg [dreg:$0x2];
	[bflag:$0x3] =	sbarrier.arrive $0xFFFF;
	s2 =	simm.s32 @!p0 $0x1C0D  }
0x29c: {  	[timem:s3], [sflag:s2] =	dma.local @!p0 [hbm:s0], s1  }
0x29d: {  	s0 =	simm.s32 @!p0 $0xD  }
0x29e: {  	_ =	swait.ge @!p0 [sflag:s0], s1  }
0x29f: {  	s1 =	ssub.s32 @!p0 $0x0, s1;
	[sflag:s0] =	ssyncset.done @!p0 $0x0  }
0x2a0: {  	[sflag:s0] =	ssyncadd.s32 @!p0 s1  }
0x2a1: {  	[bflag:$0x3] =	sbarrier.arrive $0xFFFF  }
0x2a2: {  	_ =	shalt  }

</sc_bundles>
